<compile_context>
chip_gen: v7x
topology: tpu7x:2x2x1
jax: 0.10.2.dev20260603
libtpu: 0.0.44.dev20260713+nightly
codegen_flags: <defaults>
</compile_context>

<pallas_src>
import functools

import jax
import jax.numpy as jnp
from jax import lax
from jax.experimental import pallas as pl
from jax.experimental.pallas import tpu as pltpu
from jax.experimental.pallas import tpu_sc as plsc

D = 100
LANES = 16
COL_OFFS = (0, 16, 32, 48, 64, 80, 84)
NACC = len(COL_OFFS)
ACC_W = NACC * LANES

NC = 2
NS = 16
NW = NC * NS

GRP = 64


def _sc_embed_sum(input_idx, weight):
    B = input_idx.shape[0]
    BPW = B // NW
    NGRP = BPW // GRP

    mesh = plsc.VectorSubcoreMesh(core_axis_name="c", subcore_axis_name="s")

    @functools.partial(
        pl.kernel,
        out_type=jax.ShapeDtypeStruct((NW, ACC_W), jnp.float32),
        mesh=mesh,
        scratch_types=[
            pltpu.VMEM((BPW,), jnp.int32),
            pltpu.VMEM((GRP, D), jnp.float32),
            pltpu.VMEM((ACC_W,), jnp.float32),
            pltpu.SemaphoreType.DMA,
            pltpu.SemaphoreType.DMA,
            pltpu.SemaphoreType.DMA,
            pltpu.SemaphoreType.DMA,
        ],
    )
    def k(idx_hbm, tbl_hbm, out_hbm, idx_v, rows_v, acc_v, *sems):
        cid = lax.axis_index("c")
        sid = lax.axis_index("s")
        wid = sid * NC + cid
        base = wid * BPW

        pltpu.sync_copy(idx_hbm.at[pl.ds(base, BPW)], idx_v)

        def body(g, accs):
            v = idx_v[pl.ds(g * GRP, GRP)]
            for lane in range(GRP):
                pltpu.async_copy(tbl_hbm.at[v[lane]], rows_v.at[lane],
                                 sems[lane % 4])
            for q in range(4):
                pltpu.make_async_copy(
                    tbl_hbm.at[pl.ds(0, GRP // 4)],
                    rows_v.at[pl.ds(q * (GRP // 4), GRP // 4)],
                    sems[q]).wait()
            for lane in range(GRP):
                accs = tuple(
                    accs[i] + rows_v[lane, pl.ds(COL_OFFS[i], LANES)]
                    for i in range(NACC)
                )
            return accs

        zero = jnp.zeros((LANES,), jnp.float32)
        accs = lax.fori_loop(0, NGRP, body, (zero,) * NACC)

        for i in range(NACC):
            acc_v[pl.ds(i * LANES, LANES)] = accs[i]
        pltpu.sync_copy(acc_v, out_hbm.at[wid])

    return k(input_idx, weight)


def kernel(input, weight):
    part = _sc_embed_sum(input.astype(jnp.int32), weight)
    w = part.sum(axis=0)
    return jnp.concatenate([w[:96], w[108:112]])

# --- scband reference (transcript-rebuilt; emitter-appended) ---
"""Pipeline reference for scband-test-sum-57191784513866 (READ-ONLY COPY).

The authoritative reference and input builder live on the scoring server;
editing this copy changes nothing except your own understanding.
"""

import jax, jax.numpy as jnp
import numpy as np

VOCAB = 1000000
EMBED_DIM = 100
BATCH = 16384

def setup_inputs(seed: int = 0) -> dict:
    key = jax.random.key(seed)
    k_idx, k_w = jax.random.split(key)
    input_idx = jax.random.randint(k_idx, (BATCH,), 0, VOCAB, dtype=jnp.int64 if jax.config.jax_enable_x64 else jnp.int32)
    weight = jax.random.normal(k_w, (VOCAB, EMBED_DIM), dtype=jnp.float32)
    return {"input": input_idx, "weight": weight}

def reference(input, weight):
    # nn.Embedding lookup: gather rows of the table, then sum over dim 0
    emb = jnp.take(weight, input, axis=0)  # [BATCH, EMBED_DIM]
    return emb.sum(axis=0)  # [EMBED_DIM]

if __name__ == "__main__":
    import jax
    _d = setup_inputs()
    print(jax.jit(kernel)(*tuple(_d.values())))

</pallas_src>

<mosaic_0001>
#map = affine_map<(d0, d1) -> (0)>
#map1 = affine_map<(d0, d1) -> (0, 0)>
module attributes {stable_mosaic.version = 14 : i64} {
  func.func @k(%arg0: i32, %arg1: i32, %arg2: memref<16384xi32, #tpu.memory_space<hbm>>, %arg3: memref<1000000x100xf32, #tpu.memory_space<hbm>>, %arg4: memref<32x112xf32, #tpu.memory_space<hbm>>, %arg5: memref<512xi32, #tpu.memory_space<vmem>>, %arg6: memref<64x100xf32, #tpu.memory_space<vmem>>, %arg7: memref<112xf32, #tpu.memory_space<vmem>>, %arg8: memref<!tpu.dma_semaphore, #tpu.memory_space<semaphore_mem>>, %arg9: memref<!tpu.dma_semaphore, #tpu.memory_space<semaphore_mem>>, %arg10: memref<!tpu.dma_semaphore, #tpu.memory_space<semaphore_mem>>, %arg11: memref<!tpu.dma_semaphore, #tpu.memory_space<semaphore_mem>>) attributes {dimension_semantics = [#tpu.dimension_semantics<core_parallel>, #tpu.dimension_semantics<subcore_parallel>], iteration_bounds = array<i64: 2, 16>, scalar_prefetch = 0 : i64, scratch_operands = 7 : i64, tpu.core_type = #tpu.core_type<sc_vector_subcore>, window_params = [{transform_indices = #map}, {transform_indices = #map1}, {transform_indices = #map1}]} {
    %mul3A = arith.constant 2 : i32
    %mul3A_0 = arith.muli %arg1, %mul3A : i32
    %add3A = arith.addi %mul3A_0, %arg0 : i32
    %mul3A_1 = arith.constant 512 : i32
    %mul3A_2 = arith.muli %add3A, %mul3A_1 : i32
    "tpu.region"() ({
      %run_scoped3A = tpu.sem_alloc : memref<!tpu.dma_semaphore, #tpu.memory_space<semaphore_mem>>
      %dma_start3A = tpu.memref_slice %arg2[%mul3A_2] : memref<16384xi32, #tpu.memory_space<hbm>> -> memref<512xi32, #tpu.memory_space<hbm>>
      %dma_start3A_36 = tpu.memref_slice %arg2[%mul3A_2] : memref<16384xi32, #tpu.memory_space<hbm>> -> memref<512xi32, #tpu.memory_space<hbm>>
      tpu.enqueue_dma source(%dma_start3A_36 : memref<512xi32, #tpu.memory_space<hbm>>) target(%arg5 : memref<512xi32, #tpu.memory_space<vmem>>) target_semaphore(%run_scoped3A : memref<!tpu.dma_semaphore, #tpu.memory_space<semaphore_mem>>)
      %dma_wait3A = tpu.memref_slice %arg2[%mul3A_2] : memref<16384xi32, #tpu.memory_space<hbm>> -> memref<512xi32, #tpu.memory_space<hbm>>
      %dma_wait3A_37 = tpu.memref_slice %arg2[%mul3A_2] : memref<16384xi32, #tpu.memory_space<hbm>> -> memref<512xi32, #tpu.memory_space<hbm>>
      tpu.wait_dma2 semaphore(%run_scoped3A : memref<!tpu.dma_semaphore, #tpu.memory_space<semaphore_mem>>) src(%dma_wait3A_37 : memref<512xi32, #tpu.memory_space<hbm>>) dst(%arg5 : memref<512xi32, #tpu.memory_space<vmem>>)
      tpu.yield
    }) : () -> ()
    %broadcast_in_dim3A = arith.constant 0.000000e+00 : f32
    %broadcast_in_dim3A_3 = vector.broadcast %broadcast_in_dim3A : f32 to vector<16xf32>
    %scan3A = arith.constant 0 : i32
    %scan3A_4 = arith.constant 8 : i32
    %scan3A_5 = arith.addi %scan3A, %scan3A_4 : i32
    %scan3A_6 = arith.constant 1 : i32
    %scan3A_7:7 = scf.for %scan3A_36 = %scan3A to %scan3A_5 step %scan3A_6 iter_args(%scan3A_37 = %broadcast_in_dim3A_3, %scan3A_38 = %broadcast_in_dim3A_3, %scan3A_39 = %broadcast_in_dim3A_3, %scan3A_40 = %broadcast_in_dim3A_3, %scan3A_41 = %broadcast_in_dim3A_3, %scan3A_42 = %broadcast_in_dim3A_3, %scan3A_43 = %broadcast_in_dim3A_3) -> (vector<16xf32>, vector<16xf32>, vector<16xf32>, vector<16xf32>, vector<16xf32>, vector<16xf32>, vector<16xf32>)  : i32 {
      %mul3A_44 = arith.constant 64 : i32
      %mul3A_45 = arith.muli %scan3A_36, %mul3A_44 : i32
      %get3A = arith.index_cast %mul3A_45 : i32 to index
      %get3A_46 = tpu.vector_load %arg5[%get3A] {strides = array<i32>} : memref<512xi32, #tpu.memory_space<vmem>>, vector<64xi32>,
      %get3A_47 = vector.shape_cast %get3A_46 : vector<64xi32> to vector<64xi32>
      %slice3A = vector.extract_strided_slice %get3A_47 {offsets = [0], sizes = [1], strides = [1]} : vector<64xi32> to vector<1xi32>
      %squeeze3A = vector.extract %slice3A[0] : i32 from vector<1xi32>
      %dma_start3A = arith.constant 0 : i32
      %dma_start3A_48 = arith.constant 0 : i32
      %dma_start3A_49 = tpu.memref_slice %arg6[%dma_start3A, %dma_start3A_48] : memref<64x100xf32, #tpu.memory_space<vmem>> -> memref<1x100xf32, #tpu.memory_space<vmem>>
      %dma_start3A_50 = tpu.memref_squeeze %dma_start3A_49 : memref<1x100xf32, #tpu.memory_space<vmem>> -> memref<100xf32, #tpu.memory_space<vmem>>
      %dma_start3A_51 = arith.constant 0 : i32
      %dma_start3A_52 = tpu.memref_slice %arg3[%squeeze3A, %dma_start3A_51] : memref<1000000x100xf32, #tpu.memory_space<hbm>> -> memref<1x100xf32, #tpu.memory_space<hbm>>
      %dma_start3A_53 = tpu.memref_squeeze %dma_start3A_52 : memref<1x100xf32, #tpu.memory_space<hbm>> -> memref<100xf32, #tpu.memory_space<hbm>>
      %dma_start3A_54 = arith.constant 0 : i32
      %dma_start3A_55 = tpu.memref_slice %arg6[%dma_start3A, %dma_start3A_54] : memref<64x100xf32, #tpu.memory_space<vmem>> -> memref<1x100xf32, #tpu.memory_space<vmem>>
      %dma_start3A_56 = tpu.memref_squeeze %dma_start3A_55 : memref<1x100xf32, #tpu.memory_space<vmem>> -> memref<100xf32, #tpu.memory_space<vmem>>
      %dma_start3A_57 = arith.constant 0 : i32
      %dma_start3A_58 = tpu.memref_slice %arg3[%squeeze3A, %dma_start3A_57] : memref<1000000x100xf32, #tpu.memory_space<hbm>> -> memref<1x100xf32, #tpu.memory_space<hbm>>
      %dma_start3A_59 = tpu.memref_squeeze %dma_start3A_58 : memref<1x100xf32, #tpu.memory_space<hbm>> -> memref<100xf32, #tpu.memory_space<hbm>>
      tpu.enqueue_dma source(%dma_start3A_59 : memref<100xf32, #tpu.memory_space<hbm>>) target(%dma_start3A_56 : memref<100xf32, #tpu.memory_space<vmem>>) target_semaphore(%arg8 : memref<!tpu.dma_semaphore, #tpu.memory_space<semaphore_mem>>)
      %slice3A_60 = vector.extract_strided_slice %get3A_47 {offsets = [1], sizes = [1], strides = [1]} : vector<64xi32> to vector<1xi32>
      %squeeze3A_61 = vector.extract %slice3A_60[0] : i32 from vector<1xi32>
      %dma_start3A_62 = arith.constant 1 : i32
      %dma_start3A_63 = arith.constant 0 : i32
      %dma_start3A_64 = tpu.memref_slice %arg6[%dma_start3A_62, %dma_start3A_63] : memref<64x100xf32, #tpu.memory_space<vmem>> -> memref<1x100xf32, #tpu.memory_space<vmem>>
      %dma_start3A_65 = tpu.memref_squeeze %dma_start3A_64 : memref<1x100xf32, #tpu.memory_space<vmem>> -> memref<100xf32, #tpu.memory_space<vmem>>
      %dma_start3A_66 = arith.constant 0 : i32
      %dma_start3A_67 = tpu.memref_slice %arg3[%squeeze3A_61, %dma_start3A_66] : memref<1000000x100xf32, #tpu.memory_space<hbm>> -> memref<1x100xf32, #tpu.memory_space<hbm>>
      %dma_start3A_68 = tpu.memref_squeeze %dma_start3A_67 : memref<1x100xf32, #tpu.memory_space<hbm>> -> memref<100xf32, #tpu.memory_space<hbm>>
      %dma_start3A_69 = arith.constant 0 : i32
      %dma_start3A_70 = tpu.memref_slice %arg6[%dma_start3A_62, %dma_start3A_69] : memref<64x100xf32, #tpu.memory_space<vmem>> -> memref<1x100xf32, #tpu.memory_space<vmem>>
      %dma_start3A_71 = tpu.memref_squeeze %dma_start3A_70 : memref<1x100xf32, #tpu.memory_space<vmem>> -> memref<100xf32, #tpu.memory_space<vmem>>
      %dma_start3A_72 = arith.constant 0 : i32
      %dma_start3A_73 = tpu.memref_slice %arg3[%squeeze3A_61, %dma_start3A_72] : memref<1000000x100xf32, #tpu.memory_space<hbm>> -> memref<1x100xf32, #tpu.memory_space<hbm>>
      %dma_start3A_74 = tpu.memref_squeeze %dma_start3A_73 : memref<1x100xf32, #tpu.memory_space<hbm>> -> memref<100xf32, #tpu.memory_space<hbm>>
      tpu.enqueue_dma source(%dma_start3A_74 : memref<100xf32, #tpu.memory_space<hbm>>) target(%dma_start3A_71 : memref<100xf32, #tpu.memory_space<vmem>>) target_semaphore(%arg9 : memref<!tpu.dma_semaphore, #tpu.memory_space<semaphore_mem>>)
      %slice3A_75 = vector.extract_strided_slice %get3A_47 {offsets = [2], sizes = [1], strides = [1]} : vector<64xi32> to vector<1xi32>
      %squeeze3A_76 = vector.extract %slice3A_75[0] : i32 from vector<1xi32>
      %dma_start3A_77 = arith.constant 2 : i32
      %dma_start3A_78 = arith.constant 0 : i32
      %dma_start3A_79 = tpu.memref_slice %arg6[%dma_start3A_77, %dma_start3A_78] : memref<64x100xf32, #tpu.memory_space<vmem>> -> memref<1x100xf32, #tpu.memory_space<vmem>>
      %dma_start3A_80 = tpu.memref_squeeze %dma_start3A_79 : memref<1x100xf32, #tpu.memory_space<vmem>> -> memref<100xf32, #tpu.memory_space<vmem>>
      %dma_start3A_81 = arith.constant 0 : i32
      %dma_start3A_82 = tpu.memref_slice %arg3[%squeeze3A_76, %dma_start3A_81] : memref<1000000x100xf32, #tpu.memory_space<hbm>> -> memref<1x100xf32, #tpu.memory_space<hbm>>
      %dma_start3A_83 = tpu.memref_squeeze %dma_start3A_82 : memref<1x100xf32, #tpu.memory_space<hbm>> -> memref<100xf32, #tpu.memory_space<hbm>>
      %dma_start3A_84 = arith.constant 0 : i32
      %dma_start3A_85 = tpu.memref_slice %arg6[%dma_start3A_77, %dma_start3A_84] : memref<64x100xf32, #tpu.memory_space<vmem>> -> memref<1x100xf32, #tpu.memory_space<vmem>>
      %dma_start3A_86 = tpu.memref_squeeze %dma_start3A_85 : memref<1x100xf32, #tpu.memory_space<vmem>> -> memref<100xf32, #tpu.memory_space<vmem>>
      %dma_start3A_87 = arith.constant 0 : i32
      %dma_start3A_88 = tpu.memref_slice %arg3[%squeeze3A_76, %dma_start3A_87] : memref<1000000x100xf32, #tpu.memory_space<hbm>> -> memref<1x100xf32, #tpu.memory_space<hbm>>
      %dma_start3A_89 = tpu.memref_squeeze %dma_start3A_88 : memref<1x100xf32, #tpu.memory_space<hbm>> -> memref<100xf32, #tpu.memory_space<hbm>>
      tpu.enqueue_dma source(%dma_start3A_89 : memref<100xf32, #tpu.memory_space<hbm>>) target(%dma_start3A_86 : memref<100xf32, #tpu.memory_space<vmem>>) target_semaphore(%arg10 : memref<!tpu.dma_semaphore, #tpu.memory_space<semaphore_mem>>)
      %slice3A_90 = vector.extract_strided_slice %get3A_47 {offsets = [3], sizes = [1], strides = [1]} : vector<64xi32> to vector<1xi32>
      %squeeze3A_91 = vector.extract %slice3A_90[0] : i32 from vector<1xi32>
      %dma_start3A_92 = arith.constant 3 : i32
      %dma_start3A_93 = arith.constant 0 : i32
      %dma_start3A_94 = tpu.memref_slice %arg6[%dma_start3A_92, %dma_start3A_93] : memref<64x100xf32, #tpu.memory_space<vmem>> -> memref<1x100xf32, #tpu.memory_space<vmem>>
      %dma_start3A_95 = tpu.memref_squeeze %dma_start3A_94 : memref<1x100xf32, #tpu.memory_space<vmem>> -> memref<100xf32, #tpu.memory_space<vmem>>
      %dma_start3A_96 = arith.constant 0 : i32
      %dma_start3A_97 = tpu.memref_slice %arg3[%squeeze3A_91, %dma_start3A_96] : memref<1000000x100xf32, #tpu.memory_space<hbm>> -> memref<1x100xf32, #tpu.memory_space<hbm>>
      %dma_start3A_98 = tpu.memref_squeeze %dma_start3A_97 : memref<1x100xf32, #tpu.memory_space<hbm>> -> memref<100xf32, #tpu.memory_space<hbm>>
      %dma_start3A_99 = arith.constant 0 : i32
      %dma_start3A_100 = tpu.memref_slice %arg6[%dma_start3A_92, %dma_start3A_99] : memref<64x100xf32, #tpu.memory_space<vmem>> -> memref<1x100xf32, #tpu.memory_space<vmem>>
      %dma_start3A_101 = tpu.memref_squeeze %dma_start3A_100 : memref<1x100xf32, #tpu.memory_space<vmem>> -> memref<100xf32, #tpu.memory_space<vmem>>
      %dma_start3A_102 = arith.constant 0 : i32
      %dma_start3A_103 = tpu.memref_slice %arg3[%squeeze3A_91, %dma_start3A_102] : memref<1000000x100xf32, #tpu.memory_space<hbm>> -> memref<1x100xf32, #tpu.memory_space<hbm>>
      %dma_start3A_104 = tpu.memref_squeeze %dma_start3A_103 : memref<1x100xf32, #tpu.memory_space<hbm>> -> memref<100xf32, #tpu.memory_space<hbm>>
      tpu.enqueue_dma source(%dma_start3A_104 : memref<100xf32, #tpu.memory_space<hbm>>) target(%dma_start3A_101 : memref<100xf32, #tpu.memory_space<vmem>>) target_semaphore(%arg11 : memref<!tpu.dma_semaphore, #tpu.memory_space<semaphore_mem>>)
      %slice3A_105 = vector.extract_strided_slice %get3A_47 {offsets = [4], sizes = [1], strides = [1]} : vector<64xi32> to vector<1xi32>
      %squeeze3A_106 = vector.extract %slice3A_105[0] : i32 from vector<1xi32>
      %dma_start3A_107 = arith.constant 4 : i32
      %dma_start3A_108 = arith.constant 0 : i32
      %dma_start3A_109 = tpu.memref_slice %arg6[%dma_start3A_107, %dma_start3A_108] : memref<64x100xf32, #tpu.memory_space<vmem>> -> memref<1x100xf32, #tpu.memory_space<vmem>>
      %dma_start3A_110 = tpu.memref_squeeze %dma_start3A_109 : memref<1x100xf32, #tpu.memory_space<vmem>> -> memref<100xf32, #tpu.memory_space<vmem>>
      %dma_start3A_111 = arith.constant 0 : i32
      %dma_start3A_112 = tpu.memref_slice %arg3[%squeeze3A_106, %dma_start3A_111] : memref<1000000x100xf32, #tpu.memory_space<hbm>> -> memref<1x100xf32, #tpu.memory_space<hbm>>
      %dma_start3A_113 = tpu.memref_squeeze %dma_start3A_112 : memref<1x100xf32, #tpu.memory_space<hbm>> -> memref<100xf32, #tpu.memory_space<hbm>>
      %dma_start3A_114 = arith.constant 0 : i32
      %dma_start3A_115 = tpu.memref_slice %arg6[%dma_start3A_107, %dma_start3A_114] : memref<64x100xf32, #tpu.memory_space<vmem>> -> memref<1x100xf32, #tpu.memory_space<vmem>>
      %dma_start3A_116 = tpu.memref_squeeze %dma_start3A_115 : memref<1x100xf32, #tpu.memory_space<vmem>> -> memref<100xf32, #tpu.memory_space<vmem>>
      %dma_start3A_117 = arith.constant 0 : i32
      %dma_start3A_118 = tpu.memref_slice %arg3[%squeeze3A_106, %dma_start3A_117] : memref<1000000x100xf32, #tpu.memory_space<hbm>> -> memref<1x100xf32, #tpu.memory_space<hbm>>
      %dma_start3A_119 = tpu.memref_squeeze %dma_start3A_118 : memref<1x100xf32, #tpu.memory_space<hbm>> -> memref<100xf32, #tpu.memory_space<hbm>>
      tpu.enqueue_dma source(%dma_start3A_119 : memref<100xf32, #tpu.memory_space<hbm>>) target(%dma_start3A_116 : memref<100xf32, #tpu.memory_space<vmem>>) target_semaphore(%arg8 : memref<!tpu.dma_semaphore, #tpu.memory_space<semaphore_mem>>)
      %slice3A_120 = vector.extract_strided_slice %get3A_47 {offsets = [5], sizes = [1], strides = [1]} : vector<64xi32> to vector<1xi32>
      %squeeze3A_121 = vector.extract %slice3A_120[0] : i32 from vector<1xi32>
      %dma_start3A_122 = arith.constant 5 : i32
      %dma_start3A_123 = arith.constant 0 : i32
      %dma_start3A_124 = tpu.memref_slice %arg6[%dma_start3A_122, %dma_start3A_123] : memref<64x100xf32, #tpu.memory_space<vmem>> -> memref<1x100xf32, #tpu.memory_space<vmem>>
      %dma_start3A_125 = tpu.memref_squeeze %dma_start3A_124 : memref<1x100xf32, #tpu.memory_space<vmem>> -> memref<100xf32, #tpu.memory_space<vmem>>
      %dma_start3A_126 = arith.constant 0 : i32
      %dma_start3A_127 = tpu.memref_slice %arg3[%squeeze3A_121, %dma_start3A_126] : memref<1000000x100xf32, #tpu.memory_space<hbm>> -> memref<1x100xf32, #tpu.memory_space<hbm>>
      %dma_start3A_128 = tpu.memref_squeeze %dma_start3A_127 : memref<1x100xf32, #tpu.memory_space<hbm>> -> memref<100xf32, #tpu.memory_space<hbm>>
      %dma_start3A_129 = arith.constant 0 : i32
      %dma_start3A_130 = tpu.memref_slice %arg6[%dma_start3A_122, %dma_start3A_129] : memref<64x100xf32, #tpu.memory_space<vmem>> -> memref<1x100xf32, #tpu.memory_space<vmem>>
      %dma_start3A_131 = tpu.memref_squeeze %dma_start3A_130 : memref<1x100xf32, #tpu.memory_space<vmem>> -> memref<100xf32, #tpu.memory_space<vmem>>
      %dma_start3A_132 = arith.constant 0 : i32
      %dma_start3A_133 = tpu.memref_slice %arg3[%squeeze3A_121, %dma_start3A_132] : memref<1000000x100xf32, #tpu.memory_space<hbm>> -> memref<1x100xf32, #tpu.memory_space<hbm>>
      %dma_start3A_134 = tpu.memref_squeeze %dma_start3A_133 : memref<1x100xf32, #tpu.memory_space<hbm>> -> memref<100xf32, #tpu.memory_space<hbm>>
      tpu.enqueue_dma source(%dma_start3A_134 : memref<100xf32, #tpu.memory_space<hbm>>) target(%dma_start3A_131 : memref<100xf32, #tpu.memory_space<vmem>>) target_semaphore(%arg9 : memref<!tpu.dma_semaphore, #tpu.memory_space<semaphore_mem>>)
      %slice3A_135 = vector.extract_strided_slice %get3A_47 {offsets = [6], sizes = [1], strides = [1]} : vector<64xi32> to vector<1xi32>
      %squeeze3A_136 = vector.extract %slice3A_135[0] : i32 from vector<1xi32>
      %dma_start3A_137 = arith.constant 6 : i32
      %dma_start3A_138 = arith.constant 0 : i32
      %dma_start3A_139 = tpu.memref_slice %arg6[%dma_start3A_137, %dma_start3A_138] : memref<64x100xf32, #tpu.memory_space<vmem>> -> memref<1x100xf32, #tpu.memory_space<vmem>>
      %dma_start3A_140 = tpu.memref_squeeze %dma_start3A_139 : memref<1x100xf32, #tpu.memory_space<vmem>> -> memref<100xf32, #tpu.memory_space<vmem>>
      %dma_start3A_141 = arith.constant 0 : i32
      %dma_start3A_142 = tpu.memref_slice %arg3[%squeeze3A_136, %dma_start3A_141] : memref<1000000x100xf32, #tpu.memory_space<hbm>> -> memref<1x100xf32, #tpu.memory_space<hbm>>
      %dma_start3A_143 = tpu.memref_squeeze %dma_start3A_142 : memref<1x100xf32, #tpu.memory_space<hbm>> -> memref<100xf32, #tpu.memory_space<hbm>>
      %dma_start3A_144 = arith.constant 0 : i32
      %dma_start3A_145 = tpu.memref_slice %arg6[%dma_start3A_137, %dma_start3A_144] : memref<64x100xf32, #tpu.memory_space<vmem>> -> memref<1x100xf32, #tpu.memory_space<vmem>>
      %dma_start3A_146 = tpu.memref_squeeze %dma_start3A_145 : memref<1x100xf32, #tpu.memory_space<vmem>> -> memref<100xf32, #tpu.memory_space<vmem>>
      %dma_start3A_147 = arith.constant 0 : i32
      %dma_start3A_148 = tpu.memref_slice %arg3[%squeeze3A_136, %dma_start3A_147] : memref<1000000x100xf32, #tpu.memory_space<hbm>> -> memref<1x100xf32, #tpu.memory_space<hbm>>
      %dma_start3A_149 = tpu.memref_squeeze %dma_start3A_148 : memref<1x100xf32, #tpu.memory_space<hbm>> -> memref<100xf32, #tpu.memory_space<hbm>>
      tpu.enqueue_dma source(%dma_start3A_149 : memref<100xf32, #tpu.memory_space<hbm>>) target(%dma_start3A_146 : memref<100xf32, #tpu.memory_space<vmem>>) target_semaphore(%arg10 : memref<!tpu.dma_semaphore, #tpu.memory_space<semaphore_mem>>)
      %slice3A_150 = vector.extract_strided_slice %get3A_47 {offsets = [7], sizes = [1], strides = [1]} : vector<64xi32> to vector<1xi32>
      %squeeze3A_151 = vector.extract %slice3A_150[0] : i32 from vector<1xi32>
      %dma_start3A_152 = arith.constant 7 : i32
      %dma_start3A_153 = arith.constant 0 : i32
      %dma_start3A_154 = tpu.memref_slice %arg6[%dma_start3A_152, %dma_start3A_153] : memref<64x100xf32, #tpu.memory_space<vmem>> -> memref<1x100xf32, #tpu.memory_space<vmem>>
      %dma_start3A_155 = tpu.memref_squeeze %dma_start3A_154 : memref<1x100xf32, #tpu.memory_space<vmem>> -> memref<100xf32, #tpu.memory_space<vmem>>
      %dma_start3A_156 = arith.constant 0 : i32
      %dma_start3A_157 = tpu.memref_slice %arg3[%squeeze3A_151, %dma_start3A_156] : memref<1000000x100xf32, #tpu.memory_space<hbm>> -> memref<1x100xf32, #tpu.memory_space<hbm>>
      %dma_start3A_158 = tpu.memref_squeeze %dma_start3A_157 : memref<1x100xf32, #tpu.memory_space<hbm>> -> memref<100xf32, #tpu.memory_space<hbm>>
      %dma_start3A_159 = arith.constant 0 : i32
      %dma_start3A_160 = tpu.memref_slice %arg6[%dma_start3A_152, %dma_start3A_159] : memref<64x100xf32, #tpu.memory_space<vmem>> -> memref<1x100xf32, #tpu.memory_space<vmem>>
      %dma_start3A_161 = tpu.memref_squeeze %dma_start3A_160 : memref<1x100xf32, #tpu.memory_space<vmem>> -> memref<100xf32, #tpu.memory_space<vmem>>
      %dma_start3A_162 = arith.constant 0 : i32
      %dma_start3A_163 = tpu.memref_slice %arg3[%squeeze3A_151, %dma_start3A_162] : memref<1000000x100xf32, #tpu.memory_space<hbm>> -> memref<1x100xf32, #tpu.memory_space<hbm>>
      %dma_start3A_164 = tpu.memref_squeeze %dma_start3A_163 : memref<1x100xf32, #tpu.memory_space<hbm>> -> memref<100xf32, #tpu.memory_space<hbm>>
      tpu.enqueue_dma source(%dma_start3A_164 : memref<100xf32, #tpu.memory_space<hbm>>) target(%dma_start3A_161 : memref<100xf32, #tpu.memory_space<vmem>>) target_semaphore(%arg11 : memref<!tpu.dma_semaphore, #tpu.memory_space<semaphore_mem>>)
      %slice3A_165 = vector.extract_strided_slice %get3A_47 {offsets = [8], sizes = [1], strides = [1]} : vector<64xi32> to vector<1xi32>
      %squeeze3A_166 = vector.extract %slice3A_165[0] : i32 from vector<1xi32>
      %dma_start3A_167 = arith.constant 8 : i32
      %dma_start3A_168 = arith.constant 0 : i32
      %dma_start3A_169 = tpu.memref_slice %arg6[%dma_start3A_167, %dma_start3A_168] : memref<64x100xf32, #tpu.memory_space<vmem>> -> memref<1x100xf32, #tpu.memory_space<vmem>>
      %dma_start3A_170 = tpu.memref_squeeze %dma_start3A_169 : memref<1x100xf32, #tpu.memory_space<vmem>> -> memref<100xf32, #tpu.memory_space<vmem>>
      %dma_start3A_171 = arith.constant 0 : i32
      %dma_start3A_172 = tpu.memref_slice %arg3[%squeeze3A_166, %dma_start3A_171] : memref<1000000x100xf32, #tpu.memory_space<hbm>> -> memref<1x100xf32, #tpu.memory_space<hbm>>
      %dma_start3A_173 = tpu.memref_squeeze %dma_start3A_172 : memref<1x100xf32, #tpu.memory_space<hbm>> -> memref<100xf32, #tpu.memory_space<hbm>>
      %dma_start3A_174 = arith.constant 0 : i32
      %dma_start3A_175 = tpu.memref_slice %arg6[%dma_start3A_167, %dma_start3A_174] : memref<64x100xf32, #tpu.memory_space<vmem>> -> memref<1x100xf32, #tpu.memory_space<vmem>>
      %dma_start3A_176 = tpu.memref_squeeze %dma_start3A_175 : memref<1x100xf32, #tpu.memory_space<vmem>> -> memref<100xf32, #tpu.memory_space<vmem>>
      %dma_start3A_177 = arith.constant 0 : i32
      %dma_start3A_178 = tpu.memref_slice %arg3[%squeeze3A_166, %dma_start3A_177] : memref<1000000x100xf32, #tpu.memory_space<hbm>> -> memref<1x100xf32, #tpu.memory_space<hbm>>
      %dma_start3A_179 = tpu.memref_squeeze %dma_start3A_178 : memref<1x100xf32, #tpu.memory_space<hbm>> -> memref<100xf32, #tpu.memory_space<hbm>>
      tpu.enqueue_dma source(%dma_start3A_179 : memref<100xf32, #tpu.memory_space<hbm>>) target(%dma_start3A_176 : memref<100xf32, #tpu.memory_space<vmem>>) target_semaphore(%arg8 : memref<!tpu.dma_semaphore, #tpu.memory_space<semaphore_mem>>)
      %slice3A_180 = vector.extract_strided_slice %get3A_47 {offsets = [9], sizes = [1], strides = [1]} : vector<64xi32> to vector<1xi32>
      %squeeze3A_181 = vector.extract %slice3A_180[0] : i32 from vector<1xi32>
      %dma_start3A_182 = arith.constant 9 : i32
      %dma_start3A_183 = arith.constant 0 : i32
      %dma_start3A_184 = tpu.memref_slice %arg6[%dma_start3A_182, %dma_start3A_183] : memref<64x100xf32, #tpu.memory_space<vmem>> -> memref<1x100xf32, #tpu.memory_space<vmem>>
      %dma_start3A_185 = tpu.memref_squeeze %dma_start3A_184 : memref<1x100xf32, #tpu.memory_space<vmem>> -> memref<100xf32, #tpu.memory_space<vmem>>
      %dma_start3A_186 = arith.constant 0 : i32
      %dma_start3A_187 = tpu.memref_slice %arg3[%squeeze3A_181, %dma_start3A_186] : memref<1000000x100xf32, #tpu.memory_space<hbm>> -> memref<1x100xf32, #tpu.memory_space<hbm>>
      %dma_start3A_188 = tpu.memref_squeeze %dma_start3A_187 : memref<1x100xf32, #tpu.memory_space<hbm>> -> memref<100xf32, #tpu.memory_space<hbm>>
      %dma_start3A_189 = arith.constant 0 : i32
      %dma_start3A_190 = tpu.memref_slice %arg6[%dma_start3A_182, %dma_start3A_189] : memref<64x100xf32, #tpu.memory_space<vmem>> -> memref<1x100xf32, #tpu.memory_space<vmem>>
      %dma_start3A_191 = tpu.memref_squeeze %dma_start3A_190 : memref<1x100xf32, #tpu.memory_space<vmem>> -> memref<100xf32, #tpu.memory_space<vmem>>
      %dma_start3A_192 = arith.constant 0 : i32
      %dma_start3A_193 = tpu.memref_slice %arg3[%squeeze3A_181, %dma_start3A_192] : memref<1000000x100xf32, #tpu.memory_space<hbm>> -> memref<1x100xf32, #tpu.memory_space<hbm>>
      %dma_start3A_194 = tpu.memref_squeeze %dma_start3A_193 : memref<1x100xf32, #tpu.memory_space<hbm>> -> memref<100xf32, #tpu.memory_space<hbm>>
      tpu.enqueue_dma source(%dma_start3A_194 : memref<100xf32, #tpu.memory_space<hbm>>) target(%dma_start3A_191 : memref<100xf32, #tpu.memory_space<vmem>>) target_semaphore(%arg9 : memref<!tpu.dma_semaphore, #tpu.memory_space<semaphore_mem>>)
      %slice3A_195 = vector.extract_strided_slice %get3A_47 {offsets = [10], sizes = [1], strides = [1]} : vector<64xi32> to vector<1xi32>
      %squeeze3A_196 = vector.extract %slice3A_195[0] : i32 from vector<1xi32>
      %dma_start3A_197 = arith.constant 10 : i32
      %dma_start3A_198 = arith.constant 0 : i32
      %dma_start3A_199 = tpu.memref_slice %arg6[%dma_start3A_197, %dma_start3A_198] : memref<64x100xf32, #tpu.memory_space<vmem>> -> memref<1x100xf32, #tpu.memory_space<vmem>>
      %dma_start3A_200 = tpu.memref_squeeze %dma_start3A_199 : memref<1x100xf32, #tpu.memory_space<vmem>> -> memref<100xf32, #tpu.memory_space<vmem>>
      %dma_start3A_201 = arith.constant 0 : i32
      %dma_start3A_202 = tpu.memref_slice %arg3[%squeeze3A_196, %dma_start3A_201] : memref<1000000x100xf32, #tpu.memory_space<hbm>> -> memref<1x100xf32, #tpu.memory_space<hbm>>
      %dma_start3A_203 = tpu.memref_squeeze %dma_start3A_202 : memref<1x100xf32, #tpu.memory_space<hbm>> -> memref<100xf32, #tpu.memory_space<hbm>>
      %dma_start3A_204 = arith.constant 0 : i32
      %dma_start3A_205 = tpu.memref_slice %arg6[%dma_start3A_197, %dma_start3A_204] : memref<64x100xf32, #tpu.memory_space<vmem>> -> memref<1x100xf32, #tpu.memory_space<vmem>>
      %dma_start3A_206 = tpu.memref_squeeze %dma_start3A_205 : memref<1x100xf32, #tpu.memory_space<vmem>> -> memref<100xf32, #tpu.memory_space<vmem>>
      %dma_start3A_207 = arith.constant 0 : i32
      %dma_start3A_208 = tpu.memref_slice %arg3[%squeeze3A_196, %dma_start3A_207] : memref<1000000x100xf32, #tpu.memory_space<hbm>> -> memref<1x100xf32, #tpu.memory_space<hbm>>
      %dma_start3A_209 = tpu.memref_squeeze %dma_start3A_208 : memref<1x100xf32, #tpu.memory_space<hbm>> -> memref<100xf32, #tpu.memory_space<hbm>>
      tpu.enqueue_dma source(%dma_start3A_209 : memref<100xf32, #tpu.memory_space<hbm>>) target(%dma_start3A_206 : memref<100xf32, #tpu.memory_space<vmem>>) target_semaphore(%arg10 : memref<!tpu.dma_semaphore, #tpu.memory_space<semaphore_mem>>)
      %slice3A_210 = vector.extract_strided_slice %get3A_47 {offsets = [11], sizes = [1], strides = [1]} : vector<64xi32> to vector<1xi32>
      %squeeze3A_211 = vector.extract %slice3A_210[0] : i32 from vector<1xi32>
      %dma_start3A_212 = arith.constant 11 : i32
      %dma_start3A_213 = arith.constant 0 : i32
      %dma_start3A_214 = tpu.memref_slice %arg6[%dma_start3A_212, %dma_start3A_213] : memref<64x100xf32, #tpu.memory_space<vmem>> -> memref<1x100xf32, #tpu.memory_space<vmem>>
      %dma_start3A_215 = tpu.memref_squeeze %dma_start3A_214 : memref<1x100xf32, #tpu.memory_space<vmem>> -> memref<100xf32, #tpu.memory_space<vmem>>
      %dma_start3A_216 = arith.constant 0 : i32
      %dma_start3A_217 = tpu.memref_slice %arg3[%squeeze3A_211, %dma_start3A_216] : memref<1000000x100xf32, #tpu.memory_space<hbm>> -> memref<1x100xf32, #tpu.memory_space<hbm>>
      %dma_start3A_218 = tpu.memref_squeeze %dma_start3A_217 : memref<1x100xf32, #tpu.memory_space<hbm>> -> memref<100xf32, #tpu.memory_space<hbm>>
      %dma_start3A_219 = arith.constant 0 : i32
      %dma_start3A_220 = tpu.memref_slice %arg6[%dma_start3A_212, %dma_start3A_219] : memref<64x100xf32, #tpu.memory_space<vmem>> -> memref<1x100xf32, #tpu.memory_space<vmem>>
      %dma_start3A_221 = tpu.memref_squeeze %dma_start3A_220 : memref<1x100xf32, #tpu.memory_space<vmem>> -> memref<100xf32, #tpu.memory_space<vmem>>
      %dma_start3A_222 = arith.constant 0 : i32
      %dma_start3A_223 = tpu.memref_slice %arg3[%squeeze3A_211, %dma_start3A_222] : memref<1000000x100xf32, #tpu.memory_space<hbm>> -> memref<1x100xf32, #tpu.memory_space<hbm>>
      %dma_start3A_224 = tpu.memref_squeeze %dma_start3A_223 : memref<1x100xf32, #tpu.memory_space<hbm>> -> memref<100xf32, #tpu.memory_space<hbm>>
      tpu.enqueue_dma source(%dma_start3A_224 : memref<100xf32, #tpu.memory_space<hbm>>) target(%dma_start3A_221 : memref<100xf32, #tpu.memory_space<vmem>>) target_semaphore(%arg11 : memref<!tpu.dma_semaphore, #tpu.memory_space<semaphore_mem>>)
      %slice3A_225 = vector.extract_strided_slice %get3A_47 {offsets = [12], sizes = [1], strides = [1]} : vector<64xi32> to vector<1xi32>
      %squeeze3A_226 = vector.extract %slice3A_225[0] : i32 from vector<1xi32>
      %dma_start3A_227 = arith.constant 12 : i32
      %dma_start3A_228 = arith.constant 0 : i32
      %dma_start3A_229 = tpu.memref_slice %arg6[%dma_start3A_227, %dma_start3A_228] : memref<64x100xf32, #tpu.memory_space<vmem>> -> memref<1x100xf32, #tpu.memory_space<vmem>>
      %dma_start3A_230 = tpu.memref_squeeze %dma_start3A_229 : memref<1x100xf32, #tpu.memory_space<vmem>> -> memref<100xf32, #tpu.memory_space<vmem>>
      %dma_start3A_231 = arith.constant 0 : i32
      %dma_start3A_232 = tpu.memref_slice %arg3[%squeeze3A_226, %dma_start3A_231] : memref<1000000x100xf32, #tpu.memory_space<hbm>> -> memref<1x100xf32, #tpu.memory_space<hbm>>
      %dma_start3A_233 = tpu.memref_squeeze %dma_start3A_232 : memref<1x100xf32, #tpu.memory_space<hbm>> -> memref<100xf32, #tpu.memory_space<hbm>>
      %dma_start3A_234 = arith.constant 0 : i32
      %dma_start3A_235 = tpu.memref_slice %arg6[%dma_start3A_227, %dma_start3A_234] : memref<64x100xf32, #tpu.memory_space<vmem>> -> memref<1x100xf32, #tpu.memory_space<vmem>>
      %dma_start3A_236 = tpu.memref_squeeze %dma_start3A_235 : memref<1x100xf32, #tpu.memory_space<vmem>> -> memref<100xf32, #tpu.memory_space<vmem>>
      %dma_start3A_237 = arith.constant 0 : i32
      %dma_start3A_238 = tpu.memref_slice %arg3[%squeeze3A_226, %dma_start3A_237] : memref<1000000x100xf32, #tpu.memory_space<hbm>> -> memref<1x100xf32, #tpu.memory_space<hbm>>
      %dma_start3A_239 = tpu.memref_squeeze %dma_start3A_238 : memref<1x100xf32, #tpu.memory_space<hbm>> -> memref<100xf32, #tpu.memory_space<hbm>>
      tpu.enqueue_dma source(%dma_start3A_239 : memref<100xf32, #tpu.memory_space<hbm>>) target(%dma_start3A_236 : memref<100xf32, #tpu.memory_space<vmem>>) target_semaphore(%arg8 : memref<!tpu.dma_semaphore, #tpu.memory_space<semaphore_mem>>)
      %slice3A_240 = vector.extract_strided_slice %get3A_47 {offsets = [13], sizes = [1], strides = [1]} : vector<64xi32> to vector<1xi32>
      %squeeze3A_241 = vector.extract %slice3A_240[0] : i32 from vector<1xi32>
      %dma_start3A_242 = arith.constant 13 : i32
      %dma_start3A_243 = arith.constant 0 : i32
      %dma_start3A_244 = tpu.memref_slice %arg6[%dma_start3A_242, %dma_start3A_243] : memref<64x100xf32, #tpu.memory_space<vmem>> -> memref<1x100xf32, #tpu.memory_space<vmem>>
      %dma_start3A_245 = tpu.memref_squeeze %dma_start3A_244 : memref<1x100xf32, #tpu.memory_space<vmem>> -> memref<100xf32, #tpu.memory_space<vmem>>
      %dma_start3A_246 = arith.constant 0 : i32
      %dma_start3A_247 = tpu.memref_slice %arg3[%squeeze3A_241, %dma_start3A_246] : memref<1000000x100xf32, #tpu.memory_space<hbm>> -> memref<1x100xf32, #tpu.memory_space<hbm>>
      %dma_start3A_248 = tpu.memref_squeeze %dma_start3A_247 : memref<1x100xf32, #tpu.memory_space<hbm>> -> memref<100xf32, #tpu.memory_space<hbm>>
      %dma_start3A_249 = arith.constant 0 : i32
      %dma_start3A_250 = tpu.memref_slice %arg6[%dma_start3A_242, %dma_start3A_249] : memref<64x100xf32, #tpu.memory_space<vmem>> -> memref<1x100xf32, #tpu.memory_space<vmem>>
      %dma_start3A_251 = tpu.memref_squeeze %dma_start3A_250 : memref<1x100xf32, #tpu.memory_space<vmem>> -> memref<100xf32, #tpu.memory_space<vmem>>
      %dma_start3A_252 = arith.constant 0 : i32
      %dma_start3A_253 = tpu.memref_slice %arg3[%squeeze3A_241, %dma_start3A_252] : memref<1000000x100xf32, #tpu.memory_space<hbm>> -> memref<1x100xf32, #tpu.memory_space<hbm>>
      %dma_start3A_254 = tpu.memref_squeeze %dma_start3A_253 : memref<1x100xf32, #tpu.memory_space<hbm>> -> memref<100xf32, #tpu.memory_space<hbm>>
      tpu.enqueue_dma source(%dma_start3A_254 : memref<100xf32, #tpu.memory_space<hbm>>) target(%dma_start3A_251 : memref<100xf32, #tpu.memory_space<vmem>>) target_semaphore(%arg9 : memref<!tpu.dma_semaphore, #tpu.memory_space<semaphore_mem>>)
      %slice3A_255 = vector.extract_strided_slice %get3A_47 {offsets = [14], sizes = [1], strides = [1]} : vector<64xi32> to vector<1xi32>
      %squeeze3A_256 = vector.extract %slice3A_255[0] : i32 from vector<1xi32>
      %dma_start3A_257 = arith.constant 14 : i32
      %dma_start3A_258 = arith.constant 0 : i32
      %dma_start3A_259 = tpu.memref_slice %arg6[%dma_start3A_257, %dma_start3A_258] : memref<64x100xf32, #tpu.memory_space<vmem>> -> memref<1x100xf32, #tpu.memory_space<vmem>>
      %dma_start3A_260 = tpu.memref_squeeze %dma_start3A_259 : memref<1x100xf32, #tpu.memory_space<vmem>> -> memref<100xf32, #tpu.memory_space<vmem>>
      %dma_start3A_261 = arith.constant 0 : i32
      %dma_start3A_262 = tpu.memref_slice %arg3[%squeeze3A_256, %dma_start3A_261] : memref<1000000x100xf32, #tpu.memory_space<hbm>> -> memref<1x100xf32, #tpu.memory_space<hbm>>
      %dma_start3A_263 = tpu.memref_squeeze %dma_start3A_262 : memref<1x100xf32, #tpu.memory_space<hbm>> -> memref<100xf32, #tpu.memory_space<hbm>>
      %dma_start3A_264 = arith.constant 0 : i32
      %dma_start3A_265 = tpu.memref_slice %arg6[%dma_start3A_257, %dma_start3A_264] : memref<64x100xf32, #tpu.memory_space<vmem>> -> memref<1x100xf32, #tpu.memory_space<vmem>>
      %dma_start3A_266 = tpu.memref_squeeze %dma_start3A_265 : memref<1x100xf32, #tpu.memory_space<vmem>> -> memref<100xf32, #tpu.memory_space<vmem>>
      %dma_start3A_267 = arith.constant 0 : i32
      %dma_start3A_268 = tpu.memref_slice %arg3[%squeeze3A_256, %dma_start3A_267] : memref<1000000x100xf32, #tpu.memory_space<hbm>> -> memref<1x100xf32, #tpu.memory_space<hbm>>
      %dma_start3A_269 = tpu.memref_squeeze %dma_start3A_268 : memref<1x100xf32, #tpu.memory_space<hbm>> -> memref<100xf32, #tpu.memory_space<hbm>>
      tpu.enqueue_dma source(%dma_start3A_269 : memref<100xf32, #tpu.memory_space<hbm>>) target(%dma_start3A_266 : memref<100xf32, #tpu.memory_space<vmem>>) target_semaphore(%arg10 : memref<!tpu.dma_semaphore, #tpu.memory_space<semaphore_mem>>)
      %slice3A_270 = vector.extract_strided_slice %get3A_47 {offsets = [15], sizes = [1], strides = [1]} : vector<64xi32> to vector<1xi32>
      %squeeze3A_271 = vector.extract %slice3A_270[0] : i32 from vector<1xi32>
      %dma_start3A_272 = arith.constant 15 : i32
      %dma_start3A_273 = arith.constant 0 : i32
      %dma_start3A_274 = tpu.memref_slice %arg6[%dma_start3A_272, %dma_start3A_273] : memref<64x100xf32, #tpu.memory_space<vmem>> -> memref<1x100xf32, #tpu.memory_space<vmem>>
      %dma_start3A_275 = tpu.memref_squeeze %dma_start3A_274 : memref<1x100xf32, #tpu.memory_space<vmem>> -> memref<100xf32, #tpu.memory_space<vmem>>
      %dma_start3A_276 = arith.constant 0 : i32
      %dma_start3A_277 = tpu.memref_slice %arg3[%squeeze3A_271, %dma_start3A_276] : memref<1000000x100xf32, #tpu.memory_space<hbm>> -> memref<1x100xf32, #tpu.memory_space<hbm>>
      %dma_start3A_278 = tpu.memref_squeeze %dma_start3A_277 : memref<1x100xf32, #tpu.memory_space<hbm>> -> memref<100xf32, #tpu.memory_space<hbm>>
      %dma_start3A_279 = arith.constant 0 : i32
      %dma_start3A_280 = tpu.memref_slice %arg6[%dma_start3A_272, %dma_start3A_279] : memref<64x100xf32, #tpu.memory_space<vmem>> -> memref<1x100xf32, #tpu.memory_space<vmem>>
      %dma_start3A_281 = tpu.memref_squeeze %dma_start3A_280 : memref<1x100xf32, #tpu.memory_space<vmem>> -> memref<100xf32, #tpu.memory_space<vmem>>
      %dma_start3A_282 = arith.constant 0 : i32
      %dma_start3A_283 = tpu.memref_slice %arg3[%squeeze3A_271, %dma_start3A_282] : memref<1000000x100xf32, #tpu.memory_space<hbm>> -> memref<1x100xf32, #tpu.memory_space<hbm>>
      %dma_start3A_284 = tpu.memref_squeeze %dma_start3A_283 : memref<1x100xf32, #tpu.memory_space<hbm>> -> memref<100xf32, #tpu.memory_space<hbm>>
      tpu.enqueue_dma source(%dma_start3A_284 : memref<100xf32, #tpu.memory_space<hbm>>) target(%dma_start3A_281 : memref<100xf32, #tpu.memory_space<vmem>>) target_semaphore(%arg11 : memref<!tpu.dma_semaphore, #tpu.memory_space<semaphore_mem>>)
      %slice3A_285 = vector.extract_strided_slice %get3A_47 {offsets = [16], sizes = [1], strides = [1]} : vector<64xi32> to vector<1xi32>
      %squeeze3A_286 = vector.extract %slice3A_285[0] : i32 from vector<1xi32>
      %dma_start3A_287 = arith.constant 16 : i32
      %dma_start3A_288 = arith.constant 0 : i32
      %dma_start3A_289 = tpu.memref_slice %arg6[%dma_start3A_287, %dma_start3A_288] : memref<64x100xf32, #tpu.memory_space<vmem>> -> memref<1x100xf32, #tpu.memory_space<vmem>>
      %dma_start3A_290 = tpu.memref_squeeze %dma_start3A_289 : memref<1x100xf32, #tpu.memory_space<vmem>> -> memref<100xf32, #tpu.memory_space<vmem>>
      %dma_start3A_291 = arith.constant 0 : i32
      %dma_start3A_292 = tpu.memref_slice %arg3[%squeeze3A_286, %dma_start3A_291] : memref<1000000x100xf32, #tpu.memory_space<hbm>> -> memref<1x100xf32, #tpu.memory_space<hbm>>
      %dma_start3A_293 = tpu.memref_squeeze %dma_start3A_292 : memref<1x100xf32, #tpu.memory_space<hbm>> -> memref<100xf32, #tpu.memory_space<hbm>>
      %dma_start3A_294 = arith.constant 0 : i32
      %dma_start3A_295 = tpu.memref_slice %arg6[%dma_start3A_287, %dma_start3A_294] : memref<64x100xf32, #tpu.memory_space<vmem>> -> memref<1x100xf32, #tpu.memory_space<vmem>>
      %dma_start3A_296 = tpu.memref_squeeze %dma_start3A_295 : memref<1x100xf32, #tpu.memory_space<vmem>> -> memref<100xf32, #tpu.memory_space<vmem>>
      %dma_start3A_297 = arith.constant 0 : i32
      %dma_start3A_298 = tpu.memref_slice %arg3[%squeeze3A_286, %dma_start3A_297] : memref<1000000x100xf32, #tpu.memory_space<hbm>> -> memref<1x100xf32, #tpu.memory_space<hbm>>
      %dma_start3A_299 = tpu.memref_squeeze %dma_start3A_298 : memref<1x100xf32, #tpu.memory_space<hbm>> -> memref<100xf32, #tpu.memory_space<hbm>>
      tpu.enqueue_dma source(%dma_start3A_299 : memref<100xf32, #tpu.memory_space<hbm>>) target(%dma_start3A_296 : memref<100xf32, #tpu.memory_space<vmem>>) target_semaphore(%arg8 : memref<!tpu.dma_semaphore, #tpu.memory_space<semaphore_mem>>)
      %slice3A_300 = vector.extract_strided_slice %get3A_47 {offsets = [17], sizes = [1], strides = [1]} : vector<64xi32> to vector<1xi32>
      %squeeze3A_301 = vector.extract %slice3A_300[0] : i32 from vector<1xi32>
      %dma_start3A_302 = arith.constant 17 : i32
      %dma_start3A_303 = arith.constant 0 : i32
      %dma_start3A_304 = tpu.memref_slice %arg6[%dma_start3A_302, %dma_start3A_303] : memref<64x100xf32, #tpu.memory_space<vmem>> -> memref<1x100xf32, #tpu.memory_space<vmem>>
      %dma_start3A_305 = tpu.memref_squeeze %dma_start3A_304 : memref<1x100xf32, #tpu.memory_space<vmem>> -> memref<100xf32, #tpu.memory_space<vmem>>
      %dma_start3A_306 = arith.constant 0 : i32
      %dma_start3A_307 = tpu.memref_slice %arg3[%squeeze3A_301, %dma_start3A_306] : memref<1000000x100xf32, #tpu.memory_space<hbm>> -> memref<1x100xf32, #tpu.memory_space<hbm>>
      %dma_start3A_308 = tpu.memref_squeeze %dma_start3A_307 : memref<1x100xf32, #tpu.memory_space<hbm>> -> memref<100xf32, #tpu.memory_space<hbm>>
      %dma_start3A_309 = arith.constant 0 : i32
      %dma_start3A_310 = tpu.memref_slice %arg6[%dma_start3A_302, %dma_start3A_309] : memref<64x100xf32, #tpu.memory_space<vmem>> -> memref<1x100xf32, #tpu.memory_space<vmem>>
      %dma_start3A_311 = tpu.memref_squeeze %dma_start3A_310 : memref<1x100xf32, #tpu.memory_space<vmem>> -> memref<100xf32, #tpu.memory_space<vmem>>
      %dma_start3A_312 = arith.constant 0 : i32
      %dma_start3A_313 = tpu.memref_slice %arg3[%squeeze3A_301, %dma_start3A_312] : memref<1000000x100xf32, #tpu.memory_space<hbm>> -> memref<1x100xf32, #tpu.memory_space<hbm>>
      %dma_start3A_314 = tpu.memref_squeeze %dma_start3A_313 : memref<1x100xf32, #tpu.memory_space<hbm>> -> memref<100xf32, #tpu.memory_space<hbm>>
      tpu.enqueue_dma source(%dma_start3A_314 : memref<100xf32, #tpu.memory_space<hbm>>) target(%dma_start3A_311 : memref<100xf32, #tpu.memory_space<vmem>>) target_semaphore(%arg9 : memref<!tpu.dma_semaphore, #tpu.memory_space<semaphore_mem>>)
      %slice3A_315 = vector.extract_strided_slice %get3A_47 {offsets = [18], sizes = [1], strides = [1]} : vector<64xi32> to vector<1xi32>
      %squeeze3A_316 = vector.extract %slice3A_315[0] : i32 from vector<1xi32>
      %dma_start3A_317 = arith.constant 18 : i32
      %dma_start3A_318 = arith.constant 0 : i32
      %dma_start3A_319 = tpu.memref_slice %arg6[%dma_start3A_317, %dma_start3A_318] : memref<64x100xf32, #tpu.memory_space<vmem>> -> memref<1x100xf32, #tpu.memory_space<vmem>>
      %dma_start3A_320 = tpu.memref_squeeze %dma_start3A_319 : memref<1x100xf32, #tpu.memory_space<vmem>> -> memref<100xf32, #tpu.memory_space<vmem>>
      %dma_start3A_321 = arith.constant 0 : i32
      %dma_start3A_322 = tpu.memref_slice %arg3[%squeeze3A_316, %dma_start3A_321] : memref<1000000x100xf32, #tpu.memory_space<hbm>> -> memref<1x100xf32, #tpu.memory_space<hbm>>
      %dma_start3A_323 = tpu.memref_squeeze %dma_start3A_322 : memref<1x100xf32, #tpu.memory_space<hbm>> -> memref<100xf32, #tpu.memory_space<hbm>>
      %dma_start3A_324 = arith.constant 0 : i32
      %dma_start3A_325 = tpu.memref_slice %arg6[%dma_start3A_317, %dma_start3A_324] : memref<64x100xf32, #tpu.memory_space<vmem>> -> memref<1x100xf32, #tpu.memory_space<vmem>>
      %dma_start3A_326 = tpu.memref_squeeze %dma_start3A_325 : memref<1x100xf32, #tpu.memory_space<vmem>> -> memref<100xf32, #tpu.memory_space<vmem>>
      %dma_start3A_327 = arith.constant 0 : i32
      %dma_start3A_328 = tpu.memref_slice %arg3[%squeeze3A_316, %dma_start3A_327] : memref<1000000x100xf32, #tpu.memory_space<hbm>> -> memref<1x100xf32, #tpu.memory_space<hbm>>
      %dma_start3A_329 = tpu.memref_squeeze %dma_start3A_328 : memref<1x100xf32, #tpu.memory_space<hbm>> -> memref<100xf32, #tpu.memory_space<hbm>>
      tpu.enqueue_dma source(%dma_start3A_329 : memref<100xf32, #tpu.memory_space<hbm>>) target(%dma_start3A_326 : memref<100xf32, #tpu.memory_space<vmem>>) target_semaphore(%arg10 : memref<!tpu.dma_semaphore, #tpu.memory_space<semaphore_mem>>)
      %slice3A_330 = vector.extract_strided_slice %get3A_47 {offsets = [19], sizes = [1], strides = [1]} : vector<64xi32> to vector<1xi32>
      %squeeze3A_331 = vector.extract %slice3A_330[0] : i32 from vector<1xi32>
      %dma_start3A_332 = arith.constant 19 : i32
      %dma_start3A_333 = arith.constant 0 : i32
      %dma_start3A_334 = tpu.memref_slice %arg6[%dma_start3A_332, %dma_start3A_333] : memref<64x100xf32, #tpu.memory_space<vmem>> -> memref<1x100xf32, #tpu.memory_space<vmem>>
      %dma_start3A_335 = tpu.memref_squeeze %dma_start3A_334 : memref<1x100xf32, #tpu.memory_space<vmem>> -> memref<100xf32, #tpu.memory_space<vmem>>
      %dma_start3A_336 = arith.constant 0 : i32
      %dma_start3A_337 = tpu.memref_slice %arg3[%squeeze3A_331, %dma_start3A_336] : memref<1000000x100xf32, #tpu.memory_space<hbm>> -> memref<1x100xf32, #tpu.memory_space<hbm>>
      %dma_start3A_338 = tpu.memref_squeeze %dma_start3A_337 : memref<1x100xf32, #tpu.memory_space<hbm>> -> memref<100xf32, #tpu.memory_space<hbm>>
      %dma_start3A_339 = arith.constant 0 : i32
      %dma_start3A_340 = tpu.memref_slice %arg6[%dma_start3A_332, %dma_start3A_339] : memref<64x100xf32, #tpu.memory_space<vmem>> -> memref<1x100xf32, #tpu.memory_space<vmem>>
      %dma_start3A_341 = tpu.memref_squeeze %dma_start3A_340 : memref<1x100xf32, #tpu.memory_space<vmem>> -> memref<100xf32, #tpu.memory_space<vmem>>
      %dma_start3A_342 = arith.constant 0 : i32
      %dma_start3A_343 = tpu.memref_slice %arg3[%squeeze3A_331, %dma_start3A_342] : memref<1000000x100xf32, #tpu.memory_space<hbm>> -> memref<1x100xf32, #tpu.memory_space<hbm>>
      %dma_start3A_344 = tpu.memref_squeeze %dma_start3A_343 : memref<1x100xf32, #tpu.memory_space<hbm>> -> memref<100xf32, #tpu.memory_space<hbm>>
      tpu.enqueue_dma source(%dma_start3A_344 : memref<100xf32, #tpu.memory_space<hbm>>) target(%dma_start3A_341 : memref<100xf32, #tpu.memory_space<vmem>>) target_semaphore(%arg11 : memref<!tpu.dma_semaphore, #tpu.memory_space<semaphore_mem>>)
      %slice3A_345 = vector.extract_strided_slice %get3A_47 {offsets = [20], sizes = [1], strides = [1]} : vector<64xi32> to vector<1xi32>
      %squeeze3A_346 = vector.extract %slice3A_345[0] : i32 from vector<1xi32>
      %dma_start3A_347 = arith.constant 20 : i32
      %dma_start3A_348 = arith.constant 0 : i32
      %dma_start3A_349 = tpu.memref_slice %arg6[%dma_start3A_347, %dma_start3A_348] : memref<64x100xf32, #tpu.memory_space<vmem>> -> memref<1x100xf32, #tpu.memory_space<vmem>>
      %dma_start3A_350 = tpu.memref_squeeze %dma_start3A_349 : memref<1x100xf32, #tpu.memory_space<vmem>> -> memref<100xf32, #tpu.memory_space<vmem>>
      %dma_start3A_351 = arith.constant 0 : i32
      %dma_start3A_352 = tpu.memref_slice %arg3[%squeeze3A_346, %dma_start3A_351] : memref<1000000x100xf32, #tpu.memory_space<hbm>> -> memref<1x100xf32, #tpu.memory_space<hbm>>
      %dma_start3A_353 = tpu.memref_squeeze %dma_start3A_352 : memref<1x100xf32, #tpu.memory_space<hbm>> -> memref<100xf32, #tpu.memory_space<hbm>>
      %dma_start3A_354 = arith.constant 0 : i32
      %dma_start3A_355 = tpu.memref_slice %arg6[%dma_start3A_347, %dma_start3A_354] : memref<64x100xf32, #tpu.memory_space<vmem>> -> memref<1x100xf32, #tpu.memory_space<vmem>>
      %dma_start3A_356 = tpu.memref_squeeze %dma_start3A_355 : memref<1x100xf32, #tpu.memory_space<vmem>> -> memref<100xf32, #tpu.memory_space<vmem>>
      %dma_start3A_357 = arith.constant 0 : i32
      %dma_start3A_358 = tpu.memref_slice %arg3[%squeeze3A_346, %dma_start3A_357] : memref<1000000x100xf32, #tpu.memory_space<hbm>> -> memref<1x100xf32, #tpu.memory_space<hbm>>
      %dma_start3A_359 = tpu.memref_squeeze %dma_start3A_358 : memref<1x100xf32, #tpu.memory_space<hbm>> -> memref<100xf32, #tpu.memory_space<hbm>>
      tpu.enqueue_dma source(%dma_start3A_359 : memref<100xf32, #tpu.memory_space<hbm>>) target(%dma_start3A_356 : memref<100xf32, #tpu.memory_space<vmem>>) target_semaphore(%arg8 : memref<!tpu.dma_semaphore, #tpu.memory_space<semaphore_mem>>)
      %slice3A_360 = vector.extract_strided_slice %get3A_47 {offsets = [21], sizes = [1], strides = [1]} : vector<64xi32> to vector<1xi32>
      %squeeze3A_361 = vector.extract %slice3A_360[0] : i32 from vector<1xi32>
      %dma_start3A_362 = arith.constant 21 : i32
      %dma_start3A_363 = arith.constant 0 : i32
      %dma_start3A_364 = tpu.memref_slice %arg6[%dma_start3A_362, %dma_start3A_363] : memref<64x100xf32, #tpu.memory_space<vmem>> -> memref<1x100xf32, #tpu.memory_space<vmem>>
      %dma_start3A_365 = tpu.memref_squeeze %dma_start3A_364 : memref<1x100xf32, #tpu.memory_space<vmem>> -> memref<100xf32, #tpu.memory_space<vmem>>
      %dma_start3A_366 = arith.constant 0 : i32
      %dma_start3A_367 = tpu.memref_slice %arg3[%squeeze3A_361, %dma_start3A_366] : memref<1000000x100xf32, #tpu.memory_space<hbm>> -> memref<1x100xf32, #tpu.memory_space<hbm>>
      %dma_start3A_368 = tpu.memref_squeeze %dma_start3A_367 : memref<1x100xf32, #tpu.memory_space<hbm>> -> memref<100xf32, #tpu.memory_space<hbm>>
      %dma_start3A_369 = arith.constant 0 : i32
      %dma_start3A_370 = tpu.memref_slice %arg6[%dma_start3A_362, %dma_start3A_369] : memref<64x100xf32, #tpu.memory_space<vmem>> -> memref<1x100xf32, #tpu.memory_space<vmem>>
      %dma_start3A_371 = tpu.memref_squeeze %dma_start3A_370 : memref<1x100xf32, #tpu.memory_space<vmem>> -> memref<100xf32, #tpu.memory_space<vmem>>
      %dma_start3A_372 = arith.constant 0 : i32
      %dma_start3A_373 = tpu.memref_slice %arg3[%squeeze3A_361, %dma_start3A_372] : memref<1000000x100xf32, #tpu.memory_space<hbm>> -> memref<1x100xf32, #tpu.memory_space<hbm>>
      %dma_start3A_374 = tpu.memref_squeeze %dma_start3A_373 : memref<1x100xf32, #tpu.memory_space<hbm>> -> memref<100xf32, #tpu.memory_space<hbm>>
      tpu.enqueue_dma source(%dma_start3A_374 : memref<100xf32, #tpu.memory_space<hbm>>) target(%dma_start3A_371 : memref<100xf32, #tpu.memory_space<vmem>>) target_semaphore(%arg9 : memref<!tpu.dma_semaphore, #tpu.memory_space<semaphore_mem>>)
      %slice3A_375 = vector.extract_strided_slice %get3A_47 {offsets = [22], sizes = [1], strides = [1]} : vector<64xi32> to vector<1xi32>
      %squeeze3A_376 = vector.extract %slice3A_375[0] : i32 from vector<1xi32>
      %dma_start3A_377 = arith.constant 22 : i32
      %dma_start3A_378 = arith.constant 0 : i32
      %dma_start3A_379 = tpu.memref_slice %arg6[%dma_start3A_377, %dma_start3A_378] : memref<64x100xf32, #tpu.memory_space<vmem>> -> memref<1x100xf32, #tpu.memory_space<vmem>>
      %dma_start3A_380 = tpu.memref_squeeze %dma_start3A_379 : memref<1x100xf32, #tpu.memory_space<vmem>> -> memref<100xf32, #tpu.memory_space<vmem>>
      %dma_start3A_381 = arith.constant 0 : i32
      %dma_start3A_382 = tpu.memref_slice %arg3[%squeeze3A_376, %dma_start3A_381] : memref<1000000x100xf32, #tpu.memory_space<hbm>> -> memref<1x100xf32, #tpu.memory_space<hbm>>
      %dma_start3A_383 = tpu.memref_squeeze %dma_start3A_382 : memref<1x100xf32, #tpu.memory_space<hbm>> -> memref<100xf32, #tpu.memory_space<hbm>>
      %dma_start3A_384 = arith.constant 0 : i32
      %dma_start3A_385 = tpu.memref_slice %arg6[%dma_start3A_377, %dma_start3A_384] : memref<64x100xf32, #tpu.memory_space<vmem>> -> memref<1x100xf32, #tpu.memory_space<vmem>>
      %dma_start3A_386 = tpu.memref_squeeze %dma_start3A_385 : memref<1x100xf32, #tpu.memory_space<vmem>> -> memref<100xf32, #tpu.memory_space<vmem>>
      %dma_start3A_387 = arith.constant 0 : i32
      %dma_start3A_388 = tpu.memref_slice %arg3[%squeeze3A_376, %dma_start3A_387] : memref<1000000x100xf32, #tpu.memory_space<hbm>> -> memref<1x100xf32, #tpu.memory_space<hbm>>
      %dma_start3A_389 = tpu.memref_squeeze %dma_start3A_388 : memref<1x100xf32, #tpu.memory_space<hbm>> -> memref<100xf32, #tpu.memory_space<hbm>>
      tpu.enqueue_dma source(%dma_start3A_389 : memref<100xf32, #tpu.memory_space<hbm>>) target(%dma_start3A_386 : memref<100xf32, #tpu.memory_space<vmem>>) target_semaphore(%arg10 : memref<!tpu.dma_semaphore, #tpu.memory_space<semaphore_mem>>)
      %slice3A_390 = vector.extract_strided_slice %get3A_47 {offsets = [23], sizes = [1], strides = [1]} : vector<64xi32> to vector<1xi32>
      %squeeze3A_391 = vector.extract %slice3A_390[0] : i32 from vector<1xi32>
      %dma_start3A_392 = arith.constant 23 : i32
      %dma_start3A_393 = arith.constant 0 : i32
      %dma_start3A_394 = tpu.memref_slice %arg6[%dma_start3A_392, %dma_start3A_393] : memref<64x100xf32, #tpu.memory_space<vmem>> -> memref<1x100xf32, #tpu.memory_space<vmem>>
      %dma_start3A_395 = tpu.memref_squeeze %dma_start3A_394 : memref<1x100xf32, #tpu.memory_space<vmem>> -> memref<100xf32, #tpu.memory_space<vmem>>
      %dma_start3A_396 = arith.constant 0 : i32
      %dma_start3A_397 = tpu.memref_slice %arg3[%squeeze3A_391, %dma_start3A_396] : memref<1000000x100xf32, #tpu.memory_space<hbm>> -> memref<1x100xf32, #tpu.memory_space<hbm>>
      %dma_start3A_398 = tpu.memref_squeeze %dma_start3A_397 : memref<1x100xf32, #tpu.memory_space<hbm>> -> memref<100xf32, #tpu.memory_space<hbm>>
      %dma_start3A_399 = arith.constant 0 : i32
      %dma_start3A_400 = tpu.memref_slice %arg6[%dma_start3A_392, %dma_start3A_399] : memref<64x100xf32, #tpu.memory_space<vmem>> -> memref<1x100xf32, #tpu.memory_space<vmem>>
      %dma_start3A_401 = tpu.memref_squeeze %dma_start3A_400 : memref<1x100xf32, #tpu.memory_space<vmem>> -> memref<100xf32, #tpu.memory_space<vmem>>
      %dma_start3A_402 = arith.constant 0 : i32
      %dma_start3A_403 = tpu.memref_slice %arg3[%squeeze3A_391, %dma_start3A_402] : memref<1000000x100xf32, #tpu.memory_space<hbm>> -> memref<1x100xf32, #tpu.memory_space<hbm>>
      %dma_start3A_404 = tpu.memref_squeeze %dma_start3A_403 : memref<1x100xf32, #tpu.memory_space<hbm>> -> memref<100xf32, #tpu.memory_space<hbm>>
      tpu.enqueue_dma source(%dma_start3A_404 : memref<100xf32, #tpu.memory_space<hbm>>) target(%dma_start3A_401 : memref<100xf32, #tpu.memory_space<vmem>>) target_semaphore(%arg11 : memref<!tpu.dma_semaphore, #tpu.memory_space<semaphore_mem>>)
      %slice3A_405 = vector.extract_strided_slice %get3A_47 {offsets = [24], sizes = [1], strides = [1]} : vector<64xi32> to vector<1xi32>
      %squeeze3A_406 = vector.extract %slice3A_405[0] : i32 from vector<1xi32>
      %dma_start3A_407 = arith.constant 24 : i32
      %dma_start3A_408 = arith.constant 0 : i32
      %dma_start3A_409 = tpu.memref_slice %arg6[%dma_start3A_407, %dma_start3A_408] : memref<64x100xf32, #tpu.memory_space<vmem>> -> memref<1x100xf32, #tpu.memory_space<vmem>>
      %dma_start3A_410 = tpu.memref_squeeze %dma_start3A_409 : memref<1x100xf32, #tpu.memory_space<vmem>> -> memref<100xf32, #tpu.memory_space<vmem>>
      %dma_start3A_411 = arith.constant 0 : i32
      %dma_start3A_412 = tpu.memref_slice %arg3[%squeeze3A_406, %dma_start3A_411] : memref<1000000x100xf32, #tpu.memory_space<hbm>> -> memref<1x100xf32, #tpu.memory_space<hbm>>
      %dma_start3A_413 = tpu.memref_squeeze %dma_start3A_412 : memref<1x100xf32, #tpu.memory_space<hbm>> -> memref<100xf32, #tpu.memory_space<hbm>>
      %dma_start3A_414 = arith.constant 0 : i32
      %dma_start3A_415 = tpu.memref_slice %arg6[%dma_start3A_407, %dma_start3A_414] : memref<64x100xf32, #tpu.memory_space<vmem>> -> memref<1x100xf32, #tpu.memory_space<vmem>>
      %dma_start3A_416 = tpu.memref_squeeze %dma_start3A_415 : memref<1x100xf32, #tpu.memory_space<vmem>> -> memref<100xf32, #tpu.memory_space<vmem>>
      %dma_start3A_417 = arith.constant 0 : i32
      %dma_start3A_418 = tpu.memref_slice %arg3[%squeeze3A_406, %dma_start3A_417] : memref<1000000x100xf32, #tpu.memory_space<hbm>> -> memref<1x100xf32, #tpu.memory_space<hbm>>
      %dma_start3A_419 = tpu.memref_squeeze %dma_start3A_418 : memref<1x100xf32, #tpu.memory_space<hbm>> -> memref<100xf32, #tpu.memory_space<hbm>>
      tpu.enqueue_dma source(%dma_start3A_419 : memref<100xf32, #tpu.memory_space<hbm>>) target(%dma_start3A_416 : memref<100xf32, #tpu.memory_space<vmem>>) target_semaphore(%arg8 : memref<!tpu.dma_semaphore, #tpu.memory_space<semaphore_mem>>)
      %slice3A_420 = vector.extract_strided_slice %get3A_47 {offsets = [25], sizes = [1], strides = [1]} : vector<64xi32> to vector<1xi32>
      %squeeze3A_421 = vector.extract %slice3A_420[0] : i32 from vector<1xi32>
      %dma_start3A_422 = arith.constant 25 : i32
      %dma_start3A_423 = arith.constant 0 : i32
      %dma_start3A_424 = tpu.memref_slice %arg6[%dma_start3A_422, %dma_start3A_423] : memref<64x100xf32, #tpu.memory_space<vmem>> -> memref<1x100xf32, #tpu.memory_space<vmem>>
      %dma_start3A_425 = tpu.memref_squeeze %dma_start3A_424 : memref<1x100xf32, #tpu.memory_space<vmem>> -> memref<100xf32, #tpu.memory_space<vmem>>
      %dma_start3A_426 = arith.constant 0 : i32
      %dma_start3A_427 = tpu.memref_slice %arg3[%squeeze3A_421, %dma_start3A_426] : memref<1000000x100xf32, #tpu.memory_space<hbm>> -> memref<1x100xf32, #tpu.memory_space<hbm>>
      %dma_start3A_428 = tpu.memref_squeeze %dma_start3A_427 : memref<1x100xf32, #tpu.memory_space<hbm>> -> memref<100xf32, #tpu.memory_space<hbm>>
      %dma_start3A_429 = arith.constant 0 : i32
      %dma_start3A_430 = tpu.memref_slice %arg6[%dma_start3A_422, %dma_start3A_429] : memref<64x100xf32, #tpu.memory_space<vmem>> -> memref<1x100xf32, #tpu.memory_space<vmem>>
      %dma_start3A_431 = tpu.memref_squeeze %dma_start3A_430 : memref<1x100xf32, #tpu.memory_space<vmem>> -> memref<100xf32, #tpu.memory_space<vmem>>
      %dma_start3A_432 = arith.constant 0 : i32
      %dma_start3A_433 = tpu.memref_slice %arg3[%squeeze3A_421, %dma_start3A_432] : memref<1000000x100xf32, #tpu.memory_space<hbm>> -> memref<1x100xf32, #tpu.memory_space<hbm>>
      %dma_start3A_434 = tpu.memref_squeeze %dma_start3A_433 : memref<1x100xf32, #tpu.memory_space<hbm>> -> memref<100xf32, #tpu.memory_space<hbm>>
      tpu.enqueue_dma source(%dma_start3A_434 : memref<100xf32, #tpu.memory_space<hbm>>) target(%dma_start3A_431 : memref<100xf32, #tpu.memory_space<vmem>>) target_semaphore(%arg9 : memref<!tpu.dma_semaphore, #tpu.memory_space<semaphore_mem>>)
      %slice3A_435 = vector.extract_strided_slice %get3A_47 {offsets = [26], sizes = [1], strides = [1]} : vector<64xi32> to vector<1xi32>
      %squeeze3A_436 = vector.extract %slice3A_435[0] : i32 from vector<1xi32>
      %dma_start3A_437 = arith.constant 26 : i32
      %dma_start3A_438 = arith.constant 0 : i32
      %dma_start3A_439 = tpu.memref_slice %arg6[%dma_start3A_437, %dma_start3A_438] : memref<64x100xf32, #tpu.memory_space<vmem>> -> memref<1x100xf32, #tpu.memory_space<vmem>>
      %dma_start3A_440 = tpu.memref_squeeze %dma_start3A_439 : memref<1x100xf32, #tpu.memory_space<vmem>> -> memref<100xf32, #tpu.memory_space<vmem>>
      %dma_start3A_441 = arith.constant 0 : i32
      %dma_start3A_442 = tpu.memref_slice %arg3[%squeeze3A_436, %dma_start3A_441] : memref<1000000x100xf32, #tpu.memory_space<hbm>> -> memref<1x100xf32, #tpu.memory_space<hbm>>
      %dma_start3A_443 = tpu.memref_squeeze %dma_start3A_442 : memref<1x100xf32, #tpu.memory_space<hbm>> -> memref<100xf32, #tpu.memory_space<hbm>>
      %dma_start3A_444 = arith.constant 0 : i32
      %dma_start3A_445 = tpu.memref_slice %arg6[%dma_start3A_437, %dma_start3A_444] : memref<64x100xf32, #tpu.memory_space<vmem>> -> memref<1x100xf32, #tpu.memory_space<vmem>>
      %dma_start3A_446 = tpu.memref_squeeze %dma_start3A_445 : memref<1x100xf32, #tpu.memory_space<vmem>> -> memref<100xf32, #tpu.memory_space<vmem>>
      %dma_start3A_447 = arith.constant 0 : i32
      %dma_start3A_448 = tpu.memref_slice %arg3[%squeeze3A_436, %dma_start3A_447] : memref<1000000x100xf32, #tpu.memory_space<hbm>> -> memref<1x100xf32, #tpu.memory_space<hbm>>
      %dma_start3A_449 = tpu.memref_squeeze %dma_start3A_448 : memref<1x100xf32, #tpu.memory_space<hbm>> -> memref<100xf32, #tpu.memory_space<hbm>>
      tpu.enqueue_dma source(%dma_start3A_449 : memref<100xf32, #tpu.memory_space<hbm>>) target(%dma_start3A_446 : memref<100xf32, #tpu.memory_space<vmem>>) target_semaphore(%arg10 : memref<!tpu.dma_semaphore, #tpu.memory_space<semaphore_mem>>)
      %slice3A_450 = vector.extract_strided_slice %get3A_47 {offsets = [27], sizes = [1], strides = [1]} : vector<64xi32> to vector<1xi32>
      %squeeze3A_451 = vector.extract %slice3A_450[0] : i32 from vector<1xi32>
      %dma_start3A_452 = arith.constant 27 : i32
      %dma_start3A_453 = arith.constant 0 : i32
      %dma_start3A_454 = tpu.memref_slice %arg6[%dma_start3A_452, %dma_start3A_453] : memref<64x100xf32, #tpu.memory_space<vmem>> -> memref<1x100xf32, #tpu.memory_space<vmem>>
      %dma_start3A_455 = tpu.memref_squeeze %dma_start3A_454 : memref<1x100xf32, #tpu.memory_space<vmem>> -> memref<100xf32, #tpu.memory_space<vmem>>
      %dma_start3A_456 = arith.constant 0 : i32
      %dma_start3A_457 = tpu.memref_slice %arg3[%squeeze3A_451, %dma_start3A_456] : memref<1000000x100xf32, #tpu.memory_space<hbm>> -> memref<1x100xf32, #tpu.memory_space<hbm>>
      %dma_start3A_458 = tpu.memref_squeeze %dma_start3A_457 : memref<1x100xf32, #tpu.memory_space<hbm>> -> memref<100xf32, #tpu.memory_space<hbm>>
      %dma_start3A_459 = arith.constant 0 : i32
      %dma_start3A_460 = tpu.memref_slice %arg6[%dma_start3A_452, %dma_start3A_459] : memref<64x100xf32, #tpu.memory_space<vmem>> -> memref<1x100xf32, #tpu.memory_space<vmem>>
      %dma_start3A_461 = tpu.memref_squeeze %dma_start3A_460 : memref<1x100xf32, #tpu.memory_space<vmem>> -> memref<100xf32, #tpu.memory_space<vmem>>
      %dma_start3A_462 = arith.constant 0 : i32
      %dma_start3A_463 = tpu.memref_slice %arg3[%squeeze3A_451, %dma_start3A_462] : memref<1000000x100xf32, #tpu.memory_space<hbm>> -> memref<1x100xf32, #tpu.memory_space<hbm>>
      %dma_start3A_464 = tpu.memref_squeeze %dma_start3A_463 : memref<1x100xf32, #tpu.memory_space<hbm>> -> memref<100xf32, #tpu.memory_space<hbm>>
      tpu.enqueue_dma source(%dma_start3A_464 : memref<100xf32, #tpu.memory_space<hbm>>) target(%dma_start3A_461 : memref<100xf32, #tpu.memory_space<vmem>>) target_semaphore(%arg11 : memref<!tpu.dma_semaphore, #tpu.memory_space<semaphore_mem>>)
      %slice3A_465 = vector.extract_strided_slice %get3A_47 {offsets = [28], sizes = [1], strides = [1]} : vector<64xi32> to vector<1xi32>
      %squeeze3A_466 = vector.extract %slice3A_465[0] : i32 from vector<1xi32>
      %dma_start3A_467 = arith.constant 28 : i32
      %dma_start3A_468 = arith.constant 0 : i32
      %dma_start3A_469 = tpu.memref_slice %arg6[%dma_start3A_467, %dma_start3A_468] : memref<64x100xf32, #tpu.memory_space<vmem>> -> memref<1x100xf32, #tpu.memory_space<vmem>>
      %dma_start3A_470 = tpu.memref_squeeze %dma_start3A_469 : memref<1x100xf32, #tpu.memory_space<vmem>> -> memref<100xf32, #tpu.memory_space<vmem>>
      %dma_start3A_471 = arith.constant 0 : i32
      %dma_start3A_472 = tpu.memref_slice %arg3[%squeeze3A_466, %dma_start3A_471] : memref<1000000x100xf32, #tpu.memory_space<hbm>> -> memref<1x100xf32, #tpu.memory_space<hbm>>
      %dma_start3A_473 = tpu.memref_squeeze %dma_start3A_472 : memref<1x100xf32, #tpu.memory_space<hbm>> -> memref<100xf32, #tpu.memory_space<hbm>>
      %dma_start3A_474 = arith.constant 0 : i32
      %dma_start3A_475 = tpu.memref_slice %arg6[%dma_start3A_467, %dma_start3A_474] : memref<64x100xf32, #tpu.memory_space<vmem>> -> memref<1x100xf32, #tpu.memory_space<vmem>>
      %dma_start3A_476 = tpu.memref_squeeze %dma_start3A_475 : memref<1x100xf32, #tpu.memory_space<vmem>> -> memref<100xf32, #tpu.memory_space<vmem>>
      %dma_start3A_477 = arith.constant 0 : i32
      %dma_start3A_478 = tpu.memref_slice %arg3[%squeeze3A_466, %dma_start3A_477] : memref<1000000x100xf32, #tpu.memory_space<hbm>> -> memref<1x100xf32, #tpu.memory_space<hbm>>
      %dma_start3A_479 = tpu.memref_squeeze %dma_start3A_478 : memref<1x100xf32, #tpu.memory_space<hbm>> -> memref<100xf32, #tpu.memory_space<hbm>>
      tpu.enqueue_dma source(%dma_start3A_479 : memref<100xf32, #tpu.memory_space<hbm>>) target(%dma_start3A_476 : memref<100xf32, #tpu.memory_space<vmem>>) target_semaphore(%arg8 : memref<!tpu.dma_semaphore, #tpu.memory_space<semaphore_mem>>)
      %slice3A_480 = vector.extract_strided_slice %get3A_47 {offsets = [29], sizes = [1], strides = [1]} : vector<64xi32> to vector<1xi32>
      %squeeze3A_481 = vector.extract %slice3A_480[0] : i32 from vector<1xi32>
      %dma_start3A_482 = arith.constant 29 : i32
      %dma_start3A_483 = arith.constant 0 : i32
      %dma_start3A_484 = tpu.memref_slice %arg6[%dma_start3A_482, %dma_start3A_483] : memref<64x100xf32, #tpu.memory_space<vmem>> -> memref<1x100xf32, #tpu.memory_space<vmem>>
      %dma_start3A_485 = tpu.memref_squeeze %dma_start3A_484 : memref<1x100xf32, #tpu.memory_space<vmem>> -> memref<100xf32, #tpu.memory_space<vmem>>
      %dma_start3A_486 = arith.constant 0 : i32
      %dma_start3A_487 = tpu.memref_slice %arg3[%squeeze3A_481, %dma_start3A_486] : memref<1000000x100xf32, #tpu.memory_space<hbm>> -> memref<1x100xf32, #tpu.memory_space<hbm>>
      %dma_start3A_488 = tpu.memref_squeeze %dma_start3A_487 : memref<1x100xf32, #tpu.memory_space<hbm>> -> memref<100xf32, #tpu.memory_space<hbm>>
      %dma_start3A_489 = arith.constant 0 : i32
      %dma_start3A_490 = tpu.memref_slice %arg6[%dma_start3A_482, %dma_start3A_489] : memref<64x100xf32, #tpu.memory_space<vmem>> -> memref<1x100xf32, #tpu.memory_space<vmem>>
      %dma_start3A_491 = tpu.memref_squeeze %dma_start3A_490 : memref<1x100xf32, #tpu.memory_space<vmem>> -> memref<100xf32, #tpu.memory_space<vmem>>
      %dma_start3A_492 = arith.constant 0 : i32
      %dma_start3A_493 = tpu.memref_slice %arg3[%squeeze3A_481, %dma_start3A_492] : memref<1000000x100xf32, #tpu.memory_space<hbm>> -> memref<1x100xf32, #tpu.memory_space<hbm>>
      %dma_start3A_494 = tpu.memref_squeeze %dma_start3A_493 : memref<1x100xf32, #tpu.memory_space<hbm>> -> memref<100xf32, #tpu.memory_space<hbm>>
      tpu.enqueue_dma source(%dma_start3A_494 : memref<100xf32, #tpu.memory_space<hbm>>) target(%dma_start3A_491 : memref<100xf32, #tpu.memory_space<vmem>>) target_semaphore(%arg9 : memref<!tpu.dma_semaphore, #tpu.memory_space<semaphore_mem>>)
      %slice3A_495 = vector.extract_strided_slice %get3A_47 {offsets = [30], sizes = [1], strides = [1]} : vector<64xi32> to vector<1xi32>
      %squeeze3A_496 = vector.extract %slice3A_495[0] : i32 from vector<1xi32>
      %dma_start3A_497 = arith.constant 30 : i32
      %dma_start3A_498 = arith.constant 0 : i32
      %dma_start3A_499 = tpu.memref_slice %arg6[%dma_start3A_497, %dma_start3A_498] : memref<64x100xf32, #tpu.memory_space<vmem>> -> memref<1x100xf32, #tpu.memory_space<vmem>>
      %dma_start3A_500 = tpu.memref_squeeze %dma_start3A_499 : memref<1x100xf32, #tpu.memory_space<vmem>> -> memref<100xf32, #tpu.memory_space<vmem>>
      %dma_start3A_501 = arith.constant 0 : i32
      %dma_start3A_502 = tpu.memref_slice %arg3[%squeeze3A_496, %dma_start3A_501] : memref<1000000x100xf32, #tpu.memory_space<hbm>> -> memref<1x100xf32, #tpu.memory_space<hbm>>
      %dma_start3A_503 = tpu.memref_squeeze %dma_start3A_502 : memref<1x100xf32, #tpu.memory_space<hbm>> -> memref<100xf32, #tpu.memory_space<hbm>>
      %dma_start3A_504 = arith.constant 0 : i32
      %dma_start3A_505 = tpu.memref_slice %arg6[%dma_start3A_497, %dma_start3A_504] : memref<64x100xf32, #tpu.memory_space<vmem>> -> memref<1x100xf32, #tpu.memory_space<vmem>>
      %dma_start3A_506 = tpu.memref_squeeze %dma_start3A_505 : memref<1x100xf32, #tpu.memory_space<vmem>> -> memref<100xf32, #tpu.memory_space<vmem>>
      %dma_start3A_507 = arith.constant 0 : i32
      %dma_start3A_508 = tpu.memref_slice %arg3[%squeeze3A_496, %dma_start3A_507] : memref<1000000x100xf32, #tpu.memory_space<hbm>> -> memref<1x100xf32, #tpu.memory_space<hbm>>
      %dma_start3A_509 = tpu.memref_squeeze %dma_start3A_508 : memref<1x100xf32, #tpu.memory_space<hbm>> -> memref<100xf32, #tpu.memory_space<hbm>>
      tpu.enqueue_dma source(%dma_start3A_509 : memref<100xf32, #tpu.memory_space<hbm>>) target(%dma_start3A_506 : memref<100xf32, #tpu.memory_space<vmem>>) target_semaphore(%arg10 : memref<!tpu.dma_semaphore, #tpu.memory_space<semaphore_mem>>)
      %slice3A_510 = vector.extract_strided_slice %get3A_47 {offsets = [31], sizes = [1], strides = [1]} : vector<64xi32> to vector<1xi32>
      %squeeze3A_511 = vector.extract %slice3A_510[0] : i32 from vector<1xi32>
      %dma_start3A_512 = arith.constant 31 : i32
      %dma_start3A_513 = arith.constant 0 : i32
      %dma_start3A_514 = tpu.memref_slice %arg6[%dma_start3A_512, %dma_start3A_513] : memref<64x100xf32, #tpu.memory_space<vmem>> -> memref<1x100xf32, #tpu.memory_space<vmem>>
      %dma_start3A_515 = tpu.memref_squeeze %dma_start3A_514 : memref<1x100xf32, #tpu.memory_space<vmem>> -> memref<100xf32, #tpu.memory_space<vmem>>
      %dma_start3A_516 = arith.constant 0 : i32
      %dma_start3A_517 = tpu.memref_slice %arg3[%squeeze3A_511, %dma_start3A_516] : memref<1000000x100xf32, #tpu.memory_space<hbm>> -> memref<1x100xf32, #tpu.memory_space<hbm>>
      %dma_start3A_518 = tpu.memref_squeeze %dma_start3A_517 : memref<1x100xf32, #tpu.memory_space<hbm>> -> memref<100xf32, #tpu.memory_space<hbm>>
      %dma_start3A_519 = arith.constant 0 : i32
      %dma_start3A_520 = tpu.memref_slice %arg6[%dma_start3A_512, %dma_start3A_519] : memref<64x100xf32, #tpu.memory_space<vmem>> -> memref<1x100xf32, #tpu.memory_space<vmem>>
      %dma_start3A_521 = tpu.memref_squeeze %dma_start3A_520 : memref<1x100xf32, #tpu.memory_space<vmem>> -> memref<100xf32, #tpu.memory_space<vmem>>
      %dma_start3A_522 = arith.constant 0 : i32
      %dma_start3A_523 = tpu.memref_slice %arg3[%squeeze3A_511, %dma_start3A_522] : memref<1000000x100xf32, #tpu.memory_space<hbm>> -> memref<1x100xf32, #tpu.memory_space<hbm>>
      %dma_start3A_524 = tpu.memref_squeeze %dma_start3A_523 : memref<1x100xf32, #tpu.memory_space<hbm>> -> memref<100xf32, #tpu.memory_space<hbm>>
      tpu.enqueue_dma source(%dma_start3A_524 : memref<100xf32, #tpu.memory_space<hbm>>) target(%dma_start3A_521 : memref<100xf32, #tpu.memory_space<vmem>>) target_semaphore(%arg11 : memref<!tpu.dma_semaphore, #tpu.memory_space<semaphore_mem>>)
      %slice3A_525 = vector.extract_strided_slice %get3A_47 {offsets = [32], sizes = [1], strides = [1]} : vector<64xi32> to vector<1xi32>
      %squeeze3A_526 = vector.extract %slice3A_525[0] : i32 from vector<1xi32>
      %dma_start3A_527 = arith.constant 32 : i32
      %dma_start3A_528 = arith.constant 0 : i32
      %dma_start3A_529 = tpu.memref_slice %arg6[%dma_start3A_527, %dma_start3A_528] : memref<64x100xf32, #tpu.memory_space<vmem>> -> memref<1x100xf32, #tpu.memory_space<vmem>>
      %dma_start3A_530 = tpu.memref_squeeze %dma_start3A_529 : memref<1x100xf32, #tpu.memory_space<vmem>> -> memref<100xf32, #tpu.memory_space<vmem>>
      %dma_start3A_531 = arith.constant 0 : i32
      %dma_start3A_532 = tpu.memref_slice %arg3[%squeeze3A_526, %dma_start3A_531] : memref<1000000x100xf32, #tpu.memory_space<hbm>> -> memref<1x100xf32, #tpu.memory_space<hbm>>
      %dma_start3A_533 = tpu.memref_squeeze %dma_start3A_532 : memref<1x100xf32, #tpu.memory_space<hbm>> -> memref<100xf32, #tpu.memory_space<hbm>>
      %dma_start3A_534 = arith.constant 0 : i32
      %dma_start3A_535 = tpu.memref_slice %arg6[%dma_start3A_527, %dma_start3A_534] : memref<64x100xf32, #tpu.memory_space<vmem>> -> memref<1x100xf32, #tpu.memory_space<vmem>>
      %dma_start3A_536 = tpu.memref_squeeze %dma_start3A_535 : memref<1x100xf32, #tpu.memory_space<vmem>> -> memref<100xf32, #tpu.memory_space<vmem>>
      %dma_start3A_537 = arith.constant 0 : i32
      %dma_start3A_538 = tpu.memref_slice %arg3[%squeeze3A_526, %dma_start3A_537] : memref<1000000x100xf32, #tpu.memory_space<hbm>> -> memref<1x100xf32, #tpu.memory_space<hbm>>
      %dma_start3A_539 = tpu.memref_squeeze %dma_start3A_538 : memref<1x100xf32, #tpu.memory_space<hbm>> -> memref<100xf32, #tpu.memory_space<hbm>>
      tpu.enqueue_dma source(%dma_start3A_539 : memref<100xf32, #tpu.memory_space<hbm>>) target(%dma_start3A_536 : memref<100xf32, #tpu.memory_space<vmem>>) target_semaphore(%arg8 : memref<!tpu.dma_semaphore, #tpu.memory_space<semaphore_mem>>)
      %slice3A_540 = vector.extract_strided_slice %get3A_47 {offsets = [33], sizes = [1], strides = [1]} : vector<64xi32> to vector<1xi32>
      %squeeze3A_541 = vector.extract %slice3A_540[0] : i32 from vector<1xi32>
      %dma_start3A_542 = arith.constant 33 : i32
      %dma_start3A_543 = arith.constant 0 : i32
      %dma_start3A_544 = tpu.memref_slice %arg6[%dma_start3A_542, %dma_start3A_543] : memref<64x100xf32, #tpu.memory_space<vmem>> -> memref<1x100xf32, #tpu.memory_space<vmem>>
      %dma_start3A_545 = tpu.memref_squeeze %dma_start3A_544 : memref<1x100xf32, #tpu.memory_space<vmem>> -> memref<100xf32, #tpu.memory_space<vmem>>
      %dma_start3A_546 = arith.constant 0 : i32
      %dma_start3A_547 = tpu.memref_slice %arg3[%squeeze3A_541, %dma_start3A_546] : memref<1000000x100xf32, #tpu.memory_space<hbm>> -> memref<1x100xf32, #tpu.memory_space<hbm>>
      %dma_start3A_548 = tpu.memref_squeeze %dma_start3A_547 : memref<1x100xf32, #tpu.memory_space<hbm>> -> memref<100xf32, #tpu.memory_space<hbm>>
      %dma_start3A_549 = arith.constant 0 : i32
      %dma_start3A_550 = tpu.memref_slice %arg6[%dma_start3A_542, %dma_start3A_549] : memref<64x100xf32, #tpu.memory_space<vmem>> -> memref<1x100xf32, #tpu.memory_space<vmem>>
      %dma_start3A_551 = tpu.memref_squeeze %dma_start3A_550 : memref<1x100xf32, #tpu.memory_space<vmem>> -> memref<100xf32, #tpu.memory_space<vmem>>
      %dma_start3A_552 = arith.constant 0 : i32
      %dma_start3A_553 = tpu.memref_slice %arg3[%squeeze3A_541, %dma_start3A_552] : memref<1000000x100xf32, #tpu.memory_space<hbm>> -> memref<1x100xf32, #tpu.memory_space<hbm>>
      %dma_start3A_554 = tpu.memref_squeeze %dma_start3A_553 : memref<1x100xf32, #tpu.memory_space<hbm>> -> memref<100xf32, #tpu.memory_space<hbm>>
      tpu.enqueue_dma source(%dma_start3A_554 : memref<100xf32, #tpu.memory_space<hbm>>) target(%dma_start3A_551 : memref<100xf32, #tpu.memory_space<vmem>>) target_semaphore(%arg9 : memref<!tpu.dma_semaphore, #tpu.memory_space<semaphore_mem>>)
      %slice3A_555 = vector.extract_strided_slice %get3A_47 {offsets = [34], sizes = [1], strides = [1]} : vector<64xi32> to vector<1xi32>
      %squeeze3A_556 = vector.extract %slice3A_555[0] : i32 from vector<1xi32>
      %dma_start3A_557 = arith.constant 34 : i32
      %dma_start3A_558 = arith.constant 0 : i32
      %dma_start3A_559 = tpu.memref_slice %arg6[%dma_start3A_557, %dma_start3A_558] : memref<64x100xf32, #tpu.memory_space<vmem>> -> memref<1x100xf32, #tpu.memory_space<vmem>>
      %dma_start3A_560 = tpu.memref_squeeze %dma_start3A_559 : memref<1x100xf32, #tpu.memory_space<vmem>> -> memref<100xf32, #tpu.memory_space<vmem>>
      %dma_start3A_561 = arith.constant 0 : i32
      %dma_start3A_562 = tpu.memref_slice %arg3[%squeeze3A_556, %dma_start3A_561] : memref<1000000x100xf32, #tpu.memory_space<hbm>> -> memref<1x100xf32, #tpu.memory_space<hbm>>
      %dma_start3A_563 = tpu.memref_squeeze %dma_start3A_562 : memref<1x100xf32, #tpu.memory_space<hbm>> -> memref<100xf32, #tpu.memory_space<hbm>>
      %dma_start3A_564 = arith.constant 0 : i32
      %dma_start3A_565 = tpu.memref_slice %arg6[%dma_start3A_557, %dma_start3A_564] : memref<64x100xf32, #tpu.memory_space<vmem>> -> memref<1x100xf32, #tpu.memory_space<vmem>>
      %dma_start3A_566 = tpu.memref_squeeze %dma_start3A_565 : memref<1x100xf32, #tpu.memory_space<vmem>> -> memref<100xf32, #tpu.memory_space<vmem>>
      %dma_start3A_567 = arith.constant 0 : i32
      %dma_start3A_568 = tpu.memref_slice %arg3[%squeeze3A_556, %dma_start3A_567] : memref<1000000x100xf32, #tpu.memory_space<hbm>> -> memref<1x100xf32, #tpu.memory_space<hbm>>
      %dma_start3A_569 = tpu.memref_squeeze %dma_start3A_568 : memref<1x100xf32, #tpu.memory_space<hbm>> -> memref<100xf32, #tpu.memory_space<hbm>>
      tpu.enqueue_dma source(%dma_start3A_569 : memref<100xf32, #tpu.memory_space<hbm>>) target(%dma_start3A_566 : memref<100xf32, #tpu.memory_space<vmem>>) target_semaphore(%arg10 : memref<!tpu.dma_semaphore, #tpu.memory_space<semaphore_mem>>)
      %slice3A_570 = vector.extract_strided_slice %get3A_47 {offsets = [35], sizes = [1], strides = [1]} : vector<64xi32> to vector<1xi32>
      %squeeze3A_571 = vector.extract %slice3A_570[0] : i32 from vector<1xi32>
      %dma_start3A_572 = arith.constant 35 : i32
      %dma_start3A_573 = arith.constant 0 : i32
      %dma_start3A_574 = tpu.memref_slice %arg6[%dma_start3A_572, %dma_start3A_573] : memref<64x100xf32, #tpu.memory_space<vmem>> -> memref<1x100xf32, #tpu.memory_space<vmem>>
      %dma_start3A_575 = tpu.memref_squeeze %dma_start3A_574 : memref<1x100xf32, #tpu.memory_space<vmem>> -> memref<100xf32, #tpu.memory_space<vmem>>
      %dma_start3A_576 = arith.constant 0 : i32
      %dma_start3A_577 = tpu.memref_slice %arg3[%squeeze3A_571, %dma_start3A_576] : memref<1000000x100xf32, #tpu.memory_space<hbm>> -> memref<1x100xf32, #tpu.memory_space<hbm>>
      %dma_start3A_578 = tpu.memref_squeeze %dma_start3A_577 : memref<1x100xf32, #tpu.memory_space<hbm>> -> memref<100xf32, #tpu.memory_space<hbm>>
      %dma_start3A_579 = arith.constant 0 : i32
      %dma_start3A_580 = tpu.memref_slice %arg6[%dma_start3A_572, %dma_start3A_579] : memref<64x100xf32, #tpu.memory_space<vmem>> -> memref<1x100xf32, #tpu.memory_space<vmem>>
      %dma_start3A_581 = tpu.memref_squeeze %dma_start3A_580 : memref<1x100xf32, #tpu.memory_space<vmem>> -> memref<100xf32, #tpu.memory_space<vmem>>
      %dma_start3A_582 = arith.constant 0 : i32
      %dma_start3A_583 = tpu.memref_slice %arg3[%squeeze3A_571, %dma_start3A_582] : memref<1000000x100xf32, #tpu.memory_space<hbm>> -> memref<1x100xf32, #tpu.memory_space<hbm>>
      %dma_start3A_584 = tpu.memref_squeeze %dma_start3A_583 : memref<1x100xf32, #tpu.memory_space<hbm>> -> memref<100xf32, #tpu.memory_space<hbm>>
      tpu.enqueue_dma source(%dma_start3A_584 : memref<100xf32, #tpu.memory_space<hbm>>) target(%dma_start3A_581 : memref<100xf32, #tpu.memory_space<vmem>>) target_semaphore(%arg11 : memref<!tpu.dma_semaphore, #tpu.memory_space<semaphore_mem>>)
      %slice3A_585 = vector.extract_strided_slice %get3A_47 {offsets = [36], sizes = [1], strides = [1]} : vector<64xi32> to vector<1xi32>
      %squeeze3A_586 = vector.extract %slice3A_585[0] : i32 from vector<1xi32>
      %dma_start3A_587 = arith.constant 36 : i32
      %dma_start3A_588 = arith.constant 0 : i32
      %dma_start3A_589 = tpu.memref_slice %arg6[%dma_start3A_587, %dma_start3A_588] : memref<64x100xf32, #tpu.memory_space<vmem>> -> memref<1x100xf32, #tpu.memory_space<vmem>>
      %dma_start3A_590 = tpu.memref_squeeze %dma_start3A_589 : memref<1x100xf32, #tpu.memory_space<vmem>> -> memref<100xf32, #tpu.memory_space<vmem>>
      %dma_start3A_591 = arith.constant 0 : i32
      %dma_start3A_592 = tpu.memref_slice %arg3[%squeeze3A_586, %dma_start3A_591] : memref<1000000x100xf32, #tpu.memory_space<hbm>> -> memref<1x100xf32, #tpu.memory_space<hbm>>
      %dma_start3A_593 = tpu.memref_squeeze %dma_start3A_592 : memref<1x100xf32, #tpu.memory_space<hbm>> -> memref<100xf32, #tpu.memory_space<hbm>>
      %dma_start3A_594 = arith.constant 0 : i32
      %dma_start3A_595 = tpu.memref_slice %arg6[%dma_start3A_587, %dma_start3A_594] : memref<64x100xf32, #tpu.memory_space<vmem>> -> memref<1x100xf32, #tpu.memory_space<vmem>>
      %dma_start3A_596 = tpu.memref_squeeze %dma_start3A_595 : memref<1x100xf32, #tpu.memory_space<vmem>> -> memref<100xf32, #tpu.memory_space<vmem>>
      %dma_start3A_597 = arith.constant 0 : i32
      %dma_start3A_598 = tpu.memref_slice %arg3[%squeeze3A_586, %dma_start3A_597] : memref<1000000x100xf32, #tpu.memory_space<hbm>> -> memref<1x100xf32, #tpu.memory_space<hbm>>
      %dma_start3A_599 = tpu.memref_squeeze %dma_start3A_598 : memref<1x100xf32, #tpu.memory_space<hbm>> -> memref<100xf32, #tpu.memory_space<hbm>>
      tpu.enqueue_dma source(%dma_start3A_599 : memref<100xf32, #tpu.memory_space<hbm>>) target(%dma_start3A_596 : memref<100xf32, #tpu.memory_space<vmem>>) target_semaphore(%arg8 : memref<!tpu.dma_semaphore, #tpu.memory_space<semaphore_mem>>)
      %slice3A_600 = vector.extract_strided_slice %get3A_47 {offsets = [37], sizes = [1], strides = [1]} : vector<64xi32> to vector<1xi32>
      %squeeze3A_601 = vector.extract %slice3A_600[0] : i32 from vector<1xi32>
      %dma_start3A_602 = arith.constant 37 : i32
      %dma_start3A_603 = arith.constant 0 : i32
      %dma_start3A_604 = tpu.memref_slice %arg6[%dma_start3A_602, %dma_start3A_603] : memref<64x100xf32, #tpu.memory_space<vmem>> -> memref<1x100xf32, #tpu.memory_space<vmem>>
      %dma_start3A_605 = tpu.memref_squeeze %dma_start3A_604 : memref<1x100xf32, #tpu.memory_space<vmem>> -> memref<100xf32, #tpu.memory_space<vmem>>
      %dma_start3A_606 = arith.constant 0 : i32
      %dma_start3A_607 = tpu.memref_slice %arg3[%squeeze3A_601, %dma_start3A_606] : memref<1000000x100xf32, #tpu.memory_space<hbm>> -> memref<1x100xf32, #tpu.memory_space<hbm>>
      %dma_start3A_608 = tpu.memref_squeeze %dma_start3A_607 : memref<1x100xf32, #tpu.memory_space<hbm>> -> memref<100xf32, #tpu.memory_space<hbm>>
      %dma_start3A_609 = arith.constant 0 : i32
      %dma_start3A_610 = tpu.memref_slice %arg6[%dma_start3A_602, %dma_start3A_609] : memref<64x100xf32, #tpu.memory_space<vmem>> -> memref<1x100xf32, #tpu.memory_space<vmem>>
      %dma_start3A_611 = tpu.memref_squeeze %dma_start3A_610 : memref<1x100xf32, #tpu.memory_space<vmem>> -> memref<100xf32, #tpu.memory_space<vmem>>
      %dma_start3A_612 = arith.constant 0 : i32
      %dma_start3A_613 = tpu.memref_slice %arg3[%squeeze3A_601, %dma_start3A_612] : memref<1000000x100xf32, #tpu.memory_space<hbm>> -> memref<1x100xf32, #tpu.memory_space<hbm>>
      %dma_start3A_614 = tpu.memref_squeeze %dma_start3A_613 : memref<1x100xf32, #tpu.memory_space<hbm>> -> memref<100xf32, #tpu.memory_space<hbm>>
      tpu.enqueue_dma source(%dma_start3A_614 : memref<100xf32, #tpu.memory_space<hbm>>) target(%dma_start3A_611 : memref<100xf32, #tpu.memory_space<vmem>>) target_semaphore(%arg9 : memref<!tpu.dma_semaphore, #tpu.memory_space<semaphore_mem>>)
      %slice3A_615 = vector.extract_strided_slice %get3A_47 {offsets = [38], sizes = [1], strides = [1]} : vector<64xi32> to vector<1xi32>
      %squeeze3A_616 = vector.extract %slice3A_615[0] : i32 from vector<1xi32>
      %dma_start3A_617 = arith.constant 38 : i32
      %dma_start3A_618 = arith.constant 0 : i32
      %dma_start3A_619 = tpu.memref_slice %arg6[%dma_start3A_617, %dma_start3A_618] : memref<64x100xf32, #tpu.memory_space<vmem>> -> memref<1x100xf32, #tpu.memory_space<vmem>>
      %dma_start3A_620 = tpu.memref_squeeze %dma_start3A_619 : memref<1x100xf32, #tpu.memory_space<vmem>> -> memref<100xf32, #tpu.memory_space<vmem>>
      %dma_start3A_621 = arith.constant 0 : i32
      %dma_start3A_622 = tpu.memref_slice %arg3[%squeeze3A_616, %dma_start3A_621] : memref<1000000x100xf32, #tpu.memory_space<hbm>> -> memref<1x100xf32, #tpu.memory_space<hbm>>
      %dma_start3A_623 = tpu.memref_squeeze %dma_start3A_622 : memref<1x100xf32, #tpu.memory_space<hbm>> -> memref<100xf32, #tpu.memory_space<hbm>>
      %dma_start3A_624 = arith.constant 0 : i32
      %dma_start3A_625 = tpu.memref_slice %arg6[%dma_start3A_617, %dma_start3A_624] : memref<64x100xf32, #tpu.memory_space<vmem>> -> memref<1x100xf32, #tpu.memory_space<vmem>>
      %dma_start3A_626 = tpu.memref_squeeze %dma_start3A_625 : memref<1x100xf32, #tpu.memory_space<vmem>> -> memref<100xf32, #tpu.memory_space<vmem>>
      %dma_start3A_627 = arith.constant 0 : i32
      %dma_start3A_628 = tpu.memref_slice %arg3[%squeeze3A_616, %dma_start3A_627] : memref<1000000x100xf32, #tpu.memory_space<hbm>> -> memref<1x100xf32, #tpu.memory_space<hbm>>
      %dma_start3A_629 = tpu.memref_squeeze %dma_start3A_628 : memref<1x100xf32, #tpu.memory_space<hbm>> -> memref<100xf32, #tpu.memory_space<hbm>>
      tpu.enqueue_dma source(%dma_start3A_629 : memref<100xf32, #tpu.memory_space<hbm>>) target(%dma_start3A_626 : memref<100xf32, #tpu.memory_space<vmem>>) target_semaphore(%arg10 : memref<!tpu.dma_semaphore, #tpu.memory_space<semaphore_mem>>)
      %slice3A_630 = vector.extract_strided_slice %get3A_47 {offsets = [39], sizes = [1], strides = [1]} : vector<64xi32> to vector<1xi32>
      %squeeze3A_631 = vector.extract %slice3A_630[0] : i32 from vector<1xi32>
      %dma_start3A_632 = arith.constant 39 : i32
      %dma_start3A_633 = arith.constant 0 : i32
      %dma_start3A_634 = tpu.memref_slice %arg6[%dma_start3A_632, %dma_start3A_633] : memref<64x100xf32, #tpu.memory_space<vmem>> -> memref<1x100xf32, #tpu.memory_space<vmem>>
      %dma_start3A_635 = tpu.memref_squeeze %dma_start3A_634 : memref<1x100xf32, #tpu.memory_space<vmem>> -> memref<100xf32, #tpu.memory_space<vmem>>
      %dma_start3A_636 = arith.constant 0 : i32
      %dma_start3A_637 = tpu.memref_slice %arg3[%squeeze3A_631, %dma_start3A_636] : memref<1000000x100xf32, #tpu.memory_space<hbm>> -> memref<1x100xf32, #tpu.memory_space<hbm>>
      %dma_start3A_638 = tpu.memref_squeeze %dma_start3A_637 : memref<1x100xf32, #tpu.memory_space<hbm>> -> memref<100xf32, #tpu.memory_space<hbm>>
      %dma_start3A_639 = arith.constant 0 : i32
      %dma_start3A_640 = tpu.memref_slice %arg6[%dma_start3A_632, %dma_start3A_639] : memref<64x100xf32, #tpu.memory_space<vmem>> -> memref<1x100xf32, #tpu.memory_space<vmem>>
      %dma_start3A_641 = tpu.memref_squeeze %dma_start3A_640 : memref<1x100xf32, #tpu.memory_space<vmem>> -> memref<100xf32, #tpu.memory_space<vmem>>
      %dma_start3A_642 = arith.constant 0 : i32
      %dma_start3A_643 = tpu.memref_slice %arg3[%squeeze3A_631, %dma_start3A_642] : memref<1000000x100xf32, #tpu.memory_space<hbm>> -> memref<1x100xf32, #tpu.memory_space<hbm>>
      %dma_start3A_644 = tpu.memref_squeeze %dma_start3A_643 : memref<1x100xf32, #tpu.memory_space<hbm>> -> memref<100xf32, #tpu.memory_space<hbm>>
      tpu.enqueue_dma source(%dma_start3A_644 : memref<100xf32, #tpu.memory_space<hbm>>) target(%dma_start3A_641 : memref<100xf32, #tpu.memory_space<vmem>>) target_semaphore(%arg11 : memref<!tpu.dma_semaphore, #tpu.memory_space<semaphore_mem>>)
      %slice3A_645 = vector.extract_strided_slice %get3A_47 {offsets = [40], sizes = [1], strides = [1]} : vector<64xi32> to vector<1xi32>
      %squeeze3A_646 = vector.extract %slice3A_645[0] : i32 from vector<1xi32>
      %dma_start3A_647 = arith.constant 40 : i32
      %dma_start3A_648 = arith.constant 0 : i32
      %dma_start3A_649 = tpu.memref_slice %arg6[%dma_start3A_647, %dma_start3A_648] : memref<64x100xf32, #tpu.memory_space<vmem>> -> memref<1x100xf32, #tpu.memory_space<vmem>>
      %dma_start3A_650 = tpu.memref_squeeze %dma_start3A_649 : memref<1x100xf32, #tpu.memory_space<vmem>> -> memref<100xf32, #tpu.memory_space<vmem>>
      %dma_start3A_651 = arith.constant 0 : i32
      %dma_start3A_652 = tpu.memref_slice %arg3[%squeeze3A_646, %dma_start3A_651] : memref<1000000x100xf32, #tpu.memory_space<hbm>> -> memref<1x100xf32, #tpu.memory_space<hbm>>
      %dma_start3A_653 = tpu.memref_squeeze %dma_start3A_652 : memref<1x100xf32, #tpu.memory_space<hbm>> -> memref<100xf32, #tpu.memory_space<hbm>>
      %dma_start3A_654 = arith.constant 0 : i32
      %dma_start3A_655 = tpu.memref_slice %arg6[%dma_start3A_647, %dma_start3A_654] : memref<64x100xf32, #tpu.memory_space<vmem>> -> memref<1x100xf32, #tpu.memory_space<vmem>>
      %dma_start3A_656 = tpu.memref_squeeze %dma_start3A_655 : memref<1x100xf32, #tpu.memory_space<vmem>> -> memref<100xf32, #tpu.memory_space<vmem>>
      %dma_start3A_657 = arith.constant 0 : i32
      %dma_start3A_658 = tpu.memref_slice %arg3[%squeeze3A_646, %dma_start3A_657] : memref<1000000x100xf32, #tpu.memory_space<hbm>> -> memref<1x100xf32, #tpu.memory_space<hbm>>
      %dma_start3A_659 = tpu.memref_squeeze %dma_start3A_658 : memref<1x100xf32, #tpu.memory_space<hbm>> -> memref<100xf32, #tpu.memory_space<hbm>>
      tpu.enqueue_dma source(%dma_start3A_659 : memref<100xf32, #tpu.memory_space<hbm>>) target(%dma_start3A_656 : memref<100xf32, #tpu.memory_space<vmem>>) target_semaphore(%arg8 : memref<!tpu.dma_semaphore, #tpu.memory_space<semaphore_mem>>)
      %slice3A_660 = vector.extract_strided_slice %get3A_47 {offsets = [41], sizes = [1], strides = [1]} : vector<64xi32> to vector<1xi32>
      %squeeze3A_661 = vector.extract %slice3A_660[0] : i32 from vector<1xi32>
      %dma_start3A_662 = arith.constant 41 : i32
      %dma_start3A_663 = arith.constant 0 : i32
      %dma_start3A_664 = tpu.memref_slice %arg6[%dma_start3A_662, %dma_start3A_663] : memref<64x100xf32, #tpu.memory_space<vmem>> -> memref<1x100xf32, #tpu.memory_space<vmem>>
      %dma_start3A_665 = tpu.memref_squeeze %dma_start3A_664 : memref<1x100xf32, #tpu.memory_space<vmem>> -> memref<100xf32, #tpu.memory_space<vmem>>
      %dma_start3A_666 = arith.constant 0 : i32
      %dma_start3A_667 = tpu.memref_slice %arg3[%squeeze3A_661, %dma_start3A_666] : memref<1000000x100xf32, #tpu.memory_space<hbm>> -> memref<1x100xf32, #tpu.memory_space<hbm>>
      %dma_start3A_668 = tpu.memref_squeeze %dma_start3A_667 : memref<1x100xf32, #tpu.memory_space<hbm>> -> memref<100xf32, #tpu.memory_space<hbm>>
      %dma_start3A_669 = arith.constant 0 : i32
      %dma_start3A_670 = tpu.memref_slice %arg6[%dma_start3A_662, %dma_start3A_669] : memref<64x100xf32, #tpu.memory_space<vmem>> -> memref<1x100xf32, #tpu.memory_space<vmem>>
      %dma_start3A_671 = tpu.memref_squeeze %dma_start3A_670 : memref<1x100xf32, #tpu.memory_space<vmem>> -> memref<100xf32, #tpu.memory_space<vmem>>
      %dma_start3A_672 = arith.constant 0 : i32
      %dma_start3A_673 = tpu.memref_slice %arg3[%squeeze3A_661, %dma_start3A_672] : memref<1000000x100xf32, #tpu.memory_space<hbm>> -> memref<1x100xf32, #tpu.memory_space<hbm>>
      %dma_start3A_674 = tpu.memref_squeeze %dma_start3A_673 : memref<1x100xf32, #tpu.memory_space<hbm>> -> memref<100xf32, #tpu.memory_space<hbm>>
      tpu.enqueue_dma source(%dma_start3A_674 : memref<100xf32, #tpu.memory_space<hbm>>) target(%dma_start3A_671 : memref<100xf32, #tpu.memory_space<vmem>>) target_semaphore(%arg9 : memref<!tpu.dma_semaphore, #tpu.memory_space<semaphore_mem>>)
      %slice3A_675 = vector.extract_strided_slice %get3A_47 {offsets = [42], sizes = [1], strides = [1]} : vector<64xi32> to vector<1xi32>
      %squeeze3A_676 = vector.extract %slice3A_675[0] : i32 from vector<1xi32>
      %dma_start3A_677 = arith.constant 42 : i32
      %dma_start3A_678 = arith.constant 0 : i32
      %dma_start3A_679 = tpu.memref_slice %arg6[%dma_start3A_677, %dma_start3A_678] : memref<64x100xf32, #tpu.memory_space<vmem>> -> memref<1x100xf32, #tpu.memory_space<vmem>>
      %dma_start3A_680 = tpu.memref_squeeze %dma_start3A_679 : memref<1x100xf32, #tpu.memory_space<vmem>> -> memref<100xf32, #tpu.memory_space<vmem>>
      %dma_start3A_681 = arith.constant 0 : i32
      %dma_start3A_682 = tpu.memref_slice %arg3[%squeeze3A_676, %dma_start3A_681] : memref<1000000x100xf32, #tpu.memory_space<hbm>> -> memref<1x100xf32, #tpu.memory_space<hbm>>
      %dma_start3A_683 = tpu.memref_squeeze %dma_start3A_682 : memref<1x100xf32, #tpu.memory_space<hbm>> -> memref<100xf32, #tpu.memory_space<hbm>>
      %dma_start3A_684 = arith.constant 0 : i32
      %dma_start3A_685 = tpu.memref_slice %arg6[%dma_start3A_677, %dma_start3A_684] : memref<64x100xf32, #tpu.memory_space<vmem>> -> memref<1x100xf32, #tpu.memory_space<vmem>>
      %dma_start3A_686 = tpu.memref_squeeze %dma_start3A_685 : memref<1x100xf32, #tpu.memory_space<vmem>> -> memref<100xf32, #tpu.memory_space<vmem>>
      %dma_start3A_687 = arith.constant 0 : i32
      %dma_start3A_688 = tpu.memref_slice %arg3[%squeeze3A_676, %dma_start3A_687] : memref<1000000x100xf32, #tpu.memory_space<hbm>> -> memref<1x100xf32, #tpu.memory_space<hbm>>
      %dma_start3A_689 = tpu.memref_squeeze %dma_start3A_688 : memref<1x100xf32, #tpu.memory_space<hbm>> -> memref<100xf32, #tpu.memory_space<hbm>>
      tpu.enqueue_dma source(%dma_start3A_689 : memref<100xf32, #tpu.memory_space<hbm>>) target(%dma_start3A_686 : memref<100xf32, #tpu.memory_space<vmem>>) target_semaphore(%arg10 : memref<!tpu.dma_semaphore, #tpu.memory_space<semaphore_mem>>)
      %slice3A_690 = vector.extract_strided_slice %get3A_47 {offsets = [43], sizes = [1], strides = [1]} : vector<64xi32> to vector<1xi32>
      %squeeze3A_691 = vector.extract %slice3A_690[0] : i32 from vector<1xi32>
      %dma_start3A_692 = arith.constant 43 : i32
      %dma_start3A_693 = arith.constant 0 : i32
      %dma_start3A_694 = tpu.memref_slice %arg6[%dma_start3A_692, %dma_start3A_693] : memref<64x100xf32, #tpu.memory_space<vmem>> -> memref<1x100xf32, #tpu.memory_space<vmem>>
      %dma_start3A_695 = tpu.memref_squeeze %dma_start3A_694 : memref<1x100xf32, #tpu.memory_space<vmem>> -> memref<100xf32, #tpu.memory_space<vmem>>
      %dma_start3A_696 = arith.constant 0 : i32
      %dma_start3A_697 = tpu.memref_slice %arg3[%squeeze3A_691, %dma_start3A_696] : memref<1000000x100xf32, #tpu.memory_space<hbm>> -> memref<1x100xf32, #tpu.memory_space<hbm>>
      %dma_start3A_698 = tpu.memref_squeeze %dma_start3A_697 : memref<1x100xf32, #tpu.memory_space<hbm>> -> memref<100xf32, #tpu.memory_space<hbm>>
      %dma_start3A_699 = arith.constant 0 : i32
      %dma_start3A_700 = tpu.memref_slice %arg6[%dma_start3A_692, %dma_start3A_699] : memref<64x100xf32, #tpu.memory_space<vmem>> -> memref<1x100xf32, #tpu.memory_space<vmem>>
      %dma_start3A_701 = tpu.memref_squeeze %dma_start3A_700 : memref<1x100xf32, #tpu.memory_space<vmem>> -> memref<100xf32, #tpu.memory_space<vmem>>
      %dma_start3A_702 = arith.constant 0 : i32
      %dma_start3A_703 = tpu.memref_slice %arg3[%squeeze3A_691, %dma_start3A_702] : memref<1000000x100xf32, #tpu.memory_space<hbm>> -> memref<1x100xf32, #tpu.memory_space<hbm>>
      %dma_start3A_704 = tpu.memref_squeeze %dma_start3A_703 : memref<1x100xf32, #tpu.memory_space<hbm>> -> memref<100xf32, #tpu.memory_space<hbm>>
      tpu.enqueue_dma source(%dma_start3A_704 : memref<100xf32, #tpu.memory_space<hbm>>) target(%dma_start3A_701 : memref<100xf32, #tpu.memory_space<vmem>>) target_semaphore(%arg11 : memref<!tpu.dma_semaphore, #tpu.memory_space<semaphore_mem>>)
      %slice3A_705 = vector.extract_strided_slice %get3A_47 {offsets = [44], sizes = [1], strides = [1]} : vector<64xi32> to vector<1xi32>
      %squeeze3A_706 = vector.extract %slice3A_705[0] : i32 from vector<1xi32>
      %dma_start3A_707 = arith.constant 44 : i32
      %dma_start3A_708 = arith.constant 0 : i32
      %dma_start3A_709 = tpu.memref_slice %arg6[%dma_start3A_707, %dma_start3A_708] : memref<64x100xf32, #tpu.memory_space<vmem>> -> memref<1x100xf32, #tpu.memory_space<vmem>>
      %dma_start3A_710 = tpu.memref_squeeze %dma_start3A_709 : memref<1x100xf32, #tpu.memory_space<vmem>> -> memref<100xf32, #tpu.memory_space<vmem>>
      %dma_start3A_711 = arith.constant 0 : i32
      %dma_start3A_712 = tpu.memref_slice %arg3[%squeeze3A_706, %dma_start3A_711] : memref<1000000x100xf32, #tpu.memory_space<hbm>> -> memref<1x100xf32, #tpu.memory_space<hbm>>
      %dma_start3A_713 = tpu.memref_squeeze %dma_start3A_712 : memref<1x100xf32, #tpu.memory_space<hbm>> -> memref<100xf32, #tpu.memory_space<hbm>>
      %dma_start3A_714 = arith.constant 0 : i32
      %dma_start3A_715 = tpu.memref_slice %arg6[%dma_start3A_707, %dma_start3A_714] : memref<64x100xf32, #tpu.memory_space<vmem>> -> memref<1x100xf32, #tpu.memory_space<vmem>>
      %dma_start3A_716 = tpu.memref_squeeze %dma_start3A_715 : memref<1x100xf32, #tpu.memory_space<vmem>> -> memref<100xf32, #tpu.memory_space<vmem>>
      %dma_start3A_717 = arith.constant 0 : i32
      %dma_start3A_718 = tpu.memref_slice %arg3[%squeeze3A_706, %dma_start3A_717] : memref<1000000x100xf32, #tpu.memory_space<hbm>> -> memref<1x100xf32, #tpu.memory_space<hbm>>
      %dma_start3A_719 = tpu.memref_squeeze %dma_start3A_718 : memref<1x100xf32, #tpu.memory_space<hbm>> -> memref<100xf32, #tpu.memory_space<hbm>>
      tpu.enqueue_dma source(%dma_start3A_719 : memref<100xf32, #tpu.memory_space<hbm>>) target(%dma_start3A_716 : memref<100xf32, #tpu.memory_space<vmem>>) target_semaphore(%arg8 : memref<!tpu.dma_semaphore, #tpu.memory_space<semaphore_mem>>)
      %slice3A_720 = vector.extract_strided_slice %get3A_47 {offsets = [45], sizes = [1], strides = [1]} : vector<64xi32> to vector<1xi32>
      %squeeze3A_721 = vector.extract %slice3A_720[0] : i32 from vector<1xi32>
      %dma_start3A_722 = arith.constant 45 : i32
      %dma_start3A_723 = arith.constant 0 : i32
      %dma_start3A_724 = tpu.memref_slice %arg6[%dma_start3A_722, %dma_start3A_723] : memref<64x100xf32, #tpu.memory_space<vmem>> -> memref<1x100xf32, #tpu.memory_space<vmem>>
      %dma_start3A_725 = tpu.memref_squeeze %dma_start3A_724 : memref<1x100xf32, #tpu.memory_space<vmem>> -> memref<100xf32, #tpu.memory_space<vmem>>
      %dma_start3A_726 = arith.constant 0 : i32
      %dma_start3A_727 = tpu.memref_slice %arg3[%squeeze3A_721, %dma_start3A_726] : memref<1000000x100xf32, #tpu.memory_space<hbm>> -> memref<1x100xf32, #tpu.memory_space<hbm>>
      %dma_start3A_728 = tpu.memref_squeeze %dma_start3A_727 : memref<1x100xf32, #tpu.memory_space<hbm>> -> memref<100xf32, #tpu.memory_space<hbm>>
      %dma_start3A_729 = arith.constant 0 : i32
      %dma_start3A_730 = tpu.memref_slice %arg6[%dma_start3A_722, %dma_start3A_729] : memref<64x100xf32, #tpu.memory_space<vmem>> -> memref<1x100xf32, #tpu.memory_space<vmem>>
      %dma_start3A_731 = tpu.memref_squeeze %dma_start3A_730 : memref<1x100xf32, #tpu.memory_space<vmem>> -> memref<100xf32, #tpu.memory_space<vmem>>
      %dma_start3A_732 = arith.constant 0 : i32
      %dma_start3A_733 = tpu.memref_slice %arg3[%squeeze3A_721, %dma_start3A_732] : memref<1000000x100xf32, #tpu.memory_space<hbm>> -> memref<1x100xf32, #tpu.memory_space<hbm>>
      %dma_start3A_734 = tpu.memref_squeeze %dma_start3A_733 : memref<1x100xf32, #tpu.memory_space<hbm>> -> memref<100xf32, #tpu.memory_space<hbm>>
      tpu.enqueue_dma source(%dma_start3A_734 : memref<100xf32, #tpu.memory_space<hbm>>) target(%dma_start3A_731 : memref<100xf32, #tpu.memory_space<vmem>>) target_semaphore(%arg9 : memref<!tpu.dma_semaphore, #tpu.memory_space<semaphore_mem>>)
      %slice3A_735 = vector.extract_strided_slice %get3A_47 {offsets = [46], sizes = [1], strides = [1]} : vector<64xi32> to vector<1xi32>
      %squeeze3A_736 = vector.extract %slice3A_735[0] : i32 from vector<1xi32>
      %dma_start3A_737 = arith.constant 46 : i32
      %dma_start3A_738 = arith.constant 0 : i32
      %dma_start3A_739 = tpu.memref_slice %arg6[%dma_start3A_737, %dma_start3A_738] : memref<64x100xf32, #tpu.memory_space<vmem>> -> memref<1x100xf32, #tpu.memory_space<vmem>>
      %dma_start3A_740 = tpu.memref_squeeze %dma_start3A_739 : memref<1x100xf32, #tpu.memory_space<vmem>> -> memref<100xf32, #tpu.memory_space<vmem>>
      %dma_start3A_741 = arith.constant 0 : i32
      %dma_start3A_742 = tpu.memref_slice %arg3[%squeeze3A_736, %dma_start3A_741] : memref<1000000x100xf32, #tpu.memory_space<hbm>> -> memref<1x100xf32, #tpu.memory_space<hbm>>
      %dma_start3A_743 = tpu.memref_squeeze %dma_start3A_742 : memref<1x100xf32, #tpu.memory_space<hbm>> -> memref<100xf32, #tpu.memory_space<hbm>>
      %dma_start3A_744 = arith.constant 0 : i32
      %dma_start3A_745 = tpu.memref_slice %arg6[%dma_start3A_737, %dma_start3A_744] : memref<64x100xf32, #tpu.memory_space<vmem>> -> memref<1x100xf32, #tpu.memory_space<vmem>>
      %dma_start3A_746 = tpu.memref_squeeze %dma_start3A_745 : memref<1x100xf32, #tpu.memory_space<vmem>> -> memref<100xf32, #tpu.memory_space<vmem>>
      %dma_start3A_747 = arith.constant 0 : i32
      %dma_start3A_748 = tpu.memref_slice %arg3[%squeeze3A_736, %dma_start3A_747] : memref<1000000x100xf32, #tpu.memory_space<hbm>> -> memref<1x100xf32, #tpu.memory_space<hbm>>
      %dma_start3A_749 = tpu.memref_squeeze %dma_start3A_748 : memref<1x100xf32, #tpu.memory_space<hbm>> -> memref<100xf32, #tpu.memory_space<hbm>>
      tpu.enqueue_dma source(%dma_start3A_749 : memref<100xf32, #tpu.memory_space<hbm>>) target(%dma_start3A_746 : memref<100xf32, #tpu.memory_space<vmem>>) target_semaphore(%arg10 : memref<!tpu.dma_semaphore, #tpu.memory_space<semaphore_mem>>)
      %slice3A_750 = vector.extract_strided_slice %get3A_47 {offsets = [47], sizes = [1], strides = [1]} : vector<64xi32> to vector<1xi32>
      %squeeze3A_751 = vector.extract %slice3A_750[0] : i32 from vector<1xi32>
      %dma_start3A_752 = arith.constant 47 : i32
      %dma_start3A_753 = arith.constant 0 : i32
      %dma_start3A_754 = tpu.memref_slice %arg6[%dma_start3A_752, %dma_start3A_753] : memref<64x100xf32, #tpu.memory_space<vmem>> -> memref<1x100xf32, #tpu.memory_space<vmem>>
      %dma_start3A_755 = tpu.memref_squeeze %dma_start3A_754 : memref<1x100xf32, #tpu.memory_space<vmem>> -> memref<100xf32, #tpu.memory_space<vmem>>
      %dma_start3A_756 = arith.constant 0 : i32
      %dma_start3A_757 = tpu.memref_slice %arg3[%squeeze3A_751, %dma_start3A_756] : memref<1000000x100xf32, #tpu.memory_space<hbm>> -> memref<1x100xf32, #tpu.memory_space<hbm>>
      %dma_start3A_758 = tpu.memref_squeeze %dma_start3A_757 : memref<1x100xf32, #tpu.memory_space<hbm>> -> memref<100xf32, #tpu.memory_space<hbm>>
      %dma_start3A_759 = arith.constant 0 : i32
      %dma_start3A_760 = tpu.memref_slice %arg6[%dma_start3A_752, %dma_start3A_759] : memref<64x100xf32, #tpu.memory_space<vmem>> -> memref<1x100xf32, #tpu.memory_space<vmem>>
      %dma_start3A_761 = tpu.memref_squeeze %dma_start3A_760 : memref<1x100xf32, #tpu.memory_space<vmem>> -> memref<100xf32, #tpu.memory_space<vmem>>
      %dma_start3A_762 = arith.constant 0 : i32
      %dma_start3A_763 = tpu.memref_slice %arg3[%squeeze3A_751, %dma_start3A_762] : memref<1000000x100xf32, #tpu.memory_space<hbm>> -> memref<1x100xf32, #tpu.memory_space<hbm>>
      %dma_start3A_764 = tpu.memref_squeeze %dma_start3A_763 : memref<1x100xf32, #tpu.memory_space<hbm>> -> memref<100xf32, #tpu.memory_space<hbm>>
      tpu.enqueue_dma source(%dma_start3A_764 : memref<100xf32, #tpu.memory_space<hbm>>) target(%dma_start3A_761 : memref<100xf32, #tpu.memory_space<vmem>>) target_semaphore(%arg11 : memref<!tpu.dma_semaphore, #tpu.memory_space<semaphore_mem>>)
      %slice3A_765 = vector.extract_strided_slice %get3A_47 {offsets = [48], sizes = [1], strides = [1]} : vector<64xi32> to vector<1xi32>
      %squeeze3A_766 = vector.extract %slice3A_765[0] : i32 from vector<1xi32>
      %dma_start3A_767 = arith.constant 48 : i32
      %dma_start3A_768 = arith.constant 0 : i32
      %dma_start3A_769 = tpu.memref_slice %arg6[%dma_start3A_767, %dma_start3A_768] : memref<64x100xf32, #tpu.memory_space<vmem>> -> memref<1x100xf32, #tpu.memory_space<vmem>>
      %dma_start3A_770 = tpu.memref_squeeze %dma_start3A_769 : memref<1x100xf32, #tpu.memory_space<vmem>> -> memref<100xf32, #tpu.memory_space<vmem>>
      %dma_start3A_771 = arith.constant 0 : i32
      %dma_start3A_772 = tpu.memref_slice %arg3[%squeeze3A_766, %dma_start3A_771] : memref<1000000x100xf32, #tpu.memory_space<hbm>> -> memref<1x100xf32, #tpu.memory_space<hbm>>
      %dma_start3A_773 = tpu.memref_squeeze %dma_start3A_772 : memref<1x100xf32, #tpu.memory_space<hbm>> -> memref<100xf32, #tpu.memory_space<hbm>>
      %dma_start3A_774 = arith.constant 0 : i32
      %dma_start3A_775 = tpu.memref_slice %arg6[%dma_start3A_767, %dma_start3A_774] : memref<64x100xf32, #tpu.memory_space<vmem>> -> memref<1x100xf32, #tpu.memory_space<vmem>>
      %dma_start3A_776 = tpu.memref_squeeze %dma_start3A_775 : memref<1x100xf32, #tpu.memory_space<vmem>> -> memref<100xf32, #tpu.memory_space<vmem>>
      %dma_start3A_777 = arith.constant 0 : i32
      %dma_start3A_778 = tpu.memref_slice %arg3[%squeeze3A_766, %dma_start3A_777] : memref<1000000x100xf32, #tpu.memory_space<hbm>> -> memref<1x100xf32, #tpu.memory_space<hbm>>
      %dma_start3A_779 = tpu.memref_squeeze %dma_start3A_778 : memref<1x100xf32, #tpu.memory_space<hbm>> -> memref<100xf32, #tpu.memory_space<hbm>>
      tpu.enqueue_dma source(%dma_start3A_779 : memref<100xf32, #tpu.memory_space<hbm>>) target(%dma_start3A_776 : memref<100xf32, #tpu.memory_space<vmem>>) target_semaphore(%arg8 : memref<!tpu.dma_semaphore, #tpu.memory_space<semaphore_mem>>)
      %slice3A_780 = vector.extract_strided_slice %get3A_47 {offsets = [49], sizes = [1], strides = [1]} : vector<64xi32> to vector<1xi32>
      %squeeze3A_781 = vector.extract %slice3A_780[0] : i32 from vector<1xi32>
      %dma_start3A_782 = arith.constant 49 : i32
      %dma_start3A_783 = arith.constant 0 : i32
      %dma_start3A_784 = tpu.memref_slice %arg6[%dma_start3A_782, %dma_start3A_783] : memref<64x100xf32, #tpu.memory_space<vmem>> -> memref<1x100xf32, #tpu.memory_space<vmem>>
      %dma_start3A_785 = tpu.memref_squeeze %dma_start3A_784 : memref<1x100xf32, #tpu.memory_space<vmem>> -> memref<100xf32, #tpu.memory_space<vmem>>
      %dma_start3A_786 = arith.constant 0 : i32
      %dma_start3A_787 = tpu.memref_slice %arg3[%squeeze3A_781, %dma_start3A_786] : memref<1000000x100xf32, #tpu.memory_space<hbm>> -> memref<1x100xf32, #tpu.memory_space<hbm>>
      %dma_start3A_788 = tpu.memref_squeeze %dma_start3A_787 : memref<1x100xf32, #tpu.memory_space<hbm>> -> memref<100xf32, #tpu.memory_space<hbm>>
      %dma_start3A_789 = arith.constant 0 : i32
      %dma_start3A_790 = tpu.memref_slice %arg6[%dma_start3A_782, %dma_start3A_789] : memref<64x100xf32, #tpu.memory_space<vmem>> -> memref<1x100xf32, #tpu.memory_space<vmem>>
      %dma_start3A_791 = tpu.memref_squeeze %dma_start3A_790 : memref<1x100xf32, #tpu.memory_space<vmem>> -> memref<100xf32, #tpu.memory_space<vmem>>
      %dma_start3A_792 = arith.constant 0 : i32
      %dma_start3A_793 = tpu.memref_slice %arg3[%squeeze3A_781, %dma_start3A_792] : memref<1000000x100xf32, #tpu.memory_space<hbm>> -> memref<1x100xf32, #tpu.memory_space<hbm>>
      %dma_start3A_794 = tpu.memref_squeeze %dma_start3A_793 : memref<1x100xf32, #tpu.memory_space<hbm>> -> memref<100xf32, #tpu.memory_space<hbm>>
      tpu.enqueue_dma source(%dma_start3A_794 : memref<100xf32, #tpu.memory_space<hbm>>) target(%dma_start3A_791 : memref<100xf32, #tpu.memory_space<vmem>>) target_semaphore(%arg9 : memref<!tpu.dma_semaphore, #tpu.memory_space<semaphore_mem>>)
      %slice3A_795 = vector.extract_strided_slice %get3A_47 {offsets = [50], sizes = [1], strides = [1]} : vector<64xi32> to vector<1xi32>
      %squeeze3A_796 = vector.extract %slice3A_795[0] : i32 from vector<1xi32>
      %dma_start3A_797 = arith.constant 50 : i32
      %dma_start3A_798 = arith.constant 0 : i32
      %dma_start3A_799 = tpu.memref_slice %arg6[%dma_start3A_797, %dma_start3A_798] : memref<64x100xf32, #tpu.memory_space<vmem>> -> memref<1x100xf32, #tpu.memory_space<vmem>>
      %dma_start3A_800 = tpu.memref_squeeze %dma_start3A_799 : memref<1x100xf32, #tpu.memory_space<vmem>> -> memref<100xf32, #tpu.memory_space<vmem>>
      %dma_start3A_801 = arith.constant 0 : i32
      %dma_start3A_802 = tpu.memref_slice %arg3[%squeeze3A_796, %dma_start3A_801] : memref<1000000x100xf32, #tpu.memory_space<hbm>> -> memref<1x100xf32, #tpu.memory_space<hbm>>
      %dma_start3A_803 = tpu.memref_squeeze %dma_start3A_802 : memref<1x100xf32, #tpu.memory_space<hbm>> -> memref<100xf32, #tpu.memory_space<hbm>>
      %dma_start3A_804 = arith.constant 0 : i32
      %dma_start3A_805 = tpu.memref_slice %arg6[%dma_start3A_797, %dma_start3A_804] : memref<64x100xf32, #tpu.memory_space<vmem>> -> memref<1x100xf32, #tpu.memory_space<vmem>>
      %dma_start3A_806 = tpu.memref_squeeze %dma_start3A_805 : memref<1x100xf32, #tpu.memory_space<vmem>> -> memref<100xf32, #tpu.memory_space<vmem>>
      %dma_start3A_807 = arith.constant 0 : i32
      %dma_start3A_808 = tpu.memref_slice %arg3[%squeeze3A_796, %dma_start3A_807] : memref<1000000x100xf32, #tpu.memory_space<hbm>> -> memref<1x100xf32, #tpu.memory_space<hbm>>
      %dma_start3A_809 = tpu.memref_squeeze %dma_start3A_808 : memref<1x100xf32, #tpu.memory_space<hbm>> -> memref<100xf32, #tpu.memory_space<hbm>>
      tpu.enqueue_dma source(%dma_start3A_809 : memref<100xf32, #tpu.memory_space<hbm>>) target(%dma_start3A_806 : memref<100xf32, #tpu.memory_space<vmem>>) target_semaphore(%arg10 : memref<!tpu.dma_semaphore, #tpu.memory_space<semaphore_mem>>)
      %slice3A_810 = vector.extract_strided_slice %get3A_47 {offsets = [51], sizes = [1], strides = [1]} : vector<64xi32> to vector<1xi32>
      %squeeze3A_811 = vector.extract %slice3A_810[0] : i32 from vector<1xi32>
      %dma_start3A_812 = arith.constant 51 : i32
      %dma_start3A_813 = arith.constant 0 : i32
      %dma_start3A_814 = tpu.memref_slice %arg6[%dma_start3A_812, %dma_start3A_813] : memref<64x100xf32, #tpu.memory_space<vmem>> -> memref<1x100xf32, #tpu.memory_space<vmem>>
      %dma_start3A_815 = tpu.memref_squeeze %dma_start3A_814 : memref<1x100xf32, #tpu.memory_space<vmem>> -> memref<100xf32, #tpu.memory_space<vmem>>
      %dma_start3A_816 = arith.constant 0 : i32
      %dma_start3A_817 = tpu.memref_slice %arg3[%squeeze3A_811, %dma_start3A_816] : memref<1000000x100xf32, #tpu.memory_space<hbm>> -> memref<1x100xf32, #tpu.memory_space<hbm>>
      %dma_start3A_818 = tpu.memref_squeeze %dma_start3A_817 : memref<1x100xf32, #tpu.memory_space<hbm>> -> memref<100xf32, #tpu.memory_space<hbm>>
      %dma_start3A_819 = arith.constant 0 : i32
      %dma_start3A_820 = tpu.memref_slice %arg6[%dma_start3A_812, %dma_start3A_819] : memref<64x100xf32, #tpu.memory_space<vmem>> -> memref<1x100xf32, #tpu.memory_space<vmem>>
      %dma_start3A_821 = tpu.memref_squeeze %dma_start3A_820 : memref<1x100xf32, #tpu.memory_space<vmem>> -> memref<100xf32, #tpu.memory_space<vmem>>
      %dma_start3A_822 = arith.constant 0 : i32
      %dma_start3A_823 = tpu.memref_slice %arg3[%squeeze3A_811, %dma_start3A_822] : memref<1000000x100xf32, #tpu.memory_space<hbm>> -> memref<1x100xf32, #tpu.memory_space<hbm>>
      %dma_start3A_824 = tpu.memref_squeeze %dma_start3A_823 : memref<1x100xf32, #tpu.memory_space<hbm>> -> memref<100xf32, #tpu.memory_space<hbm>>
      tpu.enqueue_dma source(%dma_start3A_824 : memref<100xf32, #tpu.memory_space<hbm>>) target(%dma_start3A_821 : memref<100xf32, #tpu.memory_space<vmem>>) target_semaphore(%arg11 : memref<!tpu.dma_semaphore, #tpu.memory_space<semaphore_mem>>)
      %slice3A_825 = vector.extract_strided_slice %get3A_47 {offsets = [52], sizes = [1], strides = [1]} : vector<64xi32> to vector<1xi32>
      %squeeze3A_826 = vector.extract %slice3A_825[0] : i32 from vector<1xi32>
      %dma_start3A_827 = arith.constant 52 : i32
      %dma_start3A_828 = arith.constant 0 : i32
      %dma_start3A_829 = tpu.memref_slice %arg6[%dma_start3A_827, %dma_start3A_828] : memref<64x100xf32, #tpu.memory_space<vmem>> -> memref<1x100xf32, #tpu.memory_space<vmem>>
      %dma_start3A_830 = tpu.memref_squeeze %dma_start3A_829 : memref<1x100xf32, #tpu.memory_space<vmem>> -> memref<100xf32, #tpu.memory_space<vmem>>
      %dma_start3A_831 = arith.constant 0 : i32
      %dma_start3A_832 = tpu.memref_slice %arg3[%squeeze3A_826, %dma_start3A_831] : memref<1000000x100xf32, #tpu.memory_space<hbm>> -> memref<1x100xf32, #tpu.memory_space<hbm>>
      %dma_start3A_833 = tpu.memref_squeeze %dma_start3A_832 : memref<1x100xf32, #tpu.memory_space<hbm>> -> memref<100xf32, #tpu.memory_space<hbm>>
      %dma_start3A_834 = arith.constant 0 : i32
      %dma_start3A_835 = tpu.memref_slice %arg6[%dma_start3A_827, %dma_start3A_834] : memref<64x100xf32, #tpu.memory_space<vmem>> -> memref<1x100xf32, #tpu.memory_space<vmem>>
      %dma_start3A_836 = tpu.memref_squeeze %dma_start3A_835 : memref<1x100xf32, #tpu.memory_space<vmem>> -> memref<100xf32, #tpu.memory_space<vmem>>
      %dma_start3A_837 = arith.constant 0 : i32
      %dma_start3A_838 = tpu.memref_slice %arg3[%squeeze3A_826, %dma_start3A_837] : memref<1000000x100xf32, #tpu.memory_space<hbm>> -> memref<1x100xf32, #tpu.memory_space<hbm>>
      %dma_start3A_839 = tpu.memref_squeeze %dma_start3A_838 : memref<1x100xf32, #tpu.memory_space<hbm>> -> memref<100xf32, #tpu.memory_space<hbm>>
      tpu.enqueue_dma source(%dma_start3A_839 : memref<100xf32, #tpu.memory_space<hbm>>) target(%dma_start3A_836 : memref<100xf32, #tpu.memory_space<vmem>>) target_semaphore(%arg8 : memref<!tpu.dma_semaphore, #tpu.memory_space<semaphore_mem>>)
      %slice3A_840 = vector.extract_strided_slice %get3A_47 {offsets = [53], sizes = [1], strides = [1]} : vector<64xi32> to vector<1xi32>
      %squeeze3A_841 = vector.extract %slice3A_840[0] : i32 from vector<1xi32>
      %dma_start3A_842 = arith.constant 53 : i32
      %dma_start3A_843 = arith.constant 0 : i32
      %dma_start3A_844 = tpu.memref_slice %arg6[%dma_start3A_842, %dma_start3A_843] : memref<64x100xf32, #tpu.memory_space<vmem>> -> memref<1x100xf32, #tpu.memory_space<vmem>>
      %dma_start3A_845 = tpu.memref_squeeze %dma_start3A_844 : memref<1x100xf32, #tpu.memory_space<vmem>> -> memref<100xf32, #tpu.memory_space<vmem>>
      %dma_start3A_846 = arith.constant 0 : i32
      %dma_start3A_847 = tpu.memref_slice %arg3[%squeeze3A_841, %dma_start3A_846] : memref<1000000x100xf32, #tpu.memory_space<hbm>> -> memref<1x100xf32, #tpu.memory_space<hbm>>
      %dma_start3A_848 = tpu.memref_squeeze %dma_start3A_847 : memref<1x100xf32, #tpu.memory_space<hbm>> -> memref<100xf32, #tpu.memory_space<hbm>>
      %dma_start3A_849 = arith.constant 0 : i32
      %dma_start3A_850 = tpu.memref_slice %arg6[%dma_start3A_842, %dma_start3A_849] : memref<64x100xf32, #tpu.memory_space<vmem>> -> memref<1x100xf32, #tpu.memory_space<vmem>>
      %dma_start3A_851 = tpu.memref_squeeze %dma_start3A_850 : memref<1x100xf32, #tpu.memory_space<vmem>> -> memref<100xf32, #tpu.memory_space<vmem>>
      %dma_start3A_852 = arith.constant 0 : i32
      %dma_start3A_853 = tpu.memref_slice %arg3[%squeeze3A_841, %dma_start3A_852] : memref<1000000x100xf32, #tpu.memory_space<hbm>> -> memref<1x100xf32, #tpu.memory_space<hbm>>
      %dma_start3A_854 = tpu.memref_squeeze %dma_start3A_853 : memref<1x100xf32, #tpu.memory_space<hbm>> -> memref<100xf32, #tpu.memory_space<hbm>>
      tpu.enqueue_dma source(%dma_start3A_854 : memref<100xf32, #tpu.memory_space<hbm>>) target(%dma_start3A_851 : memref<100xf32, #tpu.memory_space<vmem>>) target_semaphore(%arg9 : memref<!tpu.dma_semaphore, #tpu.memory_space<semaphore_mem>>)
      %slice3A_855 = vector.extract_strided_slice %get3A_47 {offsets = [54], sizes = [1], strides = [1]} : vector<64xi32> to vector<1xi32>
      %squeeze3A_856 = vector.extract %slice3A_855[0] : i32 from vector<1xi32>
      %dma_start3A_857 = arith.constant 54 : i32
      %dma_start3A_858 = arith.constant 0 : i32
      %dma_start3A_859 = tpu.memref_slice %arg6[%dma_start3A_857, %dma_start3A_858] : memref<64x100xf32, #tpu.memory_space<vmem>> -> memref<1x100xf32, #tpu.memory_space<vmem>>
      %dma_start3A_860 = tpu.memref_squeeze %dma_start3A_859 : memref<1x100xf32, #tpu.memory_space<vmem>> -> memref<100xf32, #tpu.memory_space<vmem>>
      %dma_start3A_861 = arith.constant 0 : i32
      %dma_start3A_862 = tpu.memref_slice %arg3[%squeeze3A_856, %dma_start3A_861] : memref<1000000x100xf32, #tpu.memory_space<hbm>> -> memref<1x100xf32, #tpu.memory_space<hbm>>
      %dma_start3A_863 = tpu.memref_squeeze %dma_start3A_862 : memref<1x100xf32, #tpu.memory_space<hbm>> -> memref<100xf32, #tpu.memory_space<hbm>>
      %dma_start3A_864 = arith.constant 0 : i32
      %dma_start3A_865 = tpu.memref_slice %arg6[%dma_start3A_857, %dma_start3A_864] : memref<64x100xf32, #tpu.memory_space<vmem>> -> memref<1x100xf32, #tpu.memory_space<vmem>>
      %dma_start3A_866 = tpu.memref_squeeze %dma_start3A_865 : memref<1x100xf32, #tpu.memory_space<vmem>> -> memref<100xf32, #tpu.memory_space<vmem>>
      %dma_start3A_867 = arith.constant 0 : i32
      %dma_start3A_868 = tpu.memref_slice %arg3[%squeeze3A_856, %dma_start3A_867] : memref<1000000x100xf32, #tpu.memory_space<hbm>> -> memref<1x100xf32, #tpu.memory_space<hbm>>
      %dma_start3A_869 = tpu.memref_squeeze %dma_start3A_868 : memref<1x100xf32, #tpu.memory_space<hbm>> -> memref<100xf32, #tpu.memory_space<hbm>>
      tpu.enqueue_dma source(%dma_start3A_869 : memref<100xf32, #tpu.memory_space<hbm>>) target(%dma_start3A_866 : memref<100xf32, #tpu.memory_space<vmem>>) target_semaphore(%arg10 : memref<!tpu.dma_semaphore, #tpu.memory_space<semaphore_mem>>)
      %slice3A_870 = vector.extract_strided_slice %get3A_47 {offsets = [55], sizes = [1], strides = [1]} : vector<64xi32> to vector<1xi32>
      %squeeze3A_871 = vector.extract %slice3A_870[0] : i32 from vector<1xi32>
      %dma_start3A_872 = arith.constant 55 : i32
      %dma_start3A_873 = arith.constant 0 : i32
      %dma_start3A_874 = tpu.memref_slice %arg6[%dma_start3A_872, %dma_start3A_873] : memref<64x100xf32, #tpu.memory_space<vmem>> -> memref<1x100xf32, #tpu.memory_space<vmem>>
      %dma_start3A_875 = tpu.memref_squeeze %dma_start3A_874 : memref<1x100xf32, #tpu.memory_space<vmem>> -> memref<100xf32, #tpu.memory_space<vmem>>
      %dma_start3A_876 = arith.constant 0 : i32
      %dma_start3A_877 = tpu.memref_slice %arg3[%squeeze3A_871, %dma_start3A_876] : memref<1000000x100xf32, #tpu.memory_space<hbm>> -> memref<1x100xf32, #tpu.memory_space<hbm>>
      %dma_start3A_878 = tpu.memref_squeeze %dma_start3A_877 : memref<1x100xf32, #tpu.memory_space<hbm>> -> memref<100xf32, #tpu.memory_space<hbm>>
      %dma_start3A_879 = arith.constant 0 : i32
      %dma_start3A_880 = tpu.memref_slice %arg6[%dma_start3A_872, %dma_start3A_879] : memref<64x100xf32, #tpu.memory_space<vmem>> -> memref<1x100xf32, #tpu.memory_space<vmem>>
      %dma_start3A_881 = tpu.memref_squeeze %dma_start3A_880 : memref<1x100xf32, #tpu.memory_space<vmem>> -> memref<100xf32, #tpu.memory_space<vmem>>
      %dma_start3A_882 = arith.constant 0 : i32
      %dma_start3A_883 = tpu.memref_slice %arg3[%squeeze3A_871, %dma_start3A_882] : memref<1000000x100xf32, #tpu.memory_space<hbm>> -> memref<1x100xf32, #tpu.memory_space<hbm>>
      %dma_start3A_884 = tpu.memref_squeeze %dma_start3A_883 : memref<1x100xf32, #tpu.memory_space<hbm>> -> memref<100xf32, #tpu.memory_space<hbm>>
      tpu.enqueue_dma source(%dma_start3A_884 : memref<100xf32, #tpu.memory_space<hbm>>) target(%dma_start3A_881 : memref<100xf32, #tpu.memory_space<vmem>>) target_semaphore(%arg11 : memref<!tpu.dma_semaphore, #tpu.memory_space<semaphore_mem>>)
      %slice3A_885 = vector.extract_strided_slice %get3A_47 {offsets = [56], sizes = [1], strides = [1]} : vector<64xi32> to vector<1xi32>
      %squeeze3A_886 = vector.extract %slice3A_885[0] : i32 from vector<1xi32>
      %dma_start3A_887 = arith.constant 56 : i32
      %dma_start3A_888 = arith.constant 0 : i32
      %dma_start3A_889 = tpu.memref_slice %arg6[%dma_start3A_887, %dma_start3A_888] : memref<64x100xf32, #tpu.memory_space<vmem>> -> memref<1x100xf32, #tpu.memory_space<vmem>>
      %dma_start3A_890 = tpu.memref_squeeze %dma_start3A_889 : memref<1x100xf32, #tpu.memory_space<vmem>> -> memref<100xf32, #tpu.memory_space<vmem>>
      %dma_start3A_891 = arith.constant 0 : i32
      %dma_start3A_892 = tpu.memref_slice %arg3[%squeeze3A_886, %dma_start3A_891] : memref<1000000x100xf32, #tpu.memory_space<hbm>> -> memref<1x100xf32, #tpu.memory_space<hbm>>
      %dma_start3A_893 = tpu.memref_squeeze %dma_start3A_892 : memref<1x100xf32, #tpu.memory_space<hbm>> -> memref<100xf32, #tpu.memory_space<hbm>>
      %dma_start3A_894 = arith.constant 0 : i32
      %dma_start3A_895 = tpu.memref_slice %arg6[%dma_start3A_887, %dma_start3A_894] : memref<64x100xf32, #tpu.memory_space<vmem>> -> memref<1x100xf32, #tpu.memory_space<vmem>>
      %dma_start3A_896 = tpu.memref_squeeze %dma_start3A_895 : memref<1x100xf32, #tpu.memory_space<vmem>> -> memref<100xf32, #tpu.memory_space<vmem>>
      %dma_start3A_897 = arith.constant 0 : i32
      %dma_start3A_898 = tpu.memref_slice %arg3[%squeeze3A_886, %dma_start3A_897] : memref<1000000x100xf32, #tpu.memory_space<hbm>> -> memref<1x100xf32, #tpu.memory_space<hbm>>
      %dma_start3A_899 = tpu.memref_squeeze %dma_start3A_898 : memref<1x100xf32, #tpu.memory_space<hbm>> -> memref<100xf32, #tpu.memory_space<hbm>>
      tpu.enqueue_dma source(%dma_start3A_899 : memref<100xf32, #tpu.memory_space<hbm>>) target(%dma_start3A_896 : memref<100xf32, #tpu.memory_space<vmem>>) target_semaphore(%arg8 : memref<!tpu.dma_semaphore, #tpu.memory_space<semaphore_mem>>)
      %slice3A_900 = vector.extract_strided_slice %get3A_47 {offsets = [57], sizes = [1], strides = [1]} : vector<64xi32> to vector<1xi32>
      %squeeze3A_901 = vector.extract %slice3A_900[0] : i32 from vector<1xi32>
      %dma_start3A_902 = arith.constant 57 : i32
      %dma_start3A_903 = arith.constant 0 : i32
      %dma_start3A_904 = tpu.memref_slice %arg6[%dma_start3A_902, %dma_start3A_903] : memref<64x100xf32, #tpu.memory_space<vmem>> -> memref<1x100xf32, #tpu.memory_space<vmem>>
      %dma_start3A_905 = tpu.memref_squeeze %dma_start3A_904 : memref<1x100xf32, #tpu.memory_space<vmem>> -> memref<100xf32, #tpu.memory_space<vmem>>
      %dma_start3A_906 = arith.constant 0 : i32
      %dma_start3A_907 = tpu.memref_slice %arg3[%squeeze3A_901, %dma_start3A_906] : memref<1000000x100xf32, #tpu.memory_space<hbm>> -> memref<1x100xf32, #tpu.memory_space<hbm>>
      %dma_start3A_908 = tpu.memref_squeeze %dma_start3A_907 : memref<1x100xf32, #tpu.memory_space<hbm>> -> memref<100xf32, #tpu.memory_space<hbm>>
      %dma_start3A_909 = arith.constant 0 : i32
      %dma_start3A_910 = tpu.memref_slice %arg6[%dma_start3A_902, %dma_start3A_909] : memref<64x100xf32, #tpu.memory_space<vmem>> -> memref<1x100xf32, #tpu.memory_space<vmem>>
      %dma_start3A_911 = tpu.memref_squeeze %dma_start3A_910 : memref<1x100xf32, #tpu.memory_space<vmem>> -> memref<100xf32, #tpu.memory_space<vmem>>
      %dma_start3A_912 = arith.constant 0 : i32
      %dma_start3A_913 = tpu.memref_slice %arg3[%squeeze3A_901, %dma_start3A_912] : memref<1000000x100xf32, #tpu.memory_space<hbm>> -> memref<1x100xf32, #tpu.memory_space<hbm>>
      %dma_start3A_914 = tpu.memref_squeeze %dma_start3A_913 : memref<1x100xf32, #tpu.memory_space<hbm>> -> memref<100xf32, #tpu.memory_space<hbm>>
      tpu.enqueue_dma source(%dma_start3A_914 : memref<100xf32, #tpu.memory_space<hbm>>) target(%dma_start3A_911 : memref<100xf32, #tpu.memory_space<vmem>>) target_semaphore(%arg9 : memref<!tpu.dma_semaphore, #tpu.memory_space<semaphore_mem>>)
      %slice3A_915 = vector.extract_strided_slice %get3A_47 {offsets = [58], sizes = [1], strides = [1]} : vector<64xi32> to vector<1xi32>
      %squeeze3A_916 = vector.extract %slice3A_915[0] : i32 from vector<1xi32>
      %dma_start3A_917 = arith.constant 58 : i32
      %dma_start3A_918 = arith.constant 0 : i32
      %dma_start3A_919 = tpu.memref_slice %arg6[%dma_start3A_917, %dma_start3A_918] : memref<64x100xf32, #tpu.memory_space<vmem>> -> memref<1x100xf32, #tpu.memory_space<vmem>>
      %dma_start3A_920 = tpu.memref_squeeze %dma_start3A_919 : memref<1x100xf32, #tpu.memory_space<vmem>> -> memref<100xf32, #tpu.memory_space<vmem>>
      %dma_start3A_921 = arith.constant 0 : i32
      %dma_start3A_922 = tpu.memref_slice %arg3[%squeeze3A_916, %dma_start3A_921] : memref<1000000x100xf32, #tpu.memory_space<hbm>> -> memref<1x100xf32, #tpu.memory_space<hbm>>
      %dma_start3A_923 = tpu.memref_squeeze %dma_start3A_922 : memref<1x100xf32, #tpu.memory_space<hbm>> -> memref<100xf32, #tpu.memory_space<hbm>>
      %dma_start3A_924 = arith.constant 0 : i32
      %dma_start3A_925 = tpu.memref_slice %arg6[%dma_start3A_917, %dma_start3A_924] : memref<64x100xf32, #tpu.memory_space<vmem>> -> memref<1x100xf32, #tpu.memory_space<vmem>>
      %dma_start3A_926 = tpu.memref_squeeze %dma_start3A_925 : memref<1x100xf32, #tpu.memory_space<vmem>> -> memref<100xf32, #tpu.memory_space<vmem>>
      %dma_start3A_927 = arith.constant 0 : i32
      %dma_start3A_928 = tpu.memref_slice %arg3[%squeeze3A_916, %dma_start3A_927] : memref<1000000x100xf32, #tpu.memory_space<hbm>> -> memref<1x100xf32, #tpu.memory_space<hbm>>
      %dma_start3A_929 = tpu.memref_squeeze %dma_start3A_928 : memref<1x100xf32, #tpu.memory_space<hbm>> -> memref<100xf32, #tpu.memory_space<hbm>>
      tpu.enqueue_dma source(%dma_start3A_929 : memref<100xf32, #tpu.memory_space<hbm>>) target(%dma_start3A_926 : memref<100xf32, #tpu.memory_space<vmem>>) target_semaphore(%arg10 : memref<!tpu.dma_semaphore, #tpu.memory_space<semaphore_mem>>)
      %slice3A_930 = vector.extract_strided_slice %get3A_47 {offsets = [59], sizes = [1], strides = [1]} : vector<64xi32> to vector<1xi32>
      %squeeze3A_931 = vector.extract %slice3A_930[0] : i32 from vector<1xi32>
      %dma_start3A_932 = arith.constant 59 : i32
      %dma_start3A_933 = arith.constant 0 : i32
      %dma_start3A_934 = tpu.memref_slice %arg6[%dma_start3A_932, %dma_start3A_933] : memref<64x100xf32, #tpu.memory_space<vmem>> -> memref<1x100xf32, #tpu.memory_space<vmem>>
      %dma_start3A_935 = tpu.memref_squeeze %dma_start3A_934 : memref<1x100xf32, #tpu.memory_space<vmem>> -> memref<100xf32, #tpu.memory_space<vmem>>
      %dma_start3A_936 = arith.constant 0 : i32
      %dma_start3A_937 = tpu.memref_slice %arg3[%squeeze3A_931, %dma_start3A_936] : memref<1000000x100xf32, #tpu.memory_space<hbm>> -> memref<1x100xf32, #tpu.memory_space<hbm>>
      %dma_start3A_938 = tpu.memref_squeeze %dma_start3A_937 : memref<1x100xf32, #tpu.memory_space<hbm>> -> memref<100xf32, #tpu.memory_space<hbm>>
      %dma_start3A_939 = arith.constant 0 : i32
      %dma_start3A_940 = tpu.memref_slice %arg6[%dma_start3A_932, %dma_start3A_939] : memref<64x100xf32, #tpu.memory_space<vmem>> -> memref<1x100xf32, #tpu.memory_space<vmem>>
      %dma_start3A_941 = tpu.memref_squeeze %dma_start3A_940 : memref<1x100xf32, #tpu.memory_space<vmem>> -> memref<100xf32, #tpu.memory_space<vmem>>
      %dma_start3A_942 = arith.constant 0 : i32
      %dma_start3A_943 = tpu.memref_slice %arg3[%squeeze3A_931, %dma_start3A_942] : memref<1000000x100xf32, #tpu.memory_space<hbm>> -> memref<1x100xf32, #tpu.memory_space<hbm>>
      %dma_start3A_944 = tpu.memref_squeeze %dma_start3A_943 : memref<1x100xf32, #tpu.memory_space<hbm>> -> memref<100xf32, #tpu.memory_space<hbm>>
      tpu.enqueue_dma source(%dma_start3A_944 : memref<100xf32, #tpu.memory_space<hbm>>) target(%dma_start3A_941 : memref<100xf32, #tpu.memory_space<vmem>>) target_semaphore(%arg11 : memref<!tpu.dma_semaphore, #tpu.memory_space<semaphore_mem>>)
      %slice3A_945 = vector.extract_strided_slice %get3A_47 {offsets = [60], sizes = [1], strides = [1]} : vector<64xi32> to vector<1xi32>
      %squeeze3A_946 = vector.extract %slice3A_945[0] : i32 from vector<1xi32>
      %dma_start3A_947 = arith.constant 60 : i32
      %dma_start3A_948 = arith.constant 0 : i32
      %dma_start3A_949 = tpu.memref_slice %arg6[%dma_start3A_947, %dma_start3A_948] : memref<64x100xf32, #tpu.memory_space<vmem>> -> memref<1x100xf32, #tpu.memory_space<vmem>>
      %dma_start3A_950 = tpu.memref_squeeze %dma_start3A_949 : memref<1x100xf32, #tpu.memory_space<vmem>> -> memref<100xf32, #tpu.memory_space<vmem>>
      %dma_start3A_951 = arith.constant 0 : i32
      %dma_start3A_952 = tpu.memref_slice %arg3[%squeeze3A_946, %dma_start3A_951] : memref<1000000x100xf32, #tpu.memory_space<hbm>> -> memref<1x100xf32, #tpu.memory_space<hbm>>
      %dma_start3A_953 = tpu.memref_squeeze %dma_start3A_952 : memref<1x100xf32, #tpu.memory_space<hbm>> -> memref<100xf32, #tpu.memory_space<hbm>>
      %dma_start3A_954 = arith.constant 0 : i32
      %dma_start3A_955 = tpu.memref_slice %arg6[%dma_start3A_947, %dma_start3A_954] : memref<64x100xf32, #tpu.memory_space<vmem>> -> memref<1x100xf32, #tpu.memory_space<vmem>>
      %dma_start3A_956 = tpu.memref_squeeze %dma_start3A_955 : memref<1x100xf32, #tpu.memory_space<vmem>> -> memref<100xf32, #tpu.memory_space<vmem>>
      %dma_start3A_957 = arith.constant 0 : i32
      %dma_start3A_958 = tpu.memref_slice %arg3[%squeeze3A_946, %dma_start3A_957] : memref<1000000x100xf32, #tpu.memory_space<hbm>> -> memref<1x100xf32, #tpu.memory_space<hbm>>
      %dma_start3A_959 = tpu.memref_squeeze %dma_start3A_958 : memref<1x100xf32, #tpu.memory_space<hbm>> -> memref<100xf32, #tpu.memory_space<hbm>>
      tpu.enqueue_dma source(%dma_start3A_959 : memref<100xf32, #tpu.memory_space<hbm>>) target(%dma_start3A_956 : memref<100xf32, #tpu.memory_space<vmem>>) target_semaphore(%arg8 : memref<!tpu.dma_semaphore, #tpu.memory_space<semaphore_mem>>)
      %slice3A_960 = vector.extract_strided_slice %get3A_47 {offsets = [61], sizes = [1], strides = [1]} : vector<64xi32> to vector<1xi32>
      %squeeze3A_961 = vector.extract %slice3A_960[0] : i32 from vector<1xi32>
      %dma_start3A_962 = arith.constant 61 : i32
      %dma_start3A_963 = arith.constant 0 : i32
      %dma_start3A_964 = tpu.memref_slice %arg6[%dma_start3A_962, %dma_start3A_963] : memref<64x100xf32, #tpu.memory_space<vmem>> -> memref<1x100xf32, #tpu.memory_space<vmem>>
      %dma_start3A_965 = tpu.memref_squeeze %dma_start3A_964 : memref<1x100xf32, #tpu.memory_space<vmem>> -> memref<100xf32, #tpu.memory_space<vmem>>
      %dma_start3A_966 = arith.constant 0 : i32
      %dma_start3A_967 = tpu.memref_slice %arg3[%squeeze3A_961, %dma_start3A_966] : memref<1000000x100xf32, #tpu.memory_space<hbm>> -> memref<1x100xf32, #tpu.memory_space<hbm>>
      %dma_start3A_968 = tpu.memref_squeeze %dma_start3A_967 : memref<1x100xf32, #tpu.memory_space<hbm>> -> memref<100xf32, #tpu.memory_space<hbm>>
      %dma_start3A_969 = arith.constant 0 : i32
      %dma_start3A_970 = tpu.memref_slice %arg6[%dma_start3A_962, %dma_start3A_969] : memref<64x100xf32, #tpu.memory_space<vmem>> -> memref<1x100xf32, #tpu.memory_space<vmem>>
      %dma_start3A_971 = tpu.memref_squeeze %dma_start3A_970 : memref<1x100xf32, #tpu.memory_space<vmem>> -> memref<100xf32, #tpu.memory_space<vmem>>
      %dma_start3A_972 = arith.constant 0 : i32
      %dma_start3A_973 = tpu.memref_slice %arg3[%squeeze3A_961, %dma_start3A_972] : memref<1000000x100xf32, #tpu.memory_space<hbm>> -> memref<1x100xf32, #tpu.memory_space<hbm>>
      %dma_start3A_974 = tpu.memref_squeeze %dma_start3A_973 : memref<1x100xf32, #tpu.memory_space<hbm>> -> memref<100xf32, #tpu.memory_space<hbm>>
      tpu.enqueue_dma source(%dma_start3A_974 : memref<100xf32, #tpu.memory_space<hbm>>) target(%dma_start3A_971 : memref<100xf32, #tpu.memory_space<vmem>>) target_semaphore(%arg9 : memref<!tpu.dma_semaphore, #tpu.memory_space<semaphore_mem>>)
      %slice3A_975 = vector.extract_strided_slice %get3A_47 {offsets = [62], sizes = [1], strides = [1]} : vector<64xi32> to vector<1xi32>
      %squeeze3A_976 = vector.extract %slice3A_975[0] : i32 from vector<1xi32>
      %dma_start3A_977 = arith.constant 62 : i32
      %dma_start3A_978 = arith.constant 0 : i32
      %dma_start3A_979 = tpu.memref_slice %arg6[%dma_start3A_977, %dma_start3A_978] : memref<64x100xf32, #tpu.memory_space<vmem>> -> memref<1x100xf32, #tpu.memory_space<vmem>>
      %dma_start3A_980 = tpu.memref_squeeze %dma_start3A_979 : memref<1x100xf32, #tpu.memory_space<vmem>> -> memref<100xf32, #tpu.memory_space<vmem>>
      %dma_start3A_981 = arith.constant 0 : i32
      %dma_start3A_982 = tpu.memref_slice %arg3[%squeeze3A_976, %dma_start3A_981] : memref<1000000x100xf32, #tpu.memory_space<hbm>> -> memref<1x100xf32, #tpu.memory_space<hbm>>
      %dma_start3A_983 = tpu.memref_squeeze %dma_start3A_982 : memref<1x100xf32, #tpu.memory_space<hbm>> -> memref<100xf32, #tpu.memory_space<hbm>>
      %dma_start3A_984 = arith.constant 0 : i32
      %dma_start3A_985 = tpu.memref_slice %arg6[%dma_start3A_977, %dma_start3A_984] : memref<64x100xf32, #tpu.memory_space<vmem>> -> memref<1x100xf32, #tpu.memory_space<vmem>>
      %dma_start3A_986 = tpu.memref_squeeze %dma_start3A_985 : memref<1x100xf32, #tpu.memory_space<vmem>> -> memref<100xf32, #tpu.memory_space<vmem>>
      %dma_start3A_987 = arith.constant 0 : i32
      %dma_start3A_988 = tpu.memref_slice %arg3[%squeeze3A_976, %dma_start3A_987] : memref<1000000x100xf32, #tpu.memory_space<hbm>> -> memref<1x100xf32, #tpu.memory_space<hbm>>
      %dma_start3A_989 = tpu.memref_squeeze %dma_start3A_988 : memref<1x100xf32, #tpu.memory_space<hbm>> -> memref<100xf32, #tpu.memory_space<hbm>>
      tpu.enqueue_dma source(%dma_start3A_989 : memref<100xf32, #tpu.memory_space<hbm>>) target(%dma_start3A_986 : memref<100xf32, #tpu.memory_space<vmem>>) target_semaphore(%arg10 : memref<!tpu.dma_semaphore, #tpu.memory_space<semaphore_mem>>)
      %slice3A_990 = vector.extract_strided_slice %get3A_47 {offsets = [63], sizes = [1], strides = [1]} : vector<64xi32> to vector<1xi32>
      %squeeze3A_991 = vector.extract %slice3A_990[0] : i32 from vector<1xi32>
      %dma_start3A_992 = arith.constant 63 : i32
      %dma_start3A_993 = arith.constant 0 : i32
      %dma_start3A_994 = tpu.memref_slice %arg6[%dma_start3A_992, %dma_start3A_993] : memref<64x100xf32, #tpu.memory_space<vmem>> -> memref<1x100xf32, #tpu.memory_space<vmem>>
      %dma_start3A_995 = tpu.memref_squeeze %dma_start3A_994 : memref<1x100xf32, #tpu.memory_space<vmem>> -> memref<100xf32, #tpu.memory_space<vmem>>
      %dma_start3A_996 = arith.constant 0 : i32
      %dma_start3A_997 = tpu.memref_slice %arg3[%squeeze3A_991, %dma_start3A_996] : memref<1000000x100xf32, #tpu.memory_space<hbm>> -> memref<1x100xf32, #tpu.memory_space<hbm>>
      %dma_start3A_998 = tpu.memref_squeeze %dma_start3A_997 : memref<1x100xf32, #tpu.memory_space<hbm>> -> memref<100xf32, #tpu.memory_space<hbm>>
      %dma_start3A_999 = arith.constant 0 : i32
      %dma_start3A_1000 = tpu.memref_slice %arg6[%dma_start3A_992, %dma_start3A_999] : memref<64x100xf32, #tpu.memory_space<vmem>> -> memref<1x100xf32, #tpu.memory_space<vmem>>
      %dma_start3A_1001 = tpu.memref_squeeze %dma_start3A_1000 : memref<1x100xf32, #tpu.memory_space<vmem>> -> memref<100xf32, #tpu.memory_space<vmem>>
      %dma_start3A_1002 = arith.constant 0 : i32
      %dma_start3A_1003 = tpu.memref_slice %arg3[%squeeze3A_991, %dma_start3A_1002] : memref<1000000x100xf32, #tpu.memory_space<hbm>> -> memref<1x100xf32, #tpu.memory_space<hbm>>
      %dma_start3A_1004 = tpu.memref_squeeze %dma_start3A_1003 : memref<1x100xf32, #tpu.memory_space<hbm>> -> memref<100xf32, #tpu.memory_space<hbm>>
      tpu.enqueue_dma source(%dma_start3A_1004 : memref<100xf32, #tpu.memory_space<hbm>>) target(%dma_start3A_1001 : memref<100xf32, #tpu.memory_space<vmem>>) target_semaphore(%arg11 : memref<!tpu.dma_semaphore, #tpu.memory_space<semaphore_mem>>)
      %dma_wait3A = arith.constant 0 : i32
      %dma_wait3A_1005 = arith.constant 0 : i32
      %dma_wait3A_1006 = tpu.memref_slice %arg6[%dma_wait3A, %dma_wait3A_1005] : memref<64x100xf32, #tpu.memory_space<vmem>> -> memref<16x100xf32, #tpu.memory_space<vmem>>
      %dma_wait3A_1007 = arith.constant 0 : i32
      %dma_wait3A_1008 = arith.constant 0 : i32
      %dma_wait3A_1009 = tpu.memref_slice %arg3[%dma_wait3A_1007, %dma_wait3A_1008] : memref<1000000x100xf32, #tpu.memory_space<hbm>> -> memref<16x100xf32, #tpu.memory_space<hbm>>
      %dma_wait3A_1010 = arith.constant 0 : i32
      %dma_wait3A_1011 = arith.constant 0 : i32
      %dma_wait3A_1012 = tpu.memref_slice %arg6[%dma_wait3A_1010, %dma_wait3A_1011] : memref<64x100xf32, #tpu.memory_space<vmem>> -> memref<16x100xf32, #tpu.memory_space<vmem>>
      %dma_wait3A_1013 = arith.constant 0 : i32
      %dma_wait3A_1014 = arith.constant 0 : i32
      %dma_wait3A_1015 = tpu.memref_slice %arg3[%dma_wait3A_1013, %dma_wait3A_1014] : memref<1000000x100xf32, #tpu.memory_space<hbm>> -> memref<16x100xf32, #tpu.memory_space<hbm>>
      tpu.wait_dma2 semaphore(%arg8 : memref<!tpu.dma_semaphore, #tpu.memory_space<semaphore_mem>>) src(%dma_wait3A_1015 : memref<16x100xf32, #tpu.memory_space<hbm>>) dst(%dma_wait3A_1012 : memref<16x100xf32, #tpu.memory_space<vmem>>)
      %dma_wait3A_1016 = arith.constant 16 : i32
      %dma_wait3A_1017 = arith.constant 0 : i32
      %dma_wait3A_1018 = tpu.memref_slice %arg6[%dma_wait3A_1016, %dma_wait3A_1017] : memref<64x100xf32, #tpu.memory_space<vmem>> -> memref<16x100xf32, #tpu.memory_space<vmem>>
      %dma_wait3A_1019 = arith.constant 0 : i32
      %dma_wait3A_1020 = arith.constant 0 : i32
      %dma_wait3A_1021 = tpu.memref_slice %arg3[%dma_wait3A_1019, %dma_wait3A_1020] : memref<1000000x100xf32, #tpu.memory_space<hbm>> -> memref<16x100xf32, #tpu.memory_space<hbm>>
      %dma_wait3A_1022 = arith.constant 16 : i32
      %dma_wait3A_1023 = arith.constant 0 : i32
      %dma_wait3A_1024 = tpu.memref_slice %arg6[%dma_wait3A_1022, %dma_wait3A_1023] : memref<64x100xf32, #tpu.memory_space<vmem>> -> memref<16x100xf32, #tpu.memory_space<vmem>>
      %dma_wait3A_1025 = arith.constant 0 : i32
      %dma_wait3A_1026 = arith.constant 0 : i32
      %dma_wait3A_1027 = tpu.memref_slice %arg3[%dma_wait3A_1025, %dma_wait3A_1026] : memref<1000000x100xf32, #tpu.memory_space<hbm>> -> memref<16x100xf32, #tpu.memory_space<hbm>>
      tpu.wait_dma2 semaphore(%arg9 : memref<!tpu.dma_semaphore, #tpu.memory_space<semaphore_mem>>) src(%dma_wait3A_1027 : memref<16x100xf32, #tpu.memory_space<hbm>>) dst(%dma_wait3A_1024 : memref<16x100xf32, #tpu.memory_space<vmem>>)
      %dma_wait3A_1028 = arith.constant 32 : i32
      %dma_wait3A_1029 = arith.constant 0 : i32
      %dma_wait3A_1030 = tpu.memref_slice %arg6[%dma_wait3A_1028, %dma_wait3A_1029] : memref<64x100xf32, #tpu.memory_space<vmem>> -> memref<16x100xf32, #tpu.memory_space<vmem>>
      %dma_wait3A_1031 = arith.constant 0 : i32
      %dma_wait3A_1032 = arith.constant 0 : i32
      %dma_wait3A_1033 = tpu.memref_slice %arg3[%dma_wait3A_1031, %dma_wait3A_1032] : memref<1000000x100xf32, #tpu.memory_space<hbm>> -> memref<16x100xf32, #tpu.memory_space<hbm>>
      %dma_wait3A_1034 = arith.constant 32 : i32
      %dma_wait3A_1035 = arith.constant 0 : i32
      %dma_wait3A_1036 = tpu.memref_slice %arg6[%dma_wait3A_1034, %dma_wait3A_1035] : memref<64x100xf32, #tpu.memory_space<vmem>> -> memref<16x100xf32, #tpu.memory_space<vmem>>
      %dma_wait3A_1037 = arith.constant 0 : i32
      %dma_wait3A_1038 = arith.constant 0 : i32
      %dma_wait3A_1039 = tpu.memref_slice %arg3[%dma_wait3A_1037, %dma_wait3A_1038] : memref<1000000x100xf32, #tpu.memory_space<hbm>> -> memref<16x100xf32, #tpu.memory_space<hbm>>
      tpu.wait_dma2 semaphore(%arg10 : memref<!tpu.dma_semaphore, #tpu.memory_space<semaphore_mem>>) src(%dma_wait3A_1039 : memref<16x100xf32, #tpu.memory_space<hbm>>) dst(%dma_wait3A_1036 : memref<16x100xf32, #tpu.memory_space<vmem>>)
      %dma_wait3A_1040 = arith.constant 48 : i32
      %dma_wait3A_1041 = arith.constant 0 : i32
      %dma_wait3A_1042 = tpu.memref_slice %arg6[%dma_wait3A_1040, %dma_wait3A_1041] : memref<64x100xf32, #tpu.memory_space<vmem>> -> memref<16x100xf32, #tpu.memory_space<vmem>>
      %dma_wait3A_1043 = arith.constant 0 : i32
      %dma_wait3A_1044 = arith.constant 0 : i32
      %dma_wait3A_1045 = tpu.memref_slice %arg3[%dma_wait3A_1043, %dma_wait3A_1044] : memref<1000000x100xf32, #tpu.memory_space<hbm>> -> memref<16x100xf32, #tpu.memory_space<hbm>>
      %dma_wait3A_1046 = arith.constant 48 : i32
      %dma_wait3A_1047 = arith.constant 0 : i32
      %dma_wait3A_1048 = tpu.memref_slice %arg6[%dma_wait3A_1046, %dma_wait3A_1047] : memref<64x100xf32, #tpu.memory_space<vmem>> -> memref<16x100xf32, #tpu.memory_space<vmem>>
      %dma_wait3A_1049 = arith.constant 0 : i32
      %dma_wait3A_1050 = arith.constant 0 : i32
      %dma_wait3A_1051 = tpu.memref_slice %arg3[%dma_wait3A_1049, %dma_wait3A_1050] : memref<1000000x100xf32, #tpu.memory_space<hbm>> -> memref<16x100xf32, #tpu.memory_space<hbm>>
      tpu.wait_dma2 semaphore(%arg11 : memref<!tpu.dma_semaphore, #tpu.memory_space<semaphore_mem>>) src(%dma_wait3A_1051 : memref<16x100xf32, #tpu.memory_space<hbm>>) dst(%dma_wait3A_1048 : memref<16x100xf32, #tpu.memory_space<vmem>>)
      %get3A_1052 = arith.constant 0 : i32
      %get3A_1053 = arith.index_cast %get3A_1052 : i32 to index
      %get3A_1054 = arith.constant 0 : index
      %get3A_1055 = tpu.vector_load %arg6[%get3A_1053, %get3A_1054] {strides = array<i32>} : memref<64x100xf32, #tpu.memory_space<vmem>>, vector<1x16xf32>,
      %get3A_1056 = vector.shape_cast %get3A_1055 : vector<1x16xf32> to vector<16xf32>
      %add3A_1057 = arith.addf %scan3A_37, %get3A_1056 : vector<16xf32>
      %get3A_1058 = arith.constant 0 : i32
      %get3A_1059 = arith.index_cast %get3A_1058 : i32 to index
      %get3A_1060 = arith.constant 16 : index
      %get3A_1061 = tpu.vector_load %arg6[%get3A_1059, %get3A_1060] {strides = array<i32>} : memref<64x100xf32, #tpu.memory_space<vmem>>, vector<1x16xf32>,
      %get3A_1062 = vector.shape_cast %get3A_1061 : vector<1x16xf32> to vector<16xf32>
      %add3A_1063 = arith.addf %scan3A_38, %get3A_1062 : vector<16xf32>
      %get3A_1064 = arith.constant 0 : i32
      %get3A_1065 = arith.index_cast %get3A_1064 : i32 to index
      %get3A_1066 = arith.constant 32 : index
      %get3A_1067 = tpu.vector_load %arg6[%get3A_1065, %get3A_1066] {strides = array<i32>} : memref<64x100xf32, #tpu.memory_space<vmem>>, vector<1x16xf32>,
      %get3A_1068 = vector.shape_cast %get3A_1067 : vector<1x16xf32> to vector<16xf32>
      %add3A_1069 = arith.addf %scan3A_39, %get3A_1068 : vector<16xf32>
      %get3A_1070 = arith.constant 0 : i32
      %get3A_1071 = arith.index_cast %get3A_1070 : i32 to index
      %get3A_1072 = arith.constant 48 : index
      %get3A_1073 = tpu.vector_load %arg6[%get3A_1071, %get3A_1072] {strides = array<i32>} : memref<64x100xf32, #tpu.memory_space<vmem>>, vector<1x16xf32>,
      %get3A_1074 = vector.shape_cast %get3A_1073 : vector<1x16xf32> to vector<16xf32>
      %add3A_1075 = arith.addf %scan3A_40, %get3A_1074 : vector<16xf32>
      %get3A_1076 = arith.constant 0 : i32
      %get3A_1077 = arith.index_cast %get3A_1076 : i32 to index
      %get3A_1078 = arith.constant 64 : index
      %get3A_1079 = tpu.vector_load %arg6[%get3A_1077, %get3A_1078] {strides = array<i32>} : memref<64x100xf32, #tpu.memory_space<vmem>>, vector<1x16xf32>,
      %get3A_1080 = vector.shape_cast %get3A_1079 : vector<1x16xf32> to vector<16xf32>
      %add3A_1081 = arith.addf %scan3A_41, %get3A_1080 : vector<16xf32>
      %get3A_1082 = arith.constant 0 : i32
      %get3A_1083 = arith.index_cast %get3A_1082 : i32 to index
      %get3A_1084 = arith.constant 80 : index
      %get3A_1085 = tpu.vector_load %arg6[%get3A_1083, %get3A_1084] {strides = array<i32>} : memref<64x100xf32, #tpu.memory_space<vmem>>, vector<1x16xf32>,
      %get3A_1086 = vector.shape_cast %get3A_1085 : vector<1x16xf32> to vector<16xf32>
      %add3A_1087 = arith.addf %scan3A_42, %get3A_1086 : vector<16xf32>
      %get3A_1088 = arith.constant 0 : i32
      %get3A_1089 = arith.index_cast %get3A_1088 : i32 to index
      %get3A_1090 = arith.constant 84 : index
      %get3A_1091 = tpu.vector_load %arg6[%get3A_1089, %get3A_1090] {strides = array<i32>} : memref<64x100xf32, #tpu.memory_space<vmem>>, vector<1x16xf32>,
      %get3A_1092 = vector.shape_cast %get3A_1091 : vector<1x16xf32> to vector<16xf32>
      %add3A_1093 = arith.addf %scan3A_43, %get3A_1092 : vector<16xf32>
      %get3A_1094 = arith.constant 1 : i32
      %get3A_1095 = arith.index_cast %get3A_1094 : i32 to index
      %get3A_1096 = arith.constant 0 : index
      %get3A_1097 = tpu.vector_load %arg6[%get3A_1095, %get3A_1096] {strides = array<i32>} : memref<64x100xf32, #tpu.memory_space<vmem>>, vector<1x16xf32>,
      %get3A_1098 = vector.shape_cast %get3A_1097 : vector<1x16xf32> to vector<16xf32>
      %add3A_1099 = arith.addf %add3A_1057, %get3A_1098 : vector<16xf32>
      %get3A_1100 = arith.constant 1 : i32
      %get3A_1101 = arith.index_cast %get3A_1100 : i32 to index
      %get3A_1102 = arith.constant 16 : index
      %get3A_1103 = tpu.vector_load %arg6[%get3A_1101, %get3A_1102] {strides = array<i32>} : memref<64x100xf32, #tpu.memory_space<vmem>>, vector<1x16xf32>,
      %get3A_1104 = vector.shape_cast %get3A_1103 : vector<1x16xf32> to vector<16xf32>
      %add3A_1105 = arith.addf %add3A_1063, %get3A_1104 : vector<16xf32>
      %get3A_1106 = arith.constant 1 : i32
      %get3A_1107 = arith.index_cast %get3A_1106 : i32 to index
      %get3A_1108 = arith.constant 32 : index
      %get3A_1109 = tpu.vector_load %arg6[%get3A_1107, %get3A_1108] {strides = array<i32>} : memref<64x100xf32, #tpu.memory_space<vmem>>, vector<1x16xf32>,
      %get3A_1110 = vector.shape_cast %get3A_1109 : vector<1x16xf32> to vector<16xf32>
      %add3A_1111 = arith.addf %add3A_1069, %get3A_1110 : vector<16xf32>
      %get3A_1112 = arith.constant 1 : i32
      %get3A_1113 = arith.index_cast %get3A_1112 : i32 to index
      %get3A_1114 = arith.constant 48 : index
      %get3A_1115 = tpu.vector_load %arg6[%get3A_1113, %get3A_1114] {strides = array<i32>} : memref<64x100xf32, #tpu.memory_space<vmem>>, vector<1x16xf32>,
      %get3A_1116 = vector.shape_cast %get3A_1115 : vector<1x16xf32> to vector<16xf32>
      %add3A_1117 = arith.addf %add3A_1075, %get3A_1116 : vector<16xf32>
      %get3A_1118 = arith.constant 1 : i32
      %get3A_1119 = arith.index_cast %get3A_1118 : i32 to index
      %get3A_1120 = arith.constant 64 : index
      %get3A_1121 = tpu.vector_load %arg6[%get3A_1119, %get3A_1120] {strides = array<i32>} : memref<64x100xf32, #tpu.memory_space<vmem>>, vector<1x16xf32>,
      %get3A_1122 = vector.shape_cast %get3A_1121 : vector<1x16xf32> to vector<16xf32>
      %add3A_1123 = arith.addf %add3A_1081, %get3A_1122 : vector<16xf32>
      %get3A_1124 = arith.constant 1 : i32
      %get3A_1125 = arith.index_cast %get3A_1124 : i32 to index
      %get3A_1126 = arith.constant 80 : index
      %get3A_1127 = tpu.vector_load %arg6[%get3A_1125, %get3A_1126] {strides = array<i32>} : memref<64x100xf32, #tpu.memory_space<vmem>>, vector<1x16xf32>,
      %get3A_1128 = vector.shape_cast %get3A_1127 : vector<1x16xf32> to vector<16xf32>
      %add3A_1129 = arith.addf %add3A_1087, %get3A_1128 : vector<16xf32>
      %get3A_1130 = arith.constant 1 : i32
      %get3A_1131 = arith.index_cast %get3A_1130 : i32 to index
      %get3A_1132 = arith.constant 84 : index
      %get3A_1133 = tpu.vector_load %arg6[%get3A_1131, %get3A_1132] {strides = array<i32>} : memref<64x100xf32, #tpu.memory_space<vmem>>, vector<1x16xf32>,
      %get3A_1134 = vector.shape_cast %get3A_1133 : vector<1x16xf32> to vector<16xf32>
      %add3A_1135 = arith.addf %add3A_1093, %get3A_1134 : vector<16xf32>
      %get3A_1136 = arith.constant 2 : i32
      %get3A_1137 = arith.index_cast %get3A_1136 : i32 to index
      %get3A_1138 = arith.constant 0 : index
      %get3A_1139 = tpu.vector_load %arg6[%get3A_1137, %get3A_1138] {strides = array<i32>} : memref<64x100xf32, #tpu.memory_space<vmem>>, vector<1x16xf32>,
      %get3A_1140 = vector.shape_cast %get3A_1139 : vector<1x16xf32> to vector<16xf32>
      %add3A_1141 = arith.addf %add3A_1099, %get3A_1140 : vector<16xf32>
      %get3A_1142 = arith.constant 2 : i32
      %get3A_1143 = arith.index_cast %get3A_1142 : i32 to index
      %get3A_1144 = arith.constant 16 : index
      %get3A_1145 = tpu.vector_load %arg6[%get3A_1143, %get3A_1144] {strides = array<i32>} : memref<64x100xf32, #tpu.memory_space<vmem>>, vector<1x16xf32>,
      %get3A_1146 = vector.shape_cast %get3A_1145 : vector<1x16xf32> to vector<16xf32>
      %add3A_1147 = arith.addf %add3A_1105, %get3A_1146 : vector<16xf32>
      %get3A_1148 = arith.constant 2 : i32
      %get3A_1149 = arith.index_cast %get3A_1148 : i32 to index
      %get3A_1150 = arith.constant 32 : index
      %get3A_1151 = tpu.vector_load %arg6[%get3A_1149, %get3A_1150] {strides = array<i32>} : memref<64x100xf32, #tpu.memory_space<vmem>>, vector<1x16xf32>,
      %get3A_1152 = vector.shape_cast %get3A_1151 : vector<1x16xf32> to vector<16xf32>
      %add3A_1153 = arith.addf %add3A_1111, %get3A_1152 : vector<16xf32>
      %get3A_1154 = arith.constant 2 : i32
      %get3A_1155 = arith.index_cast %get3A_1154 : i32 to index
      %get3A_1156 = arith.constant 48 : index
      %get3A_1157 = tpu.vector_load %arg6[%get3A_1155, %get3A_1156] {strides = array<i32>} : memref<64x100xf32, #tpu.memory_space<vmem>>, vector<1x16xf32>,
      %get3A_1158 = vector.shape_cast %get3A_1157 : vector<1x16xf32> to vector<16xf32>
      %add3A_1159 = arith.addf %add3A_1117, %get3A_1158 : vector<16xf32>
      %get3A_1160 = arith.constant 2 : i32
      %get3A_1161 = arith.index_cast %get3A_1160 : i32 to index
      %get3A_1162 = arith.constant 64 : index
      %get3A_1163 = tpu.vector_load %arg6[%get3A_1161, %get3A_1162] {strides = array<i32>} : memref<64x100xf32, #tpu.memory_space<vmem>>, vector<1x16xf32>,
      %get3A_1164 = vector.shape_cast %get3A_1163 : vector<1x16xf32> to vector<16xf32>
      %add3A_1165 = arith.addf %add3A_1123, %get3A_1164 : vector<16xf32>
      %get3A_1166 = arith.constant 2 : i32
      %get3A_1167 = arith.index_cast %get3A_1166 : i32 to index
      %get3A_1168 = arith.constant 80 : index
      %get3A_1169 = tpu.vector_load %arg6[%get3A_1167, %get3A_1168] {strides = array<i32>} : memref<64x100xf32, #tpu.memory_space<vmem>>, vector<1x16xf32>,
      %get3A_1170 = vector.shape_cast %get3A_1169 : vector<1x16xf32> to vector<16xf32>
      %add3A_1171 = arith.addf %add3A_1129, %get3A_1170 : vector<16xf32>
      %get3A_1172 = arith.constant 2 : i32
      %get3A_1173 = arith.index_cast %get3A_1172 : i32 to index
      %get3A_1174 = arith.constant 84 : index
      %get3A_1175 = tpu.vector_load %arg6[%get3A_1173, %get3A_1174] {strides = array<i32>} : memref<64x100xf32, #tpu.memory_space<vmem>>, vector<1x16xf32>,
      %get3A_1176 = vector.shape_cast %get3A_1175 : vector<1x16xf32> to vector<16xf32>
      %add3A_1177 = arith.addf %add3A_1135, %get3A_1176 : vector<16xf32>
      %get3A_1178 = arith.constant 3 : i32
      %get3A_1179 = arith.index_cast %get3A_1178 : i32 to index
      %get3A_1180 = arith.constant 0 : index
      %get3A_1181 = tpu.vector_load %arg6[%get3A_1179, %get3A_1180] {strides = array<i32>} : memref<64x100xf32, #tpu.memory_space<vmem>>, vector<1x16xf32>,
      %get3A_1182 = vector.shape_cast %get3A_1181 : vector<1x16xf32> to vector<16xf32>
      %add3A_1183 = arith.addf %add3A_1141, %get3A_1182 : vector<16xf32>
      %get3A_1184 = arith.constant 3 : i32
      %get3A_1185 = arith.index_cast %get3A_1184 : i32 to index
      %get3A_1186 = arith.constant 16 : index
      %get3A_1187 = tpu.vector_load %arg6[%get3A_1185, %get3A_1186] {strides = array<i32>} : memref<64x100xf32, #tpu.memory_space<vmem>>, vector<1x16xf32>,
      %get3A_1188 = vector.shape_cast %get3A_1187 : vector<1x16xf32> to vector<16xf32>
      %add3A_1189 = arith.addf %add3A_1147, %get3A_1188 : vector<16xf32>
      %get3A_1190 = arith.constant 3 : i32
      %get3A_1191 = arith.index_cast %get3A_1190 : i32 to index
      %get3A_1192 = arith.constant 32 : index
      %get3A_1193 = tpu.vector_load %arg6[%get3A_1191, %get3A_1192] {strides = array<i32>} : memref<64x100xf32, #tpu.memory_space<vmem>>, vector<1x16xf32>,
      %get3A_1194 = vector.shape_cast %get3A_1193 : vector<1x16xf32> to vector<16xf32>
      %add3A_1195 = arith.addf %add3A_1153, %get3A_1194 : vector<16xf32>
      %get3A_1196 = arith.constant 3 : i32
      %get3A_1197 = arith.index_cast %get3A_1196 : i32 to index
      %get3A_1198 = arith.constant 48 : index
      %get3A_1199 = tpu.vector_load %arg6[%get3A_1197, %get3A_1198] {strides = array<i32>} : memref<64x100xf32, #tpu.memory_space<vmem>>, vector<1x16xf32>,
      %get3A_1200 = vector.shape_cast %get3A_1199 : vector<1x16xf32> to vector<16xf32>
      %add3A_1201 = arith.addf %add3A_1159, %get3A_1200 : vector<16xf32>
      %get3A_1202 = arith.constant 3 : i32
      %get3A_1203 = arith.index_cast %get3A_1202 : i32 to index
      %get3A_1204 = arith.constant 64 : index
      %get3A_1205 = tpu.vector_load %arg6[%get3A_1203, %get3A_1204] {strides = array<i32>} : memref<64x100xf32, #tpu.memory_space<vmem>>, vector<1x16xf32>,
      %get3A_1206 = vector.shape_cast %get3A_1205 : vector<1x16xf32> to vector<16xf32>
      %add3A_1207 = arith.addf %add3A_1165, %get3A_1206 : vector<16xf32>
      %get3A_1208 = arith.constant 3 : i32
      %get3A_1209 = arith.index_cast %get3A_1208 : i32 to index
      %get3A_1210 = arith.constant 80 : index
      %get3A_1211 = tpu.vector_load %arg6[%get3A_1209, %get3A_1210] {strides = array<i32>} : memref<64x100xf32, #tpu.memory_space<vmem>>, vector<1x16xf32>,
      %get3A_1212 = vector.shape_cast %get3A_1211 : vector<1x16xf32> to vector<16xf32>
      %add3A_1213 = arith.addf %add3A_1171, %get3A_1212 : vector<16xf32>
      %get3A_1214 = arith.constant 3 : i32
      %get3A_1215 = arith.index_cast %get3A_1214 : i32 to index
      %get3A_1216 = arith.constant 84 : index
      %get3A_1217 = tpu.vector_load %arg6[%get3A_1215, %get3A_1216] {strides = array<i32>} : memref<64x100xf32, #tpu.memory_space<vmem>>, vector<1x16xf32>,
      %get3A_1218 = vector.shape_cast %get3A_1217 : vector<1x16xf32> to vector<16xf32>
      %add3A_1219 = arith.addf %add3A_1177, %get3A_1218 : vector<16xf32>
      %get3A_1220 = arith.constant 4 : i32
      %get3A_1221 = arith.index_cast %get3A_1220 : i32 to index
      %get3A_1222 = arith.constant 0 : index
      %get3A_1223 = tpu.vector_load %arg6[%get3A_1221, %get3A_1222] {strides = array<i32>} : memref<64x100xf32, #tpu.memory_space<vmem>>, vector<1x16xf32>,
      %get3A_1224 = vector.shape_cast %get3A_1223 : vector<1x16xf32> to vector<16xf32>
      %add3A_1225 = arith.addf %add3A_1183, %get3A_1224 : vector<16xf32>
      %get3A_1226 = arith.constant 4 : i32
      %get3A_1227 = arith.index_cast %get3A_1226 : i32 to index
      %get3A_1228 = arith.constant 16 : index
      %get3A_1229 = tpu.vector_load %arg6[%get3A_1227, %get3A_1228] {strides = array<i32>} : memref<64x100xf32, #tpu.memory_space<vmem>>, vector<1x16xf32>,
      %get3A_1230 = vector.shape_cast %get3A_1229 : vector<1x16xf32> to vector<16xf32>
      %add3A_1231 = arith.addf %add3A_1189, %get3A_1230 : vector<16xf32>
      %get3A_1232 = arith.constant 4 : i32
      %get3A_1233 = arith.index_cast %get3A_1232 : i32 to index
      %get3A_1234 = arith.constant 32 : index
      %get3A_1235 = tpu.vector_load %arg6[%get3A_1233, %get3A_1234] {strides = array<i32>} : memref<64x100xf32, #tpu.memory_space<vmem>>, vector<1x16xf32>,
      %get3A_1236 = vector.shape_cast %get3A_1235 : vector<1x16xf32> to vector<16xf32>
      %add3A_1237 = arith.addf %add3A_1195, %get3A_1236 : vector<16xf32>
      %get3A_1238 = arith.constant 4 : i32
      %get3A_1239 = arith.index_cast %get3A_1238 : i32 to index
      %get3A_1240 = arith.constant 48 : index
      %get3A_1241 = tpu.vector_load %arg6[%get3A_1239, %get3A_1240] {strides = array<i32>} : memref<64x100xf32, #tpu.memory_space<vmem>>, vector<1x16xf32>,
      %get3A_1242 = vector.shape_cast %get3A_1241 : vector<1x16xf32> to vector<16xf32>
      %add3A_1243 = arith.addf %add3A_1201, %get3A_1242 : vector<16xf32>
      %get3A_1244 = arith.constant 4 : i32
      %get3A_1245 = arith.index_cast %get3A_1244 : i32 to index
      %get3A_1246 = arith.constant 64 : index
      %get3A_1247 = tpu.vector_load %arg6[%get3A_1245, %get3A_1246] {strides = array<i32>} : memref<64x100xf32, #tpu.memory_space<vmem>>, vector<1x16xf32>,
      %get3A_1248 = vector.shape_cast %get3A_1247 : vector<1x16xf32> to vector<16xf32>
      %add3A_1249 = arith.addf %add3A_1207, %get3A_1248 : vector<16xf32>
      %get3A_1250 = arith.constant 4 : i32
      %get3A_1251 = arith.index_cast %get3A_1250 : i32 to index
      %get3A_1252 = arith.constant 80 : index
      %get3A_1253 = tpu.vector_load %arg6[%get3A_1251, %get3A_1252] {strides = array<i32>} : memref<64x100xf32, #tpu.memory_space<vmem>>, vector<1x16xf32>,
      %get3A_1254 = vector.shape_cast %get3A_1253 : vector<1x16xf32> to vector<16xf32>
      %add3A_1255 = arith.addf %add3A_1213, %get3A_1254 : vector<16xf32>
      %get3A_1256 = arith.constant 4 : i32
      %get3A_1257 = arith.index_cast %get3A_1256 : i32 to index
      %get3A_1258 = arith.constant 84 : index
      %get3A_1259 = tpu.vector_load %arg6[%get3A_1257, %get3A_1258] {strides = array<i32>} : memref<64x100xf32, #tpu.memory_space<vmem>>, vector<1x16xf32>,
      %get3A_1260 = vector.shape_cast %get3A_1259 : vector<1x16xf32> to vector<16xf32>
      %add3A_1261 = arith.addf %add3A_1219, %get3A_1260 : vector<16xf32>
      %get3A_1262 = arith.constant 5 : i32
      %get3A_1263 = arith.index_cast %get3A_1262 : i32 to index
      %get3A_1264 = arith.constant 0 : index
      %get3A_1265 = tpu.vector_load %arg6[%get3A_1263, %get3A_1264] {strides = array<i32>} : memref<64x100xf32, #tpu.memory_space<vmem>>, vector<1x16xf32>,
      %get3A_1266 = vector.shape_cast %get3A_1265 : vector<1x16xf32> to vector<16xf32>
      %add3A_1267 = arith.addf %add3A_1225, %get3A_1266 : vector<16xf32>
      %get3A_1268 = arith.constant 5 : i32
      %get3A_1269 = arith.index_cast %get3A_1268 : i32 to index
      %get3A_1270 = arith.constant 16 : index
      %get3A_1271 = tpu.vector_load %arg6[%get3A_1269, %get3A_1270] {strides = array<i32>} : memref<64x100xf32, #tpu.memory_space<vmem>>, vector<1x16xf32>,
      %get3A_1272 = vector.shape_cast %get3A_1271 : vector<1x16xf32> to vector<16xf32>
      %add3A_1273 = arith.addf %add3A_1231, %get3A_1272 : vector<16xf32>
      %get3A_1274 = arith.constant 5 : i32
      %get3A_1275 = arith.index_cast %get3A_1274 : i32 to index
      %get3A_1276 = arith.constant 32 : index
      %get3A_1277 = tpu.vector_load %arg6[%get3A_1275, %get3A_1276] {strides = array<i32>} : memref<64x100xf32, #tpu.memory_space<vmem>>, vector<1x16xf32>,
      %get3A_1278 = vector.shape_cast %get3A_1277 : vector<1x16xf32> to vector<16xf32>
      %add3A_1279 = arith.addf %add3A_1237, %get3A_1278 : vector<16xf32>
      %get3A_1280 = arith.constant 5 : i32
      %get3A_1281 = arith.index_cast %get3A_1280 : i32 to index
      %get3A_1282 = arith.constant 48 : index
      %get3A_1283 = tpu.vector_load %arg6[%get3A_1281, %get3A_1282] {strides = array<i32>} : memref<64x100xf32, #tpu.memory_space<vmem>>, vector<1x16xf32>,
      %get3A_1284 = vector.shape_cast %get3A_1283 : vector<1x16xf32> to vector<16xf32>
      %add3A_1285 = arith.addf %add3A_1243, %get3A_1284 : vector<16xf32>
      %get3A_1286 = arith.constant 5 : i32
      %get3A_1287 = arith.index_cast %get3A_1286 : i32 to index
      %get3A_1288 = arith.constant 64 : index
      %get3A_1289 = tpu.vector_load %arg6[%get3A_1287, %get3A_1288] {strides = array<i32>} : memref<64x100xf32, #tpu.memory_space<vmem>>, vector<1x16xf32>,
      %get3A_1290 = vector.shape_cast %get3A_1289 : vector<1x16xf32> to vector<16xf32>
      %add3A_1291 = arith.addf %add3A_1249, %get3A_1290 : vector<16xf32>
      %get3A_1292 = arith.constant 5 : i32
      %get3A_1293 = arith.index_cast %get3A_1292 : i32 to index
      %get3A_1294 = arith.constant 80 : index
      %get3A_1295 = tpu.vector_load %arg6[%get3A_1293, %get3A_1294] {strides = array<i32>} : memref<64x100xf32, #tpu.memory_space<vmem>>, vector<1x16xf32>,
      %get3A_1296 = vector.shape_cast %get3A_1295 : vector<1x16xf32> to vector<16xf32>
      %add3A_1297 = arith.addf %add3A_1255, %get3A_1296 : vector<16xf32>
      %get3A_1298 = arith.constant 5 : i32
      %get3A_1299 = arith.index_cast %get3A_1298 : i32 to index
      %get3A_1300 = arith.constant 84 : index
      %get3A_1301 = tpu.vector_load %arg6[%get3A_1299, %get3A_1300] {strides = array<i32>} : memref<64x100xf32, #tpu.memory_space<vmem>>, vector<1x16xf32>,
      %get3A_1302 = vector.shape_cast %get3A_1301 : vector<1x16xf32> to vector<16xf32>
      %add3A_1303 = arith.addf %add3A_1261, %get3A_1302 : vector<16xf32>
      %get3A_1304 = arith.constant 6 : i32
      %get3A_1305 = arith.index_cast %get3A_1304 : i32 to index
      %get3A_1306 = arith.constant 0 : index
      %get3A_1307 = tpu.vector_load %arg6[%get3A_1305, %get3A_1306] {strides = array<i32>} : memref<64x100xf32, #tpu.memory_space<vmem>>, vector<1x16xf32>,
      %get3A_1308 = vector.shape_cast %get3A_1307 : vector<1x16xf32> to vector<16xf32>
      %add3A_1309 = arith.addf %add3A_1267, %get3A_1308 : vector<16xf32>
      %get3A_1310 = arith.constant 6 : i32
      %get3A_1311 = arith.index_cast %get3A_1310 : i32 to index
      %get3A_1312 = arith.constant 16 : index
      %get3A_1313 = tpu.vector_load %arg6[%get3A_1311, %get3A_1312] {strides = array<i32>} : memref<64x100xf32, #tpu.memory_space<vmem>>, vector<1x16xf32>,
      %get3A_1314 = vector.shape_cast %get3A_1313 : vector<1x16xf32> to vector<16xf32>
      %add3A_1315 = arith.addf %add3A_1273, %get3A_1314 : vector<16xf32>
      %get3A_1316 = arith.constant 6 : i32
      %get3A_1317 = arith.index_cast %get3A_1316 : i32 to index
      %get3A_1318 = arith.constant 32 : index
      %get3A_1319 = tpu.vector_load %arg6[%get3A_1317, %get3A_1318] {strides = array<i32>} : memref<64x100xf32, #tpu.memory_space<vmem>>, vector<1x16xf32>,
      %get3A_1320 = vector.shape_cast %get3A_1319 : vector<1x16xf32> to vector<16xf32>
      %add3A_1321 = arith.addf %add3A_1279, %get3A_1320 : vector<16xf32>
      %get3A_1322 = arith.constant 6 : i32
      %get3A_1323 = arith.index_cast %get3A_1322 : i32 to index
      %get3A_1324 = arith.constant 48 : index
      %get3A_1325 = tpu.vector_load %arg6[%get3A_1323, %get3A_1324] {strides = array<i32>} : memref<64x100xf32, #tpu.memory_space<vmem>>, vector<1x16xf32>,
      %get3A_1326 = vector.shape_cast %get3A_1325 : vector<1x16xf32> to vector<16xf32>
      %add3A_1327 = arith.addf %add3A_1285, %get3A_1326 : vector<16xf32>
      %get3A_1328 = arith.constant 6 : i32
      %get3A_1329 = arith.index_cast %get3A_1328 : i32 to index
      %get3A_1330 = arith.constant 64 : index
      %get3A_1331 = tpu.vector_load %arg6[%get3A_1329, %get3A_1330] {strides = array<i32>} : memref<64x100xf32, #tpu.memory_space<vmem>>, vector<1x16xf32>,
      %get3A_1332 = vector.shape_cast %get3A_1331 : vector<1x16xf32> to vector<16xf32>
      %add3A_1333 = arith.addf %add3A_1291, %get3A_1332 : vector<16xf32>
      %get3A_1334 = arith.constant 6 : i32
      %get3A_1335 = arith.index_cast %get3A_1334 : i32 to index
      %get3A_1336 = arith.constant 80 : index
      %get3A_1337 = tpu.vector_load %arg6[%get3A_1335, %get3A_1336] {strides = array<i32>} : memref<64x100xf32, #tpu.memory_space<vmem>>, vector<1x16xf32>,
      %get3A_1338 = vector.shape_cast %get3A_1337 : vector<1x16xf32> to vector<16xf32>
      %add3A_1339 = arith.addf %add3A_1297, %get3A_1338 : vector<16xf32>
      %get3A_1340 = arith.constant 6 : i32
      %get3A_1341 = arith.index_cast %get3A_1340 : i32 to index
      %get3A_1342 = arith.constant 84 : index
      %get3A_1343 = tpu.vector_load %arg6[%get3A_1341, %get3A_1342] {strides = array<i32>} : memref<64x100xf32, #tpu.memory_space<vmem>>, vector<1x16xf32>,
      %get3A_1344 = vector.shape_cast %get3A_1343 : vector<1x16xf32> to vector<16xf32>
      %add3A_1345 = arith.addf %add3A_1303, %get3A_1344 : vector<16xf32>
      %get3A_1346 = arith.constant 7 : i32
      %get3A_1347 = arith.index_cast %get3A_1346 : i32 to index
      %get3A_1348 = arith.constant 0 : index
      %get3A_1349 = tpu.vector_load %arg6[%get3A_1347, %get3A_1348] {strides = array<i32>} : memref<64x100xf32, #tpu.memory_space<vmem>>, vector<1x16xf32>,
      %get3A_1350 = vector.shape_cast %get3A_1349 : vector<1x16xf32> to vector<16xf32>
      %add3A_1351 = arith.addf %add3A_1309, %get3A_1350 : vector<16xf32>
      %get3A_1352 = arith.constant 7 : i32
      %get3A_1353 = arith.index_cast %get3A_1352 : i32 to index
      %get3A_1354 = arith.constant 16 : index
      %get3A_1355 = tpu.vector_load %arg6[%get3A_1353, %get3A_1354] {strides = array<i32>} : memref<64x100xf32, #tpu.memory_space<vmem>>, vector<1x16xf32>,
      %get3A_1356 = vector.shape_cast %get3A_1355 : vector<1x16xf32> to vector<16xf32>
      %add3A_1357 = arith.addf %add3A_1315, %get3A_1356 : vector<16xf32>
      %get3A_1358 = arith.constant 7 : i32
      %get3A_1359 = arith.index_cast %get3A_1358 : i32 to index
      %get3A_1360 = arith.constant 32 : index
      %get3A_1361 = tpu.vector_load %arg6[%get3A_1359, %get3A_1360] {strides = array<i32>} : memref<64x100xf32, #tpu.memory_space<vmem>>, vector<1x16xf32>,
      %get3A_1362 = vector.shape_cast %get3A_1361 : vector<1x16xf32> to vector<16xf32>
      %add3A_1363 = arith.addf %add3A_1321, %get3A_1362 : vector<16xf32>
      %get3A_1364 = arith.constant 7 : i32
      %get3A_1365 = arith.index_cast %get3A_1364 : i32 to index
      %get3A_1366 = arith.constant 48 : index
      %get3A_1367 = tpu.vector_load %arg6[%get3A_1365, %get3A_1366] {strides = array<i32>} : memref<64x100xf32, #tpu.memory_space<vmem>>, vector<1x16xf32>,
      %get3A_1368 = vector.shape_cast %get3A_1367 : vector<1x16xf32> to vector<16xf32>
      %add3A_1369 = arith.addf %add3A_1327, %get3A_1368 : vector<16xf32>
      %get3A_1370 = arith.constant 7 : i32
      %get3A_1371 = arith.index_cast %get3A_1370 : i32 to index
      %get3A_1372 = arith.constant 64 : index
      %get3A_1373 = tpu.vector_load %arg6[%get3A_1371, %get3A_1372] {strides = array<i32>} : memref<64x100xf32, #tpu.memory_space<vmem>>, vector<1x16xf32>,
      %get3A_1374 = vector.shape_cast %get3A_1373 : vector<1x16xf32> to vector<16xf32>
      %add3A_1375 = arith.addf %add3A_1333, %get3A_1374 : vector<16xf32>
      %get3A_1376 = arith.constant 7 : i32
      %get3A_1377 = arith.index_cast %get3A_1376 : i32 to index
      %get3A_1378 = arith.constant 80 : index
      %get3A_1379 = tpu.vector_load %arg6[%get3A_1377, %get3A_1378] {strides = array<i32>} : memref<64x100xf32, #tpu.memory_space<vmem>>, vector<1x16xf32>,
      %get3A_1380 = vector.shape_cast %get3A_1379 : vector<1x16xf32> to vector<16xf32>
      %add3A_1381 = arith.addf %add3A_1339, %get3A_1380 : vector<16xf32>
      %get3A_1382 = arith.constant 7 : i32
      %get3A_1383 = arith.index_cast %get3A_1382 : i32 to index
      %get3A_1384 = arith.constant 84 : index
      %get3A_1385 = tpu.vector_load %arg6[%get3A_1383, %get3A_1384] {strides = array<i32>} : memref<64x100xf32, #tpu.memory_space<vmem>>, vector<1x16xf32>,
      %get3A_1386 = vector.shape_cast %get3A_1385 : vector<1x16xf32> to vector<16xf32>
      %add3A_1387 = arith.addf %add3A_1345, %get3A_1386 : vector<16xf32>
      %get3A_1388 = arith.constant 8 : i32
      %get3A_1389 = arith.index_cast %get3A_1388 : i32 to index
      %get3A_1390 = arith.constant 0 : index
      %get3A_1391 = tpu.vector_load %arg6[%get3A_1389, %get3A_1390] {strides = array<i32>} : memref<64x100xf32, #tpu.memory_space<vmem>>, vector<1x16xf32>,
      %get3A_1392 = vector.shape_cast %get3A_1391 : vector<1x16xf32> to vector<16xf32>
      %add3A_1393 = arith.addf %add3A_1351, %get3A_1392 : vector<16xf32>
      %get3A_1394 = arith.constant 8 : i32
      %get3A_1395 = arith.index_cast %get3A_1394 : i32 to index
      %get3A_1396 = arith.constant 16 : index
      %get3A_1397 = tpu.vector_load %arg6[%get3A_1395, %get3A_1396] {strides = array<i32>} : memref<64x100xf32, #tpu.memory_space<vmem>>, vector<1x16xf32>,
      %get3A_1398 = vector.shape_cast %get3A_1397 : vector<1x16xf32> to vector<16xf32>
      %add3A_1399 = arith.addf %add3A_1357, %get3A_1398 : vector<16xf32>
      %get3A_1400 = arith.constant 8 : i32
      %get3A_1401 = arith.index_cast %get3A_1400 : i32 to index
      %get3A_1402 = arith.constant 32 : index
      %get3A_1403 = tpu.vector_load %arg6[%get3A_1401, %get3A_1402] {strides = array<i32>} : memref<64x100xf32, #tpu.memory_space<vmem>>, vector<1x16xf32>,
      %get3A_1404 = vector.shape_cast %get3A_1403 : vector<1x16xf32> to vector<16xf32>
      %add3A_1405 = arith.addf %add3A_1363, %get3A_1404 : vector<16xf32>
      %get3A_1406 = arith.constant 8 : i32
      %get3A_1407 = arith.index_cast %get3A_1406 : i32 to index
      %get3A_1408 = arith.constant 48 : index
      %get3A_1409 = tpu.vector_load %arg6[%get3A_1407, %get3A_1408] {strides = array<i32>} : memref<64x100xf32, #tpu.memory_space<vmem>>, vector<1x16xf32>,
      %get3A_1410 = vector.shape_cast %get3A_1409 : vector<1x16xf32> to vector<16xf32>
      %add3A_1411 = arith.addf %add3A_1369, %get3A_1410 : vector<16xf32>
      %get3A_1412 = arith.constant 8 : i32
      %get3A_1413 = arith.index_cast %get3A_1412 : i32 to index
      %get3A_1414 = arith.constant 64 : index
      %get3A_1415 = tpu.vector_load %arg6[%get3A_1413, %get3A_1414] {strides = array<i32>} : memref<64x100xf32, #tpu.memory_space<vmem>>, vector<1x16xf32>,
      %get3A_1416 = vector.shape_cast %get3A_1415 : vector<1x16xf32> to vector<16xf32>
      %add3A_1417 = arith.addf %add3A_1375, %get3A_1416 : vector<16xf32>
      %get3A_1418 = arith.constant 8 : i32
      %get3A_1419 = arith.index_cast %get3A_1418 : i32 to index
      %get3A_1420 = arith.constant 80 : index
      %get3A_1421 = tpu.vector_load %arg6[%get3A_1419, %get3A_1420] {strides = array<i32>} : memref<64x100xf32, #tpu.memory_space<vmem>>, vector<1x16xf32>,
      %get3A_1422 = vector.shape_cast %get3A_1421 : vector<1x16xf32> to vector<16xf32>
      %add3A_1423 = arith.addf %add3A_1381, %get3A_1422 : vector<16xf32>
      %get3A_1424 = arith.constant 8 : i32
      %get3A_1425 = arith.index_cast %get3A_1424 : i32 to index
      %get3A_1426 = arith.constant 84 : index
      %get3A_1427 = tpu.vector_load %arg6[%get3A_1425, %get3A_1426] {strides = array<i32>} : memref<64x100xf32, #tpu.memory_space<vmem>>, vector<1x16xf32>,
      %get3A_1428 = vector.shape_cast %get3A_1427 : vector<1x16xf32> to vector<16xf32>
      %add3A_1429 = arith.addf %add3A_1387, %get3A_1428 : vector<16xf32>
      %get3A_1430 = arith.constant 9 : i32
      %get3A_1431 = arith.index_cast %get3A_1430 : i32 to index
      %get3A_1432 = arith.constant 0 : index
      %get3A_1433 = tpu.vector_load %arg6[%get3A_1431, %get3A_1432] {strides = array<i32>} : memref<64x100xf32, #tpu.memory_space<vmem>>, vector<1x16xf32>,
      %get3A_1434 = vector.shape_cast %get3A_1433 : vector<1x16xf32> to vector<16xf32>
      %add3A_1435 = arith.addf %add3A_1393, %get3A_1434 : vector<16xf32>
      %get3A_1436 = arith.constant 9 : i32
      %get3A_1437 = arith.index_cast %get3A_1436 : i32 to index
      %get3A_1438 = arith.constant 16 : index
      %get3A_1439 = tpu.vector_load %arg6[%get3A_1437, %get3A_1438] {strides = array<i32>} : memref<64x100xf32, #tpu.memory_space<vmem>>, vector<1x16xf32>,
      %get3A_1440 = vector.shape_cast %get3A_1439 : vector<1x16xf32> to vector<16xf32>
      %add3A_1441 = arith.addf %add3A_1399, %get3A_1440 : vector<16xf32>
      %get3A_1442 = arith.constant 9 : i32
      %get3A_1443 = arith.index_cast %get3A_1442 : i32 to index
      %get3A_1444 = arith.constant 32 : index
      %get3A_1445 = tpu.vector_load %arg6[%get3A_1443, %get3A_1444] {strides = array<i32>} : memref<64x100xf32, #tpu.memory_space<vmem>>, vector<1x16xf32>,
      %get3A_1446 = vector.shape_cast %get3A_1445 : vector<1x16xf32> to vector<16xf32>
      %add3A_1447 = arith.addf %add3A_1405, %get3A_1446 : vector<16xf32>
      %get3A_1448 = arith.constant 9 : i32
      %get3A_1449 = arith.index_cast %get3A_1448 : i32 to index
      %get3A_1450 = arith.constant 48 : index
      %get3A_1451 = tpu.vector_load %arg6[%get3A_1449, %get3A_1450] {strides = array<i32>} : memref<64x100xf32, #tpu.memory_space<vmem>>, vector<1x16xf32>,
      %get3A_1452 = vector.shape_cast %get3A_1451 : vector<1x16xf32> to vector<16xf32>
      %add3A_1453 = arith.addf %add3A_1411, %get3A_1452 : vector<16xf32>
      %get3A_1454 = arith.constant 9 : i32
      %get3A_1455 = arith.index_cast %get3A_1454 : i32 to index
      %get3A_1456 = arith.constant 64 : index
      %get3A_1457 = tpu.vector_load %arg6[%get3A_1455, %get3A_1456] {strides = array<i32>} : memref<64x100xf32, #tpu.memory_space<vmem>>, vector<1x16xf32>,
      %get3A_1458 = vector.shape_cast %get3A_1457 : vector<1x16xf32> to vector<16xf32>
      %add3A_1459 = arith.addf %add3A_1417, %get3A_1458 : vector<16xf32>
      %get3A_1460 = arith.constant 9 : i32
      %get3A_1461 = arith.index_cast %get3A_1460 : i32 to index
      %get3A_1462 = arith.constant 80 : index
      %get3A_1463 = tpu.vector_load %arg6[%get3A_1461, %get3A_1462] {strides = array<i32>} : memref<64x100xf32, #tpu.memory_space<vmem>>, vector<1x16xf32>,
      %get3A_1464 = vector.shape_cast %get3A_1463 : vector<1x16xf32> to vector<16xf32>
      %add3A_1465 = arith.addf %add3A_1423, %get3A_1464 : vector<16xf32>
      %get3A_1466 = arith.constant 9 : i32
      %get3A_1467 = arith.index_cast %get3A_1466 : i32 to index
      %get3A_1468 = arith.constant 84 : index
      %get3A_1469 = tpu.vector_load %arg6[%get3A_1467, %get3A_1468] {strides = array<i32>} : memref<64x100xf32, #tpu.memory_space<vmem>>, vector<1x16xf32>,
      %get3A_1470 = vector.shape_cast %get3A_1469 : vector<1x16xf32> to vector<16xf32>
      %add3A_1471 = arith.addf %add3A_1429, %get3A_1470 : vector<16xf32>
      %get3A_1472 = arith.constant 10 : i32
      %get3A_1473 = arith.index_cast %get3A_1472 : i32 to index
      %get3A_1474 = arith.constant 0 : index
      %get3A_1475 = tpu.vector_load %arg6[%get3A_1473, %get3A_1474] {strides = array<i32>} : memref<64x100xf32, #tpu.memory_space<vmem>>, vector<1x16xf32>,
      %get3A_1476 = vector.shape_cast %get3A_1475 : vector<1x16xf32> to vector<16xf32>
      %add3A_1477 = arith.addf %add3A_1435, %get3A_1476 : vector<16xf32>
      %get3A_1478 = arith.constant 10 : i32
      %get3A_1479 = arith.index_cast %get3A_1478 : i32 to index
      %get3A_1480 = arith.constant 16 : index
      %get3A_1481 = tpu.vector_load %arg6[%get3A_1479, %get3A_1480] {strides = array<i32>} : memref<64x100xf32, #tpu.memory_space<vmem>>, vector<1x16xf32>,
      %get3A_1482 = vector.shape_cast %get3A_1481 : vector<1x16xf32> to vector<16xf32>
      %add3A_1483 = arith.addf %add3A_1441, %get3A_1482 : vector<16xf32>
      %get3A_1484 = arith.constant 10 : i32
      %get3A_1485 = arith.index_cast %get3A_1484 : i32 to index
      %get3A_1486 = arith.constant 32 : index
      %get3A_1487 = tpu.vector_load %arg6[%get3A_1485, %get3A_1486] {strides = array<i32>} : memref<64x100xf32, #tpu.memory_space<vmem>>, vector<1x16xf32>,
      %get3A_1488 = vector.shape_cast %get3A_1487 : vector<1x16xf32> to vector<16xf32>
      %add3A_1489 = arith.addf %add3A_1447, %get3A_1488 : vector<16xf32>
      %get3A_1490 = arith.constant 10 : i32
      %get3A_1491 = arith.index_cast %get3A_1490 : i32 to index
      %get3A_1492 = arith.constant 48 : index
      %get3A_1493 = tpu.vector_load %arg6[%get3A_1491, %get3A_1492] {strides = array<i32>} : memref<64x100xf32, #tpu.memory_space<vmem>>, vector<1x16xf32>,
      %get3A_1494 = vector.shape_cast %get3A_1493 : vector<1x16xf32> to vector<16xf32>
      %add3A_1495 = arith.addf %add3A_1453, %get3A_1494 : vector<16xf32>
      %get3A_1496 = arith.constant 10 : i32
      %get3A_1497 = arith.index_cast %get3A_1496 : i32 to index
      %get3A_1498 = arith.constant 64 : index
      %get3A_1499 = tpu.vector_load %arg6[%get3A_1497, %get3A_1498] {strides = array<i32>} : memref<64x100xf32, #tpu.memory_space<vmem>>, vector<1x16xf32>,
      %get3A_1500 = vector.shape_cast %get3A_1499 : vector<1x16xf32> to vector<16xf32>
      %add3A_1501 = arith.addf %add3A_1459, %get3A_1500 : vector<16xf32>
      %get3A_1502 = arith.constant 10 : i32
      %get3A_1503 = arith.index_cast %get3A_1502 : i32 to index
      %get3A_1504 = arith.constant 80 : index
      %get3A_1505 = tpu.vector_load %arg6[%get3A_1503, %get3A_1504] {strides = array<i32>} : memref<64x100xf32, #tpu.memory_space<vmem>>, vector<1x16xf32>,
      %get3A_1506 = vector.shape_cast %get3A_1505 : vector<1x16xf32> to vector<16xf32>
      %add3A_1507 = arith.addf %add3A_1465, %get3A_1506 : vector<16xf32>
      %get3A_1508 = arith.constant 10 : i32
      %get3A_1509 = arith.index_cast %get3A_1508 : i32 to index
      %get3A_1510 = arith.constant 84 : index
      %get3A_1511 = tpu.vector_load %arg6[%get3A_1509, %get3A_1510] {strides = array<i32>} : memref<64x100xf32, #tpu.memory_space<vmem>>, vector<1x16xf32>,
      %get3A_1512 = vector.shape_cast %get3A_1511 : vector<1x16xf32> to vector<16xf32>
      %add3A_1513 = arith.addf %add3A_1471, %get3A_1512 : vector<16xf32>
      %get3A_1514 = arith.constant 11 : i32
      %get3A_1515 = arith.index_cast %get3A_1514 : i32 to index
      %get3A_1516 = arith.constant 0 : index
      %get3A_1517 = tpu.vector_load %arg6[%get3A_1515, %get3A_1516] {strides = array<i32>} : memref<64x100xf32, #tpu.memory_space<vmem>>, vector<1x16xf32>,
      %get3A_1518 = vector.shape_cast %get3A_1517 : vector<1x16xf32> to vector<16xf32>
      %add3A_1519 = arith.addf %add3A_1477, %get3A_1518 : vector<16xf32>
      %get3A_1520 = arith.constant 11 : i32
      %get3A_1521 = arith.index_cast %get3A_1520 : i32 to index
      %get3A_1522 = arith.constant 16 : index
      %get3A_1523 = tpu.vector_load %arg6[%get3A_1521, %get3A_1522] {strides = array<i32>} : memref<64x100xf32, #tpu.memory_space<vmem>>, vector<1x16xf32>,
      %get3A_1524 = vector.shape_cast %get3A_1523 : vector<1x16xf32> to vector<16xf32>
      %add3A_1525 = arith.addf %add3A_1483, %get3A_1524 : vector<16xf32>
      %get3A_1526 = arith.constant 11 : i32
      %get3A_1527 = arith.index_cast %get3A_1526 : i32 to index
      %get3A_1528 = arith.constant 32 : index
      %get3A_1529 = tpu.vector_load %arg6[%get3A_1527, %get3A_1528] {strides = array<i32>} : memref<64x100xf32, #tpu.memory_space<vmem>>, vector<1x16xf32>,
      %get3A_1530 = vector.shape_cast %get3A_1529 : vector<1x16xf32> to vector<16xf32>
      %add3A_1531 = arith.addf %add3A_1489, %get3A_1530 : vector<16xf32>
      %get3A_1532 = arith.constant 11 : i32
      %get3A_1533 = arith.index_cast %get3A_1532 : i32 to index
      %get3A_1534 = arith.constant 48 : index
      %get3A_1535 = tpu.vector_load %arg6[%get3A_1533, %get3A_1534] {strides = array<i32>} : memref<64x100xf32, #tpu.memory_space<vmem>>, vector<1x16xf32>,
      %get3A_1536 = vector.shape_cast %get3A_1535 : vector<1x16xf32> to vector<16xf32>
      %add3A_1537 = arith.addf %add3A_1495, %get3A_1536 : vector<16xf32>
      %get3A_1538 = arith.constant 11 : i32
      %get3A_1539 = arith.index_cast %get3A_1538 : i32 to index
      %get3A_1540 = arith.constant 64 : index
      %get3A_1541 = tpu.vector_load %arg6[%get3A_1539, %get3A_1540] {strides = array<i32>} : memref<64x100xf32, #tpu.memory_space<vmem>>, vector<1x16xf32>,
      %get3A_1542 = vector.shape_cast %get3A_1541 : vector<1x16xf32> to vector<16xf32>
      %add3A_1543 = arith.addf %add3A_1501, %get3A_1542 : vector<16xf32>
      %get3A_1544 = arith.constant 11 : i32
      %get3A_1545 = arith.index_cast %get3A_1544 : i32 to index
      %get3A_1546 = arith.constant 80 : index
      %get3A_1547 = tpu.vector_load %arg6[%get3A_1545, %get3A_1546] {strides = array<i32>} : memref<64x100xf32, #tpu.memory_space<vmem>>, vector<1x16xf32>,
      %get3A_1548 = vector.shape_cast %get3A_1547 : vector<1x16xf32> to vector<16xf32>
      %add3A_1549 = arith.addf %add3A_1507, %get3A_1548 : vector<16xf32>
      %get3A_1550 = arith.constant 11 : i32
      %get3A_1551 = arith.index_cast %get3A_1550 : i32 to index
      %get3A_1552 = arith.constant 84 : index
      %get3A_1553 = tpu.vector_load %arg6[%get3A_1551, %get3A_1552] {strides = array<i32>} : memref<64x100xf32, #tpu.memory_space<vmem>>, vector<1x16xf32>,
      %get3A_1554 = vector.shape_cast %get3A_1553 : vector<1x16xf32> to vector<16xf32>
      %add3A_1555 = arith.addf %add3A_1513, %get3A_1554 : vector<16xf32>
      %get3A_1556 = arith.constant 12 : i32
      %get3A_1557 = arith.index_cast %get3A_1556 : i32 to index
      %get3A_1558 = arith.constant 0 : index
      %get3A_1559 = tpu.vector_load %arg6[%get3A_1557, %get3A_1558] {strides = array<i32>} : memref<64x100xf32, #tpu.memory_space<vmem>>, vector<1x16xf32>,
      %get3A_1560 = vector.shape_cast %get3A_1559 : vector<1x16xf32> to vector<16xf32>
      %add3A_1561 = arith.addf %add3A_1519, %get3A_1560 : vector<16xf32>
      %get3A_1562 = arith.constant 12 : i32
      %get3A_1563 = arith.index_cast %get3A_1562 : i32 to index
      %get3A_1564 = arith.constant 16 : index
      %get3A_1565 = tpu.vector_load %arg6[%get3A_1563, %get3A_1564] {strides = array<i32>} : memref<64x100xf32, #tpu.memory_space<vmem>>, vector<1x16xf32>,
      %get3A_1566 = vector.shape_cast %get3A_1565 : vector<1x16xf32> to vector<16xf32>
      %add3A_1567 = arith.addf %add3A_1525, %get3A_1566 : vector<16xf32>
      %get3A_1568 = arith.constant 12 : i32
      %get3A_1569 = arith.index_cast %get3A_1568 : i32 to index
      %get3A_1570 = arith.constant 32 : index
      %get3A_1571 = tpu.vector_load %arg6[%get3A_1569, %get3A_1570] {strides = array<i32>} : memref<64x100xf32, #tpu.memory_space<vmem>>, vector<1x16xf32>,
      %get3A_1572 = vector.shape_cast %get3A_1571 : vector<1x16xf32> to vector<16xf32>
      %add3A_1573 = arith.addf %add3A_1531, %get3A_1572 : vector<16xf32>
      %get3A_1574 = arith.constant 12 : i32
      %get3A_1575 = arith.index_cast %get3A_1574 : i32 to index
      %get3A_1576 = arith.constant 48 : index
      %get3A_1577 = tpu.vector_load %arg6[%get3A_1575, %get3A_1576] {strides = array<i32>} : memref<64x100xf32, #tpu.memory_space<vmem>>, vector<1x16xf32>,
      %get3A_1578 = vector.shape_cast %get3A_1577 : vector<1x16xf32> to vector<16xf32>
      %add3A_1579 = arith.addf %add3A_1537, %get3A_1578 : vector<16xf32>
      %get3A_1580 = arith.constant 12 : i32
      %get3A_1581 = arith.index_cast %get3A_1580 : i32 to index
      %get3A_1582 = arith.constant 64 : index
      %get3A_1583 = tpu.vector_load %arg6[%get3A_1581, %get3A_1582] {strides = array<i32>} : memref<64x100xf32, #tpu.memory_space<vmem>>, vector<1x16xf32>,
      %get3A_1584 = vector.shape_cast %get3A_1583 : vector<1x16xf32> to vector<16xf32>
      %add3A_1585 = arith.addf %add3A_1543, %get3A_1584 : vector<16xf32>
      %get3A_1586 = arith.constant 12 : i32
      %get3A_1587 = arith.index_cast %get3A_1586 : i32 to index
      %get3A_1588 = arith.constant 80 : index
      %get3A_1589 = tpu.vector_load %arg6[%get3A_1587, %get3A_1588] {strides = array<i32>} : memref<64x100xf32, #tpu.memory_space<vmem>>, vector<1x16xf32>,
      %get3A_1590 = vector.shape_cast %get3A_1589 : vector<1x16xf32> to vector<16xf32>
      %add3A_1591 = arith.addf %add3A_1549, %get3A_1590 : vector<16xf32>
      %get3A_1592 = arith.constant 12 : i32
      %get3A_1593 = arith.index_cast %get3A_1592 : i32 to index
      %get3A_1594 = arith.constant 84 : index
      %get3A_1595 = tpu.vector_load %arg6[%get3A_1593, %get3A_1594] {strides = array<i32>} : memref<64x100xf32, #tpu.memory_space<vmem>>, vector<1x16xf32>,
      %get3A_1596 = vector.shape_cast %get3A_1595 : vector<1x16xf32> to vector<16xf32>
      %add3A_1597 = arith.addf %add3A_1555, %get3A_1596 : vector<16xf32>
      %get3A_1598 = arith.constant 13 : i32
      %get3A_1599 = arith.index_cast %get3A_1598 : i32 to index
      %get3A_1600 = arith.constant 0 : index
      %get3A_1601 = tpu.vector_load %arg6[%get3A_1599, %get3A_1600] {strides = array<i32>} : memref<64x100xf32, #tpu.memory_space<vmem>>, vector<1x16xf32>,
      %get3A_1602 = vector.shape_cast %get3A_1601 : vector<1x16xf32> to vector<16xf32>
      %add3A_1603 = arith.addf %add3A_1561, %get3A_1602 : vector<16xf32>
      %get3A_1604 = arith.constant 13 : i32
      %get3A_1605 = arith.index_cast %get3A_1604 : i32 to index
      %get3A_1606 = arith.constant 16 : index
      %get3A_1607 = tpu.vector_load %arg6[%get3A_1605, %get3A_1606] {strides = array<i32>} : memref<64x100xf32, #tpu.memory_space<vmem>>, vector<1x16xf32>,
      %get3A_1608 = vector.shape_cast %get3A_1607 : vector<1x16xf32> to vector<16xf32>
      %add3A_1609 = arith.addf %add3A_1567, %get3A_1608 : vector<16xf32>
      %get3A_1610 = arith.constant 13 : i32
      %get3A_1611 = arith.index_cast %get3A_1610 : i32 to index
      %get3A_1612 = arith.constant 32 : index
      %get3A_1613 = tpu.vector_load %arg6[%get3A_1611, %get3A_1612] {strides = array<i32>} : memref<64x100xf32, #tpu.memory_space<vmem>>, vector<1x16xf32>,
      %get3A_1614 = vector.shape_cast %get3A_1613 : vector<1x16xf32> to vector<16xf32>
      %add3A_1615 = arith.addf %add3A_1573, %get3A_1614 : vector<16xf32>
      %get3A_1616 = arith.constant 13 : i32
      %get3A_1617 = arith.index_cast %get3A_1616 : i32 to index
      %get3A_1618 = arith.constant 48 : index
      %get3A_1619 = tpu.vector_load %arg6[%get3A_1617, %get3A_1618] {strides = array<i32>} : memref<64x100xf32, #tpu.memory_space<vmem>>, vector<1x16xf32>,
      %get3A_1620 = vector.shape_cast %get3A_1619 : vector<1x16xf32> to vector<16xf32>
      %add3A_1621 = arith.addf %add3A_1579, %get3A_1620 : vector<16xf32>
      %get3A_1622 = arith.constant 13 : i32
      %get3A_1623 = arith.index_cast %get3A_1622 : i32 to index
      %get3A_1624 = arith.constant 64 : index
      %get3A_1625 = tpu.vector_load %arg6[%get3A_1623, %get3A_1624] {strides = array<i32>} : memref<64x100xf32, #tpu.memory_space<vmem>>, vector<1x16xf32>,
      %get3A_1626 = vector.shape_cast %get3A_1625 : vector<1x16xf32> to vector<16xf32>
      %add3A_1627 = arith.addf %add3A_1585, %get3A_1626 : vector<16xf32>
      %get3A_1628 = arith.constant 13 : i32
      %get3A_1629 = arith.index_cast %get3A_1628 : i32 to index
      %get3A_1630 = arith.constant 80 : index
      %get3A_1631 = tpu.vector_load %arg6[%get3A_1629, %get3A_1630] {strides = array<i32>} : memref<64x100xf32, #tpu.memory_space<vmem>>, vector<1x16xf32>,
      %get3A_1632 = vector.shape_cast %get3A_1631 : vector<1x16xf32> to vector<16xf32>
      %add3A_1633 = arith.addf %add3A_1591, %get3A_1632 : vector<16xf32>
      %get3A_1634 = arith.constant 13 : i32
      %get3A_1635 = arith.index_cast %get3A_1634 : i32 to index
      %get3A_1636 = arith.constant 84 : index
      %get3A_1637 = tpu.vector_load %arg6[%get3A_1635, %get3A_1636] {strides = array<i32>} : memref<64x100xf32, #tpu.memory_space<vmem>>, vector<1x16xf32>,
      %get3A_1638 = vector.shape_cast %get3A_1637 : vector<1x16xf32> to vector<16xf32>
      %add3A_1639 = arith.addf %add3A_1597, %get3A_1638 : vector<16xf32>
      %get3A_1640 = arith.constant 14 : i32
      %get3A_1641 = arith.index_cast %get3A_1640 : i32 to index
      %get3A_1642 = arith.constant 0 : index
      %get3A_1643 = tpu.vector_load %arg6[%get3A_1641, %get3A_1642] {strides = array<i32>} : memref<64x100xf32, #tpu.memory_space<vmem>>, vector<1x16xf32>,
      %get3A_1644 = vector.shape_cast %get3A_1643 : vector<1x16xf32> to vector<16xf32>
      %add3A_1645 = arith.addf %add3A_1603, %get3A_1644 : vector<16xf32>
      %get3A_1646 = arith.constant 14 : i32
      %get3A_1647 = arith.index_cast %get3A_1646 : i32 to index
      %get3A_1648 = arith.constant 16 : index
      %get3A_1649 = tpu.vector_load %arg6[%get3A_1647, %get3A_1648] {strides = array<i32>} : memref<64x100xf32, #tpu.memory_space<vmem>>, vector<1x16xf32>,
      %get3A_1650 = vector.shape_cast %get3A_1649 : vector<1x16xf32> to vector<16xf32>
      %add3A_1651 = arith.addf %add3A_1609, %get3A_1650 : vector<16xf32>
      %get3A_1652 = arith.constant 14 : i32
      %get3A_1653 = arith.index_cast %get3A_1652 : i32 to index
      %get3A_1654 = arith.constant 32 : index
      %get3A_1655 = tpu.vector_load %arg6[%get3A_1653, %get3A_1654] {strides = array<i32>} : memref<64x100xf32, #tpu.memory_space<vmem>>, vector<1x16xf32>,
      %get3A_1656 = vector.shape_cast %get3A_1655 : vector<1x16xf32> to vector<16xf32>
      %add3A_1657 = arith.addf %add3A_1615, %get3A_1656 : vector<16xf32>
      %get3A_1658 = arith.constant 14 : i32
      %get3A_1659 = arith.index_cast %get3A_1658 : i32 to index
      %get3A_1660 = arith.constant 48 : index
      %get3A_1661 = tpu.vector_load %arg6[%get3A_1659, %get3A_1660] {strides = array<i32>} : memref<64x100xf32, #tpu.memory_space<vmem>>, vector<1x16xf32>,
      %get3A_1662 = vector.shape_cast %get3A_1661 : vector<1x16xf32> to vector<16xf32>
      %add3A_1663 = arith.addf %add3A_1621, %get3A_1662 : vector<16xf32>
      %get3A_1664 = arith.constant 14 : i32
      %get3A_1665 = arith.index_cast %get3A_1664 : i32 to index
      %get3A_1666 = arith.constant 64 : index
      %get3A_1667 = tpu.vector_load %arg6[%get3A_1665, %get3A_1666] {strides = array<i32>} : memref<64x100xf32, #tpu.memory_space<vmem>>, vector<1x16xf32>,
      %get3A_1668 = vector.shape_cast %get3A_1667 : vector<1x16xf32> to vector<16xf32>
      %add3A_1669 = arith.addf %add3A_1627, %get3A_1668 : vector<16xf32>
      %get3A_1670 = arith.constant 14 : i32
      %get3A_1671 = arith.index_cast %get3A_1670 : i32 to index
      %get3A_1672 = arith.constant 80 : index
      %get3A_1673 = tpu.vector_load %arg6[%get3A_1671, %get3A_1672] {strides = array<i32>} : memref<64x100xf32, #tpu.memory_space<vmem>>, vector<1x16xf32>,
      %get3A_1674 = vector.shape_cast %get3A_1673 : vector<1x16xf32> to vector<16xf32>
      %add3A_1675 = arith.addf %add3A_1633, %get3A_1674 : vector<16xf32>
      %get3A_1676 = arith.constant 14 : i32
      %get3A_1677 = arith.index_cast %get3A_1676 : i32 to index
      %get3A_1678 = arith.constant 84 : index
      %get3A_1679 = tpu.vector_load %arg6[%get3A_1677, %get3A_1678] {strides = array<i32>} : memref<64x100xf32, #tpu.memory_space<vmem>>, vector<1x16xf32>,
      %get3A_1680 = vector.shape_cast %get3A_1679 : vector<1x16xf32> to vector<16xf32>
      %add3A_1681 = arith.addf %add3A_1639, %get3A_1680 : vector<16xf32>
      %get3A_1682 = arith.constant 15 : i32
      %get3A_1683 = arith.index_cast %get3A_1682 : i32 to index
      %get3A_1684 = arith.constant 0 : index
      %get3A_1685 = tpu.vector_load %arg6[%get3A_1683, %get3A_1684] {strides = array<i32>} : memref<64x100xf32, #tpu.memory_space<vmem>>, vector<1x16xf32>,
      %get3A_1686 = vector.shape_cast %get3A_1685 : vector<1x16xf32> to vector<16xf32>
      %add3A_1687 = arith.addf %add3A_1645, %get3A_1686 : vector<16xf32>
      %get3A_1688 = arith.constant 15 : i32
      %get3A_1689 = arith.index_cast %get3A_1688 : i32 to index
      %get3A_1690 = arith.constant 16 : index
      %get3A_1691 = tpu.vector_load %arg6[%get3A_1689, %get3A_1690] {strides = array<i32>} : memref<64x100xf32, #tpu.memory_space<vmem>>, vector<1x16xf32>,
      %get3A_1692 = vector.shape_cast %get3A_1691 : vector<1x16xf32> to vector<16xf32>
      %add3A_1693 = arith.addf %add3A_1651, %get3A_1692 : vector<16xf32>
      %get3A_1694 = arith.constant 15 : i32
      %get3A_1695 = arith.index_cast %get3A_1694 : i32 to index
      %get3A_1696 = arith.constant 32 : index
      %get3A_1697 = tpu.vector_load %arg6[%get3A_1695, %get3A_1696] {strides = array<i32>} : memref<64x100xf32, #tpu.memory_space<vmem>>, vector<1x16xf32>,
      %get3A_1698 = vector.shape_cast %get3A_1697 : vector<1x16xf32> to vector<16xf32>
      %add3A_1699 = arith.addf %add3A_1657, %get3A_1698 : vector<16xf32>
      %get3A_1700 = arith.constant 15 : i32
      %get3A_1701 = arith.index_cast %get3A_1700 : i32 to index
      %get3A_1702 = arith.constant 48 : index
      %get3A_1703 = tpu.vector_load %arg6[%get3A_1701, %get3A_1702] {strides = array<i32>} : memref<64x100xf32, #tpu.memory_space<vmem>>, vector<1x16xf32>,
      %get3A_1704 = vector.shape_cast %get3A_1703 : vector<1x16xf32> to vector<16xf32>
      %add3A_1705 = arith.addf %add3A_1663, %get3A_1704 : vector<16xf32>
      %get3A_1706 = arith.constant 15 : i32
      %get3A_1707 = arith.index_cast %get3A_1706 : i32 to index
      %get3A_1708 = arith.constant 64 : index
      %get3A_1709 = tpu.vector_load %arg6[%get3A_1707, %get3A_1708] {strides = array<i32>} : memref<64x100xf32, #tpu.memory_space<vmem>>, vector<1x16xf32>,
      %get3A_1710 = vector.shape_cast %get3A_1709 : vector<1x16xf32> to vector<16xf32>
      %add3A_1711 = arith.addf %add3A_1669, %get3A_1710 : vector<16xf32>
      %get3A_1712 = arith.constant 15 : i32
      %get3A_1713 = arith.index_cast %get3A_1712 : i32 to index
      %get3A_1714 = arith.constant 80 : index
      %get3A_1715 = tpu.vector_load %arg6[%get3A_1713, %get3A_1714] {strides = array<i32>} : memref<64x100xf32, #tpu.memory_space<vmem>>, vector<1x16xf32>,
      %get3A_1716 = vector.shape_cast %get3A_1715 : vector<1x16xf32> to vector<16xf32>
      %add3A_1717 = arith.addf %add3A_1675, %get3A_1716 : vector<16xf32>
      %get3A_1718 = arith.constant 15 : i32
      %get3A_1719 = arith.index_cast %get3A_1718 : i32 to index
      %get3A_1720 = arith.constant 84 : index
      %get3A_1721 = tpu.vector_load %arg6[%get3A_1719, %get3A_1720] {strides = array<i32>} : memref<64x100xf32, #tpu.memory_space<vmem>>, vector<1x16xf32>,
      %get3A_1722 = vector.shape_cast %get3A_1721 : vector<1x16xf32> to vector<16xf32>
      %add3A_1723 = arith.addf %add3A_1681, %get3A_1722 : vector<16xf32>
      %get3A_1724 = arith.constant 16 : i32
      %get3A_1725 = arith.index_cast %get3A_1724 : i32 to index
      %get3A_1726 = arith.constant 0 : index
      %get3A_1727 = tpu.vector_load %arg6[%get3A_1725, %get3A_1726] {strides = array<i32>} : memref<64x100xf32, #tpu.memory_space<vmem>>, vector<1x16xf32>,
      %get3A_1728 = vector.shape_cast %get3A_1727 : vector<1x16xf32> to vector<16xf32>
      %add3A_1729 = arith.addf %add3A_1687, %get3A_1728 : vector<16xf32>
      %get3A_1730 = arith.constant 16 : i32
      %get3A_1731 = arith.index_cast %get3A_1730 : i32 to index
      %get3A_1732 = arith.constant 16 : index
      %get3A_1733 = tpu.vector_load %arg6[%get3A_1731, %get3A_1732] {strides = array<i32>} : memref<64x100xf32, #tpu.memory_space<vmem>>, vector<1x16xf32>,
      %get3A_1734 = vector.shape_cast %get3A_1733 : vector<1x16xf32> to vector<16xf32>
      %add3A_1735 = arith.addf %add3A_1693, %get3A_1734 : vector<16xf32>
      %get3A_1736 = arith.constant 16 : i32
      %get3A_1737 = arith.index_cast %get3A_1736 : i32 to index
      %get3A_1738 = arith.constant 32 : index
      %get3A_1739 = tpu.vector_load %arg6[%get3A_1737, %get3A_1738] {strides = array<i32>} : memref<64x100xf32, #tpu.memory_space<vmem>>, vector<1x16xf32>,
      %get3A_1740 = vector.shape_cast %get3A_1739 : vector<1x16xf32> to vector<16xf32>
      %add3A_1741 = arith.addf %add3A_1699, %get3A_1740 : vector<16xf32>
      %get3A_1742 = arith.constant 16 : i32
      %get3A_1743 = arith.index_cast %get3A_1742 : i32 to index
      %get3A_1744 = arith.constant 48 : index
      %get3A_1745 = tpu.vector_load %arg6[%get3A_1743, %get3A_1744] {strides = array<i32>} : memref<64x100xf32, #tpu.memory_space<vmem>>, vector<1x16xf32>,
      %get3A_1746 = vector.shape_cast %get3A_1745 : vector<1x16xf32> to vector<16xf32>
      %add3A_1747 = arith.addf %add3A_1705, %get3A_1746 : vector<16xf32>
      %get3A_1748 = arith.constant 16 : i32
      %get3A_1749 = arith.index_cast %get3A_1748 : i32 to index
      %get3A_1750 = arith.constant 64 : index
      %get3A_1751 = tpu.vector_load %arg6[%get3A_1749, %get3A_1750] {strides = array<i32>} : memref<64x100xf32, #tpu.memory_space<vmem>>, vector<1x16xf32>,
      %get3A_1752 = vector.shape_cast %get3A_1751 : vector<1x16xf32> to vector<16xf32>
      %add3A_1753 = arith.addf %add3A_1711, %get3A_1752 : vector<16xf32>
      %get3A_1754 = arith.constant 16 : i32
      %get3A_1755 = arith.index_cast %get3A_1754 : i32 to index
      %get3A_1756 = arith.constant 80 : index
      %get3A_1757 = tpu.vector_load %arg6[%get3A_1755, %get3A_1756] {strides = array<i32>} : memref<64x100xf32, #tpu.memory_space<vmem>>, vector<1x16xf32>,
      %get3A_1758 = vector.shape_cast %get3A_1757 : vector<1x16xf32> to vector<16xf32>
      %add3A_1759 = arith.addf %add3A_1717, %get3A_1758 : vector<16xf32>
      %get3A_1760 = arith.constant 16 : i32
      %get3A_1761 = arith.index_cast %get3A_1760 : i32 to index
      %get3A_1762 = arith.constant 84 : index
      %get3A_1763 = tpu.vector_load %arg6[%get3A_1761, %get3A_1762] {strides = array<i32>} : memref<64x100xf32, #tpu.memory_space<vmem>>, vector<1x16xf32>,
      %get3A_1764 = vector.shape_cast %get3A_1763 : vector<1x16xf32> to vector<16xf32>
      %add3A_1765 = arith.addf %add3A_1723, %get3A_1764 : vector<16xf32>
      %get3A_1766 = arith.constant 17 : i32
      %get3A_1767 = arith.index_cast %get3A_1766 : i32 to index
      %get3A_1768 = arith.constant 0 : index
      %get3A_1769 = tpu.vector_load %arg6[%get3A_1767, %get3A_1768] {strides = array<i32>} : memref<64x100xf32, #tpu.memory_space<vmem>>, vector<1x16xf32>,
      %get3A_1770 = vector.shape_cast %get3A_1769 : vector<1x16xf32> to vector<16xf32>
      %add3A_1771 = arith.addf %add3A_1729, %get3A_1770 : vector<16xf32>
      %get3A_1772 = arith.constant 17 : i32
      %get3A_1773 = arith.index_cast %get3A_1772 : i32 to index
      %get3A_1774 = arith.constant 16 : index
      %get3A_1775 = tpu.vector_load %arg6[%get3A_1773, %get3A_1774] {strides = array<i32>} : memref<64x100xf32, #tpu.memory_space<vmem>>, vector<1x16xf32>,
      %get3A_1776 = vector.shape_cast %get3A_1775 : vector<1x16xf32> to vector<16xf32>
      %add3A_1777 = arith.addf %add3A_1735, %get3A_1776 : vector<16xf32>
      %get3A_1778 = arith.constant 17 : i32
      %get3A_1779 = arith.index_cast %get3A_1778 : i32 to index
      %get3A_1780 = arith.constant 32 : index
      %get3A_1781 = tpu.vector_load %arg6[%get3A_1779, %get3A_1780] {strides = array<i32>} : memref<64x100xf32, #tpu.memory_space<vmem>>, vector<1x16xf32>,
      %get3A_1782 = vector.shape_cast %get3A_1781 : vector<1x16xf32> to vector<16xf32>
      %add3A_1783 = arith.addf %add3A_1741, %get3A_1782 : vector<16xf32>
      %get3A_1784 = arith.constant 17 : i32
      %get3A_1785 = arith.index_cast %get3A_1784 : i32 to index
      %get3A_1786 = arith.constant 48 : index
      %get3A_1787 = tpu.vector_load %arg6[%get3A_1785, %get3A_1786] {strides = array<i32>} : memref<64x100xf32, #tpu.memory_space<vmem>>, vector<1x16xf32>,
      %get3A_1788 = vector.shape_cast %get3A_1787 : vector<1x16xf32> to vector<16xf32>
      %add3A_1789 = arith.addf %add3A_1747, %get3A_1788 : vector<16xf32>
      %get3A_1790 = arith.constant 17 : i32
      %get3A_1791 = arith.index_cast %get3A_1790 : i32 to index
      %get3A_1792 = arith.constant 64 : index
      %get3A_1793 = tpu.vector_load %arg6[%get3A_1791, %get3A_1792] {strides = array<i32>} : memref<64x100xf32, #tpu.memory_space<vmem>>, vector<1x16xf32>,
      %get3A_1794 = vector.shape_cast %get3A_1793 : vector<1x16xf32> to vector<16xf32>
      %add3A_1795 = arith.addf %add3A_1753, %get3A_1794 : vector<16xf32>
      %get3A_1796 = arith.constant 17 : i32
      %get3A_1797 = arith.index_cast %get3A_1796 : i32 to index
      %get3A_1798 = arith.constant 80 : index
      %get3A_1799 = tpu.vector_load %arg6[%get3A_1797, %get3A_1798] {strides = array<i32>} : memref<64x100xf32, #tpu.memory_space<vmem>>, vector<1x16xf32>,
      %get3A_1800 = vector.shape_cast %get3A_1799 : vector<1x16xf32> to vector<16xf32>
      %add3A_1801 = arith.addf %add3A_1759, %get3A_1800 : vector<16xf32>
      %get3A_1802 = arith.constant 17 : i32
      %get3A_1803 = arith.index_cast %get3A_1802 : i32 to index
      %get3A_1804 = arith.constant 84 : index
      %get3A_1805 = tpu.vector_load %arg6[%get3A_1803, %get3A_1804] {strides = array<i32>} : memref<64x100xf32, #tpu.memory_space<vmem>>, vector<1x16xf32>,
      %get3A_1806 = vector.shape_cast %get3A_1805 : vector<1x16xf32> to vector<16xf32>
      %add3A_1807 = arith.addf %add3A_1765, %get3A_1806 : vector<16xf32>
      %get3A_1808 = arith.constant 18 : i32
      %get3A_1809 = arith.index_cast %get3A_1808 : i32 to index
      %get3A_1810 = arith.constant 0 : index
      %get3A_1811 = tpu.vector_load %arg6[%get3A_1809, %get3A_1810] {strides = array<i32>} : memref<64x100xf32, #tpu.memory_space<vmem>>, vector<1x16xf32>,
      %get3A_1812 = vector.shape_cast %get3A_1811 : vector<1x16xf32> to vector<16xf32>
      %add3A_1813 = arith.addf %add3A_1771, %get3A_1812 : vector<16xf32>
      %get3A_1814 = arith.constant 18 : i32
      %get3A_1815 = arith.index_cast %get3A_1814 : i32 to index
      %get3A_1816 = arith.constant 16 : index
      %get3A_1817 = tpu.vector_load %arg6[%get3A_1815, %get3A_1816] {strides = array<i32>} : memref<64x100xf32, #tpu.memory_space<vmem>>, vector<1x16xf32>,
      %get3A_1818 = vector.shape_cast %get3A_1817 : vector<1x16xf32> to vector<16xf32>
      %add3A_1819 = arith.addf %add3A_1777, %get3A_1818 : vector<16xf32>
      %get3A_1820 = arith.constant 18 : i32
      %get3A_1821 = arith.index_cast %get3A_1820 : i32 to index
      %get3A_1822 = arith.constant 32 : index
      %get3A_1823 = tpu.vector_load %arg6[%get3A_1821, %get3A_1822] {strides = array<i32>} : memref<64x100xf32, #tpu.memory_space<vmem>>, vector<1x16xf32>,
      %get3A_1824 = vector.shape_cast %get3A_1823 : vector<1x16xf32> to vector<16xf32>
      %add3A_1825 = arith.addf %add3A_1783, %get3A_1824 : vector<16xf32>
      %get3A_1826 = arith.constant 18 : i32
      %get3A_1827 = arith.index_cast %get3A_1826 : i32 to index
      %get3A_1828 = arith.constant 48 : index
      %get3A_1829 = tpu.vector_load %arg6[%get3A_1827, %get3A_1828] {strides = array<i32>} : memref<64x100xf32, #tpu.memory_space<vmem>>, vector<1x16xf32>,
      %get3A_1830 = vector.shape_cast %get3A_1829 : vector<1x16xf32> to vector<16xf32>
      %add3A_1831 = arith.addf %add3A_1789, %get3A_1830 : vector<16xf32>
      %get3A_1832 = arith.constant 18 : i32
      %get3A_1833 = arith.index_cast %get3A_1832 : i32 to index
      %get3A_1834 = arith.constant 64 : index
      %get3A_1835 = tpu.vector_load %arg6[%get3A_1833, %get3A_1834] {strides = array<i32>} : memref<64x100xf32, #tpu.memory_space<vmem>>, vector<1x16xf32>,
      %get3A_1836 = vector.shape_cast %get3A_1835 : vector<1x16xf32> to vector<16xf32>
      %add3A_1837 = arith.addf %add3A_1795, %get3A_1836 : vector<16xf32>
      %get3A_1838 = arith.constant 18 : i32
      %get3A_1839 = arith.index_cast %get3A_1838 : i32 to index
      %get3A_1840 = arith.constant 80 : index
      %get3A_1841 = tpu.vector_load %arg6[%get3A_1839, %get3A_1840] {strides = array<i32>} : memref<64x100xf32, #tpu.memory_space<vmem>>, vector<1x16xf32>,
      %get3A_1842 = vector.shape_cast %get3A_1841 : vector<1x16xf32> to vector<16xf32>
      %add3A_1843 = arith.addf %add3A_1801, %get3A_1842 : vector<16xf32>
      %get3A_1844 = arith.constant 18 : i32
      %get3A_1845 = arith.index_cast %get3A_1844 : i32 to index
      %get3A_1846 = arith.constant 84 : index
      %get3A_1847 = tpu.vector_load %arg6[%get3A_1845, %get3A_1846] {strides = array<i32>} : memref<64x100xf32, #tpu.memory_space<vmem>>, vector<1x16xf32>,
      %get3A_1848 = vector.shape_cast %get3A_1847 : vector<1x16xf32> to vector<16xf32>
      %add3A_1849 = arith.addf %add3A_1807, %get3A_1848 : vector<16xf32>
      %get3A_1850 = arith.constant 19 : i32
      %get3A_1851 = arith.index_cast %get3A_1850 : i32 to index
      %get3A_1852 = arith.constant 0 : index
      %get3A_1853 = tpu.vector_load %arg6[%get3A_1851, %get3A_1852] {strides = array<i32>} : memref<64x100xf32, #tpu.memory_space<vmem>>, vector<1x16xf32>,
      %get3A_1854 = vector.shape_cast %get3A_1853 : vector<1x16xf32> to vector<16xf32>
      %add3A_1855 = arith.addf %add3A_1813, %get3A_1854 : vector<16xf32>
      %get3A_1856 = arith.constant 19 : i32
      %get3A_1857 = arith.index_cast %get3A_1856 : i32 to index
      %get3A_1858 = arith.constant 16 : index
      %get3A_1859 = tpu.vector_load %arg6[%get3A_1857, %get3A_1858] {strides = array<i32>} : memref<64x100xf32, #tpu.memory_space<vmem>>, vector<1x16xf32>,
      %get3A_1860 = vector.shape_cast %get3A_1859 : vector<1x16xf32> to vector<16xf32>
      %add3A_1861 = arith.addf %add3A_1819, %get3A_1860 : vector<16xf32>
      %get3A_1862 = arith.constant 19 : i32
      %get3A_1863 = arith.index_cast %get3A_1862 : i32 to index
      %get3A_1864 = arith.constant 32 : index
      %get3A_1865 = tpu.vector_load %arg6[%get3A_1863, %get3A_1864] {strides = array<i32>} : memref<64x100xf32, #tpu.memory_space<vmem>>, vector<1x16xf32>,
      %get3A_1866 = vector.shape_cast %get3A_1865 : vector<1x16xf32> to vector<16xf32>
      %add3A_1867 = arith.addf %add3A_1825, %get3A_1866 : vector<16xf32>
      %get3A_1868 = arith.constant 19 : i32
      %get3A_1869 = arith.index_cast %get3A_1868 : i32 to index
      %get3A_1870 = arith.constant 48 : index
      %get3A_1871 = tpu.vector_load %arg6[%get3A_1869, %get3A_1870] {strides = array<i32>} : memref<64x100xf32, #tpu.memory_space<vmem>>, vector<1x16xf32>,
      %get3A_1872 = vector.shape_cast %get3A_1871 : vector<1x16xf32> to vector<16xf32>
      %add3A_1873 = arith.addf %add3A_1831, %get3A_1872 : vector<16xf32>
      %get3A_1874 = arith.constant 19 : i32
      %get3A_1875 = arith.index_cast %get3A_1874 : i32 to index
      %get3A_1876 = arith.constant 64 : index
      %get3A_1877 = tpu.vector_load %arg6[%get3A_1875, %get3A_1876] {strides = array<i32>} : memref<64x100xf32, #tpu.memory_space<vmem>>, vector<1x16xf32>,
      %get3A_1878 = vector.shape_cast %get3A_1877 : vector<1x16xf32> to vector<16xf32>
      %add3A_1879 = arith.addf %add3A_1837, %get3A_1878 : vector<16xf32>
      %get3A_1880 = arith.constant 19 : i32
      %get3A_1881 = arith.index_cast %get3A_1880 : i32 to index
      %get3A_1882 = arith.constant 80 : index
      %get3A_1883 = tpu.vector_load %arg6[%get3A_1881, %get3A_1882] {strides = array<i32>} : memref<64x100xf32, #tpu.memory_space<vmem>>, vector<1x16xf32>,
      %get3A_1884 = vector.shape_cast %get3A_1883 : vector<1x16xf32> to vector<16xf32>
      %add3A_1885 = arith.addf %add3A_1843, %get3A_1884 : vector<16xf32>
      %get3A_1886 = arith.constant 19 : i32
      %get3A_1887 = arith.index_cast %get3A_1886 : i32 to index
      %get3A_1888 = arith.constant 84 : index
      %get3A_1889 = tpu.vector_load %arg6[%get3A_1887, %get3A_1888] {strides = array<i32>} : memref<64x100xf32, #tpu.memory_space<vmem>>, vector<1x16xf32>,
      %get3A_1890 = vector.shape_cast %get3A_1889 : vector<1x16xf32> to vector<16xf32>
      %add3A_1891 = arith.addf %add3A_1849, %get3A_1890 : vector<16xf32>
      %get3A_1892 = arith.constant 20 : i32
      %get3A_1893 = arith.index_cast %get3A_1892 : i32 to index
      %get3A_1894 = arith.constant 0 : index
      %get3A_1895 = tpu.vector_load %arg6[%get3A_1893, %get3A_1894] {strides = array<i32>} : memref<64x100xf32, #tpu.memory_space<vmem>>, vector<1x16xf32>,
      %get3A_1896 = vector.shape_cast %get3A_1895 : vector<1x16xf32> to vector<16xf32>
      %add3A_1897 = arith.addf %add3A_1855, %get3A_1896 : vector<16xf32>
      %get3A_1898 = arith.constant 20 : i32
      %get3A_1899 = arith.index_cast %get3A_1898 : i32 to index
      %get3A_1900 = arith.constant 16 : index
      %get3A_1901 = tpu.vector_load %arg6[%get3A_1899, %get3A_1900] {strides = array<i32>} : memref<64x100xf32, #tpu.memory_space<vmem>>, vector<1x16xf32>,
      %get3A_1902 = vector.shape_cast %get3A_1901 : vector<1x16xf32> to vector<16xf32>
      %add3A_1903 = arith.addf %add3A_1861, %get3A_1902 : vector<16xf32>
      %get3A_1904 = arith.constant 20 : i32
      %get3A_1905 = arith.index_cast %get3A_1904 : i32 to index
      %get3A_1906 = arith.constant 32 : index
      %get3A_1907 = tpu.vector_load %arg6[%get3A_1905, %get3A_1906] {strides = array<i32>} : memref<64x100xf32, #tpu.memory_space<vmem>>, vector<1x16xf32>,
      %get3A_1908 = vector.shape_cast %get3A_1907 : vector<1x16xf32> to vector<16xf32>
      %add3A_1909 = arith.addf %add3A_1867, %get3A_1908 : vector<16xf32>
      %get3A_1910 = arith.constant 20 : i32
      %get3A_1911 = arith.index_cast %get3A_1910 : i32 to index
      %get3A_1912 = arith.constant 48 : index
      %get3A_1913 = tpu.vector_load %arg6[%get3A_1911, %get3A_1912] {strides = array<i32>} : memref<64x100xf32, #tpu.memory_space<vmem>>, vector<1x16xf32>,
      %get3A_1914 = vector.shape_cast %get3A_1913 : vector<1x16xf32> to vector<16xf32>
      %add3A_1915 = arith.addf %add3A_1873, %get3A_1914 : vector<16xf32>
      %get3A_1916 = arith.constant 20 : i32
      %get3A_1917 = arith.index_cast %get3A_1916 : i32 to index
      %get3A_1918 = arith.constant 64 : index
      %get3A_1919 = tpu.vector_load %arg6[%get3A_1917, %get3A_1918] {strides = array<i32>} : memref<64x100xf32, #tpu.memory_space<vmem>>, vector<1x16xf32>,
      %get3A_1920 = vector.shape_cast %get3A_1919 : vector<1x16xf32> to vector<16xf32>
      %add3A_1921 = arith.addf %add3A_1879, %get3A_1920 : vector<16xf32>
      %get3A_1922 = arith.constant 20 : i32
      %get3A_1923 = arith.index_cast %get3A_1922 : i32 to index
      %get3A_1924 = arith.constant 80 : index
      %get3A_1925 = tpu.vector_load %arg6[%get3A_1923, %get3A_1924] {strides = array<i32>} : memref<64x100xf32, #tpu.memory_space<vmem>>, vector<1x16xf32>,
      %get3A_1926 = vector.shape_cast %get3A_1925 : vector<1x16xf32> to vector<16xf32>
      %add3A_1927 = arith.addf %add3A_1885, %get3A_1926 : vector<16xf32>
      %get3A_1928 = arith.constant 20 : i32
      %get3A_1929 = arith.index_cast %get3A_1928 : i32 to index
      %get3A_1930 = arith.constant 84 : index
      %get3A_1931 = tpu.vector_load %arg6[%get3A_1929, %get3A_1930] {strides = array<i32>} : memref<64x100xf32, #tpu.memory_space<vmem>>, vector<1x16xf32>,
      %get3A_1932 = vector.shape_cast %get3A_1931 : vector<1x16xf32> to vector<16xf32>
      %add3A_1933 = arith.addf %add3A_1891, %get3A_1932 : vector<16xf32>
      %get3A_1934 = arith.constant 21 : i32
      %get3A_1935 = arith.index_cast %get3A_1934 : i32 to index
      %get3A_1936 = arith.constant 0 : index
      %get3A_1937 = tpu.vector_load %arg6[%get3A_1935, %get3A_1936] {strides = array<i32>} : memref<64x100xf32, #tpu.memory_space<vmem>>, vector<1x16xf32>,
      %get3A_1938 = vector.shape_cast %get3A_1937 : vector<1x16xf32> to vector<16xf32>
      %add3A_1939 = arith.addf %add3A_1897, %get3A_1938 : vector<16xf32>
      %get3A_1940 = arith.constant 21 : i32
      %get3A_1941 = arith.index_cast %get3A_1940 : i32 to index
      %get3A_1942 = arith.constant 16 : index
      %get3A_1943 = tpu.vector_load %arg6[%get3A_1941, %get3A_1942] {strides = array<i32>} : memref<64x100xf32, #tpu.memory_space<vmem>>, vector<1x16xf32>,
      %get3A_1944 = vector.shape_cast %get3A_1943 : vector<1x16xf32> to vector<16xf32>
      %add3A_1945 = arith.addf %add3A_1903, %get3A_1944 : vector<16xf32>
      %get3A_1946 = arith.constant 21 : i32
      %get3A_1947 = arith.index_cast %get3A_1946 : i32 to index
      %get3A_1948 = arith.constant 32 : index
      %get3A_1949 = tpu.vector_load %arg6[%get3A_1947, %get3A_1948] {strides = array<i32>} : memref<64x100xf32, #tpu.memory_space<vmem>>, vector<1x16xf32>,
      %get3A_1950 = vector.shape_cast %get3A_1949 : vector<1x16xf32> to vector<16xf32>
      %add3A_1951 = arith.addf %add3A_1909, %get3A_1950 : vector<16xf32>
      %get3A_1952 = arith.constant 21 : i32
      %get3A_1953 = arith.index_cast %get3A_1952 : i32 to index
      %get3A_1954 = arith.constant 48 : index
      %get3A_1955 = tpu.vector_load %arg6[%get3A_1953, %get3A_1954] {strides = array<i32>} : memref<64x100xf32, #tpu.memory_space<vmem>>, vector<1x16xf32>,
      %get3A_1956 = vector.shape_cast %get3A_1955 : vector<1x16xf32> to vector<16xf32>
      %add3A_1957 = arith.addf %add3A_1915, %get3A_1956 : vector<16xf32>
      %get3A_1958 = arith.constant 21 : i32
      %get3A_1959 = arith.index_cast %get3A_1958 : i32 to index
      %get3A_1960 = arith.constant 64 : index
      %get3A_1961 = tpu.vector_load %arg6[%get3A_1959, %get3A_1960] {strides = array<i32>} : memref<64x100xf32, #tpu.memory_space<vmem>>, vector<1x16xf32>,
      %get3A_1962 = vector.shape_cast %get3A_1961 : vector<1x16xf32> to vector<16xf32>
      %add3A_1963 = arith.addf %add3A_1921, %get3A_1962 : vector<16xf32>
      %get3A_1964 = arith.constant 21 : i32
      %get3A_1965 = arith.index_cast %get3A_1964 : i32 to index
      %get3A_1966 = arith.constant 80 : index
      %get3A_1967 = tpu.vector_load %arg6[%get3A_1965, %get3A_1966] {strides = array<i32>} : memref<64x100xf32, #tpu.memory_space<vmem>>, vector<1x16xf32>,
      %get3A_1968 = vector.shape_cast %get3A_1967 : vector<1x16xf32> to vector<16xf32>
      %add3A_1969 = arith.addf %add3A_1927, %get3A_1968 : vector<16xf32>
      %get3A_1970 = arith.constant 21 : i32
      %get3A_1971 = arith.index_cast %get3A_1970 : i32 to index
      %get3A_1972 = arith.constant 84 : index
      %get3A_1973 = tpu.vector_load %arg6[%get3A_1971, %get3A_1972] {strides = array<i32>} : memref<64x100xf32, #tpu.memory_space<vmem>>, vector<1x16xf32>,
      %get3A_1974 = vector.shape_cast %get3A_1973 : vector<1x16xf32> to vector<16xf32>
      %add3A_1975 = arith.addf %add3A_1933, %get3A_1974 : vector<16xf32>
      %get3A_1976 = arith.constant 22 : i32
      %get3A_1977 = arith.index_cast %get3A_1976 : i32 to index
      %get3A_1978 = arith.constant 0 : index
      %get3A_1979 = tpu.vector_load %arg6[%get3A_1977, %get3A_1978] {strides = array<i32>} : memref<64x100xf32, #tpu.memory_space<vmem>>, vector<1x16xf32>,
      %get3A_1980 = vector.shape_cast %get3A_1979 : vector<1x16xf32> to vector<16xf32>
      %add3A_1981 = arith.addf %add3A_1939, %get3A_1980 : vector<16xf32>
      %get3A_1982 = arith.constant 22 : i32
      %get3A_1983 = arith.index_cast %get3A_1982 : i32 to index
      %get3A_1984 = arith.constant 16 : index
      %get3A_1985 = tpu.vector_load %arg6[%get3A_1983, %get3A_1984] {strides = array<i32>} : memref<64x100xf32, #tpu.memory_space<vmem>>, vector<1x16xf32>,
      %get3A_1986 = vector.shape_cast %get3A_1985 : vector<1x16xf32> to vector<16xf32>
      %add3A_1987 = arith.addf %add3A_1945, %get3A_1986 : vector<16xf32>
      %get3A_1988 = arith.constant 22 : i32
      %get3A_1989 = arith.index_cast %get3A_1988 : i32 to index
      %get3A_1990 = arith.constant 32 : index
      %get3A_1991 = tpu.vector_load %arg6[%get3A_1989, %get3A_1990] {strides = array<i32>} : memref<64x100xf32, #tpu.memory_space<vmem>>, vector<1x16xf32>,
      %get3A_1992 = vector.shape_cast %get3A_1991 : vector<1x16xf32> to vector<16xf32>
      %add3A_1993 = arith.addf %add3A_1951, %get3A_1992 : vector<16xf32>
      %get3A_1994 = arith.constant 22 : i32
      %get3A_1995 = arith.index_cast %get3A_1994 : i32 to index
      %get3A_1996 = arith.constant 48 : index
      %get3A_1997 = tpu.vector_load %arg6[%get3A_1995, %get3A_1996] {strides = array<i32>} : memref<64x100xf32, #tpu.memory_space<vmem>>, vector<1x16xf32>,
      %get3A_1998 = vector.shape_cast %get3A_1997 : vector<1x16xf32> to vector<16xf32>
      %add3A_1999 = arith.addf %add3A_1957, %get3A_1998 : vector<16xf32>
      %get3A_2000 = arith.constant 22 : i32
      %get3A_2001 = arith.index_cast %get3A_2000 : i32 to index
      %get3A_2002 = arith.constant 64 : index
      %get3A_2003 = tpu.vector_load %arg6[%get3A_2001, %get3A_2002] {strides = array<i32>} : memref<64x100xf32, #tpu.memory_space<vmem>>, vector<1x16xf32>,
      %get3A_2004 = vector.shape_cast %get3A_2003 : vector<1x16xf32> to vector<16xf32>
      %add3A_2005 = arith.addf %add3A_1963, %get3A_2004 : vector<16xf32>
      %get3A_2006 = arith.constant 22 : i32
      %get3A_2007 = arith.index_cast %get3A_2006 : i32 to index
      %get3A_2008 = arith.constant 80 : index
      %get3A_2009 = tpu.vector_load %arg6[%get3A_2007, %get3A_2008] {strides = array<i32>} : memref<64x100xf32, #tpu.memory_space<vmem>>, vector<1x16xf32>,
      %get3A_2010 = vector.shape_cast %get3A_2009 : vector<1x16xf32> to vector<16xf32>
      %add3A_2011 = arith.addf %add3A_1969, %get3A_2010 : vector<16xf32>
      %get3A_2012 = arith.constant 22 : i32
      %get3A_2013 = arith.index_cast %get3A_2012 : i32 to index
      %get3A_2014 = arith.constant 84 : index
      %get3A_2015 = tpu.vector_load %arg6[%get3A_2013, %get3A_2014] {strides = array<i32>} : memref<64x100xf32, #tpu.memory_space<vmem>>, vector<1x16xf32>,
      %get3A_2016 = vector.shape_cast %get3A_2015 : vector<1x16xf32> to vector<16xf32>
      %add3A_2017 = arith.addf %add3A_1975, %get3A_2016 : vector<16xf32>
      %get3A_2018 = arith.constant 23 : i32
      %get3A_2019 = arith.index_cast %get3A_2018 : i32 to index
      %get3A_2020 = arith.constant 0 : index
      %get3A_2021 = tpu.vector_load %arg6[%get3A_2019, %get3A_2020] {strides = array<i32>} : memref<64x100xf32, #tpu.memory_space<vmem>>, vector<1x16xf32>,
      %get3A_2022 = vector.shape_cast %get3A_2021 : vector<1x16xf32> to vector<16xf32>
      %add3A_2023 = arith.addf %add3A_1981, %get3A_2022 : vector<16xf32>
      %get3A_2024 = arith.constant 23 : i32
      %get3A_2025 = arith.index_cast %get3A_2024 : i32 to index
      %get3A_2026 = arith.constant 16 : index
      %get3A_2027 = tpu.vector_load %arg6[%get3A_2025, %get3A_2026] {strides = array<i32>} : memref<64x100xf32, #tpu.memory_space<vmem>>, vector<1x16xf32>,
      %get3A_2028 = vector.shape_cast %get3A_2027 : vector<1x16xf32> to vector<16xf32>
      %add3A_2029 = arith.addf %add3A_1987, %get3A_2028 : vector<16xf32>
      %get3A_2030 = arith.constant 23 : i32
      %get3A_2031 = arith.index_cast %get3A_2030 : i32 to index
      %get3A_2032 = arith.constant 32 : index
      %get3A_2033 = tpu.vector_load %arg6[%get3A_2031, %get3A_2032] {strides = array<i32>} : memref<64x100xf32, #tpu.memory_space<vmem>>, vector<1x16xf32>,
      %get3A_2034 = vector.shape_cast %get3A_2033 : vector<1x16xf32> to vector<16xf32>
      %add3A_2035 = arith.addf %add3A_1993, %get3A_2034 : vector<16xf32>
      %get3A_2036 = arith.constant 23 : i32
      %get3A_2037 = arith.index_cast %get3A_2036 : i32 to index
      %get3A_2038 = arith.constant 48 : index
      %get3A_2039 = tpu.vector_load %arg6[%get3A_2037, %get3A_2038] {strides = array<i32>} : memref<64x100xf32, #tpu.memory_space<vmem>>, vector<1x16xf32>,
      %get3A_2040 = vector.shape_cast %get3A_2039 : vector<1x16xf32> to vector<16xf32>
      %add3A_2041 = arith.addf %add3A_1999, %get3A_2040 : vector<16xf32>
      %get3A_2042 = arith.constant 23 : i32
      %get3A_2043 = arith.index_cast %get3A_2042 : i32 to index
      %get3A_2044 = arith.constant 64 : index
      %get3A_2045 = tpu.vector_load %arg6[%get3A_2043, %get3A_2044] {strides = array<i32>} : memref<64x100xf32, #tpu.memory_space<vmem>>, vector<1x16xf32>,
      %get3A_2046 = vector.shape_cast %get3A_2045 : vector<1x16xf32> to vector<16xf32>
      %add3A_2047 = arith.addf %add3A_2005, %get3A_2046 : vector<16xf32>
      %get3A_2048 = arith.constant 23 : i32
      %get3A_2049 = arith.index_cast %get3A_2048 : i32 to index
      %get3A_2050 = arith.constant 80 : index
      %get3A_2051 = tpu.vector_load %arg6[%get3A_2049, %get3A_2050] {strides = array<i32>} : memref<64x100xf32, #tpu.memory_space<vmem>>, vector<1x16xf32>,
      %get3A_2052 = vector.shape_cast %get3A_2051 : vector<1x16xf32> to vector<16xf32>
      %add3A_2053 = arith.addf %add3A_2011, %get3A_2052 : vector<16xf32>
      %get3A_2054 = arith.constant 23 : i32
      %get3A_2055 = arith.index_cast %get3A_2054 : i32 to index
      %get3A_2056 = arith.constant 84 : index
      %get3A_2057 = tpu.vector_load %arg6[%get3A_2055, %get3A_2056] {strides = array<i32>} : memref<64x100xf32, #tpu.memory_space<vmem>>, vector<1x16xf32>,
      %get3A_2058 = vector.shape_cast %get3A_2057 : vector<1x16xf32> to vector<16xf32>
      %add3A_2059 = arith.addf %add3A_2017, %get3A_2058 : vector<16xf32>
      %get3A_2060 = arith.constant 24 : i32
      %get3A_2061 = arith.index_cast %get3A_2060 : i32 to index
      %get3A_2062 = arith.constant 0 : index
      %get3A_2063 = tpu.vector_load %arg6[%get3A_2061, %get3A_2062] {strides = array<i32>} : memref<64x100xf32, #tpu.memory_space<vmem>>, vector<1x16xf32>,
      %get3A_2064 = vector.shape_cast %get3A_2063 : vector<1x16xf32> to vector<16xf32>
      %add3A_2065 = arith.addf %add3A_2023, %get3A_2064 : vector<16xf32>
      %get3A_2066 = arith.constant 24 : i32
      %get3A_2067 = arith.index_cast %get3A_2066 : i32 to index
      %get3A_2068 = arith.constant 16 : index
      %get3A_2069 = tpu.vector_load %arg6[%get3A_2067, %get3A_2068] {strides = array<i32>} : memref<64x100xf32, #tpu.memory_space<vmem>>, vector<1x16xf32>,
      %get3A_2070 = vector.shape_cast %get3A_2069 : vector<1x16xf32> to vector<16xf32>
      %add3A_2071 = arith.addf %add3A_2029, %get3A_2070 : vector<16xf32>
      %get3A_2072 = arith.constant 24 : i32
      %get3A_2073 = arith.index_cast %get3A_2072 : i32 to index
      %get3A_2074 = arith.constant 32 : index
      %get3A_2075 = tpu.vector_load %arg6[%get3A_2073, %get3A_2074] {strides = array<i32>} : memref<64x100xf32, #tpu.memory_space<vmem>>, vector<1x16xf32>,
      %get3A_2076 = vector.shape_cast %get3A_2075 : vector<1x16xf32> to vector<16xf32>
      %add3A_2077 = arith.addf %add3A_2035, %get3A_2076 : vector<16xf32>
      %get3A_2078 = arith.constant 24 : i32
      %get3A_2079 = arith.index_cast %get3A_2078 : i32 to index
      %get3A_2080 = arith.constant 48 : index
      %get3A_2081 = tpu.vector_load %arg6[%get3A_2079, %get3A_2080] {strides = array<i32>} : memref<64x100xf32, #tpu.memory_space<vmem>>, vector<1x16xf32>,
      %get3A_2082 = vector.shape_cast %get3A_2081 : vector<1x16xf32> to vector<16xf32>
      %add3A_2083 = arith.addf %add3A_2041, %get3A_2082 : vector<16xf32>
      %get3A_2084 = arith.constant 24 : i32
      %get3A_2085 = arith.index_cast %get3A_2084 : i32 to index
      %get3A_2086 = arith.constant 64 : index
      %get3A_2087 = tpu.vector_load %arg6[%get3A_2085, %get3A_2086] {strides = array<i32>} : memref<64x100xf32, #tpu.memory_space<vmem>>, vector<1x16xf32>,
      %get3A_2088 = vector.shape_cast %get3A_2087 : vector<1x16xf32> to vector<16xf32>
      %add3A_2089 = arith.addf %add3A_2047, %get3A_2088 : vector<16xf32>
      %get3A_2090 = arith.constant 24 : i32
      %get3A_2091 = arith.index_cast %get3A_2090 : i32 to index
      %get3A_2092 = arith.constant 80 : index
      %get3A_2093 = tpu.vector_load %arg6[%get3A_2091, %get3A_2092] {strides = array<i32>} : memref<64x100xf32, #tpu.memory_space<vmem>>, vector<1x16xf32>,
      %get3A_2094 = vector.shape_cast %get3A_2093 : vector<1x16xf32> to vector<16xf32>
      %add3A_2095 = arith.addf %add3A_2053, %get3A_2094 : vector<16xf32>
      %get3A_2096 = arith.constant 24 : i32
      %get3A_2097 = arith.index_cast %get3A_2096 : i32 to index
      %get3A_2098 = arith.constant 84 : index
      %get3A_2099 = tpu.vector_load %arg6[%get3A_2097, %get3A_2098] {strides = array<i32>} : memref<64x100xf32, #tpu.memory_space<vmem>>, vector<1x16xf32>,
      %get3A_2100 = vector.shape_cast %get3A_2099 : vector<1x16xf32> to vector<16xf32>
      %add3A_2101 = arith.addf %add3A_2059, %get3A_2100 : vector<16xf32>
      %get3A_2102 = arith.constant 25 : i32
      %get3A_2103 = arith.index_cast %get3A_2102 : i32 to index
      %get3A_2104 = arith.constant 0 : index
      %get3A_2105 = tpu.vector_load %arg6[%get3A_2103, %get3A_2104] {strides = array<i32>} : memref<64x100xf32, #tpu.memory_space<vmem>>, vector<1x16xf32>,
      %get3A_2106 = vector.shape_cast %get3A_2105 : vector<1x16xf32> to vector<16xf32>
      %add3A_2107 = arith.addf %add3A_2065, %get3A_2106 : vector<16xf32>
      %get3A_2108 = arith.constant 25 : i32
      %get3A_2109 = arith.index_cast %get3A_2108 : i32 to index
      %get3A_2110 = arith.constant 16 : index
      %get3A_2111 = tpu.vector_load %arg6[%get3A_2109, %get3A_2110] {strides = array<i32>} : memref<64x100xf32, #tpu.memory_space<vmem>>, vector<1x16xf32>,
      %get3A_2112 = vector.shape_cast %get3A_2111 : vector<1x16xf32> to vector<16xf32>
      %add3A_2113 = arith.addf %add3A_2071, %get3A_2112 : vector<16xf32>
      %get3A_2114 = arith.constant 25 : i32
      %get3A_2115 = arith.index_cast %get3A_2114 : i32 to index
      %get3A_2116 = arith.constant 32 : index
      %get3A_2117 = tpu.vector_load %arg6[%get3A_2115, %get3A_2116] {strides = array<i32>} : memref<64x100xf32, #tpu.memory_space<vmem>>, vector<1x16xf32>,
      %get3A_2118 = vector.shape_cast %get3A_2117 : vector<1x16xf32> to vector<16xf32>
      %add3A_2119 = arith.addf %add3A_2077, %get3A_2118 : vector<16xf32>
      %get3A_2120 = arith.constant 25 : i32
      %get3A_2121 = arith.index_cast %get3A_2120 : i32 to index
      %get3A_2122 = arith.constant 48 : index
      %get3A_2123 = tpu.vector_load %arg6[%get3A_2121, %get3A_2122] {strides = array<i32>} : memref<64x100xf32, #tpu.memory_space<vmem>>, vector<1x16xf32>,
      %get3A_2124 = vector.shape_cast %get3A_2123 : vector<1x16xf32> to vector<16xf32>
      %add3A_2125 = arith.addf %add3A_2083, %get3A_2124 : vector<16xf32>
      %get3A_2126 = arith.constant 25 : i32
      %get3A_2127 = arith.index_cast %get3A_2126 : i32 to index
      %get3A_2128 = arith.constant 64 : index
      %get3A_2129 = tpu.vector_load %arg6[%get3A_2127, %get3A_2128] {strides = array<i32>} : memref<64x100xf32, #tpu.memory_space<vmem>>, vector<1x16xf32>,
      %get3A_2130 = vector.shape_cast %get3A_2129 : vector<1x16xf32> to vector<16xf32>
      %add3A_2131 = arith.addf %add3A_2089, %get3A_2130 : vector<16xf32>
      %get3A_2132 = arith.constant 25 : i32
      %get3A_2133 = arith.index_cast %get3A_2132 : i32 to index
      %get3A_2134 = arith.constant 80 : index
      %get3A_2135 = tpu.vector_load %arg6[%get3A_2133, %get3A_2134] {strides = array<i32>} : memref<64x100xf32, #tpu.memory_space<vmem>>, vector<1x16xf32>,
      %get3A_2136 = vector.shape_cast %get3A_2135 : vector<1x16xf32> to vector<16xf32>
      %add3A_2137 = arith.addf %add3A_2095, %get3A_2136 : vector<16xf32>
      %get3A_2138 = arith.constant 25 : i32
      %get3A_2139 = arith.index_cast %get3A_2138 : i32 to index
      %get3A_2140 = arith.constant 84 : index
      %get3A_2141 = tpu.vector_load %arg6[%get3A_2139, %get3A_2140] {strides = array<i32>} : memref<64x100xf32, #tpu.memory_space<vmem>>, vector<1x16xf32>,
      %get3A_2142 = vector.shape_cast %get3A_2141 : vector<1x16xf32> to vector<16xf32>
      %add3A_2143 = arith.addf %add3A_2101, %get3A_2142 : vector<16xf32>
      %get3A_2144 = arith.constant 26 : i32
      %get3A_2145 = arith.index_cast %get3A_2144 : i32 to index
      %get3A_2146 = arith.constant 0 : index
      %get3A_2147 = tpu.vector_load %arg6[%get3A_2145, %get3A_2146] {strides = array<i32>} : memref<64x100xf32, #tpu.memory_space<vmem>>, vector<1x16xf32>,
      %get3A_2148 = vector.shape_cast %get3A_2147 : vector<1x16xf32> to vector<16xf32>
      %add3A_2149 = arith.addf %add3A_2107, %get3A_2148 : vector<16xf32>
      %get3A_2150 = arith.constant 26 : i32
      %get3A_2151 = arith.index_cast %get3A_2150 : i32 to index
      %get3A_2152 = arith.constant 16 : index
      %get3A_2153 = tpu.vector_load %arg6[%get3A_2151, %get3A_2152] {strides = array<i32>} : memref<64x100xf32, #tpu.memory_space<vmem>>, vector<1x16xf32>,
      %get3A_2154 = vector.shape_cast %get3A_2153 : vector<1x16xf32> to vector<16xf32>
      %add3A_2155 = arith.addf %add3A_2113, %get3A_2154 : vector<16xf32>
      %get3A_2156 = arith.constant 26 : i32
      %get3A_2157 = arith.index_cast %get3A_2156 : i32 to index
      %get3A_2158 = arith.constant 32 : index
      %get3A_2159 = tpu.vector_load %arg6[%get3A_2157, %get3A_2158] {strides = array<i32>} : memref<64x100xf32, #tpu.memory_space<vmem>>, vector<1x16xf32>,
      %get3A_2160 = vector.shape_cast %get3A_2159 : vector<1x16xf32> to vector<16xf32>
      %add3A_2161 = arith.addf %add3A_2119, %get3A_2160 : vector<16xf32>
      %get3A_2162 = arith.constant 26 : i32
      %get3A_2163 = arith.index_cast %get3A_2162 : i32 to index
      %get3A_2164 = arith.constant 48 : index
      %get3A_2165 = tpu.vector_load %arg6[%get3A_2163, %get3A_2164] {strides = array<i32>} : memref<64x100xf32, #tpu.memory_space<vmem>>, vector<1x16xf32>,
      %get3A_2166 = vector.shape_cast %get3A_2165 : vector<1x16xf32> to vector<16xf32>
      %add3A_2167 = arith.addf %add3A_2125, %get3A_2166 : vector<16xf32>
      %get3A_2168 = arith.constant 26 : i32
      %get3A_2169 = arith.index_cast %get3A_2168 : i32 to index
      %get3A_2170 = arith.constant 64 : index
      %get3A_2171 = tpu.vector_load %arg6[%get3A_2169, %get3A_2170] {strides = array<i32>} : memref<64x100xf32, #tpu.memory_space<vmem>>, vector<1x16xf32>,
      %get3A_2172 = vector.shape_cast %get3A_2171 : vector<1x16xf32> to vector<16xf32>
      %add3A_2173 = arith.addf %add3A_2131, %get3A_2172 : vector<16xf32>
      %get3A_2174 = arith.constant 26 : i32
      %get3A_2175 = arith.index_cast %get3A_2174 : i32 to index
      %get3A_2176 = arith.constant 80 : index
      %get3A_2177 = tpu.vector_load %arg6[%get3A_2175, %get3A_2176] {strides = array<i32>} : memref<64x100xf32, #tpu.memory_space<vmem>>, vector<1x16xf32>,
      %get3A_2178 = vector.shape_cast %get3A_2177 : vector<1x16xf32> to vector<16xf32>
      %add3A_2179 = arith.addf %add3A_2137, %get3A_2178 : vector<16xf32>
      %get3A_2180 = arith.constant 26 : i32
      %get3A_2181 = arith.index_cast %get3A_2180 : i32 to index
      %get3A_2182 = arith.constant 84 : index
      %get3A_2183 = tpu.vector_load %arg6[%get3A_2181, %get3A_2182] {strides = array<i32>} : memref<64x100xf32, #tpu.memory_space<vmem>>, vector<1x16xf32>,
      %get3A_2184 = vector.shape_cast %get3A_2183 : vector<1x16xf32> to vector<16xf32>
      %add3A_2185 = arith.addf %add3A_2143, %get3A_2184 : vector<16xf32>
      %get3A_2186 = arith.constant 27 : i32
      %get3A_2187 = arith.index_cast %get3A_2186 : i32 to index
      %get3A_2188 = arith.constant 0 : index
      %get3A_2189 = tpu.vector_load %arg6[%get3A_2187, %get3A_2188] {strides = array<i32>} : memref<64x100xf32, #tpu.memory_space<vmem>>, vector<1x16xf32>,
      %get3A_2190 = vector.shape_cast %get3A_2189 : vector<1x16xf32> to vector<16xf32>
      %add3A_2191 = arith.addf %add3A_2149, %get3A_2190 : vector<16xf32>
      %get3A_2192 = arith.constant 27 : i32
      %get3A_2193 = arith.index_cast %get3A_2192 : i32 to index
      %get3A_2194 = arith.constant 16 : index
      %get3A_2195 = tpu.vector_load %arg6[%get3A_2193, %get3A_2194] {strides = array<i32>} : memref<64x100xf32, #tpu.memory_space<vmem>>, vector<1x16xf32>,
      %get3A_2196 = vector.shape_cast %get3A_2195 : vector<1x16xf32> to vector<16xf32>
      %add3A_2197 = arith.addf %add3A_2155, %get3A_2196 : vector<16xf32>
      %get3A_2198 = arith.constant 27 : i32
      %get3A_2199 = arith.index_cast %get3A_2198 : i32 to index
      %get3A_2200 = arith.constant 32 : index
      %get3A_2201 = tpu.vector_load %arg6[%get3A_2199, %get3A_2200] {strides = array<i32>} : memref<64x100xf32, #tpu.memory_space<vmem>>, vector<1x16xf32>,
      %get3A_2202 = vector.shape_cast %get3A_2201 : vector<1x16xf32> to vector<16xf32>
      %add3A_2203 = arith.addf %add3A_2161, %get3A_2202 : vector<16xf32>
      %get3A_2204 = arith.constant 27 : i32
      %get3A_2205 = arith.index_cast %get3A_2204 : i32 to index
      %get3A_2206 = arith.constant 48 : index
      %get3A_2207 = tpu.vector_load %arg6[%get3A_2205, %get3A_2206] {strides = array<i32>} : memref<64x100xf32, #tpu.memory_space<vmem>>, vector<1x16xf32>,
      %get3A_2208 = vector.shape_cast %get3A_2207 : vector<1x16xf32> to vector<16xf32>
      %add3A_2209 = arith.addf %add3A_2167, %get3A_2208 : vector<16xf32>
      %get3A_2210 = arith.constant 27 : i32
      %get3A_2211 = arith.index_cast %get3A_2210 : i32 to index
      %get3A_2212 = arith.constant 64 : index
      %get3A_2213 = tpu.vector_load %arg6[%get3A_2211, %get3A_2212] {strides = array<i32>} : memref<64x100xf32, #tpu.memory_space<vmem>>, vector<1x16xf32>,
      %get3A_2214 = vector.shape_cast %get3A_2213 : vector<1x16xf32> to vector<16xf32>
      %add3A_2215 = arith.addf %add3A_2173, %get3A_2214 : vector<16xf32>
      %get3A_2216 = arith.constant 27 : i32
      %get3A_2217 = arith.index_cast %get3A_2216 : i32 to index
      %get3A_2218 = arith.constant 80 : index
      %get3A_2219 = tpu.vector_load %arg6[%get3A_2217, %get3A_2218] {strides = array<i32>} : memref<64x100xf32, #tpu.memory_space<vmem>>, vector<1x16xf32>,
      %get3A_2220 = vector.shape_cast %get3A_2219 : vector<1x16xf32> to vector<16xf32>
      %add3A_2221 = arith.addf %add3A_2179, %get3A_2220 : vector<16xf32>
      %get3A_2222 = arith.constant 27 : i32
      %get3A_2223 = arith.index_cast %get3A_2222 : i32 to index
      %get3A_2224 = arith.constant 84 : index
      %get3A_2225 = tpu.vector_load %arg6[%get3A_2223, %get3A_2224] {strides = array<i32>} : memref<64x100xf32, #tpu.memory_space<vmem>>, vector<1x16xf32>,
      %get3A_2226 = vector.shape_cast %get3A_2225 : vector<1x16xf32> to vector<16xf32>
      %add3A_2227 = arith.addf %add3A_2185, %get3A_2226 : vector<16xf32>
      %get3A_2228 = arith.constant 28 : i32
      %get3A_2229 = arith.index_cast %get3A_2228 : i32 to index
      %get3A_2230 = arith.constant 0 : index
      %get3A_2231 = tpu.vector_load %arg6[%get3A_2229, %get3A_2230] {strides = array<i32>} : memref<64x100xf32, #tpu.memory_space<vmem>>, vector<1x16xf32>,
      %get3A_2232 = vector.shape_cast %get3A_2231 : vector<1x16xf32> to vector<16xf32>
      %add3A_2233 = arith.addf %add3A_2191, %get3A_2232 : vector<16xf32>
      %get3A_2234 = arith.constant 28 : i32
      %get3A_2235 = arith.index_cast %get3A_2234 : i32 to index
      %get3A_2236 = arith.constant 16 : index
      %get3A_2237 = tpu.vector_load %arg6[%get3A_2235, %get3A_2236] {strides = array<i32>} : memref<64x100xf32, #tpu.memory_space<vmem>>, vector<1x16xf32>,
      %get3A_2238 = vector.shape_cast %get3A_2237 : vector<1x16xf32> to vector<16xf32>
      %add3A_2239 = arith.addf %add3A_2197, %get3A_2238 : vector<16xf32>
      %get3A_2240 = arith.constant 28 : i32
      %get3A_2241 = arith.index_cast %get3A_2240 : i32 to index
      %get3A_2242 = arith.constant 32 : index
      %get3A_2243 = tpu.vector_load %arg6[%get3A_2241, %get3A_2242] {strides = array<i32>} : memref<64x100xf32, #tpu.memory_space<vmem>>, vector<1x16xf32>,
      %get3A_2244 = vector.shape_cast %get3A_2243 : vector<1x16xf32> to vector<16xf32>
      %add3A_2245 = arith.addf %add3A_2203, %get3A_2244 : vector<16xf32>
      %get3A_2246 = arith.constant 28 : i32
      %get3A_2247 = arith.index_cast %get3A_2246 : i32 to index
      %get3A_2248 = arith.constant 48 : index
      %get3A_2249 = tpu.vector_load %arg6[%get3A_2247, %get3A_2248] {strides = array<i32>} : memref<64x100xf32, #tpu.memory_space<vmem>>, vector<1x16xf32>,
      %get3A_2250 = vector.shape_cast %get3A_2249 : vector<1x16xf32> to vector<16xf32>
      %add3A_2251 = arith.addf %add3A_2209, %get3A_2250 : vector<16xf32>
      %get3A_2252 = arith.constant 28 : i32
      %get3A_2253 = arith.index_cast %get3A_2252 : i32 to index
      %get3A_2254 = arith.constant 64 : index
      %get3A_2255 = tpu.vector_load %arg6[%get3A_2253, %get3A_2254] {strides = array<i32>} : memref<64x100xf32, #tpu.memory_space<vmem>>, vector<1x16xf32>,
      %get3A_2256 = vector.shape_cast %get3A_2255 : vector<1x16xf32> to vector<16xf32>
      %add3A_2257 = arith.addf %add3A_2215, %get3A_2256 : vector<16xf32>
      %get3A_2258 = arith.constant 28 : i32
      %get3A_2259 = arith.index_cast %get3A_2258 : i32 to index
      %get3A_2260 = arith.constant 80 : index
      %get3A_2261 = tpu.vector_load %arg6[%get3A_2259, %get3A_2260] {strides = array<i32>} : memref<64x100xf32, #tpu.memory_space<vmem>>, vector<1x16xf32>,
      %get3A_2262 = vector.shape_cast %get3A_2261 : vector<1x16xf32> to vector<16xf32>
      %add3A_2263 = arith.addf %add3A_2221, %get3A_2262 : vector<16xf32>
      %get3A_2264 = arith.constant 28 : i32
      %get3A_2265 = arith.index_cast %get3A_2264 : i32 to index
      %get3A_2266 = arith.constant 84 : index
      %get3A_2267 = tpu.vector_load %arg6[%get3A_2265, %get3A_2266] {strides = array<i32>} : memref<64x100xf32, #tpu.memory_space<vmem>>, vector<1x16xf32>,
      %get3A_2268 = vector.shape_cast %get3A_2267 : vector<1x16xf32> to vector<16xf32>
      %add3A_2269 = arith.addf %add3A_2227, %get3A_2268 : vector<16xf32>
      %get3A_2270 = arith.constant 29 : i32
      %get3A_2271 = arith.index_cast %get3A_2270 : i32 to index
      %get3A_2272 = arith.constant 0 : index
      %get3A_2273 = tpu.vector_load %arg6[%get3A_2271, %get3A_2272] {strides = array<i32>} : memref<64x100xf32, #tpu.memory_space<vmem>>, vector<1x16xf32>,
      %get3A_2274 = vector.shape_cast %get3A_2273 : vector<1x16xf32> to vector<16xf32>
      %add3A_2275 = arith.addf %add3A_2233, %get3A_2274 : vector<16xf32>
      %get3A_2276 = arith.constant 29 : i32
      %get3A_2277 = arith.index_cast %get3A_2276 : i32 to index
      %get3A_2278 = arith.constant 16 : index
      %get3A_2279 = tpu.vector_load %arg6[%get3A_2277, %get3A_2278] {strides = array<i32>} : memref<64x100xf32, #tpu.memory_space<vmem>>, vector<1x16xf32>,
      %get3A_2280 = vector.shape_cast %get3A_2279 : vector<1x16xf32> to vector<16xf32>
      %add3A_2281 = arith.addf %add3A_2239, %get3A_2280 : vector<16xf32>
      %get3A_2282 = arith.constant 29 : i32
      %get3A_2283 = arith.index_cast %get3A_2282 : i32 to index
      %get3A_2284 = arith.constant 32 : index
      %get3A_2285 = tpu.vector_load %arg6[%get3A_2283, %get3A_2284] {strides = array<i32>} : memref<64x100xf32, #tpu.memory_space<vmem>>, vector<1x16xf32>,
      %get3A_2286 = vector.shape_cast %get3A_2285 : vector<1x16xf32> to vector<16xf32>
      %add3A_2287 = arith.addf %add3A_2245, %get3A_2286 : vector<16xf32>
      %get3A_2288 = arith.constant 29 : i32
      %get3A_2289 = arith.index_cast %get3A_2288 : i32 to index
      %get3A_2290 = arith.constant 48 : index
      %get3A_2291 = tpu.vector_load %arg6[%get3A_2289, %get3A_2290] {strides = array<i32>} : memref<64x100xf32, #tpu.memory_space<vmem>>, vector<1x16xf32>,
      %get3A_2292 = vector.shape_cast %get3A_2291 : vector<1x16xf32> to vector<16xf32>
      %add3A_2293 = arith.addf %add3A_2251, %get3A_2292 : vector<16xf32>
      %get3A_2294 = arith.constant 29 : i32
      %get3A_2295 = arith.index_cast %get3A_2294 : i32 to index
      %get3A_2296 = arith.constant 64 : index
      %get3A_2297 = tpu.vector_load %arg6[%get3A_2295, %get3A_2296] {strides = array<i32>} : memref<64x100xf32, #tpu.memory_space<vmem>>, vector<1x16xf32>,
      %get3A_2298 = vector.shape_cast %get3A_2297 : vector<1x16xf32> to vector<16xf32>
      %add3A_2299 = arith.addf %add3A_2257, %get3A_2298 : vector<16xf32>
      %get3A_2300 = arith.constant 29 : i32
      %get3A_2301 = arith.index_cast %get3A_2300 : i32 to index
      %get3A_2302 = arith.constant 80 : index
      %get3A_2303 = tpu.vector_load %arg6[%get3A_2301, %get3A_2302] {strides = array<i32>} : memref<64x100xf32, #tpu.memory_space<vmem>>, vector<1x16xf32>,
      %get3A_2304 = vector.shape_cast %get3A_2303 : vector<1x16xf32> to vector<16xf32>
      %add3A_2305 = arith.addf %add3A_2263, %get3A_2304 : vector<16xf32>
      %get3A_2306 = arith.constant 29 : i32
      %get3A_2307 = arith.index_cast %get3A_2306 : i32 to index
      %get3A_2308 = arith.constant 84 : index
      %get3A_2309 = tpu.vector_load %arg6[%get3A_2307, %get3A_2308] {strides = array<i32>} : memref<64x100xf32, #tpu.memory_space<vmem>>, vector<1x16xf32>,
      %get3A_2310 = vector.shape_cast %get3A_2309 : vector<1x16xf32> to vector<16xf32>
      %add3A_2311 = arith.addf %add3A_2269, %get3A_2310 : vector<16xf32>
      %get3A_2312 = arith.constant 30 : i32
      %get3A_2313 = arith.index_cast %get3A_2312 : i32 to index
      %get3A_2314 = arith.constant 0 : index
      %get3A_2315 = tpu.vector_load %arg6[%get3A_2313, %get3A_2314] {strides = array<i32>} : memref<64x100xf32, #tpu.memory_space<vmem>>, vector<1x16xf32>,
      %get3A_2316 = vector.shape_cast %get3A_2315 : vector<1x16xf32> to vector<16xf32>
      %add3A_2317 = arith.addf %add3A_2275, %get3A_2316 : vector<16xf32>
      %get3A_2318 = arith.constant 30 : i32
      %get3A_2319 = arith.index_cast %get3A_2318 : i32 to index
      %get3A_2320 = arith.constant 16 : index
      %get3A_2321 = tpu.vector_load %arg6[%get3A_2319, %get3A_2320] {strides = array<i32>} : memref<64x100xf32, #tpu.memory_space<vmem>>, vector<1x16xf32>,
      %get3A_2322 = vector.shape_cast %get3A_2321 : vector<1x16xf32> to vector<16xf32>
      %add3A_2323 = arith.addf %add3A_2281, %get3A_2322 : vector<16xf32>
      %get3A_2324 = arith.constant 30 : i32
      %get3A_2325 = arith.index_cast %get3A_2324 : i32 to index
      %get3A_2326 = arith.constant 32 : index
      %get3A_2327 = tpu.vector_load %arg6[%get3A_2325, %get3A_2326] {strides = array<i32>} : memref<64x100xf32, #tpu.memory_space<vmem>>, vector<1x16xf32>,
      %get3A_2328 = vector.shape_cast %get3A_2327 : vector<1x16xf32> to vector<16xf32>
      %add3A_2329 = arith.addf %add3A_2287, %get3A_2328 : vector<16xf32>
      %get3A_2330 = arith.constant 30 : i32
      %get3A_2331 = arith.index_cast %get3A_2330 : i32 to index
      %get3A_2332 = arith.constant 48 : index
      %get3A_2333 = tpu.vector_load %arg6[%get3A_2331, %get3A_2332] {strides = array<i32>} : memref<64x100xf32, #tpu.memory_space<vmem>>, vector<1x16xf32>,
      %get3A_2334 = vector.shape_cast %get3A_2333 : vector<1x16xf32> to vector<16xf32>
      %add3A_2335 = arith.addf %add3A_2293, %get3A_2334 : vector<16xf32>
      %get3A_2336 = arith.constant 30 : i32
      %get3A_2337 = arith.index_cast %get3A_2336 : i32 to index
      %get3A_2338 = arith.constant 64 : index
      %get3A_2339 = tpu.vector_load %arg6[%get3A_2337, %get3A_2338] {strides = array<i32>} : memref<64x100xf32, #tpu.memory_space<vmem>>, vector<1x16xf32>,
      %get3A_2340 = vector.shape_cast %get3A_2339 : vector<1x16xf32> to vector<16xf32>
      %add3A_2341 = arith.addf %add3A_2299, %get3A_2340 : vector<16xf32>
      %get3A_2342 = arith.constant 30 : i32
      %get3A_2343 = arith.index_cast %get3A_2342 : i32 to index
      %get3A_2344 = arith.constant 80 : index
      %get3A_2345 = tpu.vector_load %arg6[%get3A_2343, %get3A_2344] {strides = array<i32>} : memref<64x100xf32, #tpu.memory_space<vmem>>, vector<1x16xf32>,
      %get3A_2346 = vector.shape_cast %get3A_2345 : vector<1x16xf32> to vector<16xf32>
      %add3A_2347 = arith.addf %add3A_2305, %get3A_2346 : vector<16xf32>
      %get3A_2348 = arith.constant 30 : i32
      %get3A_2349 = arith.index_cast %get3A_2348 : i32 to index
      %get3A_2350 = arith.constant 84 : index
      %get3A_2351 = tpu.vector_load %arg6[%get3A_2349, %get3A_2350] {strides = array<i32>} : memref<64x100xf32, #tpu.memory_space<vmem>>, vector<1x16xf32>,
      %get3A_2352 = vector.shape_cast %get3A_2351 : vector<1x16xf32> to vector<16xf32>
      %add3A_2353 = arith.addf %add3A_2311, %get3A_2352 : vector<16xf32>
      %get3A_2354 = arith.constant 31 : i32
      %get3A_2355 = arith.index_cast %get3A_2354 : i32 to index
      %get3A_2356 = arith.constant 0 : index
      %get3A_2357 = tpu.vector_load %arg6[%get3A_2355, %get3A_2356] {strides = array<i32>} : memref<64x100xf32, #tpu.memory_space<vmem>>, vector<1x16xf32>,
      %get3A_2358 = vector.shape_cast %get3A_2357 : vector<1x16xf32> to vector<16xf32>
      %add3A_2359 = arith.addf %add3A_2317, %get3A_2358 : vector<16xf32>
      %get3A_2360 = arith.constant 31 : i32
      %get3A_2361 = arith.index_cast %get3A_2360 : i32 to index
      %get3A_2362 = arith.constant 16 : index
      %get3A_2363 = tpu.vector_load %arg6[%get3A_2361, %get3A_2362] {strides = array<i32>} : memref<64x100xf32, #tpu.memory_space<vmem>>, vector<1x16xf32>,
      %get3A_2364 = vector.shape_cast %get3A_2363 : vector<1x16xf32> to vector<16xf32>
      %add3A_2365 = arith.addf %add3A_2323, %get3A_2364 : vector<16xf32>
      %get3A_2366 = arith.constant 31 : i32
      %get3A_2367 = arith.index_cast %get3A_2366 : i32 to index
      %get3A_2368 = arith.constant 32 : index
      %get3A_2369 = tpu.vector_load %arg6[%get3A_2367, %get3A_2368] {strides = array<i32>} : memref<64x100xf32, #tpu.memory_space<vmem>>, vector<1x16xf32>,
      %get3A_2370 = vector.shape_cast %get3A_2369 : vector<1x16xf32> to vector<16xf32>
      %add3A_2371 = arith.addf %add3A_2329, %get3A_2370 : vector<16xf32>
      %get3A_2372 = arith.constant 31 : i32
      %get3A_2373 = arith.index_cast %get3A_2372 : i32 to index
      %get3A_2374 = arith.constant 48 : index
      %get3A_2375 = tpu.vector_load %arg6[%get3A_2373, %get3A_2374] {strides = array<i32>} : memref<64x100xf32, #tpu.memory_space<vmem>>, vector<1x16xf32>,
      %get3A_2376 = vector.shape_cast %get3A_2375 : vector<1x16xf32> to vector<16xf32>
      %add3A_2377 = arith.addf %add3A_2335, %get3A_2376 : vector<16xf32>
      %get3A_2378 = arith.constant 31 : i32
      %get3A_2379 = arith.index_cast %get3A_2378 : i32 to index
      %get3A_2380 = arith.constant 64 : index
      %get3A_2381 = tpu.vector_load %arg6[%get3A_2379, %get3A_2380] {strides = array<i32>} : memref<64x100xf32, #tpu.memory_space<vmem>>, vector<1x16xf32>,
      %get3A_2382 = vector.shape_cast %get3A_2381 : vector<1x16xf32> to vector<16xf32>
      %add3A_2383 = arith.addf %add3A_2341, %get3A_2382 : vector<16xf32>
      %get3A_2384 = arith.constant 31 : i32
      %get3A_2385 = arith.index_cast %get3A_2384 : i32 to index
      %get3A_2386 = arith.constant 80 : index
      %get3A_2387 = tpu.vector_load %arg6[%get3A_2385, %get3A_2386] {strides = array<i32>} : memref<64x100xf32, #tpu.memory_space<vmem>>, vector<1x16xf32>,
      %get3A_2388 = vector.shape_cast %get3A_2387 : vector<1x16xf32> to vector<16xf32>
      %add3A_2389 = arith.addf %add3A_2347, %get3A_2388 : vector<16xf32>
      %get3A_2390 = arith.constant 31 : i32
      %get3A_2391 = arith.index_cast %get3A_2390 : i32 to index
      %get3A_2392 = arith.constant 84 : index
      %get3A_2393 = tpu.vector_load %arg6[%get3A_2391, %get3A_2392] {strides = array<i32>} : memref<64x100xf32, #tpu.memory_space<vmem>>, vector<1x16xf32>,
      %get3A_2394 = vector.shape_cast %get3A_2393 : vector<1x16xf32> to vector<16xf32>
      %add3A_2395 = arith.addf %add3A_2353, %get3A_2394 : vector<16xf32>
      %get3A_2396 = arith.constant 32 : i32
      %get3A_2397 = arith.index_cast %get3A_2396 : i32 to index
      %get3A_2398 = arith.constant 0 : index
      %get3A_2399 = tpu.vector_load %arg6[%get3A_2397, %get3A_2398] {strides = array<i32>} : memref<64x100xf32, #tpu.memory_space<vmem>>, vector<1x16xf32>,
      %get3A_2400 = vector.shape_cast %get3A_2399 : vector<1x16xf32> to vector<16xf32>
      %add3A_2401 = arith.addf %add3A_2359, %get3A_2400 : vector<16xf32>
      %get3A_2402 = arith.constant 32 : i32
      %get3A_2403 = arith.index_cast %get3A_2402 : i32 to index
      %get3A_2404 = arith.constant 16 : index
      %get3A_2405 = tpu.vector_load %arg6[%get3A_2403, %get3A_2404] {strides = array<i32>} : memref<64x100xf32, #tpu.memory_space<vmem>>, vector<1x16xf32>,
      %get3A_2406 = vector.shape_cast %get3A_2405 : vector<1x16xf32> to vector<16xf32>
      %add3A_2407 = arith.addf %add3A_2365, %get3A_2406 : vector<16xf32>
      %get3A_2408 = arith.constant 32 : i32
      %get3A_2409 = arith.index_cast %get3A_2408 : i32 to index
      %get3A_2410 = arith.constant 32 : index
      %get3A_2411 = tpu.vector_load %arg6[%get3A_2409, %get3A_2410] {strides = array<i32>} : memref<64x100xf32, #tpu.memory_space<vmem>>, vector<1x16xf32>,
      %get3A_2412 = vector.shape_cast %get3A_2411 : vector<1x16xf32> to vector<16xf32>
      %add3A_2413 = arith.addf %add3A_2371, %get3A_2412 : vector<16xf32>
      %get3A_2414 = arith.constant 32 : i32
      %get3A_2415 = arith.index_cast %get3A_2414 : i32 to index
      %get3A_2416 = arith.constant 48 : index
      %get3A_2417 = tpu.vector_load %arg6[%get3A_2415, %get3A_2416] {strides = array<i32>} : memref<64x100xf32, #tpu.memory_space<vmem>>, vector<1x16xf32>,
      %get3A_2418 = vector.shape_cast %get3A_2417 : vector<1x16xf32> to vector<16xf32>
      %add3A_2419 = arith.addf %add3A_2377, %get3A_2418 : vector<16xf32>
      %get3A_2420 = arith.constant 32 : i32
      %get3A_2421 = arith.index_cast %get3A_2420 : i32 to index
      %get3A_2422 = arith.constant 64 : index
      %get3A_2423 = tpu.vector_load %arg6[%get3A_2421, %get3A_2422] {strides = array<i32>} : memref<64x100xf32, #tpu.memory_space<vmem>>, vector<1x16xf32>,
      %get3A_2424 = vector.shape_cast %get3A_2423 : vector<1x16xf32> to vector<16xf32>
      %add3A_2425 = arith.addf %add3A_2383, %get3A_2424 : vector<16xf32>
      %get3A_2426 = arith.constant 32 : i32
      %get3A_2427 = arith.index_cast %get3A_2426 : i32 to index
      %get3A_2428 = arith.constant 80 : index
      %get3A_2429 = tpu.vector_load %arg6[%get3A_2427, %get3A_2428] {strides = array<i32>} : memref<64x100xf32, #tpu.memory_space<vmem>>, vector<1x16xf32>,
      %get3A_2430 = vector.shape_cast %get3A_2429 : vector<1x16xf32> to vector<16xf32>
      %add3A_2431 = arith.addf %add3A_2389, %get3A_2430 : vector<16xf32>
      %get3A_2432 = arith.constant 32 : i32
      %get3A_2433 = arith.index_cast %get3A_2432 : i32 to index
      %get3A_2434 = arith.constant 84 : index
      %get3A_2435 = tpu.vector_load %arg6[%get3A_2433, %get3A_2434] {strides = array<i32>} : memref<64x100xf32, #tpu.memory_space<vmem>>, vector<1x16xf32>,
      %get3A_2436 = vector.shape_cast %get3A_2435 : vector<1x16xf32> to vector<16xf32>
      %add3A_2437 = arith.addf %add3A_2395, %get3A_2436 : vector<16xf32>
      %get3A_2438 = arith.constant 33 : i32
      %get3A_2439 = arith.index_cast %get3A_2438 : i32 to index
      %get3A_2440 = arith.constant 0 : index
      %get3A_2441 = tpu.vector_load %arg6[%get3A_2439, %get3A_2440] {strides = array<i32>} : memref<64x100xf32, #tpu.memory_space<vmem>>, vector<1x16xf32>,
      %get3A_2442 = vector.shape_cast %get3A_2441 : vector<1x16xf32> to vector<16xf32>
      %add3A_2443 = arith.addf %add3A_2401, %get3A_2442 : vector<16xf32>
      %get3A_2444 = arith.constant 33 : i32
      %get3A_2445 = arith.index_cast %get3A_2444 : i32 to index
      %get3A_2446 = arith.constant 16 : index
      %get3A_2447 = tpu.vector_load %arg6[%get3A_2445, %get3A_2446] {strides = array<i32>} : memref<64x100xf32, #tpu.memory_space<vmem>>, vector<1x16xf32>,
      %get3A_2448 = vector.shape_cast %get3A_2447 : vector<1x16xf32> to vector<16xf32>
      %add3A_2449 = arith.addf %add3A_2407, %get3A_2448 : vector<16xf32>
      %get3A_2450 = arith.constant 33 : i32
      %get3A_2451 = arith.index_cast %get3A_2450 : i32 to index
      %get3A_2452 = arith.constant 32 : index
      %get3A_2453 = tpu.vector_load %arg6[%get3A_2451, %get3A_2452] {strides = array<i32>} : memref<64x100xf32, #tpu.memory_space<vmem>>, vector<1x16xf32>,
      %get3A_2454 = vector.shape_cast %get3A_2453 : vector<1x16xf32> to vector<16xf32>
      %add3A_2455 = arith.addf %add3A_2413, %get3A_2454 : vector<16xf32>
      %get3A_2456 = arith.constant 33 : i32
      %get3A_2457 = arith.index_cast %get3A_2456 : i32 to index
      %get3A_2458 = arith.constant 48 : index
      %get3A_2459 = tpu.vector_load %arg6[%get3A_2457, %get3A_2458] {strides = array<i32>} : memref<64x100xf32, #tpu.memory_space<vmem>>, vector<1x16xf32>,
      %get3A_2460 = vector.shape_cast %get3A_2459 : vector<1x16xf32> to vector<16xf32>
      %add3A_2461 = arith.addf %add3A_2419, %get3A_2460 : vector<16xf32>
      %get3A_2462 = arith.constant 33 : i32
      %get3A_2463 = arith.index_cast %get3A_2462 : i32 to index
      %get3A_2464 = arith.constant 64 : index
      %get3A_2465 = tpu.vector_load %arg6[%get3A_2463, %get3A_2464] {strides = array<i32>} : memref<64x100xf32, #tpu.memory_space<vmem>>, vector<1x16xf32>,
      %get3A_2466 = vector.shape_cast %get3A_2465 : vector<1x16xf32> to vector<16xf32>
      %add3A_2467 = arith.addf %add3A_2425, %get3A_2466 : vector<16xf32>
      %get3A_2468 = arith.constant 33 : i32
      %get3A_2469 = arith.index_cast %get3A_2468 : i32 to index
      %get3A_2470 = arith.constant 80 : index
      %get3A_2471 = tpu.vector_load %arg6[%get3A_2469, %get3A_2470] {strides = array<i32>} : memref<64x100xf32, #tpu.memory_space<vmem>>, vector<1x16xf32>,
      %get3A_2472 = vector.shape_cast %get3A_2471 : vector<1x16xf32> to vector<16xf32>
      %add3A_2473 = arith.addf %add3A_2431, %get3A_2472 : vector<16xf32>
      %get3A_2474 = arith.constant 33 : i32
      %get3A_2475 = arith.index_cast %get3A_2474 : i32 to index
      %get3A_2476 = arith.constant 84 : index
      %get3A_2477 = tpu.vector_load %arg6[%get3A_2475, %get3A_2476] {strides = array<i32>} : memref<64x100xf32, #tpu.memory_space<vmem>>, vector<1x16xf32>,
      %get3A_2478 = vector.shape_cast %get3A_2477 : vector<1x16xf32> to vector<16xf32>
      %add3A_2479 = arith.addf %add3A_2437, %get3A_2478 : vector<16xf32>
      %get3A_2480 = arith.constant 34 : i32
      %get3A_2481 = arith.index_cast %get3A_2480 : i32 to index
      %get3A_2482 = arith.constant 0 : index
      %get3A_2483 = tpu.vector_load %arg6[%get3A_2481, %get3A_2482] {strides = array<i32>} : memref<64x100xf32, #tpu.memory_space<vmem>>, vector<1x16xf32>,
      %get3A_2484 = vector.shape_cast %get3A_2483 : vector<1x16xf32> to vector<16xf32>
      %add3A_2485 = arith.addf %add3A_2443, %get3A_2484 : vector<16xf32>
      %get3A_2486 = arith.constant 34 : i32
      %get3A_2487 = arith.index_cast %get3A_2486 : i32 to index
      %get3A_2488 = arith.constant 16 : index
      %get3A_2489 = tpu.vector_load %arg6[%get3A_2487, %get3A_2488] {strides = array<i32>} : memref<64x100xf32, #tpu.memory_space<vmem>>, vector<1x16xf32>,
      %get3A_2490 = vector.shape_cast %get3A_2489 : vector<1x16xf32> to vector<16xf32>
      %add3A_2491 = arith.addf %add3A_2449, %get3A_2490 : vector<16xf32>
      %get3A_2492 = arith.constant 34 : i32
      %get3A_2493 = arith.index_cast %get3A_2492 : i32 to index
      %get3A_2494 = arith.constant 32 : index
      %get3A_2495 = tpu.vector_load %arg6[%get3A_2493, %get3A_2494] {strides = array<i32>} : memref<64x100xf32, #tpu.memory_space<vmem>>, vector<1x16xf32>,
      %get3A_2496 = vector.shape_cast %get3A_2495 : vector<1x16xf32> to vector<16xf32>
      %add3A_2497 = arith.addf %add3A_2455, %get3A_2496 : vector<16xf32>
      %get3A_2498 = arith.constant 34 : i32
      %get3A_2499 = arith.index_cast %get3A_2498 : i32 to index
      %get3A_2500 = arith.constant 48 : index
      %get3A_2501 = tpu.vector_load %arg6[%get3A_2499, %get3A_2500] {strides = array<i32>} : memref<64x100xf32, #tpu.memory_space<vmem>>, vector<1x16xf32>,
      %get3A_2502 = vector.shape_cast %get3A_2501 : vector<1x16xf32> to vector<16xf32>
      %add3A_2503 = arith.addf %add3A_2461, %get3A_2502 : vector<16xf32>
      %get3A_2504 = arith.constant 34 : i32
      %get3A_2505 = arith.index_cast %get3A_2504 : i32 to index
      %get3A_2506 = arith.constant 64 : index
      %get3A_2507 = tpu.vector_load %arg6[%get3A_2505, %get3A_2506] {strides = array<i32>} : memref<64x100xf32, #tpu.memory_space<vmem>>, vector<1x16xf32>,
      %get3A_2508 = vector.shape_cast %get3A_2507 : vector<1x16xf32> to vector<16xf32>
      %add3A_2509 = arith.addf %add3A_2467, %get3A_2508 : vector<16xf32>
      %get3A_2510 = arith.constant 34 : i32
      %get3A_2511 = arith.index_cast %get3A_2510 : i32 to index
      %get3A_2512 = arith.constant 80 : index
      %get3A_2513 = tpu.vector_load %arg6[%get3A_2511, %get3A_2512] {strides = array<i32>} : memref<64x100xf32, #tpu.memory_space<vmem>>, vector<1x16xf32>,
      %get3A_2514 = vector.shape_cast %get3A_2513 : vector<1x16xf32> to vector<16xf32>
      %add3A_2515 = arith.addf %add3A_2473, %get3A_2514 : vector<16xf32>
      %get3A_2516 = arith.constant 34 : i32
      %get3A_2517 = arith.index_cast %get3A_2516 : i32 to index
      %get3A_2518 = arith.constant 84 : index
      %get3A_2519 = tpu.vector_load %arg6[%get3A_2517, %get3A_2518] {strides = array<i32>} : memref<64x100xf32, #tpu.memory_space<vmem>>, vector<1x16xf32>,
      %get3A_2520 = vector.shape_cast %get3A_2519 : vector<1x16xf32> to vector<16xf32>
      %add3A_2521 = arith.addf %add3A_2479, %get3A_2520 : vector<16xf32>
      %get3A_2522 = arith.constant 35 : i32
      %get3A_2523 = arith.index_cast %get3A_2522 : i32 to index
      %get3A_2524 = arith.constant 0 : index
      %get3A_2525 = tpu.vector_load %arg6[%get3A_2523, %get3A_2524] {strides = array<i32>} : memref<64x100xf32, #tpu.memory_space<vmem>>, vector<1x16xf32>,
      %get3A_2526 = vector.shape_cast %get3A_2525 : vector<1x16xf32> to vector<16xf32>
      %add3A_2527 = arith.addf %add3A_2485, %get3A_2526 : vector<16xf32>
      %get3A_2528 = arith.constant 35 : i32
      %get3A_2529 = arith.index_cast %get3A_2528 : i32 to index
      %get3A_2530 = arith.constant 16 : index
      %get3A_2531 = tpu.vector_load %arg6[%get3A_2529, %get3A_2530] {strides = array<i32>} : memref<64x100xf32, #tpu.memory_space<vmem>>, vector<1x16xf32>,
      %get3A_2532 = vector.shape_cast %get3A_2531 : vector<1x16xf32> to vector<16xf32>
      %add3A_2533 = arith.addf %add3A_2491, %get3A_2532 : vector<16xf32>
      %get3A_2534 = arith.constant 35 : i32
      %get3A_2535 = arith.index_cast %get3A_2534 : i32 to index
      %get3A_2536 = arith.constant 32 : index
      %get3A_2537 = tpu.vector_load %arg6[%get3A_2535, %get3A_2536] {strides = array<i32>} : memref<64x100xf32, #tpu.memory_space<vmem>>, vector<1x16xf32>,
      %get3A_2538 = vector.shape_cast %get3A_2537 : vector<1x16xf32> to vector<16xf32>
      %add3A_2539 = arith.addf %add3A_2497, %get3A_2538 : vector<16xf32>
      %get3A_2540 = arith.constant 35 : i32
      %get3A_2541 = arith.index_cast %get3A_2540 : i32 to index
      %get3A_2542 = arith.constant 48 : index
      %get3A_2543 = tpu.vector_load %arg6[%get3A_2541, %get3A_2542] {strides = array<i32>} : memref<64x100xf32, #tpu.memory_space<vmem>>, vector<1x16xf32>,
      %get3A_2544 = vector.shape_cast %get3A_2543 : vector<1x16xf32> to vector<16xf32>
      %add3A_2545 = arith.addf %add3A_2503, %get3A_2544 : vector<16xf32>
      %get3A_2546 = arith.constant 35 : i32
      %get3A_2547 = arith.index_cast %get3A_2546 : i32 to index
      %get3A_2548 = arith.constant 64 : index
      %get3A_2549 = tpu.vector_load %arg6[%get3A_2547, %get3A_2548] {strides = array<i32>} : memref<64x100xf32, #tpu.memory_space<vmem>>, vector<1x16xf32>,
      %get3A_2550 = vector.shape_cast %get3A_2549 : vector<1x16xf32> to vector<16xf32>
      %add3A_2551 = arith.addf %add3A_2509, %get3A_2550 : vector<16xf32>
      %get3A_2552 = arith.constant 35 : i32
      %get3A_2553 = arith.index_cast %get3A_2552 : i32 to index
      %get3A_2554 = arith.constant 80 : index
      %get3A_2555 = tpu.vector_load %arg6[%get3A_2553, %get3A_2554] {strides = array<i32>} : memref<64x100xf32, #tpu.memory_space<vmem>>, vector<1x16xf32>,
      %get3A_2556 = vector.shape_cast %get3A_2555 : vector<1x16xf32> to vector<16xf32>
      %add3A_2557 = arith.addf %add3A_2515, %get3A_2556 : vector<16xf32>
      %get3A_2558 = arith.constant 35 : i32
      %get3A_2559 = arith.index_cast %get3A_2558 : i32 to index
      %get3A_2560 = arith.constant 84 : index
      %get3A_2561 = tpu.vector_load %arg6[%get3A_2559, %get3A_2560] {strides = array<i32>} : memref<64x100xf32, #tpu.memory_space<vmem>>, vector<1x16xf32>,
      %get3A_2562 = vector.shape_cast %get3A_2561 : vector<1x16xf32> to vector<16xf32>
      %add3A_2563 = arith.addf %add3A_2521, %get3A_2562 : vector<16xf32>
      %get3A_2564 = arith.constant 36 : i32
      %get3A_2565 = arith.index_cast %get3A_2564 : i32 to index
      %get3A_2566 = arith.constant 0 : index
      %get3A_2567 = tpu.vector_load %arg6[%get3A_2565, %get3A_2566] {strides = array<i32>} : memref<64x100xf32, #tpu.memory_space<vmem>>, vector<1x16xf32>,
      %get3A_2568 = vector.shape_cast %get3A_2567 : vector<1x16xf32> to vector<16xf32>
      %add3A_2569 = arith.addf %add3A_2527, %get3A_2568 : vector<16xf32>
      %get3A_2570 = arith.constant 36 : i32
      %get3A_2571 = arith.index_cast %get3A_2570 : i32 to index
      %get3A_2572 = arith.constant 16 : index
      %get3A_2573 = tpu.vector_load %arg6[%get3A_2571, %get3A_2572] {strides = array<i32>} : memref<64x100xf32, #tpu.memory_space<vmem>>, vector<1x16xf32>,
      %get3A_2574 = vector.shape_cast %get3A_2573 : vector<1x16xf32> to vector<16xf32>
      %add3A_2575 = arith.addf %add3A_2533, %get3A_2574 : vector<16xf32>
      %get3A_2576 = arith.constant 36 : i32
      %get3A_2577 = arith.index_cast %get3A_2576 : i32 to index
      %get3A_2578 = arith.constant 32 : index
      %get3A_2579 = tpu.vector_load %arg6[%get3A_2577, %get3A_2578] {strides = array<i32>} : memref<64x100xf32, #tpu.memory_space<vmem>>, vector<1x16xf32>,
      %get3A_2580 = vector.shape_cast %get3A_2579 : vector<1x16xf32> to vector<16xf32>
      %add3A_2581 = arith.addf %add3A_2539, %get3A_2580 : vector<16xf32>
      %get3A_2582 = arith.constant 36 : i32
      %get3A_2583 = arith.index_cast %get3A_2582 : i32 to index
      %get3A_2584 = arith.constant 48 : index
      %get3A_2585 = tpu.vector_load %arg6[%get3A_2583, %get3A_2584] {strides = array<i32>} : memref<64x100xf32, #tpu.memory_space<vmem>>, vector<1x16xf32>,
      %get3A_2586 = vector.shape_cast %get3A_2585 : vector<1x16xf32> to vector<16xf32>
      %add3A_2587 = arith.addf %add3A_2545, %get3A_2586 : vector<16xf32>
      %get3A_2588 = arith.constant 36 : i32
      %get3A_2589 = arith.index_cast %get3A_2588 : i32 to index
      %get3A_2590 = arith.constant 64 : index
      %get3A_2591 = tpu.vector_load %arg6[%get3A_2589, %get3A_2590] {strides = array<i32>} : memref<64x100xf32, #tpu.memory_space<vmem>>, vector<1x16xf32>,
      %get3A_2592 = vector.shape_cast %get3A_2591 : vector<1x16xf32> to vector<16xf32>
      %add3A_2593 = arith.addf %add3A_2551, %get3A_2592 : vector<16xf32>
      %get3A_2594 = arith.constant 36 : i32
      %get3A_2595 = arith.index_cast %get3A_2594 : i32 to index
      %get3A_2596 = arith.constant 80 : index
      %get3A_2597 = tpu.vector_load %arg6[%get3A_2595, %get3A_2596] {strides = array<i32>} : memref<64x100xf32, #tpu.memory_space<vmem>>, vector<1x16xf32>,
      %get3A_2598 = vector.shape_cast %get3A_2597 : vector<1x16xf32> to vector<16xf32>
      %add3A_2599 = arith.addf %add3A_2557, %get3A_2598 : vector<16xf32>
      %get3A_2600 = arith.constant 36 : i32
      %get3A_2601 = arith.index_cast %get3A_2600 : i32 to index
      %get3A_2602 = arith.constant 84 : index
      %get3A_2603 = tpu.vector_load %arg6[%get3A_2601, %get3A_2602] {strides = array<i32>} : memref<64x100xf32, #tpu.memory_space<vmem>>, vector<1x16xf32>,
      %get3A_2604 = vector.shape_cast %get3A_2603 : vector<1x16xf32> to vector<16xf32>
      %add3A_2605 = arith.addf %add3A_2563, %get3A_2604 : vector<16xf32>
      %get3A_2606 = arith.constant 37 : i32
      %get3A_2607 = arith.index_cast %get3A_2606 : i32 to index
      %get3A_2608 = arith.constant 0 : index
      %get3A_2609 = tpu.vector_load %arg6[%get3A_2607, %get3A_2608] {strides = array<i32>} : memref<64x100xf32, #tpu.memory_space<vmem>>, vector<1x16xf32>,
      %get3A_2610 = vector.shape_cast %get3A_2609 : vector<1x16xf32> to vector<16xf32>
      %add3A_2611 = arith.addf %add3A_2569, %get3A_2610 : vector<16xf32>
      %get3A_2612 = arith.constant 37 : i32
      %get3A_2613 = arith.index_cast %get3A_2612 : i32 to index
      %get3A_2614 = arith.constant 16 : index
      %get3A_2615 = tpu.vector_load %arg6[%get3A_2613, %get3A_2614] {strides = array<i32>} : memref<64x100xf32, #tpu.memory_space<vmem>>, vector<1x16xf32>,
      %get3A_2616 = vector.shape_cast %get3A_2615 : vector<1x16xf32> to vector<16xf32>
      %add3A_2617 = arith.addf %add3A_2575, %get3A_2616 : vector<16xf32>
      %get3A_2618 = arith.constant 37 : i32
      %get3A_2619 = arith.index_cast %get3A_2618 : i32 to index
      %get3A_2620 = arith.constant 32 : index
      %get3A_2621 = tpu.vector_load %arg6[%get3A_2619, %get3A_2620] {strides = array<i32>} : memref<64x100xf32, #tpu.memory_space<vmem>>, vector<1x16xf32>,
      %get3A_2622 = vector.shape_cast %get3A_2621 : vector<1x16xf32> to vector<16xf32>
      %add3A_2623 = arith.addf %add3A_2581, %get3A_2622 : vector<16xf32>
      %get3A_2624 = arith.constant 37 : i32
      %get3A_2625 = arith.index_cast %get3A_2624 : i32 to index
      %get3A_2626 = arith.constant 48 : index
      %get3A_2627 = tpu.vector_load %arg6[%get3A_2625, %get3A_2626] {strides = array<i32>} : memref<64x100xf32, #tpu.memory_space<vmem>>, vector<1x16xf32>,
      %get3A_2628 = vector.shape_cast %get3A_2627 : vector<1x16xf32> to vector<16xf32>
      %add3A_2629 = arith.addf %add3A_2587, %get3A_2628 : vector<16xf32>
      %get3A_2630 = arith.constant 37 : i32
      %get3A_2631 = arith.index_cast %get3A_2630 : i32 to index
      %get3A_2632 = arith.constant 64 : index
      %get3A_2633 = tpu.vector_load %arg6[%get3A_2631, %get3A_2632] {strides = array<i32>} : memref<64x100xf32, #tpu.memory_space<vmem>>, vector<1x16xf32>,
      %get3A_2634 = vector.shape_cast %get3A_2633 : vector<1x16xf32> to vector<16xf32>
      %add3A_2635 = arith.addf %add3A_2593, %get3A_2634 : vector<16xf32>
      %get3A_2636 = arith.constant 37 : i32
      %get3A_2637 = arith.index_cast %get3A_2636 : i32 to index
      %get3A_2638 = arith.constant 80 : index
      %get3A_2639 = tpu.vector_load %arg6[%get3A_2637, %get3A_2638] {strides = array<i32>} : memref<64x100xf32, #tpu.memory_space<vmem>>, vector<1x16xf32>,
      %get3A_2640 = vector.shape_cast %get3A_2639 : vector<1x16xf32> to vector<16xf32>
      %add3A_2641 = arith.addf %add3A_2599, %get3A_2640 : vector<16xf32>
      %get3A_2642 = arith.constant 37 : i32
      %get3A_2643 = arith.index_cast %get3A_2642 : i32 to index
      %get3A_2644 = arith.constant 84 : index
      %get3A_2645 = tpu.vector_load %arg6[%get3A_2643, %get3A_2644] {strides = array<i32>} : memref<64x100xf32, #tpu.memory_space<vmem>>, vector<1x16xf32>,
      %get3A_2646 = vector.shape_cast %get3A_2645 : vector<1x16xf32> to vector<16xf32>
      %add3A_2647 = arith.addf %add3A_2605, %get3A_2646 : vector<16xf32>
      %get3A_2648 = arith.constant 38 : i32
      %get3A_2649 = arith.index_cast %get3A_2648 : i32 to index
      %get3A_2650 = arith.constant 0 : index
      %get3A_2651 = tpu.vector_load %arg6[%get3A_2649, %get3A_2650] {strides = array<i32>} : memref<64x100xf32, #tpu.memory_space<vmem>>, vector<1x16xf32>,
      %get3A_2652 = vector.shape_cast %get3A_2651 : vector<1x16xf32> to vector<16xf32>
      %add3A_2653 = arith.addf %add3A_2611, %get3A_2652 : vector<16xf32>
      %get3A_2654 = arith.constant 38 : i32
      %get3A_2655 = arith.index_cast %get3A_2654 : i32 to index
      %get3A_2656 = arith.constant 16 : index
      %get3A_2657 = tpu.vector_load %arg6[%get3A_2655, %get3A_2656] {strides = array<i32>} : memref<64x100xf32, #tpu.memory_space<vmem>>, vector<1x16xf32>,
      %get3A_2658 = vector.shape_cast %get3A_2657 : vector<1x16xf32> to vector<16xf32>
      %add3A_2659 = arith.addf %add3A_2617, %get3A_2658 : vector<16xf32>
      %get3A_2660 = arith.constant 38 : i32
      %get3A_2661 = arith.index_cast %get3A_2660 : i32 to index
      %get3A_2662 = arith.constant 32 : index
      %get3A_2663 = tpu.vector_load %arg6[%get3A_2661, %get3A_2662] {strides = array<i32>} : memref<64x100xf32, #tpu.memory_space<vmem>>, vector<1x16xf32>,
      %get3A_2664 = vector.shape_cast %get3A_2663 : vector<1x16xf32> to vector<16xf32>
      %add3A_2665 = arith.addf %add3A_2623, %get3A_2664 : vector<16xf32>
      %get3A_2666 = arith.constant 38 : i32
      %get3A_2667 = arith.index_cast %get3A_2666 : i32 to index
      %get3A_2668 = arith.constant 48 : index
      %get3A_2669 = tpu.vector_load %arg6[%get3A_2667, %get3A_2668] {strides = array<i32>} : memref<64x100xf32, #tpu.memory_space<vmem>>, vector<1x16xf32>,
      %get3A_2670 = vector.shape_cast %get3A_2669 : vector<1x16xf32> to vector<16xf32>
      %add3A_2671 = arith.addf %add3A_2629, %get3A_2670 : vector<16xf32>
      %get3A_2672 = arith.constant 38 : i32
      %get3A_2673 = arith.index_cast %get3A_2672 : i32 to index
      %get3A_2674 = arith.constant 64 : index
      %get3A_2675 = tpu.vector_load %arg6[%get3A_2673, %get3A_2674] {strides = array<i32>} : memref<64x100xf32, #tpu.memory_space<vmem>>, vector<1x16xf32>,
      %get3A_2676 = vector.shape_cast %get3A_2675 : vector<1x16xf32> to vector<16xf32>
      %add3A_2677 = arith.addf %add3A_2635, %get3A_2676 : vector<16xf32>
      %get3A_2678 = arith.constant 38 : i32
      %get3A_2679 = arith.index_cast %get3A_2678 : i32 to index
      %get3A_2680 = arith.constant 80 : index
      %get3A_2681 = tpu.vector_load %arg6[%get3A_2679, %get3A_2680] {strides = array<i32>} : memref<64x100xf32, #tpu.memory_space<vmem>>, vector<1x16xf32>,
      %get3A_2682 = vector.shape_cast %get3A_2681 : vector<1x16xf32> to vector<16xf32>
      %add3A_2683 = arith.addf %add3A_2641, %get3A_2682 : vector<16xf32>
      %get3A_2684 = arith.constant 38 : i32
      %get3A_2685 = arith.index_cast %get3A_2684 : i32 to index
      %get3A_2686 = arith.constant 84 : index
      %get3A_2687 = tpu.vector_load %arg6[%get3A_2685, %get3A_2686] {strides = array<i32>} : memref<64x100xf32, #tpu.memory_space<vmem>>, vector<1x16xf32>,
      %get3A_2688 = vector.shape_cast %get3A_2687 : vector<1x16xf32> to vector<16xf32>
      %add3A_2689 = arith.addf %add3A_2647, %get3A_2688 : vector<16xf32>
      %get3A_2690 = arith.constant 39 : i32
      %get3A_2691 = arith.index_cast %get3A_2690 : i32 to index
      %get3A_2692 = arith.constant 0 : index
      %get3A_2693 = tpu.vector_load %arg6[%get3A_2691, %get3A_2692] {strides = array<i32>} : memref<64x100xf32, #tpu.memory_space<vmem>>, vector<1x16xf32>,
      %get3A_2694 = vector.shape_cast %get3A_2693 : vector<1x16xf32> to vector<16xf32>
      %add3A_2695 = arith.addf %add3A_2653, %get3A_2694 : vector<16xf32>
      %get3A_2696 = arith.constant 39 : i32
      %get3A_2697 = arith.index_cast %get3A_2696 : i32 to index
      %get3A_2698 = arith.constant 16 : index
      %get3A_2699 = tpu.vector_load %arg6[%get3A_2697, %get3A_2698] {strides = array<i32>} : memref<64x100xf32, #tpu.memory_space<vmem>>, vector<1x16xf32>,
      %get3A_2700 = vector.shape_cast %get3A_2699 : vector<1x16xf32> to vector<16xf32>
      %add3A_2701 = arith.addf %add3A_2659, %get3A_2700 : vector<16xf32>
      %get3A_2702 = arith.constant 39 : i32
      %get3A_2703 = arith.index_cast %get3A_2702 : i32 to index
      %get3A_2704 = arith.constant 32 : index
      %get3A_2705 = tpu.vector_load %arg6[%get3A_2703, %get3A_2704] {strides = array<i32>} : memref<64x100xf32, #tpu.memory_space<vmem>>, vector<1x16xf32>,
      %get3A_2706 = vector.shape_cast %get3A_2705 : vector<1x16xf32> to vector<16xf32>
      %add3A_2707 = arith.addf %add3A_2665, %get3A_2706 : vector<16xf32>
      %get3A_2708 = arith.constant 39 : i32
      %get3A_2709 = arith.index_cast %get3A_2708 : i32 to index
      %get3A_2710 = arith.constant 48 : index
      %get3A_2711 = tpu.vector_load %arg6[%get3A_2709, %get3A_2710] {strides = array<i32>} : memref<64x100xf32, #tpu.memory_space<vmem>>, vector<1x16xf32>,
      %get3A_2712 = vector.shape_cast %get3A_2711 : vector<1x16xf32> to vector<16xf32>
      %add3A_2713 = arith.addf %add3A_2671, %get3A_2712 : vector<16xf32>
      %get3A_2714 = arith.constant 39 : i32
      %get3A_2715 = arith.index_cast %get3A_2714 : i32 to index
      %get3A_2716 = arith.constant 64 : index
      %get3A_2717 = tpu.vector_load %arg6[%get3A_2715, %get3A_2716] {strides = array<i32>} : memref<64x100xf32, #tpu.memory_space<vmem>>, vector<1x16xf32>,
      %get3A_2718 = vector.shape_cast %get3A_2717 : vector<1x16xf32> to vector<16xf32>
      %add3A_2719 = arith.addf %add3A_2677, %get3A_2718 : vector<16xf32>
      %get3A_2720 = arith.constant 39 : i32
      %get3A_2721 = arith.index_cast %get3A_2720 : i32 to index
      %get3A_2722 = arith.constant 80 : index
      %get3A_2723 = tpu.vector_load %arg6[%get3A_2721, %get3A_2722] {strides = array<i32>} : memref<64x100xf32, #tpu.memory_space<vmem>>, vector<1x16xf32>,
      %get3A_2724 = vector.shape_cast %get3A_2723 : vector<1x16xf32> to vector<16xf32>
      %add3A_2725 = arith.addf %add3A_2683, %get3A_2724 : vector<16xf32>
      %get3A_2726 = arith.constant 39 : i32
      %get3A_2727 = arith.index_cast %get3A_2726 : i32 to index
      %get3A_2728 = arith.constant 84 : index
      %get3A_2729 = tpu.vector_load %arg6[%get3A_2727, %get3A_2728] {strides = array<i32>} : memref<64x100xf32, #tpu.memory_space<vmem>>, vector<1x16xf32>,
      %get3A_2730 = vector.shape_cast %get3A_2729 : vector<1x16xf32> to vector<16xf32>
      %add3A_2731 = arith.addf %add3A_2689, %get3A_2730 : vector<16xf32>
      %get3A_2732 = arith.constant 40 : i32
      %get3A_2733 = arith.index_cast %get3A_2732 : i32 to index
      %get3A_2734 = arith.constant 0 : index
      %get3A_2735 = tpu.vector_load %arg6[%get3A_2733, %get3A_2734] {strides = array<i32>} : memref<64x100xf32, #tpu.memory_space<vmem>>, vector<1x16xf32>,
      %get3A_2736 = vector.shape_cast %get3A_2735 : vector<1x16xf32> to vector<16xf32>
      %add3A_2737 = arith.addf %add3A_2695, %get3A_2736 : vector<16xf32>
      %get3A_2738 = arith.constant 40 : i32
      %get3A_2739 = arith.index_cast %get3A_2738 : i32 to index
      %get3A_2740 = arith.constant 16 : index
      %get3A_2741 = tpu.vector_load %arg6[%get3A_2739, %get3A_2740] {strides = array<i32>} : memref<64x100xf32, #tpu.memory_space<vmem>>, vector<1x16xf32>,
      %get3A_2742 = vector.shape_cast %get3A_2741 : vector<1x16xf32> to vector<16xf32>
      %add3A_2743 = arith.addf %add3A_2701, %get3A_2742 : vector<16xf32>
      %get3A_2744 = arith.constant 40 : i32
      %get3A_2745 = arith.index_cast %get3A_2744 : i32 to index
      %get3A_2746 = arith.constant 32 : index
      %get3A_2747 = tpu.vector_load %arg6[%get3A_2745, %get3A_2746] {strides = array<i32>} : memref<64x100xf32, #tpu.memory_space<vmem>>, vector<1x16xf32>,
      %get3A_2748 = vector.shape_cast %get3A_2747 : vector<1x16xf32> to vector<16xf32>
      %add3A_2749 = arith.addf %add3A_2707, %get3A_2748 : vector<16xf32>
      %get3A_2750 = arith.constant 40 : i32
      %get3A_2751 = arith.index_cast %get3A_2750 : i32 to index
      %get3A_2752 = arith.constant 48 : index
      %get3A_2753 = tpu.vector_load %arg6[%get3A_2751, %get3A_2752] {strides = array<i32>} : memref<64x100xf32, #tpu.memory_space<vmem>>, vector<1x16xf32>,
      %get3A_2754 = vector.shape_cast %get3A_2753 : vector<1x16xf32> to vector<16xf32>
      %add3A_2755 = arith.addf %add3A_2713, %get3A_2754 : vector<16xf32>
      %get3A_2756 = arith.constant 40 : i32
      %get3A_2757 = arith.index_cast %get3A_2756 : i32 to index
      %get3A_2758 = arith.constant 64 : index
      %get3A_2759 = tpu.vector_load %arg6[%get3A_2757, %get3A_2758] {strides = array<i32>} : memref<64x100xf32, #tpu.memory_space<vmem>>, vector<1x16xf32>,
      %get3A_2760 = vector.shape_cast %get3A_2759 : vector<1x16xf32> to vector<16xf32>
      %add3A_2761 = arith.addf %add3A_2719, %get3A_2760 : vector<16xf32>
      %get3A_2762 = arith.constant 40 : i32
      %get3A_2763 = arith.index_cast %get3A_2762 : i32 to index
      %get3A_2764 = arith.constant 80 : index
      %get3A_2765 = tpu.vector_load %arg6[%get3A_2763, %get3A_2764] {strides = array<i32>} : memref<64x100xf32, #tpu.memory_space<vmem>>, vector<1x16xf32>,
      %get3A_2766 = vector.shape_cast %get3A_2765 : vector<1x16xf32> to vector<16xf32>
      %add3A_2767 = arith.addf %add3A_2725, %get3A_2766 : vector<16xf32>
      %get3A_2768 = arith.constant 40 : i32
      %get3A_2769 = arith.index_cast %get3A_2768 : i32 to index
      %get3A_2770 = arith.constant 84 : index
      %get3A_2771 = tpu.vector_load %arg6[%get3A_2769, %get3A_2770] {strides = array<i32>} : memref<64x100xf32, #tpu.memory_space<vmem>>, vector<1x16xf32>,
      %get3A_2772 = vector.shape_cast %get3A_2771 : vector<1x16xf32> to vector<16xf32>
      %add3A_2773 = arith.addf %add3A_2731, %get3A_2772 : vector<16xf32>
      %get3A_2774 = arith.constant 41 : i32
      %get3A_2775 = arith.index_cast %get3A_2774 : i32 to index
      %get3A_2776 = arith.constant 0 : index
      %get3A_2777 = tpu.vector_load %arg6[%get3A_2775, %get3A_2776] {strides = array<i32>} : memref<64x100xf32, #tpu.memory_space<vmem>>, vector<1x16xf32>,
      %get3A_2778 = vector.shape_cast %get3A_2777 : vector<1x16xf32> to vector<16xf32>
      %add3A_2779 = arith.addf %add3A_2737, %get3A_2778 : vector<16xf32>
      %get3A_2780 = arith.constant 41 : i32
      %get3A_2781 = arith.index_cast %get3A_2780 : i32 to index
      %get3A_2782 = arith.constant 16 : index
      %get3A_2783 = tpu.vector_load %arg6[%get3A_2781, %get3A_2782] {strides = array<i32>} : memref<64x100xf32, #tpu.memory_space<vmem>>, vector<1x16xf32>,
      %get3A_2784 = vector.shape_cast %get3A_2783 : vector<1x16xf32> to vector<16xf32>
      %add3A_2785 = arith.addf %add3A_2743, %get3A_2784 : vector<16xf32>
      %get3A_2786 = arith.constant 41 : i32
      %get3A_2787 = arith.index_cast %get3A_2786 : i32 to index
      %get3A_2788 = arith.constant 32 : index
      %get3A_2789 = tpu.vector_load %arg6[%get3A_2787, %get3A_2788] {strides = array<i32>} : memref<64x100xf32, #tpu.memory_space<vmem>>, vector<1x16xf32>,
      %get3A_2790 = vector.shape_cast %get3A_2789 : vector<1x16xf32> to vector<16xf32>
      %add3A_2791 = arith.addf %add3A_2749, %get3A_2790 : vector<16xf32>
      %get3A_2792 = arith.constant 41 : i32
      %get3A_2793 = arith.index_cast %get3A_2792 : i32 to index
      %get3A_2794 = arith.constant 48 : index
      %get3A_2795 = tpu.vector_load %arg6[%get3A_2793, %get3A_2794] {strides = array<i32>} : memref<64x100xf32, #tpu.memory_space<vmem>>, vector<1x16xf32>,
      %get3A_2796 = vector.shape_cast %get3A_2795 : vector<1x16xf32> to vector<16xf32>
      %add3A_2797 = arith.addf %add3A_2755, %get3A_2796 : vector<16xf32>
      %get3A_2798 = arith.constant 41 : i32
      %get3A_2799 = arith.index_cast %get3A_2798 : i32 to index
      %get3A_2800 = arith.constant 64 : index
      %get3A_2801 = tpu.vector_load %arg6[%get3A_2799, %get3A_2800] {strides = array<i32>} : memref<64x100xf32, #tpu.memory_space<vmem>>, vector<1x16xf32>,
      %get3A_2802 = vector.shape_cast %get3A_2801 : vector<1x16xf32> to vector<16xf32>
      %add3A_2803 = arith.addf %add3A_2761, %get3A_2802 : vector<16xf32>
      %get3A_2804 = arith.constant 41 : i32
      %get3A_2805 = arith.index_cast %get3A_2804 : i32 to index
      %get3A_2806 = arith.constant 80 : index
      %get3A_2807 = tpu.vector_load %arg6[%get3A_2805, %get3A_2806] {strides = array<i32>} : memref<64x100xf32, #tpu.memory_space<vmem>>, vector<1x16xf32>,
      %get3A_2808 = vector.shape_cast %get3A_2807 : vector<1x16xf32> to vector<16xf32>
      %add3A_2809 = arith.addf %add3A_2767, %get3A_2808 : vector<16xf32>
      %get3A_2810 = arith.constant 41 : i32
      %get3A_2811 = arith.index_cast %get3A_2810 : i32 to index
      %get3A_2812 = arith.constant 84 : index
      %get3A_2813 = tpu.vector_load %arg6[%get3A_2811, %get3A_2812] {strides = array<i32>} : memref<64x100xf32, #tpu.memory_space<vmem>>, vector<1x16xf32>,
      %get3A_2814 = vector.shape_cast %get3A_2813 : vector<1x16xf32> to vector<16xf32>
      %add3A_2815 = arith.addf %add3A_2773, %get3A_2814 : vector<16xf32>
      %get3A_2816 = arith.constant 42 : i32
      %get3A_2817 = arith.index_cast %get3A_2816 : i32 to index
      %get3A_2818 = arith.constant 0 : index
      %get3A_2819 = tpu.vector_load %arg6[%get3A_2817, %get3A_2818] {strides = array<i32>} : memref<64x100xf32, #tpu.memory_space<vmem>>, vector<1x16xf32>,
      %get3A_2820 = vector.shape_cast %get3A_2819 : vector<1x16xf32> to vector<16xf32>
      %add3A_2821 = arith.addf %add3A_2779, %get3A_2820 : vector<16xf32>
      %get3A_2822 = arith.constant 42 : i32
      %get3A_2823 = arith.index_cast %get3A_2822 : i32 to index
      %get3A_2824 = arith.constant 16 : index
      %get3A_2825 = tpu.vector_load %arg6[%get3A_2823, %get3A_2824] {strides = array<i32>} : memref<64x100xf32, #tpu.memory_space<vmem>>, vector<1x16xf32>,
      %get3A_2826 = vector.shape_cast %get3A_2825 : vector<1x16xf32> to vector<16xf32>
      %add3A_2827 = arith.addf %add3A_2785, %get3A_2826 : vector<16xf32>
      %get3A_2828 = arith.constant 42 : i32
      %get3A_2829 = arith.index_cast %get3A_2828 : i32 to index
      %get3A_2830 = arith.constant 32 : index
      %get3A_2831 = tpu.vector_load %arg6[%get3A_2829, %get3A_2830] {strides = array<i32>} : memref<64x100xf32, #tpu.memory_space<vmem>>, vector<1x16xf32>,
      %get3A_2832 = vector.shape_cast %get3A_2831 : vector<1x16xf32> to vector<16xf32>
      %add3A_2833 = arith.addf %add3A_2791, %get3A_2832 : vector<16xf32>
      %get3A_2834 = arith.constant 42 : i32
      %get3A_2835 = arith.index_cast %get3A_2834 : i32 to index
      %get3A_2836 = arith.constant 48 : index
      %get3A_2837 = tpu.vector_load %arg6[%get3A_2835, %get3A_2836] {strides = array<i32>} : memref<64x100xf32, #tpu.memory_space<vmem>>, vector<1x16xf32>,
      %get3A_2838 = vector.shape_cast %get3A_2837 : vector<1x16xf32> to vector<16xf32>
      %add3A_2839 = arith.addf %add3A_2797, %get3A_2838 : vector<16xf32>
      %get3A_2840 = arith.constant 42 : i32
      %get3A_2841 = arith.index_cast %get3A_2840 : i32 to index
      %get3A_2842 = arith.constant 64 : index
      %get3A_2843 = tpu.vector_load %arg6[%get3A_2841, %get3A_2842] {strides = array<i32>} : memref<64x100xf32, #tpu.memory_space<vmem>>, vector<1x16xf32>,
      %get3A_2844 = vector.shape_cast %get3A_2843 : vector<1x16xf32> to vector<16xf32>
      %add3A_2845 = arith.addf %add3A_2803, %get3A_2844 : vector<16xf32>
      %get3A_2846 = arith.constant 42 : i32
      %get3A_2847 = arith.index_cast %get3A_2846 : i32 to index
      %get3A_2848 = arith.constant 80 : index
      %get3A_2849 = tpu.vector_load %arg6[%get3A_2847, %get3A_2848] {strides = array<i32>} : memref<64x100xf32, #tpu.memory_space<vmem>>, vector<1x16xf32>,
      %get3A_2850 = vector.shape_cast %get3A_2849 : vector<1x16xf32> to vector<16xf32>
      %add3A_2851 = arith.addf %add3A_2809, %get3A_2850 : vector<16xf32>
      %get3A_2852 = arith.constant 42 : i32
      %get3A_2853 = arith.index_cast %get3A_2852 : i32 to index
      %get3A_2854 = arith.constant 84 : index
      %get3A_2855 = tpu.vector_load %arg6[%get3A_2853, %get3A_2854] {strides = array<i32>} : memref<64x100xf32, #tpu.memory_space<vmem>>, vector<1x16xf32>,
      %get3A_2856 = vector.shape_cast %get3A_2855 : vector<1x16xf32> to vector<16xf32>
      %add3A_2857 = arith.addf %add3A_2815, %get3A_2856 : vector<16xf32>
      %get3A_2858 = arith.constant 43 : i32
      %get3A_2859 = arith.index_cast %get3A_2858 : i32 to index
      %get3A_2860 = arith.constant 0 : index
      %get3A_2861 = tpu.vector_load %arg6[%get3A_2859, %get3A_2860] {strides = array<i32>} : memref<64x100xf32, #tpu.memory_space<vmem>>, vector<1x16xf32>,
      %get3A_2862 = vector.shape_cast %get3A_2861 : vector<1x16xf32> to vector<16xf32>
      %add3A_2863 = arith.addf %add3A_2821, %get3A_2862 : vector<16xf32>
      %get3A_2864 = arith.constant 43 : i32
      %get3A_2865 = arith.index_cast %get3A_2864 : i32 to index
      %get3A_2866 = arith.constant 16 : index
      %get3A_2867 = tpu.vector_load %arg6[%get3A_2865, %get3A_2866] {strides = array<i32>} : memref<64x100xf32, #tpu.memory_space<vmem>>, vector<1x16xf32>,
      %get3A_2868 = vector.shape_cast %get3A_2867 : vector<1x16xf32> to vector<16xf32>
      %add3A_2869 = arith.addf %add3A_2827, %get3A_2868 : vector<16xf32>
      %get3A_2870 = arith.constant 43 : i32
      %get3A_2871 = arith.index_cast %get3A_2870 : i32 to index
      %get3A_2872 = arith.constant 32 : index
      %get3A_2873 = tpu.vector_load %arg6[%get3A_2871, %get3A_2872] {strides = array<i32>} : memref<64x100xf32, #tpu.memory_space<vmem>>, vector<1x16xf32>,
      %get3A_2874 = vector.shape_cast %get3A_2873 : vector<1x16xf32> to vector<16xf32>
      %add3A_2875 = arith.addf %add3A_2833, %get3A_2874 : vector<16xf32>
      %get3A_2876 = arith.constant 43 : i32
      %get3A_2877 = arith.index_cast %get3A_2876 : i32 to index
      %get3A_2878 = arith.constant 48 : index
      %get3A_2879 = tpu.vector_load %arg6[%get3A_2877, %get3A_2878] {strides = array<i32>} : memref<64x100xf32, #tpu.memory_space<vmem>>, vector<1x16xf32>,
      %get3A_2880 = vector.shape_cast %get3A_2879 : vector<1x16xf32> to vector<16xf32>
      %add3A_2881 = arith.addf %add3A_2839, %get3A_2880 : vector<16xf32>
      %get3A_2882 = arith.constant 43 : i32
      %get3A_2883 = arith.index_cast %get3A_2882 : i32 to index
      %get3A_2884 = arith.constant 64 : index
      %get3A_2885 = tpu.vector_load %arg6[%get3A_2883, %get3A_2884] {strides = array<i32>} : memref<64x100xf32, #tpu.memory_space<vmem>>, vector<1x16xf32>,
      %get3A_2886 = vector.shape_cast %get3A_2885 : vector<1x16xf32> to vector<16xf32>
      %add3A_2887 = arith.addf %add3A_2845, %get3A_2886 : vector<16xf32>
      %get3A_2888 = arith.constant 43 : i32
      %get3A_2889 = arith.index_cast %get3A_2888 : i32 to index
      %get3A_2890 = arith.constant 80 : index
      %get3A_2891 = tpu.vector_load %arg6[%get3A_2889, %get3A_2890] {strides = array<i32>} : memref<64x100xf32, #tpu.memory_space<vmem>>, vector<1x16xf32>,
      %get3A_2892 = vector.shape_cast %get3A_2891 : vector<1x16xf32> to vector<16xf32>
      %add3A_2893 = arith.addf %add3A_2851, %get3A_2892 : vector<16xf32>
      %get3A_2894 = arith.constant 43 : i32
      %get3A_2895 = arith.index_cast %get3A_2894 : i32 to index
      %get3A_2896 = arith.constant 84 : index
      %get3A_2897 = tpu.vector_load %arg6[%get3A_2895, %get3A_2896] {strides = array<i32>} : memref<64x100xf32, #tpu.memory_space<vmem>>, vector<1x16xf32>,
      %get3A_2898 = vector.shape_cast %get3A_2897 : vector<1x16xf32> to vector<16xf32>
      %add3A_2899 = arith.addf %add3A_2857, %get3A_2898 : vector<16xf32>
      %get3A_2900 = arith.constant 44 : i32
      %get3A_2901 = arith.index_cast %get3A_2900 : i32 to index
      %get3A_2902 = arith.constant 0 : index
      %get3A_2903 = tpu.vector_load %arg6[%get3A_2901, %get3A_2902] {strides = array<i32>} : memref<64x100xf32, #tpu.memory_space<vmem>>, vector<1x16xf32>,
      %get3A_2904 = vector.shape_cast %get3A_2903 : vector<1x16xf32> to vector<16xf32>
      %add3A_2905 = arith.addf %add3A_2863, %get3A_2904 : vector<16xf32>
      %get3A_2906 = arith.constant 44 : i32
      %get3A_2907 = arith.index_cast %get3A_2906 : i32 to index
      %get3A_2908 = arith.constant 16 : index
      %get3A_2909 = tpu.vector_load %arg6[%get3A_2907, %get3A_2908] {strides = array<i32>} : memref<64x100xf32, #tpu.memory_space<vmem>>, vector<1x16xf32>,
      %get3A_2910 = vector.shape_cast %get3A_2909 : vector<1x16xf32> to vector<16xf32>
      %add3A_2911 = arith.addf %add3A_2869, %get3A_2910 : vector<16xf32>
      %get3A_2912 = arith.constant 44 : i32
      %get3A_2913 = arith.index_cast %get3A_2912 : i32 to index
      %get3A_2914 = arith.constant 32 : index
      %get3A_2915 = tpu.vector_load %arg6[%get3A_2913, %get3A_2914] {strides = array<i32>} : memref<64x100xf32, #tpu.memory_space<vmem>>, vector<1x16xf32>,
      %get3A_2916 = vector.shape_cast %get3A_2915 : vector<1x16xf32> to vector<16xf32>
      %add3A_2917 = arith.addf %add3A_2875, %get3A_2916 : vector<16xf32>
      %get3A_2918 = arith.constant 44 : i32
      %get3A_2919 = arith.index_cast %get3A_2918 : i32 to index
      %get3A_2920 = arith.constant 48 : index
      %get3A_2921 = tpu.vector_load %arg6[%get3A_2919, %get3A_2920] {strides = array<i32>} : memref<64x100xf32, #tpu.memory_space<vmem>>, vector<1x16xf32>,
      %get3A_2922 = vector.shape_cast %get3A_2921 : vector<1x16xf32> to vector<16xf32>
      %add3A_2923 = arith.addf %add3A_2881, %get3A_2922 : vector<16xf32>
      %get3A_2924 = arith.constant 44 : i32
      %get3A_2925 = arith.index_cast %get3A_2924 : i32 to index
      %get3A_2926 = arith.constant 64 : index
      %get3A_2927 = tpu.vector_load %arg6[%get3A_2925, %get3A_2926] {strides = array<i32>} : memref<64x100xf32, #tpu.memory_space<vmem>>, vector<1x16xf32>,
      %get3A_2928 = vector.shape_cast %get3A_2927 : vector<1x16xf32> to vector<16xf32>
      %add3A_2929 = arith.addf %add3A_2887, %get3A_2928 : vector<16xf32>
      %get3A_2930 = arith.constant 44 : i32
      %get3A_2931 = arith.index_cast %get3A_2930 : i32 to index
      %get3A_2932 = arith.constant 80 : index
      %get3A_2933 = tpu.vector_load %arg6[%get3A_2931, %get3A_2932] {strides = array<i32>} : memref<64x100xf32, #tpu.memory_space<vmem>>, vector<1x16xf32>,
      %get3A_2934 = vector.shape_cast %get3A_2933 : vector<1x16xf32> to vector<16xf32>
      %add3A_2935 = arith.addf %add3A_2893, %get3A_2934 : vector<16xf32>
      %get3A_2936 = arith.constant 44 : i32
      %get3A_2937 = arith.index_cast %get3A_2936 : i32 to index
      %get3A_2938 = arith.constant 84 : index
      %get3A_2939 = tpu.vector_load %arg6[%get3A_2937, %get3A_2938] {strides = array<i32>} : memref<64x100xf32, #tpu.memory_space<vmem>>, vector<1x16xf32>,
      %get3A_2940 = vector.shape_cast %get3A_2939 : vector<1x16xf32> to vector<16xf32>
      %add3A_2941 = arith.addf %add3A_2899, %get3A_2940 : vector<16xf32>
      %get3A_2942 = arith.constant 45 : i32
      %get3A_2943 = arith.index_cast %get3A_2942 : i32 to index
      %get3A_2944 = arith.constant 0 : index
      %get3A_2945 = tpu.vector_load %arg6[%get3A_2943, %get3A_2944] {strides = array<i32>} : memref<64x100xf32, #tpu.memory_space<vmem>>, vector<1x16xf32>,
      %get3A_2946 = vector.shape_cast %get3A_2945 : vector<1x16xf32> to vector<16xf32>
      %add3A_2947 = arith.addf %add3A_2905, %get3A_2946 : vector<16xf32>
      %get3A_2948 = arith.constant 45 : i32
      %get3A_2949 = arith.index_cast %get3A_2948 : i32 to index
      %get3A_2950 = arith.constant 16 : index
      %get3A_2951 = tpu.vector_load %arg6[%get3A_2949, %get3A_2950] {strides = array<i32>} : memref<64x100xf32, #tpu.memory_space<vmem>>, vector<1x16xf32>,
      %get3A_2952 = vector.shape_cast %get3A_2951 : vector<1x16xf32> to vector<16xf32>
      %add3A_2953 = arith.addf %add3A_2911, %get3A_2952 : vector<16xf32>
      %get3A_2954 = arith.constant 45 : i32
      %get3A_2955 = arith.index_cast %get3A_2954 : i32 to index
      %get3A_2956 = arith.constant 32 : index
      %get3A_2957 = tpu.vector_load %arg6[%get3A_2955, %get3A_2956] {strides = array<i32>} : memref<64x100xf32, #tpu.memory_space<vmem>>, vector<1x16xf32>,
      %get3A_2958 = vector.shape_cast %get3A_2957 : vector<1x16xf32> to vector<16xf32>
      %add3A_2959 = arith.addf %add3A_2917, %get3A_2958 : vector<16xf32>
      %get3A_2960 = arith.constant 45 : i32
      %get3A_2961 = arith.index_cast %get3A_2960 : i32 to index
      %get3A_2962 = arith.constant 48 : index
      %get3A_2963 = tpu.vector_load %arg6[%get3A_2961, %get3A_2962] {strides = array<i32>} : memref<64x100xf32, #tpu.memory_space<vmem>>, vector<1x16xf32>,
      %get3A_2964 = vector.shape_cast %get3A_2963 : vector<1x16xf32> to vector<16xf32>
      %add3A_2965 = arith.addf %add3A_2923, %get3A_2964 : vector<16xf32>
      %get3A_2966 = arith.constant 45 : i32
      %get3A_2967 = arith.index_cast %get3A_2966 : i32 to index
      %get3A_2968 = arith.constant 64 : index
      %get3A_2969 = tpu.vector_load %arg6[%get3A_2967, %get3A_2968] {strides = array<i32>} : memref<64x100xf32, #tpu.memory_space<vmem>>, vector<1x16xf32>,
      %get3A_2970 = vector.shape_cast %get3A_2969 : vector<1x16xf32> to vector<16xf32>
      %add3A_2971 = arith.addf %add3A_2929, %get3A_2970 : vector<16xf32>
      %get3A_2972 = arith.constant 45 : i32
      %get3A_2973 = arith.index_cast %get3A_2972 : i32 to index
      %get3A_2974 = arith.constant 80 : index
      %get3A_2975 = tpu.vector_load %arg6[%get3A_2973, %get3A_2974] {strides = array<i32>} : memref<64x100xf32, #tpu.memory_space<vmem>>, vector<1x16xf32>,
      %get3A_2976 = vector.shape_cast %get3A_2975 : vector<1x16xf32> to vector<16xf32>
      %add3A_2977 = arith.addf %add3A_2935, %get3A_2976 : vector<16xf32>
      %get3A_2978 = arith.constant 45 : i32
      %get3A_2979 = arith.index_cast %get3A_2978 : i32 to index
      %get3A_2980 = arith.constant 84 : index
      %get3A_2981 = tpu.vector_load %arg6[%get3A_2979, %get3A_2980] {strides = array<i32>} : memref<64x100xf32, #tpu.memory_space<vmem>>, vector<1x16xf32>,
      %get3A_2982 = vector.shape_cast %get3A_2981 : vector<1x16xf32> to vector<16xf32>
      %add3A_2983 = arith.addf %add3A_2941, %get3A_2982 : vector<16xf32>
      %get3A_2984 = arith.constant 46 : i32
      %get3A_2985 = arith.index_cast %get3A_2984 : i32 to index
      %get3A_2986 = arith.constant 0 : index
      %get3A_2987 = tpu.vector_load %arg6[%get3A_2985, %get3A_2986] {strides = array<i32>} : memref<64x100xf32, #tpu.memory_space<vmem>>, vector<1x16xf32>,
      %get3A_2988 = vector.shape_cast %get3A_2987 : vector<1x16xf32> to vector<16xf32>
      %add3A_2989 = arith.addf %add3A_2947, %get3A_2988 : vector<16xf32>
      %get3A_2990 = arith.constant 46 : i32
      %get3A_2991 = arith.index_cast %get3A_2990 : i32 to index
      %get3A_2992 = arith.constant 16 : index
      %get3A_2993 = tpu.vector_load %arg6[%get3A_2991, %get3A_2992] {strides = array<i32>} : memref<64x100xf32, #tpu.memory_space<vmem>>, vector<1x16xf32>,
      %get3A_2994 = vector.shape_cast %get3A_2993 : vector<1x16xf32> to vector<16xf32>
      %add3A_2995 = arith.addf %add3A_2953, %get3A_2994 : vector<16xf32>
      %get3A_2996 = arith.constant 46 : i32
      %get3A_2997 = arith.index_cast %get3A_2996 : i32 to index
      %get3A_2998 = arith.constant 32 : index
      %get3A_2999 = tpu.vector_load %arg6[%get3A_2997, %get3A_2998] {strides = array<i32>} : memref<64x100xf32, #tpu.memory_space<vmem>>, vector<1x16xf32>,
      %get3A_3000 = vector.shape_cast %get3A_2999 : vector<1x16xf32> to vector<16xf32>
      %add3A_3001 = arith.addf %add3A_2959, %get3A_3000 : vector<16xf32>
      %get3A_3002 = arith.constant 46 : i32
      %get3A_3003 = arith.index_cast %get3A_3002 : i32 to index
      %get3A_3004 = arith.constant 48 : index
      %get3A_3005 = tpu.vector_load %arg6[%get3A_3003, %get3A_3004] {strides = array<i32>} : memref<64x100xf32, #tpu.memory_space<vmem>>, vector<1x16xf32>,
      %get3A_3006 = vector.shape_cast %get3A_3005 : vector<1x16xf32> to vector<16xf32>
      %add3A_3007 = arith.addf %add3A_2965, %get3A_3006 : vector<16xf32>
      %get3A_3008 = arith.constant 46 : i32
      %get3A_3009 = arith.index_cast %get3A_3008 : i32 to index
      %get3A_3010 = arith.constant 64 : index
      %get3A_3011 = tpu.vector_load %arg6[%get3A_3009, %get3A_3010] {strides = array<i32>} : memref<64x100xf32, #tpu.memory_space<vmem>>, vector<1x16xf32>,
      %get3A_3012 = vector.shape_cast %get3A_3011 : vector<1x16xf32> to vector<16xf32>
      %add3A_3013 = arith.addf %add3A_2971, %get3A_3012 : vector<16xf32>
      %get3A_3014 = arith.constant 46 : i32
      %get3A_3015 = arith.index_cast %get3A_3014 : i32 to index
      %get3A_3016 = arith.constant 80 : index
      %get3A_3017 = tpu.vector_load %arg6[%get3A_3015, %get3A_3016] {strides = array<i32>} : memref<64x100xf32, #tpu.memory_space<vmem>>, vector<1x16xf32>,
      %get3A_3018 = vector.shape_cast %get3A_3017 : vector<1x16xf32> to vector<16xf32>
      %add3A_3019 = arith.addf %add3A_2977, %get3A_3018 : vector<16xf32>
      %get3A_3020 = arith.constant 46 : i32
      %get3A_3021 = arith.index_cast %get3A_3020 : i32 to index
      %get3A_3022 = arith.constant 84 : index
      %get3A_3023 = tpu.vector_load %arg6[%get3A_3021, %get3A_3022] {strides = array<i32>} : memref<64x100xf32, #tpu.memory_space<vmem>>, vector<1x16xf32>,
      %get3A_3024 = vector.shape_cast %get3A_3023 : vector<1x16xf32> to vector<16xf32>
      %add3A_3025 = arith.addf %add3A_2983, %get3A_3024 : vector<16xf32>
      %get3A_3026 = arith.constant 47 : i32
      %get3A_3027 = arith.index_cast %get3A_3026 : i32 to index
      %get3A_3028 = arith.constant 0 : index
      %get3A_3029 = tpu.vector_load %arg6[%get3A_3027, %get3A_3028] {strides = array<i32>} : memref<64x100xf32, #tpu.memory_space<vmem>>, vector<1x16xf32>,
      %get3A_3030 = vector.shape_cast %get3A_3029 : vector<1x16xf32> to vector<16xf32>
      %add3A_3031 = arith.addf %add3A_2989, %get3A_3030 : vector<16xf32>
      %get3A_3032 = arith.constant 47 : i32
      %get3A_3033 = arith.index_cast %get3A_3032 : i32 to index
      %get3A_3034 = arith.constant 16 : index
      %get3A_3035 = tpu.vector_load %arg6[%get3A_3033, %get3A_3034] {strides = array<i32>} : memref<64x100xf32, #tpu.memory_space<vmem>>, vector<1x16xf32>,
      %get3A_3036 = vector.shape_cast %get3A_3035 : vector<1x16xf32> to vector<16xf32>
      %add3A_3037 = arith.addf %add3A_2995, %get3A_3036 : vector<16xf32>
      %get3A_3038 = arith.constant 47 : i32
      %get3A_3039 = arith.index_cast %get3A_3038 : i32 to index
      %get3A_3040 = arith.constant 32 : index
      %get3A_3041 = tpu.vector_load %arg6[%get3A_3039, %get3A_3040] {strides = array<i32>} : memref<64x100xf32, #tpu.memory_space<vmem>>, vector<1x16xf32>,
      %get3A_3042 = vector.shape_cast %get3A_3041 : vector<1x16xf32> to vector<16xf32>
      %add3A_3043 = arith.addf %add3A_3001, %get3A_3042 : vector<16xf32>
      %get3A_3044 = arith.constant 47 : i32
      %get3A_3045 = arith.index_cast %get3A_3044 : i32 to index
      %get3A_3046 = arith.constant 48 : index
      %get3A_3047 = tpu.vector_load %arg6[%get3A_3045, %get3A_3046] {strides = array<i32>} : memref<64x100xf32, #tpu.memory_space<vmem>>, vector<1x16xf32>,
      %get3A_3048 = vector.shape_cast %get3A_3047 : vector<1x16xf32> to vector<16xf32>
      %add3A_3049 = arith.addf %add3A_3007, %get3A_3048 : vector<16xf32>
      %get3A_3050 = arith.constant 47 : i32
      %get3A_3051 = arith.index_cast %get3A_3050 : i32 to index
      %get3A_3052 = arith.constant 64 : index
      %get3A_3053 = tpu.vector_load %arg6[%get3A_3051, %get3A_3052] {strides = array<i32>} : memref<64x100xf32, #tpu.memory_space<vmem>>, vector<1x16xf32>,
      %get3A_3054 = vector.shape_cast %get3A_3053 : vector<1x16xf32> to vector<16xf32>
      %add3A_3055 = arith.addf %add3A_3013, %get3A_3054 : vector<16xf32>
      %get3A_3056 = arith.constant 47 : i32
      %get3A_3057 = arith.index_cast %get3A_3056 : i32 to index
      %get3A_3058 = arith.constant 80 : index
      %get3A_3059 = tpu.vector_load %arg6[%get3A_3057, %get3A_3058] {strides = array<i32>} : memref<64x100xf32, #tpu.memory_space<vmem>>, vector<1x16xf32>,
      %get3A_3060 = vector.shape_cast %get3A_3059 : vector<1x16xf32> to vector<16xf32>
      %add3A_3061 = arith.addf %add3A_3019, %get3A_3060 : vector<16xf32>
      %get3A_3062 = arith.constant 47 : i32
      %get3A_3063 = arith.index_cast %get3A_3062 : i32 to index
      %get3A_3064 = arith.constant 84 : index
      %get3A_3065 = tpu.vector_load %arg6[%get3A_3063, %get3A_3064] {strides = array<i32>} : memref<64x100xf32, #tpu.memory_space<vmem>>, vector<1x16xf32>,
      %get3A_3066 = vector.shape_cast %get3A_3065 : vector<1x16xf32> to vector<16xf32>
      %add3A_3067 = arith.addf %add3A_3025, %get3A_3066 : vector<16xf32>
      %get3A_3068 = arith.constant 48 : i32
      %get3A_3069 = arith.index_cast %get3A_3068 : i32 to index
      %get3A_3070 = arith.constant 0 : index
      %get3A_3071 = tpu.vector_load %arg6[%get3A_3069, %get3A_3070] {strides = array<i32>} : memref<64x100xf32, #tpu.memory_space<vmem>>, vector<1x16xf32>,
      %get3A_3072 = vector.shape_cast %get3A_3071 : vector<1x16xf32> to vector<16xf32>
      %add3A_3073 = arith.addf %add3A_3031, %get3A_3072 : vector<16xf32>
      %get3A_3074 = arith.constant 48 : i32
      %get3A_3075 = arith.index_cast %get3A_3074 : i32 to index
      %get3A_3076 = arith.constant 16 : index
      %get3A_3077 = tpu.vector_load %arg6[%get3A_3075, %get3A_3076] {strides = array<i32>} : memref<64x100xf32, #tpu.memory_space<vmem>>, vector<1x16xf32>,
      %get3A_3078 = vector.shape_cast %get3A_3077 : vector<1x16xf32> to vector<16xf32>
      %add3A_3079 = arith.addf %add3A_3037, %get3A_3078 : vector<16xf32>
      %get3A_3080 = arith.constant 48 : i32
      %get3A_3081 = arith.index_cast %get3A_3080 : i32 to index
      %get3A_3082 = arith.constant 32 : index
      %get3A_3083 = tpu.vector_load %arg6[%get3A_3081, %get3A_3082] {strides = array<i32>} : memref<64x100xf32, #tpu.memory_space<vmem>>, vector<1x16xf32>,
      %get3A_3084 = vector.shape_cast %get3A_3083 : vector<1x16xf32> to vector<16xf32>
      %add3A_3085 = arith.addf %add3A_3043, %get3A_3084 : vector<16xf32>
      %get3A_3086 = arith.constant 48 : i32
      %get3A_3087 = arith.index_cast %get3A_3086 : i32 to index
      %get3A_3088 = arith.constant 48 : index
      %get3A_3089 = tpu.vector_load %arg6[%get3A_3087, %get3A_3088] {strides = array<i32>} : memref<64x100xf32, #tpu.memory_space<vmem>>, vector<1x16xf32>,
      %get3A_3090 = vector.shape_cast %get3A_3089 : vector<1x16xf32> to vector<16xf32>
      %add3A_3091 = arith.addf %add3A_3049, %get3A_3090 : vector<16xf32>
      %get3A_3092 = arith.constant 48 : i32
      %get3A_3093 = arith.index_cast %get3A_3092 : i32 to index
      %get3A_3094 = arith.constant 64 : index
      %get3A_3095 = tpu.vector_load %arg6[%get3A_3093, %get3A_3094] {strides = array<i32>} : memref<64x100xf32, #tpu.memory_space<vmem>>, vector<1x16xf32>,
      %get3A_3096 = vector.shape_cast %get3A_3095 : vector<1x16xf32> to vector<16xf32>
      %add3A_3097 = arith.addf %add3A_3055, %get3A_3096 : vector<16xf32>
      %get3A_3098 = arith.constant 48 : i32
      %get3A_3099 = arith.index_cast %get3A_3098 : i32 to index
      %get3A_3100 = arith.constant 80 : index
      %get3A_3101 = tpu.vector_load %arg6[%get3A_3099, %get3A_3100] {strides = array<i32>} : memref<64x100xf32, #tpu.memory_space<vmem>>, vector<1x16xf32>,
      %get3A_3102 = vector.shape_cast %get3A_3101 : vector<1x16xf32> to vector<16xf32>
      %add3A_3103 = arith.addf %add3A_3061, %get3A_3102 : vector<16xf32>
      %get3A_3104 = arith.constant 48 : i32
      %get3A_3105 = arith.index_cast %get3A_3104 : i32 to index
      %get3A_3106 = arith.constant 84 : index
      %get3A_3107 = tpu.vector_load %arg6[%get3A_3105, %get3A_3106] {strides = array<i32>} : memref<64x100xf32, #tpu.memory_space<vmem>>, vector<1x16xf32>,
      %get3A_3108 = vector.shape_cast %get3A_3107 : vector<1x16xf32> to vector<16xf32>
      %add3A_3109 = arith.addf %add3A_3067, %get3A_3108 : vector<16xf32>
      %get3A_3110 = arith.constant 49 : i32
      %get3A_3111 = arith.index_cast %get3A_3110 : i32 to index
      %get3A_3112 = arith.constant 0 : index
      %get3A_3113 = tpu.vector_load %arg6[%get3A_3111, %get3A_3112] {strides = array<i32>} : memref<64x100xf32, #tpu.memory_space<vmem>>, vector<1x16xf32>,
      %get3A_3114 = vector.shape_cast %get3A_3113 : vector<1x16xf32> to vector<16xf32>
      %add3A_3115 = arith.addf %add3A_3073, %get3A_3114 : vector<16xf32>
      %get3A_3116 = arith.constant 49 : i32
      %get3A_3117 = arith.index_cast %get3A_3116 : i32 to index
      %get3A_3118 = arith.constant 16 : index
      %get3A_3119 = tpu.vector_load %arg6[%get3A_3117, %get3A_3118] {strides = array<i32>} : memref<64x100xf32, #tpu.memory_space<vmem>>, vector<1x16xf32>,
      %get3A_3120 = vector.shape_cast %get3A_3119 : vector<1x16xf32> to vector<16xf32>
      %add3A_3121 = arith.addf %add3A_3079, %get3A_3120 : vector<16xf32>
      %get3A_3122 = arith.constant 49 : i32
      %get3A_3123 = arith.index_cast %get3A_3122 : i32 to index
      %get3A_3124 = arith.constant 32 : index
      %get3A_3125 = tpu.vector_load %arg6[%get3A_3123, %get3A_3124] {strides = array<i32>} : memref<64x100xf32, #tpu.memory_space<vmem>>, vector<1x16xf32>,
      %get3A_3126 = vector.shape_cast %get3A_3125 : vector<1x16xf32> to vector<16xf32>
      %add3A_3127 = arith.addf %add3A_3085, %get3A_3126 : vector<16xf32>
      %get3A_3128 = arith.constant 49 : i32
      %get3A_3129 = arith.index_cast %get3A_3128 : i32 to index
      %get3A_3130 = arith.constant 48 : index
      %get3A_3131 = tpu.vector_load %arg6[%get3A_3129, %get3A_3130] {strides = array<i32>} : memref<64x100xf32, #tpu.memory_space<vmem>>, vector<1x16xf32>,
      %get3A_3132 = vector.shape_cast %get3A_3131 : vector<1x16xf32> to vector<16xf32>
      %add3A_3133 = arith.addf %add3A_3091, %get3A_3132 : vector<16xf32>
      %get3A_3134 = arith.constant 49 : i32
      %get3A_3135 = arith.index_cast %get3A_3134 : i32 to index
      %get3A_3136 = arith.constant 64 : index
      %get3A_3137 = tpu.vector_load %arg6[%get3A_3135, %get3A_3136] {strides = array<i32>} : memref<64x100xf32, #tpu.memory_space<vmem>>, vector<1x16xf32>,
      %get3A_3138 = vector.shape_cast %get3A_3137 : vector<1x16xf32> to vector<16xf32>
      %add3A_3139 = arith.addf %add3A_3097, %get3A_3138 : vector<16xf32>
      %get3A_3140 = arith.constant 49 : i32
      %get3A_3141 = arith.index_cast %get3A_3140 : i32 to index
      %get3A_3142 = arith.constant 80 : index
      %get3A_3143 = tpu.vector_load %arg6[%get3A_3141, %get3A_3142] {strides = array<i32>} : memref<64x100xf32, #tpu.memory_space<vmem>>, vector<1x16xf32>,
      %get3A_3144 = vector.shape_cast %get3A_3143 : vector<1x16xf32> to vector<16xf32>
      %add3A_3145 = arith.addf %add3A_3103, %get3A_3144 : vector<16xf32>
      %get3A_3146 = arith.constant 49 : i32
      %get3A_3147 = arith.index_cast %get3A_3146 : i32 to index
      %get3A_3148 = arith.constant 84 : index
      %get3A_3149 = tpu.vector_load %arg6[%get3A_3147, %get3A_3148] {strides = array<i32>} : memref<64x100xf32, #tpu.memory_space<vmem>>, vector<1x16xf32>,
      %get3A_3150 = vector.shape_cast %get3A_3149 : vector<1x16xf32> to vector<16xf32>
      %add3A_3151 = arith.addf %add3A_3109, %get3A_3150 : vector<16xf32>
      %get3A_3152 = arith.constant 50 : i32
      %get3A_3153 = arith.index_cast %get3A_3152 : i32 to index
      %get3A_3154 = arith.constant 0 : index
      %get3A_3155 = tpu.vector_load %arg6[%get3A_3153, %get3A_3154] {strides = array<i32>} : memref<64x100xf32, #tpu.memory_space<vmem>>, vector<1x16xf32>,
      %get3A_3156 = vector.shape_cast %get3A_3155 : vector<1x16xf32> to vector<16xf32>
      %add3A_3157 = arith.addf %add3A_3115, %get3A_3156 : vector<16xf32>
      %get3A_3158 = arith.constant 50 : i32
      %get3A_3159 = arith.index_cast %get3A_3158 : i32 to index
      %get3A_3160 = arith.constant 16 : index
      %get3A_3161 = tpu.vector_load %arg6[%get3A_3159, %get3A_3160] {strides = array<i32>} : memref<64x100xf32, #tpu.memory_space<vmem>>, vector<1x16xf32>,
      %get3A_3162 = vector.shape_cast %get3A_3161 : vector<1x16xf32> to vector<16xf32>
      %add3A_3163 = arith.addf %add3A_3121, %get3A_3162 : vector<16xf32>
      %get3A_3164 = arith.constant 50 : i32
      %get3A_3165 = arith.index_cast %get3A_3164 : i32 to index
      %get3A_3166 = arith.constant 32 : index
      %get3A_3167 = tpu.vector_load %arg6[%get3A_3165, %get3A_3166] {strides = array<i32>} : memref<64x100xf32, #tpu.memory_space<vmem>>, vector<1x16xf32>,
      %get3A_3168 = vector.shape_cast %get3A_3167 : vector<1x16xf32> to vector<16xf32>
      %add3A_3169 = arith.addf %add3A_3127, %get3A_3168 : vector<16xf32>
      %get3A_3170 = arith.constant 50 : i32
      %get3A_3171 = arith.index_cast %get3A_3170 : i32 to index
      %get3A_3172 = arith.constant 48 : index
      %get3A_3173 = tpu.vector_load %arg6[%get3A_3171, %get3A_3172] {strides = array<i32>} : memref<64x100xf32, #tpu.memory_space<vmem>>, vector<1x16xf32>,
      %get3A_3174 = vector.shape_cast %get3A_3173 : vector<1x16xf32> to vector<16xf32>
      %add3A_3175 = arith.addf %add3A_3133, %get3A_3174 : vector<16xf32>
      %get3A_3176 = arith.constant 50 : i32
      %get3A_3177 = arith.index_cast %get3A_3176 : i32 to index
      %get3A_3178 = arith.constant 64 : index
      %get3A_3179 = tpu.vector_load %arg6[%get3A_3177, %get3A_3178] {strides = array<i32>} : memref<64x100xf32, #tpu.memory_space<vmem>>, vector<1x16xf32>,
      %get3A_3180 = vector.shape_cast %get3A_3179 : vector<1x16xf32> to vector<16xf32>
      %add3A_3181 = arith.addf %add3A_3139, %get3A_3180 : vector<16xf32>
      %get3A_3182 = arith.constant 50 : i32
      %get3A_3183 = arith.index_cast %get3A_3182 : i32 to index
      %get3A_3184 = arith.constant 80 : index
      %get3A_3185 = tpu.vector_load %arg6[%get3A_3183, %get3A_3184] {strides = array<i32>} : memref<64x100xf32, #tpu.memory_space<vmem>>, vector<1x16xf32>,
      %get3A_3186 = vector.shape_cast %get3A_3185 : vector<1x16xf32> to vector<16xf32>
      %add3A_3187 = arith.addf %add3A_3145, %get3A_3186 : vector<16xf32>
      %get3A_3188 = arith.constant 50 : i32
      %get3A_3189 = arith.index_cast %get3A_3188 : i32 to index
      %get3A_3190 = arith.constant 84 : index
      %get3A_3191 = tpu.vector_load %arg6[%get3A_3189, %get3A_3190] {strides = array<i32>} : memref<64x100xf32, #tpu.memory_space<vmem>>, vector<1x16xf32>,
      %get3A_3192 = vector.shape_cast %get3A_3191 : vector<1x16xf32> to vector<16xf32>
      %add3A_3193 = arith.addf %add3A_3151, %get3A_3192 : vector<16xf32>
      %get3A_3194 = arith.constant 51 : i32
      %get3A_3195 = arith.index_cast %get3A_3194 : i32 to index
      %get3A_3196 = arith.constant 0 : index
      %get3A_3197 = tpu.vector_load %arg6[%get3A_3195, %get3A_3196] {strides = array<i32>} : memref<64x100xf32, #tpu.memory_space<vmem>>, vector<1x16xf32>,
      %get3A_3198 = vector.shape_cast %get3A_3197 : vector<1x16xf32> to vector<16xf32>
      %add3A_3199 = arith.addf %add3A_3157, %get3A_3198 : vector<16xf32>
      %get3A_3200 = arith.constant 51 : i32
      %get3A_3201 = arith.index_cast %get3A_3200 : i32 to index
      %get3A_3202 = arith.constant 16 : index
      %get3A_3203 = tpu.vector_load %arg6[%get3A_3201, %get3A_3202] {strides = array<i32>} : memref<64x100xf32, #tpu.memory_space<vmem>>, vector<1x16xf32>,
      %get3A_3204 = vector.shape_cast %get3A_3203 : vector<1x16xf32> to vector<16xf32>
      %add3A_3205 = arith.addf %add3A_3163, %get3A_3204 : vector<16xf32>
      %get3A_3206 = arith.constant 51 : i32
      %get3A_3207 = arith.index_cast %get3A_3206 : i32 to index
      %get3A_3208 = arith.constant 32 : index
      %get3A_3209 = tpu.vector_load %arg6[%get3A_3207, %get3A_3208] {strides = array<i32>} : memref<64x100xf32, #tpu.memory_space<vmem>>, vector<1x16xf32>,
      %get3A_3210 = vector.shape_cast %get3A_3209 : vector<1x16xf32> to vector<16xf32>
      %add3A_3211 = arith.addf %add3A_3169, %get3A_3210 : vector<16xf32>
      %get3A_3212 = arith.constant 51 : i32
      %get3A_3213 = arith.index_cast %get3A_3212 : i32 to index
      %get3A_3214 = arith.constant 48 : index
      %get3A_3215 = tpu.vector_load %arg6[%get3A_3213, %get3A_3214] {strides = array<i32>} : memref<64x100xf32, #tpu.memory_space<vmem>>, vector<1x16xf32>,
      %get3A_3216 = vector.shape_cast %get3A_3215 : vector<1x16xf32> to vector<16xf32>
      %add3A_3217 = arith.addf %add3A_3175, %get3A_3216 : vector<16xf32>
      %get3A_3218 = arith.constant 51 : i32
      %get3A_3219 = arith.index_cast %get3A_3218 : i32 to index
      %get3A_3220 = arith.constant 64 : index
      %get3A_3221 = tpu.vector_load %arg6[%get3A_3219, %get3A_3220] {strides = array<i32>} : memref<64x100xf32, #tpu.memory_space<vmem>>, vector<1x16xf32>,
      %get3A_3222 = vector.shape_cast %get3A_3221 : vector<1x16xf32> to vector<16xf32>
      %add3A_3223 = arith.addf %add3A_3181, %get3A_3222 : vector<16xf32>
      %get3A_3224 = arith.constant 51 : i32
      %get3A_3225 = arith.index_cast %get3A_3224 : i32 to index
      %get3A_3226 = arith.constant 80 : index
      %get3A_3227 = tpu.vector_load %arg6[%get3A_3225, %get3A_3226] {strides = array<i32>} : memref<64x100xf32, #tpu.memory_space<vmem>>, vector<1x16xf32>,
      %get3A_3228 = vector.shape_cast %get3A_3227 : vector<1x16xf32> to vector<16xf32>
      %add3A_3229 = arith.addf %add3A_3187, %get3A_3228 : vector<16xf32>
      %get3A_3230 = arith.constant 51 : i32
      %get3A_3231 = arith.index_cast %get3A_3230 : i32 to index
      %get3A_3232 = arith.constant 84 : index
      %get3A_3233 = tpu.vector_load %arg6[%get3A_3231, %get3A_3232] {strides = array<i32>} : memref<64x100xf32, #tpu.memory_space<vmem>>, vector<1x16xf32>,
      %get3A_3234 = vector.shape_cast %get3A_3233 : vector<1x16xf32> to vector<16xf32>
      %add3A_3235 = arith.addf %add3A_3193, %get3A_3234 : vector<16xf32>
      %get3A_3236 = arith.constant 52 : i32
      %get3A_3237 = arith.index_cast %get3A_3236 : i32 to index
      %get3A_3238 = arith.constant 0 : index
      %get3A_3239 = tpu.vector_load %arg6[%get3A_3237, %get3A_3238] {strides = array<i32>} : memref<64x100xf32, #tpu.memory_space<vmem>>, vector<1x16xf32>,
      %get3A_3240 = vector.shape_cast %get3A_3239 : vector<1x16xf32> to vector<16xf32>
      %add3A_3241 = arith.addf %add3A_3199, %get3A_3240 : vector<16xf32>
      %get3A_3242 = arith.constant 52 : i32
      %get3A_3243 = arith.index_cast %get3A_3242 : i32 to index
      %get3A_3244 = arith.constant 16 : index
      %get3A_3245 = tpu.vector_load %arg6[%get3A_3243, %get3A_3244] {strides = array<i32>} : memref<64x100xf32, #tpu.memory_space<vmem>>, vector<1x16xf32>,
      %get3A_3246 = vector.shape_cast %get3A_3245 : vector<1x16xf32> to vector<16xf32>
      %add3A_3247 = arith.addf %add3A_3205, %get3A_3246 : vector<16xf32>
      %get3A_3248 = arith.constant 52 : i32
      %get3A_3249 = arith.index_cast %get3A_3248 : i32 to index
      %get3A_3250 = arith.constant 32 : index
      %get3A_3251 = tpu.vector_load %arg6[%get3A_3249, %get3A_3250] {strides = array<i32>} : memref<64x100xf32, #tpu.memory_space<vmem>>, vector<1x16xf32>,
      %get3A_3252 = vector.shape_cast %get3A_3251 : vector<1x16xf32> to vector<16xf32>
      %add3A_3253 = arith.addf %add3A_3211, %get3A_3252 : vector<16xf32>
      %get3A_3254 = arith.constant 52 : i32
      %get3A_3255 = arith.index_cast %get3A_3254 : i32 to index
      %get3A_3256 = arith.constant 48 : index
      %get3A_3257 = tpu.vector_load %arg6[%get3A_3255, %get3A_3256] {strides = array<i32>} : memref<64x100xf32, #tpu.memory_space<vmem>>, vector<1x16xf32>,
      %get3A_3258 = vector.shape_cast %get3A_3257 : vector<1x16xf32> to vector<16xf32>
      %add3A_3259 = arith.addf %add3A_3217, %get3A_3258 : vector<16xf32>
      %get3A_3260 = arith.constant 52 : i32
      %get3A_3261 = arith.index_cast %get3A_3260 : i32 to index
      %get3A_3262 = arith.constant 64 : index
      %get3A_3263 = tpu.vector_load %arg6[%get3A_3261, %get3A_3262] {strides = array<i32>} : memref<64x100xf32, #tpu.memory_space<vmem>>, vector<1x16xf32>,
      %get3A_3264 = vector.shape_cast %get3A_3263 : vector<1x16xf32> to vector<16xf32>
      %add3A_3265 = arith.addf %add3A_3223, %get3A_3264 : vector<16xf32>
      %get3A_3266 = arith.constant 52 : i32
      %get3A_3267 = arith.index_cast %get3A_3266 : i32 to index
      %get3A_3268 = arith.constant 80 : index
      %get3A_3269 = tpu.vector_load %arg6[%get3A_3267, %get3A_3268] {strides = array<i32>} : memref<64x100xf32, #tpu.memory_space<vmem>>, vector<1x16xf32>,
      %get3A_3270 = vector.shape_cast %get3A_3269 : vector<1x16xf32> to vector<16xf32>
      %add3A_3271 = arith.addf %add3A_3229, %get3A_3270 : vector<16xf32>
      %get3A_3272 = arith.constant 52 : i32
      %get3A_3273 = arith.index_cast %get3A_3272 : i32 to index
      %get3A_3274 = arith.constant 84 : index
      %get3A_3275 = tpu.vector_load %arg6[%get3A_3273, %get3A_3274] {strides = array<i32>} : memref<64x100xf32, #tpu.memory_space<vmem>>, vector<1x16xf32>,
      %get3A_3276 = vector.shape_cast %get3A_3275 : vector<1x16xf32> to vector<16xf32>
      %add3A_3277 = arith.addf %add3A_3235, %get3A_3276 : vector<16xf32>
      %get3A_3278 = arith.constant 53 : i32
      %get3A_3279 = arith.index_cast %get3A_3278 : i32 to index
      %get3A_3280 = arith.constant 0 : index
      %get3A_3281 = tpu.vector_load %arg6[%get3A_3279, %get3A_3280] {strides = array<i32>} : memref<64x100xf32, #tpu.memory_space<vmem>>, vector<1x16xf32>,
      %get3A_3282 = vector.shape_cast %get3A_3281 : vector<1x16xf32> to vector<16xf32>
      %add3A_3283 = arith.addf %add3A_3241, %get3A_3282 : vector<16xf32>
      %get3A_3284 = arith.constant 53 : i32
      %get3A_3285 = arith.index_cast %get3A_3284 : i32 to index
      %get3A_3286 = arith.constant 16 : index
      %get3A_3287 = tpu.vector_load %arg6[%get3A_3285, %get3A_3286] {strides = array<i32>} : memref<64x100xf32, #tpu.memory_space<vmem>>, vector<1x16xf32>,
      %get3A_3288 = vector.shape_cast %get3A_3287 : vector<1x16xf32> to vector<16xf32>
      %add3A_3289 = arith.addf %add3A_3247, %get3A_3288 : vector<16xf32>
      %get3A_3290 = arith.constant 53 : i32
      %get3A_3291 = arith.index_cast %get3A_3290 : i32 to index
      %get3A_3292 = arith.constant 32 : index
      %get3A_3293 = tpu.vector_load %arg6[%get3A_3291, %get3A_3292] {strides = array<i32>} : memref<64x100xf32, #tpu.memory_space<vmem>>, vector<1x16xf32>,
      %get3A_3294 = vector.shape_cast %get3A_3293 : vector<1x16xf32> to vector<16xf32>
      %add3A_3295 = arith.addf %add3A_3253, %get3A_3294 : vector<16xf32>
      %get3A_3296 = arith.constant 53 : i32
      %get3A_3297 = arith.index_cast %get3A_3296 : i32 to index
      %get3A_3298 = arith.constant 48 : index
      %get3A_3299 = tpu.vector_load %arg6[%get3A_3297, %get3A_3298] {strides = array<i32>} : memref<64x100xf32, #tpu.memory_space<vmem>>, vector<1x16xf32>,
      %get3A_3300 = vector.shape_cast %get3A_3299 : vector<1x16xf32> to vector<16xf32>
      %add3A_3301 = arith.addf %add3A_3259, %get3A_3300 : vector<16xf32>
      %get3A_3302 = arith.constant 53 : i32
      %get3A_3303 = arith.index_cast %get3A_3302 : i32 to index
      %get3A_3304 = arith.constant 64 : index
      %get3A_3305 = tpu.vector_load %arg6[%get3A_3303, %get3A_3304] {strides = array<i32>} : memref<64x100xf32, #tpu.memory_space<vmem>>, vector<1x16xf32>,
      %get3A_3306 = vector.shape_cast %get3A_3305 : vector<1x16xf32> to vector<16xf32>
      %add3A_3307 = arith.addf %add3A_3265, %get3A_3306 : vector<16xf32>
      %get3A_3308 = arith.constant 53 : i32
      %get3A_3309 = arith.index_cast %get3A_3308 : i32 to index
      %get3A_3310 = arith.constant 80 : index
      %get3A_3311 = tpu.vector_load %arg6[%get3A_3309, %get3A_3310] {strides = array<i32>} : memref<64x100xf32, #tpu.memory_space<vmem>>, vector<1x16xf32>,
      %get3A_3312 = vector.shape_cast %get3A_3311 : vector<1x16xf32> to vector<16xf32>
      %add3A_3313 = arith.addf %add3A_3271, %get3A_3312 : vector<16xf32>
      %get3A_3314 = arith.constant 53 : i32
      %get3A_3315 = arith.index_cast %get3A_3314 : i32 to index
      %get3A_3316 = arith.constant 84 : index
      %get3A_3317 = tpu.vector_load %arg6[%get3A_3315, %get3A_3316] {strides = array<i32>} : memref<64x100xf32, #tpu.memory_space<vmem>>, vector<1x16xf32>,
      %get3A_3318 = vector.shape_cast %get3A_3317 : vector<1x16xf32> to vector<16xf32>
      %add3A_3319 = arith.addf %add3A_3277, %get3A_3318 : vector<16xf32>
      %get3A_3320 = arith.constant 54 : i32
      %get3A_3321 = arith.index_cast %get3A_3320 : i32 to index
      %get3A_3322 = arith.constant 0 : index
      %get3A_3323 = tpu.vector_load %arg6[%get3A_3321, %get3A_3322] {strides = array<i32>} : memref<64x100xf32, #tpu.memory_space<vmem>>, vector<1x16xf32>,
      %get3A_3324 = vector.shape_cast %get3A_3323 : vector<1x16xf32> to vector<16xf32>
      %add3A_3325 = arith.addf %add3A_3283, %get3A_3324 : vector<16xf32>
      %get3A_3326 = arith.constant 54 : i32
      %get3A_3327 = arith.index_cast %get3A_3326 : i32 to index
      %get3A_3328 = arith.constant 16 : index
      %get3A_3329 = tpu.vector_load %arg6[%get3A_3327, %get3A_3328] {strides = array<i32>} : memref<64x100xf32, #tpu.memory_space<vmem>>, vector<1x16xf32>,
      %get3A_3330 = vector.shape_cast %get3A_3329 : vector<1x16xf32> to vector<16xf32>
      %add3A_3331 = arith.addf %add3A_3289, %get3A_3330 : vector<16xf32>
      %get3A_3332 = arith.constant 54 : i32
      %get3A_3333 = arith.index_cast %get3A_3332 : i32 to index
      %get3A_3334 = arith.constant 32 : index
      %get3A_3335 = tpu.vector_load %arg6[%get3A_3333, %get3A_3334] {strides = array<i32>} : memref<64x100xf32, #tpu.memory_space<vmem>>, vector<1x16xf32>,
      %get3A_3336 = vector.shape_cast %get3A_3335 : vector<1x16xf32> to vector<16xf32>
      %add3A_3337 = arith.addf %add3A_3295, %get3A_3336 : vector<16xf32>
      %get3A_3338 = arith.constant 54 : i32
      %get3A_3339 = arith.index_cast %get3A_3338 : i32 to index
      %get3A_3340 = arith.constant 48 : index
      %get3A_3341 = tpu.vector_load %arg6[%get3A_3339, %get3A_3340] {strides = array<i32>} : memref<64x100xf32, #tpu.memory_space<vmem>>, vector<1x16xf32>,
      %get3A_3342 = vector.shape_cast %get3A_3341 : vector<1x16xf32> to vector<16xf32>
      %add3A_3343 = arith.addf %add3A_3301, %get3A_3342 : vector<16xf32>
      %get3A_3344 = arith.constant 54 : i32
      %get3A_3345 = arith.index_cast %get3A_3344 : i32 to index
      %get3A_3346 = arith.constant 64 : index
      %get3A_3347 = tpu.vector_load %arg6[%get3A_3345, %get3A_3346] {strides = array<i32>} : memref<64x100xf32, #tpu.memory_space<vmem>>, vector<1x16xf32>,
      %get3A_3348 = vector.shape_cast %get3A_3347 : vector<1x16xf32> to vector<16xf32>
      %add3A_3349 = arith.addf %add3A_3307, %get3A_3348 : vector<16xf32>
      %get3A_3350 = arith.constant 54 : i32
      %get3A_3351 = arith.index_cast %get3A_3350 : i32 to index
      %get3A_3352 = arith.constant 80 : index
      %get3A_3353 = tpu.vector_load %arg6[%get3A_3351, %get3A_3352] {strides = array<i32>} : memref<64x100xf32, #tpu.memory_space<vmem>>, vector<1x16xf32>,
      %get3A_3354 = vector.shape_cast %get3A_3353 : vector<1x16xf32> to vector<16xf32>
      %add3A_3355 = arith.addf %add3A_3313, %get3A_3354 : vector<16xf32>
      %get3A_3356 = arith.constant 54 : i32
      %get3A_3357 = arith.index_cast %get3A_3356 : i32 to index
      %get3A_3358 = arith.constant 84 : index
      %get3A_3359 = tpu.vector_load %arg6[%get3A_3357, %get3A_3358] {strides = array<i32>} : memref<64x100xf32, #tpu.memory_space<vmem>>, vector<1x16xf32>,
      %get3A_3360 = vector.shape_cast %get3A_3359 : vector<1x16xf32> to vector<16xf32>
      %add3A_3361 = arith.addf %add3A_3319, %get3A_3360 : vector<16xf32>
      %get3A_3362 = arith.constant 55 : i32
      %get3A_3363 = arith.index_cast %get3A_3362 : i32 to index
      %get3A_3364 = arith.constant 0 : index
      %get3A_3365 = tpu.vector_load %arg6[%get3A_3363, %get3A_3364] {strides = array<i32>} : memref<64x100xf32, #tpu.memory_space<vmem>>, vector<1x16xf32>,
      %get3A_3366 = vector.shape_cast %get3A_3365 : vector<1x16xf32> to vector<16xf32>
      %add3A_3367 = arith.addf %add3A_3325, %get3A_3366 : vector<16xf32>
      %get3A_3368 = arith.constant 55 : i32
      %get3A_3369 = arith.index_cast %get3A_3368 : i32 to index
      %get3A_3370 = arith.constant 16 : index
      %get3A_3371 = tpu.vector_load %arg6[%get3A_3369, %get3A_3370] {strides = array<i32>} : memref<64x100xf32, #tpu.memory_space<vmem>>, vector<1x16xf32>,
      %get3A_3372 = vector.shape_cast %get3A_3371 : vector<1x16xf32> to vector<16xf32>
      %add3A_3373 = arith.addf %add3A_3331, %get3A_3372 : vector<16xf32>
      %get3A_3374 = arith.constant 55 : i32
      %get3A_3375 = arith.index_cast %get3A_3374 : i32 to index
      %get3A_3376 = arith.constant 32 : index
      %get3A_3377 = tpu.vector_load %arg6[%get3A_3375, %get3A_3376] {strides = array<i32>} : memref<64x100xf32, #tpu.memory_space<vmem>>, vector<1x16xf32>,
      %get3A_3378 = vector.shape_cast %get3A_3377 : vector<1x16xf32> to vector<16xf32>
      %add3A_3379 = arith.addf %add3A_3337, %get3A_3378 : vector<16xf32>
      %get3A_3380 = arith.constant 55 : i32
      %get3A_3381 = arith.index_cast %get3A_3380 : i32 to index
      %get3A_3382 = arith.constant 48 : index
      %get3A_3383 = tpu.vector_load %arg6[%get3A_3381, %get3A_3382] {strides = array<i32>} : memref<64x100xf32, #tpu.memory_space<vmem>>, vector<1x16xf32>,
      %get3A_3384 = vector.shape_cast %get3A_3383 : vector<1x16xf32> to vector<16xf32>
      %add3A_3385 = arith.addf %add3A_3343, %get3A_3384 : vector<16xf32>
      %get3A_3386 = arith.constant 55 : i32
      %get3A_3387 = arith.index_cast %get3A_3386 : i32 to index
      %get3A_3388 = arith.constant 64 : index
      %get3A_3389 = tpu.vector_load %arg6[%get3A_3387, %get3A_3388] {strides = array<i32>} : memref<64x100xf32, #tpu.memory_space<vmem>>, vector<1x16xf32>,
      %get3A_3390 = vector.shape_cast %get3A_3389 : vector<1x16xf32> to vector<16xf32>
      %add3A_3391 = arith.addf %add3A_3349, %get3A_3390 : vector<16xf32>
      %get3A_3392 = arith.constant 55 : i32
      %get3A_3393 = arith.index_cast %get3A_3392 : i32 to index
      %get3A_3394 = arith.constant 80 : index
      %get3A_3395 = tpu.vector_load %arg6[%get3A_3393, %get3A_3394] {strides = array<i32>} : memref<64x100xf32, #tpu.memory_space<vmem>>, vector<1x16xf32>,
      %get3A_3396 = vector.shape_cast %get3A_3395 : vector<1x16xf32> to vector<16xf32>
      %add3A_3397 = arith.addf %add3A_3355, %get3A_3396 : vector<16xf32>
      %get3A_3398 = arith.constant 55 : i32
      %get3A_3399 = arith.index_cast %get3A_3398 : i32 to index
      %get3A_3400 = arith.constant 84 : index
      %get3A_3401 = tpu.vector_load %arg6[%get3A_3399, %get3A_3400] {strides = array<i32>} : memref<64x100xf32, #tpu.memory_space<vmem>>, vector<1x16xf32>,
      %get3A_3402 = vector.shape_cast %get3A_3401 : vector<1x16xf32> to vector<16xf32>
      %add3A_3403 = arith.addf %add3A_3361, %get3A_3402 : vector<16xf32>
      %get3A_3404 = arith.constant 56 : i32
      %get3A_3405 = arith.index_cast %get3A_3404 : i32 to index
      %get3A_3406 = arith.constant 0 : index
      %get3A_3407 = tpu.vector_load %arg6[%get3A_3405, %get3A_3406] {strides = array<i32>} : memref<64x100xf32, #tpu.memory_space<vmem>>, vector<1x16xf32>,
      %get3A_3408 = vector.shape_cast %get3A_3407 : vector<1x16xf32> to vector<16xf32>
      %add3A_3409 = arith.addf %add3A_3367, %get3A_3408 : vector<16xf32>
      %get3A_3410 = arith.constant 56 : i32
      %get3A_3411 = arith.index_cast %get3A_3410 : i32 to index
      %get3A_3412 = arith.constant 16 : index
      %get3A_3413 = tpu.vector_load %arg6[%get3A_3411, %get3A_3412] {strides = array<i32>} : memref<64x100xf32, #tpu.memory_space<vmem>>, vector<1x16xf32>,
      %get3A_3414 = vector.shape_cast %get3A_3413 : vector<1x16xf32> to vector<16xf32>
      %add3A_3415 = arith.addf %add3A_3373, %get3A_3414 : vector<16xf32>
      %get3A_3416 = arith.constant 56 : i32
      %get3A_3417 = arith.index_cast %get3A_3416 : i32 to index
      %get3A_3418 = arith.constant 32 : index
      %get3A_3419 = tpu.vector_load %arg6[%get3A_3417, %get3A_3418] {strides = array<i32>} : memref<64x100xf32, #tpu.memory_space<vmem>>, vector<1x16xf32>,
      %get3A_3420 = vector.shape_cast %get3A_3419 : vector<1x16xf32> to vector<16xf32>
      %add3A_3421 = arith.addf %add3A_3379, %get3A_3420 : vector<16xf32>
      %get3A_3422 = arith.constant 56 : i32
      %get3A_3423 = arith.index_cast %get3A_3422 : i32 to index
      %get3A_3424 = arith.constant 48 : index
      %get3A_3425 = tpu.vector_load %arg6[%get3A_3423, %get3A_3424] {strides = array<i32>} : memref<64x100xf32, #tpu.memory_space<vmem>>, vector<1x16xf32>,
      %get3A_3426 = vector.shape_cast %get3A_3425 : vector<1x16xf32> to vector<16xf32>
      %add3A_3427 = arith.addf %add3A_3385, %get3A_3426 : vector<16xf32>
      %get3A_3428 = arith.constant 56 : i32
      %get3A_3429 = arith.index_cast %get3A_3428 : i32 to index
      %get3A_3430 = arith.constant 64 : index
      %get3A_3431 = tpu.vector_load %arg6[%get3A_3429, %get3A_3430] {strides = array<i32>} : memref<64x100xf32, #tpu.memory_space<vmem>>, vector<1x16xf32>,
      %get3A_3432 = vector.shape_cast %get3A_3431 : vector<1x16xf32> to vector<16xf32>
      %add3A_3433 = arith.addf %add3A_3391, %get3A_3432 : vector<16xf32>
      %get3A_3434 = arith.constant 56 : i32
      %get3A_3435 = arith.index_cast %get3A_3434 : i32 to index
      %get3A_3436 = arith.constant 80 : index
      %get3A_3437 = tpu.vector_load %arg6[%get3A_3435, %get3A_3436] {strides = array<i32>} : memref<64x100xf32, #tpu.memory_space<vmem>>, vector<1x16xf32>,
      %get3A_3438 = vector.shape_cast %get3A_3437 : vector<1x16xf32> to vector<16xf32>
      %add3A_3439 = arith.addf %add3A_3397, %get3A_3438 : vector<16xf32>
      %get3A_3440 = arith.constant 56 : i32
      %get3A_3441 = arith.index_cast %get3A_3440 : i32 to index
      %get3A_3442 = arith.constant 84 : index
      %get3A_3443 = tpu.vector_load %arg6[%get3A_3441, %get3A_3442] {strides = array<i32>} : memref<64x100xf32, #tpu.memory_space<vmem>>, vector<1x16xf32>,
      %get3A_3444 = vector.shape_cast %get3A_3443 : vector<1x16xf32> to vector<16xf32>
      %add3A_3445 = arith.addf %add3A_3403, %get3A_3444 : vector<16xf32>
      %get3A_3446 = arith.constant 57 : i32
      %get3A_3447 = arith.index_cast %get3A_3446 : i32 to index
      %get3A_3448 = arith.constant 0 : index
      %get3A_3449 = tpu.vector_load %arg6[%get3A_3447, %get3A_3448] {strides = array<i32>} : memref<64x100xf32, #tpu.memory_space<vmem>>, vector<1x16xf32>,
      %get3A_3450 = vector.shape_cast %get3A_3449 : vector<1x16xf32> to vector<16xf32>
      %add3A_3451 = arith.addf %add3A_3409, %get3A_3450 : vector<16xf32>
      %get3A_3452 = arith.constant 57 : i32
      %get3A_3453 = arith.index_cast %get3A_3452 : i32 to index
      %get3A_3454 = arith.constant 16 : index
      %get3A_3455 = tpu.vector_load %arg6[%get3A_3453, %get3A_3454] {strides = array<i32>} : memref<64x100xf32, #tpu.memory_space<vmem>>, vector<1x16xf32>,
      %get3A_3456 = vector.shape_cast %get3A_3455 : vector<1x16xf32> to vector<16xf32>
      %add3A_3457 = arith.addf %add3A_3415, %get3A_3456 : vector<16xf32>
      %get3A_3458 = arith.constant 57 : i32
      %get3A_3459 = arith.index_cast %get3A_3458 : i32 to index
      %get3A_3460 = arith.constant 32 : index
      %get3A_3461 = tpu.vector_load %arg6[%get3A_3459, %get3A_3460] {strides = array<i32>} : memref<64x100xf32, #tpu.memory_space<vmem>>, vector<1x16xf32>,
      %get3A_3462 = vector.shape_cast %get3A_3461 : vector<1x16xf32> to vector<16xf32>
      %add3A_3463 = arith.addf %add3A_3421, %get3A_3462 : vector<16xf32>
      %get3A_3464 = arith.constant 57 : i32
      %get3A_3465 = arith.index_cast %get3A_3464 : i32 to index
      %get3A_3466 = arith.constant 48 : index
      %get3A_3467 = tpu.vector_load %arg6[%get3A_3465, %get3A_3466] {strides = array<i32>} : memref<64x100xf32, #tpu.memory_space<vmem>>, vector<1x16xf32>,
      %get3A_3468 = vector.shape_cast %get3A_3467 : vector<1x16xf32> to vector<16xf32>
      %add3A_3469 = arith.addf %add3A_3427, %get3A_3468 : vector<16xf32>
      %get3A_3470 = arith.constant 57 : i32
      %get3A_3471 = arith.index_cast %get3A_3470 : i32 to index
      %get3A_3472 = arith.constant 64 : index
      %get3A_3473 = tpu.vector_load %arg6[%get3A_3471, %get3A_3472] {strides = array<i32>} : memref<64x100xf32, #tpu.memory_space<vmem>>, vector<1x16xf32>,
      %get3A_3474 = vector.shape_cast %get3A_3473 : vector<1x16xf32> to vector<16xf32>
      %add3A_3475 = arith.addf %add3A_3433, %get3A_3474 : vector<16xf32>
      %get3A_3476 = arith.constant 57 : i32
      %get3A_3477 = arith.index_cast %get3A_3476 : i32 to index
      %get3A_3478 = arith.constant 80 : index
      %get3A_3479 = tpu.vector_load %arg6[%get3A_3477, %get3A_3478] {strides = array<i32>} : memref<64x100xf32, #tpu.memory_space<vmem>>, vector<1x16xf32>,
      %get3A_3480 = vector.shape_cast %get3A_3479 : vector<1x16xf32> to vector<16xf32>
      %add3A_3481 = arith.addf %add3A_3439, %get3A_3480 : vector<16xf32>
      %get3A_3482 = arith.constant 57 : i32
      %get3A_3483 = arith.index_cast %get3A_3482 : i32 to index
      %get3A_3484 = arith.constant 84 : index
      %get3A_3485 = tpu.vector_load %arg6[%get3A_3483, %get3A_3484] {strides = array<i32>} : memref<64x100xf32, #tpu.memory_space<vmem>>, vector<1x16xf32>,
      %get3A_3486 = vector.shape_cast %get3A_3485 : vector<1x16xf32> to vector<16xf32>
      %add3A_3487 = arith.addf %add3A_3445, %get3A_3486 : vector<16xf32>
      %get3A_3488 = arith.constant 58 : i32
      %get3A_3489 = arith.index_cast %get3A_3488 : i32 to index
      %get3A_3490 = arith.constant 0 : index
      %get3A_3491 = tpu.vector_load %arg6[%get3A_3489, %get3A_3490] {strides = array<i32>} : memref<64x100xf32, #tpu.memory_space<vmem>>, vector<1x16xf32>,
      %get3A_3492 = vector.shape_cast %get3A_3491 : vector<1x16xf32> to vector<16xf32>
      %add3A_3493 = arith.addf %add3A_3451, %get3A_3492 : vector<16xf32>
      %get3A_3494 = arith.constant 58 : i32
      %get3A_3495 = arith.index_cast %get3A_3494 : i32 to index
      %get3A_3496 = arith.constant 16 : index
      %get3A_3497 = tpu.vector_load %arg6[%get3A_3495, %get3A_3496] {strides = array<i32>} : memref<64x100xf32, #tpu.memory_space<vmem>>, vector<1x16xf32>,
      %get3A_3498 = vector.shape_cast %get3A_3497 : vector<1x16xf32> to vector<16xf32>
      %add3A_3499 = arith.addf %add3A_3457, %get3A_3498 : vector<16xf32>
      %get3A_3500 = arith.constant 58 : i32
      %get3A_3501 = arith.index_cast %get3A_3500 : i32 to index
      %get3A_3502 = arith.constant 32 : index
      %get3A_3503 = tpu.vector_load %arg6[%get3A_3501, %get3A_3502] {strides = array<i32>} : memref<64x100xf32, #tpu.memory_space<vmem>>, vector<1x16xf32>,
      %get3A_3504 = vector.shape_cast %get3A_3503 : vector<1x16xf32> to vector<16xf32>
      %add3A_3505 = arith.addf %add3A_3463, %get3A_3504 : vector<16xf32>
      %get3A_3506 = arith.constant 58 : i32
      %get3A_3507 = arith.index_cast %get3A_3506 : i32 to index
      %get3A_3508 = arith.constant 48 : index
      %get3A_3509 = tpu.vector_load %arg6[%get3A_3507, %get3A_3508] {strides = array<i32>} : memref<64x100xf32, #tpu.memory_space<vmem>>, vector<1x16xf32>,
      %get3A_3510 = vector.shape_cast %get3A_3509 : vector<1x16xf32> to vector<16xf32>
      %add3A_3511 = arith.addf %add3A_3469, %get3A_3510 : vector<16xf32>
      %get3A_3512 = arith.constant 58 : i32
      %get3A_3513 = arith.index_cast %get3A_3512 : i32 to index
      %get3A_3514 = arith.constant 64 : index
      %get3A_3515 = tpu.vector_load %arg6[%get3A_3513, %get3A_3514] {strides = array<i32>} : memref<64x100xf32, #tpu.memory_space<vmem>>, vector<1x16xf32>,
      %get3A_3516 = vector.shape_cast %get3A_3515 : vector<1x16xf32> to vector<16xf32>
      %add3A_3517 = arith.addf %add3A_3475, %get3A_3516 : vector<16xf32>
      %get3A_3518 = arith.constant 58 : i32
      %get3A_3519 = arith.index_cast %get3A_3518 : i32 to index
      %get3A_3520 = arith.constant 80 : index
      %get3A_3521 = tpu.vector_load %arg6[%get3A_3519, %get3A_3520] {strides = array<i32>} : memref<64x100xf32, #tpu.memory_space<vmem>>, vector<1x16xf32>,
      %get3A_3522 = vector.shape_cast %get3A_3521 : vector<1x16xf32> to vector<16xf32>
      %add3A_3523 = arith.addf %add3A_3481, %get3A_3522 : vector<16xf32>
      %get3A_3524 = arith.constant 58 : i32
      %get3A_3525 = arith.index_cast %get3A_3524 : i32 to index
      %get3A_3526 = arith.constant 84 : index
      %get3A_3527 = tpu.vector_load %arg6[%get3A_3525, %get3A_3526] {strides = array<i32>} : memref<64x100xf32, #tpu.memory_space<vmem>>, vector<1x16xf32>,
      %get3A_3528 = vector.shape_cast %get3A_3527 : vector<1x16xf32> to vector<16xf32>
      %add3A_3529 = arith.addf %add3A_3487, %get3A_3528 : vector<16xf32>
      %get3A_3530 = arith.constant 59 : i32
      %get3A_3531 = arith.index_cast %get3A_3530 : i32 to index
      %get3A_3532 = arith.constant 0 : index
      %get3A_3533 = tpu.vector_load %arg6[%get3A_3531, %get3A_3532] {strides = array<i32>} : memref<64x100xf32, #tpu.memory_space<vmem>>, vector<1x16xf32>,
      %get3A_3534 = vector.shape_cast %get3A_3533 : vector<1x16xf32> to vector<16xf32>
      %add3A_3535 = arith.addf %add3A_3493, %get3A_3534 : vector<16xf32>
      %get3A_3536 = arith.constant 59 : i32
      %get3A_3537 = arith.index_cast %get3A_3536 : i32 to index
      %get3A_3538 = arith.constant 16 : index
      %get3A_3539 = tpu.vector_load %arg6[%get3A_3537, %get3A_3538] {strides = array<i32>} : memref<64x100xf32, #tpu.memory_space<vmem>>, vector<1x16xf32>,
      %get3A_3540 = vector.shape_cast %get3A_3539 : vector<1x16xf32> to vector<16xf32>
      %add3A_3541 = arith.addf %add3A_3499, %get3A_3540 : vector<16xf32>
      %get3A_3542 = arith.constant 59 : i32
      %get3A_3543 = arith.index_cast %get3A_3542 : i32 to index
      %get3A_3544 = arith.constant 32 : index
      %get3A_3545 = tpu.vector_load %arg6[%get3A_3543, %get3A_3544] {strides = array<i32>} : memref<64x100xf32, #tpu.memory_space<vmem>>, vector<1x16xf32>,
      %get3A_3546 = vector.shape_cast %get3A_3545 : vector<1x16xf32> to vector<16xf32>
      %add3A_3547 = arith.addf %add3A_3505, %get3A_3546 : vector<16xf32>
      %get3A_3548 = arith.constant 59 : i32
      %get3A_3549 = arith.index_cast %get3A_3548 : i32 to index
      %get3A_3550 = arith.constant 48 : index
      %get3A_3551 = tpu.vector_load %arg6[%get3A_3549, %get3A_3550] {strides = array<i32>} : memref<64x100xf32, #tpu.memory_space<vmem>>, vector<1x16xf32>,
      %get3A_3552 = vector.shape_cast %get3A_3551 : vector<1x16xf32> to vector<16xf32>
      %add3A_3553 = arith.addf %add3A_3511, %get3A_3552 : vector<16xf32>
      %get3A_3554 = arith.constant 59 : i32
      %get3A_3555 = arith.index_cast %get3A_3554 : i32 to index
      %get3A_3556 = arith.constant 64 : index
      %get3A_3557 = tpu.vector_load %arg6[%get3A_3555, %get3A_3556] {strides = array<i32>} : memref<64x100xf32, #tpu.memory_space<vmem>>, vector<1x16xf32>,
      %get3A_3558 = vector.shape_cast %get3A_3557 : vector<1x16xf32> to vector<16xf32>
      %add3A_3559 = arith.addf %add3A_3517, %get3A_3558 : vector<16xf32>
      %get3A_3560 = arith.constant 59 : i32
      %get3A_3561 = arith.index_cast %get3A_3560 : i32 to index
      %get3A_3562 = arith.constant 80 : index
      %get3A_3563 = tpu.vector_load %arg6[%get3A_3561, %get3A_3562] {strides = array<i32>} : memref<64x100xf32, #tpu.memory_space<vmem>>, vector<1x16xf32>,
      %get3A_3564 = vector.shape_cast %get3A_3563 : vector<1x16xf32> to vector<16xf32>
      %add3A_3565 = arith.addf %add3A_3523, %get3A_3564 : vector<16xf32>
      %get3A_3566 = arith.constant 59 : i32
      %get3A_3567 = arith.index_cast %get3A_3566 : i32 to index
      %get3A_3568 = arith.constant 84 : index
      %get3A_3569 = tpu.vector_load %arg6[%get3A_3567, %get3A_3568] {strides = array<i32>} : memref<64x100xf32, #tpu.memory_space<vmem>>, vector<1x16xf32>,
      %get3A_3570 = vector.shape_cast %get3A_3569 : vector<1x16xf32> to vector<16xf32>
      %add3A_3571 = arith.addf %add3A_3529, %get3A_3570 : vector<16xf32>
      %get3A_3572 = arith.constant 60 : i32
      %get3A_3573 = arith.index_cast %get3A_3572 : i32 to index
      %get3A_3574 = arith.constant 0 : index
      %get3A_3575 = tpu.vector_load %arg6[%get3A_3573, %get3A_3574] {strides = array<i32>} : memref<64x100xf32, #tpu.memory_space<vmem>>, vector<1x16xf32>,
      %get3A_3576 = vector.shape_cast %get3A_3575 : vector<1x16xf32> to vector<16xf32>
      %add3A_3577 = arith.addf %add3A_3535, %get3A_3576 : vector<16xf32>
      %get3A_3578 = arith.constant 60 : i32
      %get3A_3579 = arith.index_cast %get3A_3578 : i32 to index
      %get3A_3580 = arith.constant 16 : index
      %get3A_3581 = tpu.vector_load %arg6[%get3A_3579, %get3A_3580] {strides = array<i32>} : memref<64x100xf32, #tpu.memory_space<vmem>>, vector<1x16xf32>,
      %get3A_3582 = vector.shape_cast %get3A_3581 : vector<1x16xf32> to vector<16xf32>
      %add3A_3583 = arith.addf %add3A_3541, %get3A_3582 : vector<16xf32>
      %get3A_3584 = arith.constant 60 : i32
      %get3A_3585 = arith.index_cast %get3A_3584 : i32 to index
      %get3A_3586 = arith.constant 32 : index
      %get3A_3587 = tpu.vector_load %arg6[%get3A_3585, %get3A_3586] {strides = array<i32>} : memref<64x100xf32, #tpu.memory_space<vmem>>, vector<1x16xf32>,
      %get3A_3588 = vector.shape_cast %get3A_3587 : vector<1x16xf32> to vector<16xf32>
      %add3A_3589 = arith.addf %add3A_3547, %get3A_3588 : vector<16xf32>
      %get3A_3590 = arith.constant 60 : i32
      %get3A_3591 = arith.index_cast %get3A_3590 : i32 to index
      %get3A_3592 = arith.constant 48 : index
      %get3A_3593 = tpu.vector_load %arg6[%get3A_3591, %get3A_3592] {strides = array<i32>} : memref<64x100xf32, #tpu.memory_space<vmem>>, vector<1x16xf32>,
      %get3A_3594 = vector.shape_cast %get3A_3593 : vector<1x16xf32> to vector<16xf32>
      %add3A_3595 = arith.addf %add3A_3553, %get3A_3594 : vector<16xf32>
      %get3A_3596 = arith.constant 60 : i32
      %get3A_3597 = arith.index_cast %get3A_3596 : i32 to index
      %get3A_3598 = arith.constant 64 : index
      %get3A_3599 = tpu.vector_load %arg6[%get3A_3597, %get3A_3598] {strides = array<i32>} : memref<64x100xf32, #tpu.memory_space<vmem>>, vector<1x16xf32>,
      %get3A_3600 = vector.shape_cast %get3A_3599 : vector<1x16xf32> to vector<16xf32>
      %add3A_3601 = arith.addf %add3A_3559, %get3A_3600 : vector<16xf32>
      %get3A_3602 = arith.constant 60 : i32
      %get3A_3603 = arith.index_cast %get3A_3602 : i32 to index
      %get3A_3604 = arith.constant 80 : index
      %get3A_3605 = tpu.vector_load %arg6[%get3A_3603, %get3A_3604] {strides = array<i32>} : memref<64x100xf32, #tpu.memory_space<vmem>>, vector<1x16xf32>,
      %get3A_3606 = vector.shape_cast %get3A_3605 : vector<1x16xf32> to vector<16xf32>
      %add3A_3607 = arith.addf %add3A_3565, %get3A_3606 : vector<16xf32>
      %get3A_3608 = arith.constant 60 : i32
      %get3A_3609 = arith.index_cast %get3A_3608 : i32 to index
      %get3A_3610 = arith.constant 84 : index
      %get3A_3611 = tpu.vector_load %arg6[%get3A_3609, %get3A_3610] {strides = array<i32>} : memref<64x100xf32, #tpu.memory_space<vmem>>, vector<1x16xf32>,
      %get3A_3612 = vector.shape_cast %get3A_3611 : vector<1x16xf32> to vector<16xf32>
      %add3A_3613 = arith.addf %add3A_3571, %get3A_3612 : vector<16xf32>
      %get3A_3614 = arith.constant 61 : i32
      %get3A_3615 = arith.index_cast %get3A_3614 : i32 to index
      %get3A_3616 = arith.constant 0 : index
      %get3A_3617 = tpu.vector_load %arg6[%get3A_3615, %get3A_3616] {strides = array<i32>} : memref<64x100xf32, #tpu.memory_space<vmem>>, vector<1x16xf32>,
      %get3A_3618 = vector.shape_cast %get3A_3617 : vector<1x16xf32> to vector<16xf32>
      %add3A_3619 = arith.addf %add3A_3577, %get3A_3618 : vector<16xf32>
      %get3A_3620 = arith.constant 61 : i32
      %get3A_3621 = arith.index_cast %get3A_3620 : i32 to index
      %get3A_3622 = arith.constant 16 : index
      %get3A_3623 = tpu.vector_load %arg6[%get3A_3621, %get3A_3622] {strides = array<i32>} : memref<64x100xf32, #tpu.memory_space<vmem>>, vector<1x16xf32>,
      %get3A_3624 = vector.shape_cast %get3A_3623 : vector<1x16xf32> to vector<16xf32>
      %add3A_3625 = arith.addf %add3A_3583, %get3A_3624 : vector<16xf32>
      %get3A_3626 = arith.constant 61 : i32
      %get3A_3627 = arith.index_cast %get3A_3626 : i32 to index
      %get3A_3628 = arith.constant 32 : index
      %get3A_3629 = tpu.vector_load %arg6[%get3A_3627, %get3A_3628] {strides = array<i32>} : memref<64x100xf32, #tpu.memory_space<vmem>>, vector<1x16xf32>,
      %get3A_3630 = vector.shape_cast %get3A_3629 : vector<1x16xf32> to vector<16xf32>
      %add3A_3631 = arith.addf %add3A_3589, %get3A_3630 : vector<16xf32>
      %get3A_3632 = arith.constant 61 : i32
      %get3A_3633 = arith.index_cast %get3A_3632 : i32 to index
      %get3A_3634 = arith.constant 48 : index
      %get3A_3635 = tpu.vector_load %arg6[%get3A_3633, %get3A_3634] {strides = array<i32>} : memref<64x100xf32, #tpu.memory_space<vmem>>, vector<1x16xf32>,
      %get3A_3636 = vector.shape_cast %get3A_3635 : vector<1x16xf32> to vector<16xf32>
      %add3A_3637 = arith.addf %add3A_3595, %get3A_3636 : vector<16xf32>
      %get3A_3638 = arith.constant 61 : i32
      %get3A_3639 = arith.index_cast %get3A_3638 : i32 to index
      %get3A_3640 = arith.constant 64 : index
      %get3A_3641 = tpu.vector_load %arg6[%get3A_3639, %get3A_3640] {strides = array<i32>} : memref<64x100xf32, #tpu.memory_space<vmem>>, vector<1x16xf32>,
      %get3A_3642 = vector.shape_cast %get3A_3641 : vector<1x16xf32> to vector<16xf32>
      %add3A_3643 = arith.addf %add3A_3601, %get3A_3642 : vector<16xf32>
      %get3A_3644 = arith.constant 61 : i32
      %get3A_3645 = arith.index_cast %get3A_3644 : i32 to index
      %get3A_3646 = arith.constant 80 : index
      %get3A_3647 = tpu.vector_load %arg6[%get3A_3645, %get3A_3646] {strides = array<i32>} : memref<64x100xf32, #tpu.memory_space<vmem>>, vector<1x16xf32>,
      %get3A_3648 = vector.shape_cast %get3A_3647 : vector<1x16xf32> to vector<16xf32>
      %add3A_3649 = arith.addf %add3A_3607, %get3A_3648 : vector<16xf32>
      %get3A_3650 = arith.constant 61 : i32
      %get3A_3651 = arith.index_cast %get3A_3650 : i32 to index
      %get3A_3652 = arith.constant 84 : index
      %get3A_3653 = tpu.vector_load %arg6[%get3A_3651, %get3A_3652] {strides = array<i32>} : memref<64x100xf32, #tpu.memory_space<vmem>>, vector<1x16xf32>,
      %get3A_3654 = vector.shape_cast %get3A_3653 : vector<1x16xf32> to vector<16xf32>
      %add3A_3655 = arith.addf %add3A_3613, %get3A_3654 : vector<16xf32>
      %get3A_3656 = arith.constant 62 : i32
      %get3A_3657 = arith.index_cast %get3A_3656 : i32 to index
      %get3A_3658 = arith.constant 0 : index
      %get3A_3659 = tpu.vector_load %arg6[%get3A_3657, %get3A_3658] {strides = array<i32>} : memref<64x100xf32, #tpu.memory_space<vmem>>, vector<1x16xf32>,
      %get3A_3660 = vector.shape_cast %get3A_3659 : vector<1x16xf32> to vector<16xf32>
      %add3A_3661 = arith.addf %add3A_3619, %get3A_3660 : vector<16xf32>
      %get3A_3662 = arith.constant 62 : i32
      %get3A_3663 = arith.index_cast %get3A_3662 : i32 to index
      %get3A_3664 = arith.constant 16 : index
      %get3A_3665 = tpu.vector_load %arg6[%get3A_3663, %get3A_3664] {strides = array<i32>} : memref<64x100xf32, #tpu.memory_space<vmem>>, vector<1x16xf32>,
      %get3A_3666 = vector.shape_cast %get3A_3665 : vector<1x16xf32> to vector<16xf32>
      %add3A_3667 = arith.addf %add3A_3625, %get3A_3666 : vector<16xf32>
      %get3A_3668 = arith.constant 62 : i32
      %get3A_3669 = arith.index_cast %get3A_3668 : i32 to index
      %get3A_3670 = arith.constant 32 : index
      %get3A_3671 = tpu.vector_load %arg6[%get3A_3669, %get3A_3670] {strides = array<i32>} : memref<64x100xf32, #tpu.memory_space<vmem>>, vector<1x16xf32>,
      %get3A_3672 = vector.shape_cast %get3A_3671 : vector<1x16xf32> to vector<16xf32>
      %add3A_3673 = arith.addf %add3A_3631, %get3A_3672 : vector<16xf32>
      %get3A_3674 = arith.constant 62 : i32
      %get3A_3675 = arith.index_cast %get3A_3674 : i32 to index
      %get3A_3676 = arith.constant 48 : index
      %get3A_3677 = tpu.vector_load %arg6[%get3A_3675, %get3A_3676] {strides = array<i32>} : memref<64x100xf32, #tpu.memory_space<vmem>>, vector<1x16xf32>,
      %get3A_3678 = vector.shape_cast %get3A_3677 : vector<1x16xf32> to vector<16xf32>
      %add3A_3679 = arith.addf %add3A_3637, %get3A_3678 : vector<16xf32>
      %get3A_3680 = arith.constant 62 : i32
      %get3A_3681 = arith.index_cast %get3A_3680 : i32 to index
      %get3A_3682 = arith.constant 64 : index
      %get3A_3683 = tpu.vector_load %arg6[%get3A_3681, %get3A_3682] {strides = array<i32>} : memref<64x100xf32, #tpu.memory_space<vmem>>, vector<1x16xf32>,
      %get3A_3684 = vector.shape_cast %get3A_3683 : vector<1x16xf32> to vector<16xf32>
      %add3A_3685 = arith.addf %add3A_3643, %get3A_3684 : vector<16xf32>
      %get3A_3686 = arith.constant 62 : i32
      %get3A_3687 = arith.index_cast %get3A_3686 : i32 to index
      %get3A_3688 = arith.constant 80 : index
      %get3A_3689 = tpu.vector_load %arg6[%get3A_3687, %get3A_3688] {strides = array<i32>} : memref<64x100xf32, #tpu.memory_space<vmem>>, vector<1x16xf32>,
      %get3A_3690 = vector.shape_cast %get3A_3689 : vector<1x16xf32> to vector<16xf32>
      %add3A_3691 = arith.addf %add3A_3649, %get3A_3690 : vector<16xf32>
      %get3A_3692 = arith.constant 62 : i32
      %get3A_3693 = arith.index_cast %get3A_3692 : i32 to index
      %get3A_3694 = arith.constant 84 : index
      %get3A_3695 = tpu.vector_load %arg6[%get3A_3693, %get3A_3694] {strides = array<i32>} : memref<64x100xf32, #tpu.memory_space<vmem>>, vector<1x16xf32>,
      %get3A_3696 = vector.shape_cast %get3A_3695 : vector<1x16xf32> to vector<16xf32>
      %add3A_3697 = arith.addf %add3A_3655, %get3A_3696 : vector<16xf32>
      %get3A_3698 = arith.constant 63 : i32
      %get3A_3699 = arith.index_cast %get3A_3698 : i32 to index
      %get3A_3700 = arith.constant 0 : index
      %get3A_3701 = tpu.vector_load %arg6[%get3A_3699, %get3A_3700] {strides = array<i32>} : memref<64x100xf32, #tpu.memory_space<vmem>>, vector<1x16xf32>,
      %get3A_3702 = vector.shape_cast %get3A_3701 : vector<1x16xf32> to vector<16xf32>
      %add3A_3703 = arith.addf %add3A_3661, %get3A_3702 : vector<16xf32>
      %get3A_3704 = arith.constant 63 : i32
      %get3A_3705 = arith.index_cast %get3A_3704 : i32 to index
      %get3A_3706 = arith.constant 16 : index
      %get3A_3707 = tpu.vector_load %arg6[%get3A_3705, %get3A_3706] {strides = array<i32>} : memref<64x100xf32, #tpu.memory_space<vmem>>, vector<1x16xf32>,
      %get3A_3708 = vector.shape_cast %get3A_3707 : vector<1x16xf32> to vector<16xf32>
      %add3A_3709 = arith.addf %add3A_3667, %get3A_3708 : vector<16xf32>
      %get3A_3710 = arith.constant 63 : i32
      %get3A_3711 = arith.index_cast %get3A_3710 : i32 to index
      %get3A_3712 = arith.constant 32 : index
      %get3A_3713 = tpu.vector_load %arg6[%get3A_3711, %get3A_3712] {strides = array<i32>} : memref<64x100xf32, #tpu.memory_space<vmem>>, vector<1x16xf32>,
      %get3A_3714 = vector.shape_cast %get3A_3713 : vector<1x16xf32> to vector<16xf32>
      %add3A_3715 = arith.addf %add3A_3673, %get3A_3714 : vector<16xf32>
      %get3A_3716 = arith.constant 63 : i32
      %get3A_3717 = arith.index_cast %get3A_3716 : i32 to index
      %get3A_3718 = arith.constant 48 : index
      %get3A_3719 = tpu.vector_load %arg6[%get3A_3717, %get3A_3718] {strides = array<i32>} : memref<64x100xf32, #tpu.memory_space<vmem>>, vector<1x16xf32>,
      %get3A_3720 = vector.shape_cast %get3A_3719 : vector<1x16xf32> to vector<16xf32>
      %add3A_3721 = arith.addf %add3A_3679, %get3A_3720 : vector<16xf32>
      %get3A_3722 = arith.constant 63 : i32
      %get3A_3723 = arith.index_cast %get3A_3722 : i32 to index
      %get3A_3724 = arith.constant 64 : index
      %get3A_3725 = tpu.vector_load %arg6[%get3A_3723, %get3A_3724] {strides = array<i32>} : memref<64x100xf32, #tpu.memory_space<vmem>>, vector<1x16xf32>,
      %get3A_3726 = vector.shape_cast %get3A_3725 : vector<1x16xf32> to vector<16xf32>
      %add3A_3727 = arith.addf %add3A_3685, %get3A_3726 : vector<16xf32>
      %get3A_3728 = arith.constant 63 : i32
      %get3A_3729 = arith.index_cast %get3A_3728 : i32 to index
      %get3A_3730 = arith.constant 80 : index
      %get3A_3731 = tpu.vector_load %arg6[%get3A_3729, %get3A_3730] {strides = array<i32>} : memref<64x100xf32, #tpu.memory_space<vmem>>, vector<1x16xf32>,
      %get3A_3732 = vector.shape_cast %get3A_3731 : vector<1x16xf32> to vector<16xf32>
      %add3A_3733 = arith.addf %add3A_3691, %get3A_3732 : vector<16xf32>
      %get3A_3734 = arith.constant 63 : i32
      %get3A_3735 = arith.index_cast %get3A_3734 : i32 to index
      %get3A_3736 = arith.constant 84 : index
      %get3A_3737 = tpu.vector_load %arg6[%get3A_3735, %get3A_3736] {strides = array<i32>} : memref<64x100xf32, #tpu.memory_space<vmem>>, vector<1x16xf32>,
      %get3A_3738 = vector.shape_cast %get3A_3737 : vector<1x16xf32> to vector<16xf32>
      %add3A_3739 = arith.addf %add3A_3697, %get3A_3738 : vector<16xf32>
      scf.yield %add3A_3703, %add3A_3709, %add3A_3715, %add3A_3721, %add3A_3727, %add3A_3733, %add3A_3739 : vector<16xf32>, vector<16xf32>, vector<16xf32>, vector<16xf32>, vector<16xf32>, vector<16xf32>, vector<16xf32>
    }
    %scan3A_8 = arith.constant 8 : i32
    %swap3A = arith.constant 0 : index
    %swap3A_9 = tpu.vector_load %arg7[%swap3A] {strides = array<i32>} : memref<112xf32, #tpu.memory_space<vmem>>, vector<16xf32>,
    %swap3A_10 = vector.shape_cast %swap3A_9 : vector<16xf32> to vector<16xf32>
    %swap3A_11 = vector.shape_cast %scan3A_7#0 : vector<16xf32> to vector<16xf32>
    tpu.vector_store %arg7[%swap3A], %swap3A_11 {strides = array<i32>} : memref<112xf32, #tpu.memory_space<vmem>>, vector<16xf32>,
    %swap3A_12 = arith.constant 16 : index
    %swap3A_13 = tpu.vector_load %arg7[%swap3A_12] {strides = array<i32>} : memref<112xf32, #tpu.memory_space<vmem>>, vector<16xf32>,
    %swap3A_14 = vector.shape_cast %swap3A_13 : vector<16xf32> to vector<16xf32>
    %swap3A_15 = vector.shape_cast %scan3A_7#1 : vector<16xf32> to vector<16xf32>
    tpu.vector_store %arg7[%swap3A_12], %swap3A_15 {strides = array<i32>} : memref<112xf32, #tpu.memory_space<vmem>>, vector<16xf32>,
    %swap3A_16 = arith.constant 32 : index
    %swap3A_17 = tpu.vector_load %arg7[%swap3A_16] {strides = array<i32>} : memref<112xf32, #tpu.memory_space<vmem>>, vector<16xf32>,
    %swap3A_18 = vector.shape_cast %swap3A_17 : vector<16xf32> to vector<16xf32>
    %swap3A_19 = vector.shape_cast %scan3A_7#2 : vector<16xf32> to vector<16xf32>
    tpu.vector_store %arg7[%swap3A_16], %swap3A_19 {strides = array<i32>} : memref<112xf32, #tpu.memory_space<vmem>>, vector<16xf32>,
    %swap3A_20 = arith.constant 48 : index
    %swap3A_21 = tpu.vector_load %arg7[%swap3A_20] {strides = array<i32>} : memref<112xf32, #tpu.memory_space<vmem>>, vector<16xf32>,
    %swap3A_22 = vector.shape_cast %swap3A_21 : vector<16xf32> to vector<16xf32>
    %swap3A_23 = vector.shape_cast %scan3A_7#3 : vector<16xf32> to vector<16xf32>
    tpu.vector_store %arg7[%swap3A_20], %swap3A_23 {strides = array<i32>} : memref<112xf32, #tpu.memory_space<vmem>>, vector<16xf32>,
    %swap3A_24 = arith.constant 64 : index
    %swap3A_25 = tpu.vector_load %arg7[%swap3A_24] {strides = array<i32>} : memref<112xf32, #tpu.memory_space<vmem>>, vector<16xf32>,
    %swap3A_26 = vector.shape_cast %swap3A_25 : vector<16xf32> to vector<16xf32>
    %swap3A_27 = vector.shape_cast %scan3A_7#4 : vector<16xf32> to vector<16xf32>
    tpu.vector_store %arg7[%swap3A_24], %swap3A_27 {strides = array<i32>} : memref<112xf32, #tpu.memory_space<vmem>>, vector<16xf32>,
    %swap3A_28 = arith.constant 80 : index
    %swap3A_29 = tpu.vector_load %arg7[%swap3A_28] {strides = array<i32>} : memref<112xf32, #tpu.memory_space<vmem>>, vector<16xf32>,
    %swap3A_30 = vector.shape_cast %swap3A_29 : vector<16xf32> to vector<16xf32>
    %swap3A_31 = vector.shape_cast %scan3A_7#5 : vector<16xf32> to vector<16xf32>
    tpu.vector_store %arg7[%swap3A_28], %swap3A_31 {strides = array<i32>} : memref<112xf32, #tpu.memory_space<vmem>>, vector<16xf32>,
    %swap3A_32 = arith.constant 96 : index
    %swap3A_33 = tpu.vector_load %arg7[%swap3A_32] {strides = array<i32>} : memref<112xf32, #tpu.memory_space<vmem>>, vector<16xf32>,
    %swap3A_34 = vector.shape_cast %swap3A_33 : vector<16xf32> to vector<16xf32>
    %swap3A_35 = vector.shape_cast %scan3A_7#6 : vector<16xf32> to vector<16xf32>
    tpu.vector_store %arg7[%swap3A_32], %swap3A_35 {strides = array<i32>} : memref<112xf32, #tpu.memory_space<vmem>>, vector<16xf32>,
    "tpu.region"() ({
      %run_scoped3A = tpu.sem_alloc : memref<!tpu.dma_semaphore, #tpu.memory_space<semaphore_mem>>
      %dma_start3A = arith.constant 0 : i32
      %dma_start3A_36 = tpu.memref_slice %arg4[%add3A, %dma_start3A] : memref<32x112xf32, #tpu.memory_space<hbm>> -> memref<1x112xf32, #tpu.memory_space<hbm>>
      %dma_start3A_37 = tpu.memref_squeeze %dma_start3A_36 : memref<1x112xf32, #tpu.memory_space<hbm>> -> memref<112xf32, #tpu.memory_space<hbm>>
      %dma_start3A_38 = arith.constant 0 : i32
      %dma_start3A_39 = tpu.memref_slice %arg4[%add3A, %dma_start3A_38] : memref<32x112xf32, #tpu.memory_space<hbm>> -> memref<1x112xf32, #tpu.memory_space<hbm>>
      %dma_start3A_40 = tpu.memref_squeeze %dma_start3A_39 : memref<1x112xf32, #tpu.memory_space<hbm>> -> memref<112xf32, #tpu.memory_space<hbm>>
      tpu.enqueue_dma source(%arg7 : memref<112xf32, #tpu.memory_space<vmem>>) target(%dma_start3A_40 : memref<112xf32, #tpu.memory_space<hbm>>) target_semaphore(%run_scoped3A : memref<!tpu.dma_semaphore, #tpu.memory_space<semaphore_mem>>)
      %dma_wait3A = arith.constant 0 : i32
      %dma_wait3A_41 = tpu.memref_slice %arg4[%add3A, %dma_wait3A] : memref<32x112xf32, #tpu.memory_space<hbm>> -> memref<1x112xf32, #tpu.memory_space<hbm>>
      %dma_wait3A_42 = tpu.memref_squeeze %dma_wait3A_41 : memref<1x112xf32, #tpu.memory_space<hbm>> -> memref<112xf32, #tpu.memory_space<hbm>>
      %dma_wait3A_43 = arith.constant 0 : i32
      %dma_wait3A_44 = tpu.memref_slice %arg4[%add3A, %dma_wait3A_43] : memref<32x112xf32, #tpu.memory_space<hbm>> -> memref<1x112xf32, #tpu.memory_space<hbm>>
      %dma_wait3A_45 = tpu.memref_squeeze %dma_wait3A_44 : memref<1x112xf32, #tpu.memory_space<hbm>> -> memref<112xf32, #tpu.memory_space<hbm>>
      tpu.wait_dma2 semaphore(%run_scoped3A : memref<!tpu.dma_semaphore, #tpu.memory_space<semaphore_mem>>) src(%arg7 : memref<112xf32, #tpu.memory_space<vmem>>) dst(%dma_wait3A_45 : memref<112xf32, #tpu.memory_space<hbm>>)
      tpu.yield
    }) : () -> ()
    return
  }
}

</mosaic_0001>

<sc_bundles>
// kernel: kernel.3.cloned.1.call-start
scs
__scs_entry_jumppad:
0x0: {  	(pc) =	sbr.rel $0x88, $3  }
0x1: {  	(tag) =	ssettag $0x0;
	lr =	simm.s32 $0x1  }
0x2: {  	[smem:$0x3F9F] =	sst lr;
	_ =	strace $0xD0000000  }
0x3: {  	_ = 	snop  }
0x4: {  	_ = 	snop  }
0x5: {  	_ = 	snop  }
0x6: {  	_ = 	snop  }
0x7: {  	_ = 	snop  }
__scs_overlays_trampoline_lowered:
0x8: {  	[smem:$0x3FAE] =	sst s0  }
0x9: {  	[smem:$0x3FAF] =	sst s1  }
0xa: {  	[smem:$0x3FB0] =	sst s2  }
0xb: {  	[smem:$0x3FB1] =	sst s3  }
0xc: {  	[smem:$0x3FB2] =	sst s4  }
0xd: {  	[smem:$0x3FB3] =	sst s5  }
0xe: {  	[smem:$0x3FB4] =	sst s6  }
0xf: {  	[smem:$0x3FB5] =	sst s7  }
0x10: {  	[smem:$0x3FB6] =	sst s8  }
0x11: {  	[smem:$0x3FB7] =	sst s9;
	s0 =	simm.s32 @!p0 $0x0  }
0x12: {  	s1 =	sld [smem:$0x3F9D];
	s0 =	simm.s32 @p0 $0x1  }
0x13: {  	[smem:$0x3FB8] =	sst s0;
	s0 =	simm.s32 @!p1 $0x0  }
0x14: {  	s2 =	sld [smem:$0x3F9C];
	s0 =	simm.s32 @p1 $0x1  }
0x15: {  	[smem:$0x3FB9] =	sst s0;
	s0 =	simm.s32 @!p2 $0x0  }
0x16: {  	s3 =	sld [smem:$0x3FDB];
	s0 =	simm.s32 @p2 $0x1  }
0x17: {  	s4 =	simm.s32 $0x1BF5;
	[smem:$0x3FBB] =	sst s0  }
0x18: {  	s0 =	sld [smem:$0x3F9E];
	_ =	swait.ge [sflag:s4], $0x0  }
0x19: {  	s7 =	sld [smem:$0x3F9F]  }
0x1a: {  	s8 =	sadd.s32 $0xFFFFE003, lr  }
0x1b: {  	s9 =	sadd.s32 $0xFFFFFEF7, lr;
	s5 =	simm.s32 $0xFFFFFFFF;
	p2 =	slt.u32 s8, $0xFFFFF086  }
0x1c: {  	p1 =	slt.u32 s9, $0xF7A;
	s5 =	simm.s32 @!p2 $0x0  }
0x1d: {  	s5 =	simm.s32 @p1 $0x1;
	p0 =	seq.s32 s7, s2  }
0x1e: {  	s7 =	smul.u32 @!p0 $0xF7A, s2;
	p2 =	seq.s32 @!p0 s5, $0x0  }
0x1f: {  	s9 =	smul.u32 $0xF7A, s1;
	s8 =	simm.s32 @!p0 $0x1BF5;
	p2 =	por !p2, p0  }
0x20: {  	[sflag:s8] =	ssyncset.s32 @!p0 $0xFFFFF086;
	s6 =	sadd.s32 @!p0 s3, s7;
	s7 =	simm.s32 @!p0 $0x108  }
0x21: {  	s3 =	sadd.s32 s3, s9;
	s6 =	sadd.s32 @!p0 $0x88, s6;
	s7 =	simm.s32 @p2 $0x1082  }
0x22: {  	[simem:s7], [sflag:s8] =	dma.local @!p0 [hbm:s6], $0xF7A  }
0x23: {  	s9 =	sor.u32 $0xD0000000, s2;
	s6 =	simm.s32 $0x108;
	_ =	swait.ge @!p0 [sflag:s8], $0x0  }
0x24: {  	s3 =	sadd.s32 $0x88, s3;
	s6 =	simm.s32 @!p1 $0x1082;
	[sflag:s4] =	ssyncset.s32 $0xFFFFF086  }
0x25: {  	[simem:s6], [sflag:s4] =	dma.local [hbm:s3], $0xF7A  }
0x26: {  	[smem:$0x3F9F] =	sst s1;
	(tag) =	ssettag s2;
	_ =	strace s9  }
0x27: {  	s1 =	sld [smem:$0x3FAF]  }
0x28: {  	s2 =	sld [smem:$0x3FB0]  }
0x29: {  	s4 =	sld [smem:$0x3FB2]  }
0x2a: {  	p0 =	seq.s32 s5, $0x0;
	s5 =	sld [smem:$0x3FB3]  }
0x2b: {  	s6 =	sld [smem:$0x3FB4]  }
0x2c: {  	s7 =	sld [smem:$0x3FB5]  }
0x2d: {  	s3 =	simm.s32 $0x108;
	s8 =	sld [smem:$0x3FB6]  }
0x2e: {  	s3 =	simm.s32 @!p0 $0x1082;
	s9 =	sld [smem:$0x3FB7]  }
0x2f: {  	lr =	sadd.s32 s0, s3;
	s0 =	sld [smem:$0x3FAE]  }
0x30: {  	s3 =	sld [smem:$0x3FB1]  }
0x31: {  	[smem:$0x3FBA] =	sst s10  }
0x32: {  	s10 =	sld [smem:$0x3FB8];
	_ =	sdelay $0x3  }
0x33: {  	p0 =	seq.s32 s10, $0x1;
	s10 =	sld [smem:$0x3FBA];
	_ =	sdelay $0x3  }
0x34: {  	[smem:$0x3FBA] =	sst s10  }
0x35: {  	s10 =	sld [smem:$0x3FB9];
	_ =	sdelay $0x3  }
0x36: {  	p1 =	seq.s32 s10, $0x1;
	s10 =	sld [smem:$0x3FBA];
	_ =	sdelay $0x3  }
0x37: {  	[smem:$0x3FBA] =	sst s10  }
0x38: {  	s10 =	sld [smem:$0x3FBB]  }
0x39: {  	_ = 	snop;
	(pc) =	sbr.ind lr, $3  }
0x3a: {  	_ = 	snop  }
0x3b: {  	_ = 	snop  }
0x3c: {  	p2 =	seq.s32 s10, $0x1;
	s10 =	sld [smem:$0x3FBA]  }
0x3d: {  	_ =	shalt  }
0x3e: {  	_ =	shalt  }
0x3f: {  	_ =	shalt  }
0x40: {  	_ =	shalt  }
0x41: {  	_ =	shalt  }
0x42: {  	_ =	shalt  }
0x43: {  	_ =	shalt  }
0x44: {  	_ =	shalt  }
0x45: {  	_ =	shalt  }
0x46: {  	_ =	shalt  }
0x47: {  	_ =	shalt  }
0x48: {  	_ =	shalt  }
0x49: {  	_ =	shalt  }
0x4a: {  	_ =	shalt  }
0x4b: {  	_ =	shalt  }
0x4c: {  	_ =	shalt  }
0x4d: {  	_ =	shalt  }
0x4e: {  	_ =	shalt  }
0x4f: {  	_ =	shalt  }
0x50: {  	_ =	shalt  }
0x51: {  	_ =	shalt  }
0x52: {  	_ =	shalt  }
0x53: {  	_ =	shalt  }
0x54: {  	_ =	shalt  }
0x55: {  	_ =	shalt  }
0x56: {  	_ =	shalt  }
0x57: {  	_ =	shalt  }
0x58: {  	_ =	shalt  }
0x59: {  	_ =	shalt  }
0x5a: {  	_ =	shalt  }
0x5b: {  	_ =	shalt  }
0x5c: {  	_ =	shalt  }
0x5d: {  	_ =	shalt  }
0x5e: {  	_ =	shalt  }
0x5f: {  	_ =	shalt  }
0x60: {  	_ =	shalt  }
0x61: {  	_ =	shalt  }
0x62: {  	_ =	shalt  }
0x63: {  	_ =	shalt  }
0x64: {  	_ =	shalt  }
0x65: {  	_ =	shalt  }
0x66: {  	_ =	shalt  }
0x67: {  	_ =	shalt  }
0x68: {  	_ =	shalt  }
0x69: {  	_ =	shalt  }
0x6a: {  	_ =	shalt  }
0x6b: {  	_ =	shalt  }
0x6c: {  	_ =	shalt  }
0x6d: {  	_ =	shalt  }
0x6e: {  	_ =	shalt  }
0x6f: {  	_ =	shalt  }
0x70: {  	_ =	shalt  }
0x71: {  	_ =	shalt  }
0x72: {  	_ =	shalt  }
0x73: {  	_ =	shalt  }
0x74: {  	_ =	shalt  }
0x75: {  	_ =	shalt  }
0x76: {  	_ =	shalt  }
0x77: {  	_ =	shalt  }
0x78: {  	_ =	shalt  }
0x79: {  	_ =	shalt  }
0x7a: {  	_ =	shalt  }
0x7b: {  	_ =	shalt  }
0x7c: {  	_ =	shalt  }
0x7d: {  	_ =	shalt  }
0x7e: {  	_ =	shalt  }
0x7f: {  	_ =	shalt  }
0x80: {  	_ =	shalt  }
0x81: {  	_ =	shalt  }
0x82: {  	_ =	shalt  }
0x83: {  	_ =	shalt  }
0x84: {  	_ =	shalt  }
0x85: {  	_ =	shalt  }
0x86: {  	_ =	shalt  }
0x87: {  	_ =	shalt  }
.Lfunc_end0:
.L_simem_size_0:
called_computation_lowered:
.L_overlay_start_0:
0x88: {  	s2 =	sld [smem:$0x3FD9]  }
0x89: {  	s3 =	sld [smem:$0x3FFE];
	_ =	sdelay $0x1  }
0x8a: {  	s1 =	srdreg.scid  }
0x8b: {  	s0 =	sand.u32 $0x1, s1  }
0x8c: {  	s17 =	sshll.u32 s0, $0xA;
	s2 =	sadd.s32 s3, s2  }
0x8d: {  	s2 =	sadd.s32 s2, s17  }
0x8e: {  	[smem:$0x3FC6] =	sst s2  }
0x8f: {  	_ = 	snop  }
0x90: {  	s2 =	sld [smem:$0x3FC9];
	(tm) =	ssettm $0x1  }
0x91: {  	s18 =	sld [smem:$0x3FFB];
	_ =	sdelay $0x3  }
0x92: {  	_ =	strace s18  }
0x93: {  	s3 =	sld [smem:$0x3FFC];
	_ =	sdelay $0x3  }
0x94: {  	_ =	strace s3  }
0x95: {  	s3 =	sld [smem:$0x3FFD];
	_ =	sdelay $0x3  }
0x96: {  	_ =	strace s3  }
0x97: {  	_ =	strace $0x8FFFFFFF  }
0x98: {  	s19 =	sld [smem:$0x3FDB];
	_ =	sdelay $0x1  }
0x99: {  	s4 =	simm.s32 $_scs_section_size  }
0x9a: {  	s5 =	simm.s32 $_size__tile_overlayer_lowered;
	s6 =	simm.s32 $_tile_overlayer_lowered  }
0x9b: {  	s22 =	simm.s32 $0x1BFF;
	s21 =	sshll.u32 s6, $0x1;
	s3 =	sadd.s32 s4, s19  }
0x9c: {  	s7 =	simm.s32 $0x0;
	s20 =	sshll.u32 s5, $0x1;
	s5 =	sadd.s32 s21, s3  }
0x9d: {  	[timem:s7], [sflag:s22] =	dma.local [hbm:s5], s20  }
0x9e: {  	_ =	swait.ge [sflag:s22], s20  }
0x9f: {  	s4 =	ssub.s32 $0x0, s20;
	[sflag:s22] =	ssyncset.done $0x0  }
0xa0: {  	[sflag:s22] =	ssyncadd.s32 s4;
	_ =	sdelay $0x1  }
0xa1: {  	s23 =	simm.s32 $0x1B8B  }
0xa2: {  	_ =	swait.ge [sflag:s23], $0x1  }
0xa3: {  	[sflag:s23] =	ssyncset.done $0x0  }
0xa4: {  	s25 =	simm.s32 $0x1B8E;
	s24 =	sld [smem:$0x3FFE];
	[sflag:s23] =	ssyncadd.s32 $0xFFFFFFFF  }
0xa5: {  	s26 =	simm.s32 $execute0_lowered;
	[smem:$0x3FD2] =	sst s25  }
0xa6: {  	s5 =	sshll.u32 s26, $0x1;
	_ =	strace $0x80000046;
	[dreg:$0x1] =	wrdreg $0xFFFFFFFF  }
0xa7: {  	s28 =	simm.s32 $_size_execute0_lowered;
	s3 =	sadd.s32 s3, s5;
	[dreg:$0x0] =	wrdreg $0x0  }
0xa8: {  	s5 =	sshll.u32 s28, $0x1;
	[dreg:$0x2] =	wrdreg s3  }
0xa9: {  	[dreg:$0x3] =	wrdreg s5  }
0xaa: {  	[dreg:$0x4] =	wrdreg $0xC0  }
0xab: {  	_ =	task [dreg:s7], $0x5FFFF  }
0xac: {  	[dreg:$0x1] =	wrdreg $0xFFFFFFFF  }
0xad: {  	[dreg:$0x0] =	wrdreg $0x60  }
0xae: {  	[dreg:$0x2] =	wrdreg s2  }
0xaf: {  	[dreg:$0x3] =	wrdreg s24  }
0xb0: {  	[dreg:$0x4] =	wrdreg $0x9  }
0xb1: {  	_ =	task.clear_ibuf [dreg:s7], $0x5FFFF;
	_ =	strace $0x90000046  }
0xb2: {  	s29 =	simm.s32 $0x9;
	_ =	strace $0x80000048  }
0xb3: {  	_ =	swait.ge [sflag:s29], $0x1  }
0xb4: {  	[sflag:s29] =	ssyncadd.s32 $0xFFFFFFFF  }
0xb5: {  	_ =	strace $0x90000048  }
0xb6: {  	_ =	sfence  }
0xb7: {  	s30 =	sld [smem:$0x0];
	_ =	sdelay $0x2  }
0xb8: {  	s31 =	sshll.u32 s1, $0xD;
	s1 =	sshrl.u32 s1, $0x2  }
0xb9: {  	s3 =	sand.u32 $0x4000, s31;
	s1 =	sadd.s32 s1, s30  }
0xba: {  	s0 =	sor.u32 s3, s0;
	s1 =	sshll.u32 s1, $0x11  }
0xbb: {  	s0 =	sor.u32 s1, s0  }
0xbc: {  	s0 =	sadd.s32 $0x8F2B, s0  }
0xbd: {  	[sflag:s0] =	ssyncadd.remote.s32 $0x1  }
0xbe: {  	_ =	sfence.sel $0xFFFF  }
0xbf: {  	[dreg:$0x0] =	wrdreg $0xFFFFFFFF;
	(pc) =	sbr.abs _section_cstart, $3  }
0xc0: {  	[dreg:$0x1] =	wrdreg $0xFFFFFFFF  }
0xc1: {  	_ =	task.clear_ibuf [dreg:s7], $0x2FFFF;
	_ =	strace $0x9FFFFFFF  }
0xc2: {  	(tm) =	ssettm $0x7FFFFFFF  }
0xc3: {  	_ =	shalt  }
tec
execute0_lowered:
.L_overlay_start_1:
0x0: {  	(tag) =	ssettag $0x1  }
0x1: {  	s4 =	rddreg [dreg:$0x0]  }
0x2: {  	s1 =	rddreg [dreg:$0x1]  }
0x3: {  	s0 =	rddreg [dreg:$0x2];
	s2 =	simm.s32 $0x0  }
0x4: {  	s3 =	simm.s32 $0x200;
	[smem:$0x7FF] =	sst s2  }
0x5: {  	s20 =	simm.s32 $0x280;
	_ =	strace $0x80000047;
	[dreg:$0x3] =	wrdreg s3  }
0x6: {  	s21 =	simm.s32 $0x300;
	[dreg:$0x4] =	wrdreg s20  }
0x7: {  	s22 =	simm.s32 $0x380;
	[dreg:$0x5] =	wrdreg s21  }
0x8: {  	s23 =	simm.s32 $0x400;
	[dreg:$0x6] =	wrdreg s22  }
0x9: {  	s24 =	simm.s32 $0x480;
	[dreg:$0x7] =	wrdreg s23  }
0xa: {  	s25 =	simm.s32 $0x500;
	[dreg:$0x8] =	wrdreg s24  }
0xb: {  	s26 =	simm.s32 $0x580;
	[dreg:$0x9] =	wrdreg s25  }
0xc: {  	s28 =	simm.s32 $0x600;
	[dreg:$0xa] =	wrdreg s26  }
0xd: {  	s29 =	simm.s32 $0x680;
	[dreg:$0xb] =	wrdreg s28  }
0xe: {  	s30 =	simm.s32 $0x700;
	[dreg:$0xc] =	wrdreg s29  }
0xf: {  	s31 =	simm.s32 $0x780;
	[dreg:$0xd] =	wrdreg s30  }
0x10: {  	s5 =	simm.s32 $0x800;
	[dreg:$0xe] =	wrdreg s31  }
0x11: {  	s6 =	simm.s32 $0x880;
	[dreg:$0xf] =	wrdreg s5  }
0x12: {  	s7 =	simm.s32 $0x900;
	[dreg:$0x10] =	wrdreg s6  }
0x13: {  	s8 =	simm.s32 $0x980;
	[dreg:$0x11] =	wrdreg s7  }
0x14: {  	s9 =	simm.s32 $0xA00;
	[dreg:$0x12] =	wrdreg s8  }
0x15: {  	s10 =	simm.s32 $0xA80;
	[dreg:$0x13] =	wrdreg s9  }
0x16: {  	s11 =	simm.s32 $0xB00;
	[dreg:$0x14] =	wrdreg s10  }
0x17: {  	s12 =	simm.s32 $0xB80;
	[dreg:$0x15] =	wrdreg s11  }
0x18: {  	s13 =	simm.s32 $0xC00;
	[dreg:$0x16] =	wrdreg s12  }
0x19: {  	s14 =	simm.s32 $0xC80;
	[dreg:$0x17] =	wrdreg s13  }
0x1a: {  	s15 =	simm.s32 $0xD00;
	[dreg:$0x18] =	wrdreg s14  }
0x1b: {  	s16 =	simm.s32 $0xD80;
	[dreg:$0x19] =	wrdreg s15  }
0x1c: {  	s17 =	simm.s32 $0xE00;
	[dreg:$0x1a] =	wrdreg s16  }
0x1d: {  	s18 =	simm.s32 $0xE80;
	[dreg:$0x1b] =	wrdreg s17  }
0x1e: {  	s19 =	simm.s32 $0xF00;
	[dreg:$0x1c] =	wrdreg s18  }
0x1f: {  	[dreg:$0x1d] =	wrdreg s19;
	s20 =	simm.s32 $0xF80  }
0x20: {  	s21 =	simm.s32 $0x1000;
	[dreg:$0x1e] =	wrdreg s20  }
0x21: {  	s22 =	simm.s32 $0x1080;
	[dreg:$0x1f] =	wrdreg s21  }
0x22: {  	s23 =	simm.s32 $0x1100;
	[smem:$0x7DB] =	sst s22  }
0x23: {  	s24 =	simm.s32 $0x1180;
	[smem:$0x7DC] =	sst s23  }
0x24: {  	s25 =	simm.s32 $0x1200;
	[smem:$0x7DD] =	sst s24  }
0x25: {  	s26 =	simm.s32 $0x1280;
	[smem:$0x7DE] =	sst s25  }
0x26: {  	s28 =	simm.s32 $0x1300;
	[smem:$0x7DF] =	sst s26  }
0x27: {  	s29 =	simm.s32 $0x1380;
	[smem:$0x7E0] =	sst s28  }
0x28: {  	s30 =	simm.s32 $0x1400;
	[smem:$0x7E1] =	sst s29  }
0x29: {  	s31 =	simm.s32 $0x1480;
	[smem:$0x7E2] =	sst s30  }
0x2a: {  	s5 =	simm.s32 $0x1500;
	[smem:$0x7E3] =	sst s31  }
0x2b: {  	s6 =	simm.s32 $0x1580;
	[smem:$0x7E4] =	sst s5  }
0x2c: {  	s7 =	simm.s32 $0x1600;
	[smem:$0x7E5] =	sst s6  }
0x2d: {  	s8 =	simm.s32 $0x1680;
	[smem:$0x7E6] =	sst s7  }
0x2e: {  	s9 =	simm.s32 $0x1700;
	[smem:$0x7E7] =	sst s8  }
0x2f: {  	s10 =	simm.s32 $0x1780;
	[smem:$0x7E8] =	sst s9  }
0x30: {  	s11 =	simm.s32 $0x1800;
	[smem:$0x7E9] =	sst s10  }
0x31: {  	s12 =	simm.s32 $0x1880;
	[smem:$0x7EA] =	sst s11  }
0x32: {  	s13 =	simm.s32 $0x1900;
	[smem:$0x7EB] =	sst s12  }
0x33: {  	s14 =	simm.s32 $0x1980;
	[smem:$0x7EC] =	sst s13  }
0x34: {  	s15 =	simm.s32 $0x1A00;
	[smem:$0x7ED] =	sst s14  }
0x35: {  	s16 =	simm.s32 $0x1A80;
	[smem:$0x7EE] =	sst s15  }
0x36: {  	s17 =	simm.s32 $0x1B00;
	[smem:$0x7EF] =	sst s16  }
0x37: {  	s18 =	simm.s32 $0x1C00;
	[smem:$0x7F0] =	sst s17  }
0x38: {  	s19 =	simm.s32 $0x1C80;
	[smem:$0x7F2] =	sst s18  }
0x39: {  	s6 =	simm.s32 $0x1B80;
	[smem:$0x7F3] =	sst s19  }
0x3a: {  	s3 =	stileid.u32;
	s20 =	simm.s32 $0x1D00;
	[smem:$0x7F1] =	sst s6  }
0x3b: {  	s5 =	srdreg.scid;
	s21 =	simm.s32 $0x1D80;
	[smem:$0x7F4] =	sst s20  }
0x3c: {  	s7 =	sshll.u32 s3, $0x1;
	s22 =	simm.s32 $0x1E00;
	[smem:$0x7F5] =	sst s21  }
0x3d: {  	s23 =	simm.s32 $0x1E80;
	s24 =	simm.s32 $0x1F00;
	[smem:$0x7F6] =	sst s22  }
0x3e: {  	s25 =	simm.s32 $0x1F80;
	s26 =	simm.s32 $0x2000;
	[smem:$0x7F7] =	sst s23  }
0x3f: {  	s29 =	simm.s32 $0x2080;
	s30 =	simm.s32 $0x2100;
	[smem:$0x7F8] =	sst s24  }
0x40: {  	s31 =	simm.s32 $0x2180;
	s10 =	simm.s32 $0x3;
	[smem:$0x7F9] =	sst s25  }
0x41: {  	s11 =	simm.s32 $0x4;
	s12 =	simm.s32 $0x2200;
	[smem:$0x7FA] =	sst s26  }
0x42: {  	s13 =	simm.s32 $0x0;
	s5 =	sand.u32 $0x1, s5;
	[smem:$0x7FB] =	sst s29  }
0x43: {  	[smem:$0x7FC] =	sst s30;
	s7 =	sor.u32 s5, s7;
	s5 =	ssub.s32 $0x2, s5  }
0x44: {  	[smem:$0x7FD] =	sst s31;
	s8 =	sshll.u32 s7, $0x4;
	s9 =	sshrl.u32 s5, $0x1  }
0x45: {  	s28 =	sshll.u32 s7, $0x6;
	s7 =	simm.s32 $0x5;
	s8 =	sadd.s32 s8, s1  }
0x46: {  	s9 =	ssub.s32 s5, s9;
	s4 =	sadd.s32 s4, s28;
	s5 =	sadd.s32 $0xF42400, s8  }
0x47: {  	s6 =	smax.u32 s9, $0x1;
	s8 =	simm.s32 $0x1;
	s9 =	simm.s32 $0x2  }
.LBB2_1:
0x48: {  	[tilespmem:s2], [sflag:$0x5] =	stream.linear.gather [hbm4b:s4+s2], $0x200, $0x38;
	[tilespmem:$0x2280] =	vst v63  }
0x49: {  	v0 =	vimm.f32 $0.0e+00;
	_ =	swait.ge [sflag:s7], $0x200  }
0x4a: {  	v2 =	vimm.f32 $0.0e+00;
	v3 =	vimm.f32 $0.0e+00;
	v4 =	vimm.f32 $0.0e+00;
	[sflag:s7] =	ssyncset.done $0x0  }
0x4b: {  	s14 =	simm.s32 $0x0;
	v6 =	vimm.f32 $0.0e+00;
	v9 =	vimm.f32 $0.0e+00;
	v13 =	vimm.f32 $0.0e+00;
	[sflag:s7] =	ssyncadd.s32 $0xFFFFFE00  }
.LBB2_2:
0x4c: {  	s15 =	sshra.s32 s14, $0x2  }
0x4d: {  	[tilespmem:$0x1F080] =	vst v0;
	v0 =	vld [tilespmem:s15+$0x0];
	_ =	sdelay $0x4  }
0x4e: {  	[tilespmem:$0x1F070] =	vst v2;
	v2 =	vshll.u32 v0, $0x4  }
0x4f: {  	(v2sf) =	vpush v2, $0x0;
	_ =	sdelay $0x3  }
0x50: {  	(v2sf) =	vpush v2, $0x1;
	_ =	sdelay $0x2  }
0x51: {  	(v2sf) =	vpush v2, $0x2;
	_ =	sdelay $0x2  }
0x52: {  	(v2sf) =	vpush v2, $0x3;
	_ =	sdelay $0x4  }
0x53: {  	s16 =	spop (v2sf);
	(v2sf) =	vpush v2, $0x4;
	_ =	sdelay $0x3  }
0x54: {  	s19 =	spop (v2sf);
	(v2sf) =	vpush v2, $0x5;
	_ =	sdelay $0x2  }
0x55: {  	s21 =	spop (v2sf);
	(v2sf) =	vpush v2, $0x6;
	_ =	sdelay $0x2  }
0x56: {  	s23 =	spop (v2sf);
	(v2sf) =	vpush v2, $0x7;
	_ =	sdelay $0x4  }
0x57: {  	s25 =	spop (v2sf);
	(v2sf) =	vpush v2, $0x8;
	_ =	sdelay $0x3  }
0x58: {  	s28 =	spop (v2sf);
	(v2sf) =	vpush v2, $0x9;
	_ =	sdelay $0x2  }
0x59: {  	[tilespmem:$0x1F060] =	vst v3;
	v3 =	vld [tilespmem:s15+$0x10];
	s16 =	sand.u32 $0x1FFFFFF0, s16;
	s30 =	spop (v2sf);
	(v2sf) =	vpush v2, $0xA  }
0x5a: {  	s17 =	rddreg [dreg:$0x3];
	v1 =	vld [tilespmem:s15+$0x20];
	s18 =	sadd.s32 s1, s16  }
0x5b: {  	v0 =	vld [tilespmem:s15+$0x30];
	[tilespmem:s17], [sflag:$0x1] =	stream.linear.gather [hbm4b:s18+s2], $0x80, $0x38  }
0x5c: {  	s17 =	spop (v2sf);
	(v2sf) =	vpush v2, $0xB;
	_ =	sdelay $0x4  }
0x5d: {  	s15 =	sand.u32 $0x1FFFFFF0, s19;
	s19 =	spop (v2sf);
	(v2sf) =	vpush v2, $0xC;
	_ =	sdelay $0x1  }
0x5e: {  	s20 =	rddreg [dreg:$0x4];
	s15 =	sadd.s32 s1, s15  }
0x5f: {  	[tilespmem:s20], [sflag:$0x2] =	stream.linear.gather [hbm4b:s15+s2], $0x80, $0x38;
	[tilespmem:$0x2280] =	vst v63  }
0x60: {  	s15 =	sand.u32 $0x1FFFFFF0, s21;
	s21 =	spop (v2sf);
	(v2sf) =	vpush v2, $0xD  }
0x61: {  	s22 =	rddreg [dreg:$0x5];
	s15 =	sadd.s32 s1, s15  }
0x62: {  	[tilespmem:s22], [sflag:$0x3] =	stream.linear.gather [hbm4b:s15+s2], $0x80, $0x38;
	[tilespmem:$0x2280] =	vst v63  }
0x63: {  	s15 =	sand.u32 $0x1FFFFFF0, s23;
	s23 =	spop (v2sf);
	(v2sf) =	vpush v2, $0xE  }
0x64: {  	s24 =	rddreg [dreg:$0x6];
	s15 =	sadd.s32 s1, s15  }
0x65: {  	[tilespmem:s24], [sflag:$0x4] =	stream.linear.gather [hbm4b:s15+s2], $0x80, $0x38;
	[tilespmem:$0x2280] =	vst v63  }
0x66: {  	s15 =	sand.u32 $0x1FFFFFF0, s25;
	s25 =	spop (v2sf);
	(v2sf) =	vpush v2, $0xF;
	_ =	sdelay $0x2  }
0x67: {  	s26 =	rddreg [dreg:$0x7];
	s15 =	sadd.s32 s1, s15  }
0x68: {  	[tilespmem:s26], [sflag:$0x1] =	stream.linear.gather [hbm4b:s15+s2], $0x80, $0x38;
	v2 =	vshll.u32 v3, $0x4;
	[tilespmem:$0x2280] =	vst v63  }
0x69: {  	s15 =	sand.u32 $0x1FFFFFF0, s28;
	s28 =	spop (v2sf);
	(v2sf) =	vpush v2, $0x0;
	_ =	sdelay $0x1  }
0x6a: {  	s29 =	rddreg [dreg:$0x8];
	s15 =	sadd.s32 s1, s15  }
0x6b: {  	[tilespmem:s29], [sflag:$0x2] =	stream.linear.gather [hbm4b:s15+s2], $0x80, $0x38;
	[tilespmem:$0x2280] =	vst v63  }
0x6c: {  	s15 =	sand.u32 $0x1FFFFFF0, s30;
	s30 =	spop (v2sf);
	(v2sf) =	vpush v2, $0x1  }
0x6d: {  	s31 =	rddreg [dreg:$0x9];
	s15 =	sadd.s32 s1, s15  }
0x6e: {  	[tilespmem:s31], [sflag:$0x3] =	stream.linear.gather [hbm4b:s15+s2], $0x80, $0x38;
	[tilespmem:$0x2280] =	vst v63  }
0x6f: {  	s15 =	sand.u32 $0x1FFFFFF0, s17;
	s17 =	spop (v2sf);
	(v2sf) =	vpush v2, $0x2  }
0x70: {  	s18 =	rddreg [dreg:$0xa];
	s15 =	sadd.s32 s1, s15  }
0x71: {  	[tilespmem:s18], [sflag:$0x4] =	stream.linear.gather [hbm4b:s15+s2], $0x80, $0x38;
	[tilespmem:$0x2280] =	vst v63  }
0x72: {  	s15 =	sand.u32 $0x1FFFFFF0, s19;
	s19 =	spop (v2sf);
	(v2sf) =	vpush v2, $0x3;
	_ =	sdelay $0x2  }
0x73: {  	s20 =	rddreg [dreg:$0xb];
	s15 =	sadd.s32 s1, s15  }
0x74: {  	[tilespmem:s20], [sflag:$0x1] =	stream.linear.gather [hbm4b:s15+s2], $0x80, $0x38;
	[tilespmem:$0x2280] =	vst v63  }
0x75: {  	s15 =	sand.u32 $0x1FFFFFF0, s21;
	s21 =	spop (v2sf);
	(v2sf) =	vpush v2, $0x4;
	_ =	sdelay $0x1  }
0x76: {  	s22 =	rddreg [dreg:$0xc];
	s15 =	sadd.s32 s1, s15  }
0x77: {  	[tilespmem:s22], [sflag:$0x2] =	stream.linear.gather [hbm4b:s15+s2], $0x80, $0x38;
	[tilespmem:$0x2280] =	vst v63  }
0x78: {  	s15 =	sand.u32 $0x1FFFFFF0, s23;
	s23 =	spop (v2sf);
	(v2sf) =	vpush v2, $0x5  }
0x79: {  	s24 =	rddreg [dreg:$0xd];
	s15 =	sadd.s32 s1, s15  }
0x7a: {  	[tilespmem:s24], [sflag:$0x3] =	stream.linear.gather [hbm4b:s15+s2], $0x80, $0x38;
	[tilespmem:$0x2280] =	vst v63  }
0x7b: {  	s15 =	sand.u32 $0x1FFFFFF0, s25;
	s25 =	spop (v2sf);
	(v2sf) =	vpush v2, $0x6  }
0x7c: {  	s26 =	rddreg [dreg:$0xe];
	s15 =	sadd.s32 s1, s15  }
0x7d: {  	[tilespmem:s26], [sflag:$0x4] =	stream.linear.gather [hbm4b:s15+s2], $0x80, $0x38;
	[tilespmem:$0x2280] =	vst v63  }
0x7e: {  	s15 =	sand.u32 $0x1FFFFFF0, s28;
	s28 =	spop (v2sf);
	(v2sf) =	vpush v2, $0x7;
	_ =	sdelay $0x2  }
0x7f: {  	s29 =	rddreg [dreg:$0xf];
	s15 =	sadd.s32 s1, s15  }
0x80: {  	[tilespmem:s29], [sflag:$0x1] =	stream.linear.gather [hbm4b:s15+s2], $0x80, $0x38;
	[tilespmem:$0x2280] =	vst v63  }
0x81: {  	s15 =	sand.u32 $0x1FFFFFF0, s30;
	s30 =	spop (v2sf);
	(v2sf) =	vpush v2, $0x8;
	_ =	sdelay $0x1  }
0x82: {  	s31 =	rddreg [dreg:$0x10];
	s15 =	sadd.s32 s1, s15  }
0x83: {  	[tilespmem:s31], [sflag:$0x2] =	stream.linear.gather [hbm4b:s15+s2], $0x80, $0x38;
	[tilespmem:$0x2280] =	vst v63  }
0x84: {  	s15 =	sand.u32 $0x1FFFFFF0, s17;
	s17 =	spop (v2sf);
	(v2sf) =	vpush v2, $0x9  }
0x85: {  	s18 =	rddreg [dreg:$0x11];
	s15 =	sadd.s32 s1, s15  }
0x86: {  	[tilespmem:s18], [sflag:$0x3] =	stream.linear.gather [hbm4b:s15+s2], $0x80, $0x38;
	[tilespmem:$0x2280] =	vst v63  }
0x87: {  	s15 =	sand.u32 $0x1FFFFFF0, s19;
	s19 =	spop (v2sf);
	(v2sf) =	vpush v2, $0xA  }
0x88: {  	s20 =	rddreg [dreg:$0x12];
	s15 =	sadd.s32 s1, s15  }
0x89: {  	[tilespmem:s20], [sflag:$0x4] =	stream.linear.gather [hbm4b:s15+s2], $0x80, $0x38;
	[tilespmem:$0x2280] =	vst v63  }
0x8a: {  	s15 =	sand.u32 $0x1FFFFFF0, s21;
	s21 =	spop (v2sf);
	(v2sf) =	vpush v2, $0xB;
	_ =	sdelay $0x2  }
0x8b: {  	s22 =	rddreg [dreg:$0x13];
	s15 =	sadd.s32 s1, s15  }
0x8c: {  	[tilespmem:s22], [sflag:$0x1] =	stream.linear.gather [hbm4b:s15+s2], $0x80, $0x38;
	[tilespmem:$0x2280] =	vst v63  }
0x8d: {  	s15 =	sand.u32 $0x1FFFFFF0, s23;
	s23 =	spop (v2sf);
	(v2sf) =	vpush v2, $0xC  }
0x8e: {  	s24 =	rddreg [dreg:$0x14];
	s15 =	sadd.s32 s1, s15  }
0x8f: {  	[tilespmem:s24], [sflag:$0x2] =	stream.linear.gather [hbm4b:s15+s2], $0x80, $0x38;
	[tilespmem:$0x2280] =	vst v63  }
0x90: {  	s15 =	sand.u32 $0x1FFFFFF0, s25  }
0x91: {  	s26 =	rddreg [dreg:$0x15];
	s15 =	sadd.s32 s1, s15;
	s25 =	spop (v2sf);
	(v2sf) =	vpush v2, $0xD  }
0x92: {  	[tilespmem:s26], [sflag:$0x3] =	stream.linear.gather [hbm4b:s15+s2], $0x80, $0x38;
	[tilespmem:$0x2280] =	vst v63  }
0x93: {  	s15 =	sand.u32 $0x1FFFFFF0, s28  }
0x94: {  	s29 =	rddreg [dreg:$0x16];
	s15 =	sadd.s32 s1, s15;
	s28 =	spop (v2sf);
	(v2sf) =	vpush v2, $0xE  }
0x95: {  	[tilespmem:s29], [sflag:$0x4] =	stream.linear.gather [hbm4b:s15+s2], $0x80, $0x38;
	[tilespmem:$0x2280] =	vst v63  }
0x96: {  	s15 =	sand.u32 $0x1FFFFFF0, s30  }
0x97: {  	s31 =	rddreg [dreg:$0x17];
	s15 =	sadd.s32 s1, s15;
	s30 =	spop (v2sf);
	(v2sf) =	vpush v2, $0xF  }
0x98: {  	[tilespmem:s31], [sflag:$0x1] =	stream.linear.gather [hbm4b:s15+s2], $0x80, $0x38;
	[tilespmem:$0x2280] =	vst v63  }
0x99: {  	s15 =	sand.u32 $0x1FFFFFF0, s17  }
0x9a: {  	s18 =	rddreg [dreg:$0x18];
	s15 =	sadd.s32 s1, s15  }
0x9b: {  	v1 =	vshll.u32 v1, $0x4;
	[tilespmem:s18], [sflag:$0x2] =	stream.linear.gather [hbm4b:s15+s2], $0x80, $0x38;
	[tilespmem:$0x2280] =	vst v63  }
0x9c: {  	s15 =	sand.u32 $0x1FFFFFF0, s19;
	s17 =	spop (v2sf);
	(v2sf) =	vpush v1, $0x0  }
0x9d: {  	s20 =	rddreg [dreg:$0x19];
	s15 =	sadd.s32 s1, s15  }
0x9e: {  	[tilespmem:s20], [sflag:$0x3] =	stream.linear.gather [hbm4b:s15+s2], $0x80, $0x38;
	[tilespmem:$0x2280] =	vst v63  }
0x9f: {  	s15 =	sand.u32 $0x1FFFFFF0, s21  }
0xa0: {  	s22 =	rddreg [dreg:$0x1a];
	s15 =	sadd.s32 s1, s15;
	s19 =	spop (v2sf);
	(v2sf) =	vpush v1, $0x1  }
0xa1: {  	[tilespmem:s22], [sflag:$0x4] =	stream.linear.gather [hbm4b:s15+s2], $0x80, $0x38;
	[tilespmem:$0x2280] =	vst v63  }
0xa2: {  	s15 =	sand.u32 $0x1FFFFFF0, s23  }
0xa3: {  	s24 =	rddreg [dreg:$0x1b];
	s15 =	sadd.s32 s1, s15;
	s21 =	spop (v2sf);
	(v2sf) =	vpush v1, $0x2  }
0xa4: {  	[tilespmem:s24], [sflag:$0x1] =	stream.linear.gather [hbm4b:s15+s2], $0x80, $0x38;
	[tilespmem:$0x2280] =	vst v63  }
0xa5: {  	s15 =	sand.u32 $0x1FFFFFF0, s25  }
0xa6: {  	s26 =	rddreg [dreg:$0x1c];
	s15 =	sadd.s32 s1, s15;
	s23 =	spop (v2sf);
	(v2sf) =	vpush v1, $0x3  }
0xa7: {  	[tilespmem:s26], [sflag:$0x2] =	stream.linear.gather [hbm4b:s15+s2], $0x80, $0x38;
	[tilespmem:$0x2280] =	vst v63  }
0xa8: {  	s15 =	sand.u32 $0x1FFFFFF0, s28  }
0xa9: {  	s29 =	rddreg [dreg:$0x1d];
	s15 =	sadd.s32 s1, s15  }
0xaa: {  	[tilespmem:s29], [sflag:$0x3] =	stream.linear.gather [hbm4b:s15+s2], $0x80, $0x38;
	[tilespmem:$0x2280] =	vst v63  }
0xab: {  	s15 =	sand.u32 $0x1FFFFFF0, s30;
	s25 =	spop (v2sf);
	(v2sf) =	vpush v1, $0x4  }
0xac: {  	s31 =	rddreg [dreg:$0x1e];
	s15 =	sadd.s32 s1, s15  }
0xad: {  	[tilespmem:s31], [sflag:$0x4] =	stream.linear.gather [hbm4b:s15+s2], $0x80, $0x38;
	[tilespmem:$0x2280] =	vst v63  }
0xae: {  	s18 =	rddreg [dreg:$0x1f];
	s15 =	sand.u32 $0x1FFFFFF0, s17  }
0xaf: {  	s20 =	sld [smem:$0x7DB];
	s15 =	sadd.s32 s1, s15;
	s28 =	spop (v2sf);
	(v2sf) =	vpush v1, $0x5  }
0xb0: {  	[tilespmem:s18], [sflag:$0x1] =	stream.linear.gather [hbm4b:s15+s2], $0x80, $0x38;
	[tilespmem:$0x2280] =	vst v63  }
0xb1: {  	s15 =	sand.u32 $0x1FFFFFF0, s19  }
0xb2: {  	s22 =	sld [smem:$0x7DC];
	s15 =	sadd.s32 s1, s15;
	s30 =	spop (v2sf);
	(v2sf) =	vpush v1, $0x6  }
0xb3: {  	[tilespmem:s20], [sflag:$0x2] =	stream.linear.gather [hbm4b:s15+s2], $0x80, $0x38;
	[tilespmem:$0x2280] =	vst v63  }
0xb4: {  	s15 =	sand.u32 $0x1FFFFFF0, s21  }
0xb5: {  	s24 =	sld [smem:$0x7DD];
	s15 =	sadd.s32 s1, s15;
	s17 =	spop (v2sf);
	(v2sf) =	vpush v1, $0x7  }
0xb6: {  	[tilespmem:s22], [sflag:$0x3] =	stream.linear.gather [hbm4b:s15+s2], $0x80, $0x38;
	[tilespmem:$0x2280] =	vst v63  }
0xb7: {  	s15 =	sand.u32 $0x1FFFFFF0, s23  }
0xb8: {  	s26 =	sld [smem:$0x7DE];
	s15 =	sadd.s32 s1, s15  }
0xb9: {  	[tilespmem:s24], [sflag:$0x4] =	stream.linear.gather [hbm4b:s15+s2], $0x80, $0x38;
	[tilespmem:$0x2280] =	vst v63  }
0xba: {  	s15 =	sand.u32 $0x1FFFFFF0, s25;
	s19 =	spop (v2sf);
	(v2sf) =	vpush v1, $0x8  }
0xbb: {  	s29 =	sld [smem:$0x7DF];
	s15 =	sadd.s32 s1, s15  }
0xbc: {  	[tilespmem:s26], [sflag:$0x1] =	stream.linear.gather [hbm4b:s15+s2], $0x80, $0x38;
	[tilespmem:$0x2280] =	vst v63  }
0xbd: {  	s15 =	sand.u32 $0x1FFFFFF0, s28  }
0xbe: {  	s31 =	sld [smem:$0x7E0];
	s15 =	sadd.s32 s1, s15;
	s21 =	spop (v2sf);
	(v2sf) =	vpush v1, $0x9  }
0xbf: {  	[tilespmem:s29], [sflag:$0x2] =	stream.linear.gather [hbm4b:s15+s2], $0x80, $0x38;
	[tilespmem:$0x2280] =	vst v63  }
0xc0: {  	s15 =	sand.u32 $0x1FFFFFF0, s30  }
0xc1: {  	s18 =	sld [smem:$0x7E1];
	s15 =	sadd.s32 s1, s15;
	s23 =	spop (v2sf);
	(v2sf) =	vpush v1, $0xA  }
0xc2: {  	[tilespmem:s31], [sflag:$0x3] =	stream.linear.gather [hbm4b:s15+s2], $0x80, $0x38;
	[tilespmem:$0x2280] =	vst v63  }
0xc3: {  	s15 =	sand.u32 $0x1FFFFFF0, s17  }
0xc4: {  	s20 =	sld [smem:$0x7E2];
	s15 =	sadd.s32 s1, s15;
	s25 =	spop (v2sf);
	(v2sf) =	vpush v1, $0xB  }
0xc5: {  	[tilespmem:s18], [sflag:$0x4] =	stream.linear.gather [hbm4b:s15+s2], $0x80, $0x38;
	[tilespmem:$0x2280] =	vst v63  }
0xc6: {  	s15 =	sand.u32 $0x1FFFFFF0, s19  }
0xc7: {  	s22 =	sld [smem:$0x7E3];
	s15 =	sadd.s32 s1, s15  }
0xc8: {  	[tilespmem:s20], [sflag:$0x1] =	stream.linear.gather [hbm4b:s15+s2], $0x80, $0x38;
	[tilespmem:$0x2280] =	vst v63  }
0xc9: {  	s15 =	sand.u32 $0x1FFFFFF0, s21;
	s28 =	spop (v2sf);
	(v2sf) =	vpush v1, $0xC  }
0xca: {  	s24 =	sld [smem:$0x7E4];
	s15 =	sadd.s32 s1, s15  }
0xcb: {  	[tilespmem:s22], [sflag:$0x2] =	stream.linear.gather [hbm4b:s15+s2], $0x80, $0x38;
	[tilespmem:$0x2280] =	vst v63  }
0xcc: {  	s15 =	sand.u32 $0x1FFFFFF0, s23  }
0xcd: {  	s26 =	sld [smem:$0x7E5];
	s15 =	sadd.s32 s1, s15;
	s30 =	spop (v2sf);
	(v2sf) =	vpush v1, $0xD  }
0xce: {  	[tilespmem:s24], [sflag:$0x3] =	stream.linear.gather [hbm4b:s15+s2], $0x80, $0x38;
	[tilespmem:$0x2280] =	vst v63  }
0xcf: {  	s15 =	sand.u32 $0x1FFFFFF0, s25  }
0xd0: {  	s29 =	sld [smem:$0x7E6];
	s15 =	sadd.s32 s1, s15;
	s17 =	spop (v2sf);
	(v2sf) =	vpush v1, $0xE  }
0xd1: {  	[tilespmem:s26], [sflag:$0x4] =	stream.linear.gather [hbm4b:s15+s2], $0x80, $0x38;
	[tilespmem:$0x2280] =	vst v63  }
0xd2: {  	s15 =	sand.u32 $0x1FFFFFF0, s28  }
0xd3: {  	s31 =	sld [smem:$0x7E7];
	s15 =	sadd.s32 s1, s15;
	s19 =	spop (v2sf);
	(v2sf) =	vpush v1, $0xF  }
0xd4: {  	[tilespmem:s29], [sflag:$0x1] =	stream.linear.gather [hbm4b:s15+s2], $0x80, $0x38;
	[tilespmem:$0x2280] =	vst v63  }
0xd5: {  	s15 =	sand.u32 $0x1FFFFFF0, s30  }
0xd6: {  	s18 =	sld [smem:$0x7E8];
	s15 =	sadd.s32 s1, s15  }
0xd7: {  	v0 =	vshll.u32 v0, $0x4;
	[tilespmem:s31], [sflag:$0x2] =	stream.linear.gather [hbm4b:s15+s2], $0x80, $0x38;
	[tilespmem:$0x2280] =	vst v63  }
0xd8: {  	s15 =	sand.u32 $0x1FFFFFF0, s17;
	s21 =	spop (v2sf);
	(v2sf) =	vpush v0, $0x0  }
0xd9: {  	s20 =	sld [smem:$0x7E9];
	s15 =	sadd.s32 s1, s15  }
0xda: {  	[tilespmem:s18], [sflag:$0x3] =	stream.linear.gather [hbm4b:s15+s2], $0x80, $0x38;
	[tilespmem:$0x2280] =	vst v63  }
0xdb: {  	s15 =	sand.u32 $0x1FFFFFF0, s19  }
0xdc: {  	s22 =	sld [smem:$0x7EA];
	s15 =	sadd.s32 s1, s15;
	s23 =	spop (v2sf);
	(v2sf) =	vpush v0, $0x1  }
0xdd: {  	[tilespmem:s20], [sflag:$0x4] =	stream.linear.gather [hbm4b:s15+s2], $0x80, $0x38;
	[tilespmem:$0x2280] =	vst v63  }
0xde: {  	s15 =	sand.u32 $0x1FFFFFF0, s21  }
0xdf: {  	s24 =	sld [smem:$0x7EB];
	s15 =	sadd.s32 s1, s15;
	s25 =	spop (v2sf);
	(v2sf) =	vpush v0, $0x2  }
0xe0: {  	[tilespmem:s22], [sflag:$0x1] =	stream.linear.gather [hbm4b:s15+s2], $0x80, $0x38;
	[tilespmem:$0x2280] =	vst v63  }
0xe1: {  	s15 =	sand.u32 $0x1FFFFFF0, s23  }
0xe2: {  	s26 =	sld [smem:$0x7EC];
	s28 =	spop (v2sf);
	(v2sf) =	vpush v0, $0x3;
	s15 =	sadd.s32 s1, s15  }
0xe3: {  	[tilespmem:s24], [sflag:$0x2] =	stream.linear.gather [hbm4b:s15+s2], $0x80, $0x38;
	[tilespmem:$0x2280] =	vst v63  }
0xe4: {  	s15 =	sand.u32 $0x1FFFFFF0, s25  }
0xe5: {  	s29 =	sld [smem:$0x7ED];
	s15 =	sadd.s32 s1, s15  }
0xe6: {  	[tilespmem:s26], [sflag:$0x3] =	stream.linear.gather [hbm4b:s15+s2], $0x80, $0x38;
	[tilespmem:$0x2280] =	vst v63  }
0xe7: {  	s15 =	sand.u32 $0x1FFFFFF0, s28;
	s30 =	spop (v2sf);
	(v2sf) =	vpush v0, $0x4  }
0xe8: {  	s31 =	sld [smem:$0x7EE];
	s15 =	sadd.s32 s1, s15  }
0xe9: {  	[tilespmem:s29], [sflag:$0x4] =	stream.linear.gather [hbm4b:s15+s2], $0x80, $0x38;
	[tilespmem:$0x2280] =	vst v63  }
0xea: {  	s15 =	sand.u32 $0x1FFFFFF0, s30  }
0xeb: {  	s17 =	sld [smem:$0x7EF];
	s16 =	spop (v2sf);
	s15 =	sadd.s32 s1, s15  }
0xec: {  	[tilespmem:s31], [sflag:$0x1] =	stream.linear.gather [hbm4b:s15+s2], $0x80, $0x38;
	[tilespmem:$0x2280] =	vst v63  }
0xed: {  	s15 =	sand.u32 $0x1FFFFFF0, s16  }
0xee: {  	s19 =	sld [smem:$0x7F0];
	s18 =	spop (v2sf);
	s15 =	sadd.s32 s1, s15  }
0xef: {  	[tilespmem:s17], [sflag:$0x2] =	stream.linear.gather [hbm4b:s15+s2], $0x80, $0x38;
	[tilespmem:$0x2280] =	vst v63  }
0xf0: {  	s15 =	sand.u32 $0x1FFFFFF0, s18  }
0xf1: {  	s21 =	sld [smem:$0x7F1];
	s20 =	spop (v2sf);
	s15 =	sadd.s32 s1, s15  }
0xf2: {  	[tilespmem:s19], [sflag:$0x3] =	stream.linear.gather [hbm4b:s15+s2], $0x80, $0x38;
	[tilespmem:$0x2280] =	vst v63  }
0xf3: {  	s15 =	sand.u32 $0x1FFFFFF0, s20  }
0xf4: {  	s15 =	sadd.s32 s1, s15  }
0xf5: {  	[tilespmem:s21], [sflag:$0x4] =	stream.linear.gather [hbm4b:s15+s2], $0x80, $0x38;
	[tilespmem:$0x2280] =	vst v63  }
0xf6: {  	s15 =	spop (v2sf)  }
0xf7: {  	(v2sf) =	vpush v0, $0x5;
	_ =	sdelay $0x1  }
0xf8: {  	(v2sf) =	vpush v0, $0x6;
	_ =	sdelay $0x1  }
0xf9: {  	(v2sf) =	vpush v0, $0x7;
	_ =	sdelay $0x4  }
0xfa: {  	(v2sf) =	vpush v0, $0x8;
	_ =	sdelay $0x5  }
0xfb: {  	s22 =	sld [smem:$0x7F2];
	s23 =	spop (v2sf);
	(v2sf) =	vpush v0, $0x9  }
0xfc: {  	s15 =	sand.u32 $0x1FFFFFF0, s15  }
0xfd: {  	s15 =	sadd.s32 s1, s15;
	s25 =	spop (v2sf);
	(v2sf) =	vpush v0, $0xA  }
0xfe: {  	[tilespmem:s22], [sflag:$0x1] =	stream.linear.gather [hbm4b:s15+s2], $0x80, $0x38;
	[tilespmem:$0x2280] =	vst v63  }
0xff: {  	s24 =	sld [smem:$0x7F3];
	s28 =	spop (v2sf);
	(v2sf) =	vpush v0, $0xB  }
0x100: {  	s15 =	sand.u32 $0x1FFFFFF0, s23  }
0x101: {  	s26 =	sld [smem:$0x7F4];
	s15 =	sadd.s32 s1, s15  }
0x102: {  	[tilespmem:s24], [sflag:$0x2] =	stream.linear.gather [hbm4b:s15+s2], $0x80, $0x38;
	[tilespmem:$0x2280] =	vst v63  }
0x103: {  	s15 =	sand.u32 $0x1FFFFFF0, s25  }
0x104: {  	s29 =	sld [smem:$0x7F5];
	s30 =	spop (v2sf);
	s15 =	sadd.s32 s1, s15  }
0x105: {  	(v2sf) =	vpush v0, $0xC;
	[tilespmem:s26], [sflag:$0x3] =	stream.linear.gather [hbm4b:s15+s2], $0x80, $0x38;
	[tilespmem:$0x2280] =	vst v63  }
0x106: {  	s15 =	sand.u32 $0x1FFFFFF0, s28  }
0x107: {  	s31 =	sld [smem:$0x7F6];
	s15 =	sadd.s32 s1, s15  }
0x108: {  	[tilespmem:s29], [sflag:$0x4] =	stream.linear.gather [hbm4b:s15+s2], $0x80, $0x38;
	[tilespmem:$0x2280] =	vst v63  }
0x109: {  	s15 =	sand.u32 $0x1FFFFFF0, s30  }
0x10a: {  	s15 =	sadd.s32 s1, s15;
	s17 =	spop (v2sf);
	(v2sf) =	vpush v0, $0xD  }
0x10b: {  	[tilespmem:s31], [sflag:$0x1] =	stream.linear.gather [hbm4b:s15+s2], $0x80, $0x38;
	[tilespmem:$0x2280] =	vst v63  }
0x10c: {  	s18 =	sld [smem:$0x7F7];
	s19 =	spop (v2sf);
	(v2sf) =	vpush v0, $0xE  }
0x10d: {  	s15 =	sand.u32 $0x1FFFFFF0, s17  }
0x10e: {  	s20 =	sld [smem:$0x7F8];
	s15 =	sadd.s32 s1, s15;
	s21 =	spop (v2sf)  }
0x10f: {  	(v2sf) =	vpush v0, $0xF;
	[tilespmem:s18], [sflag:$0x2] =	stream.linear.gather [hbm4b:s15+s2], $0x80, $0x38;
	[tilespmem:$0x2280] =	vst v63  }
0x110: {  	s15 =	sand.u32 $0x1FFFFFF0, s19  }
0x111: {  	s22 =	sld [smem:$0x7F9];
	s15 =	sadd.s32 s1, s15  }
0x112: {  	[tilespmem:s20], [sflag:$0x3] =	stream.linear.gather [hbm4b:s15+s2], $0x80, $0x38;
	[tilespmem:$0x2280] =	vst v63  }
0x113: {  	s15 =	sand.u32 $0x1FFFFFF0, s21  }
0x114: {  	s24 =	sld [smem:$0x7FA];
	s23 =	spop (v2sf);
	s15 =	sadd.s32 s1, s15  }
0x115: {  	[tilespmem:s22], [sflag:$0x4] =	stream.linear.gather [hbm4b:s15+s2], $0x80, $0x38;
	[tilespmem:$0x2280] =	vst v63  }
0x116: {  	s15 =	sand.u32 $0x1FFFFFF0, s23  }
0x117: {  	s15 =	sadd.s32 s1, s15  }
0x118: {  	[tilespmem:s24], [sflag:$0x1] =	stream.linear.gather [hbm4b:s15+s2], $0x80, $0x38;
	[tilespmem:$0x2280] =	vst v63  }
0x119: {  	s26 =	sld [smem:$0x7FB];
	s25 =	spop (v2sf)  }
0x11a: {  	s15 =	sand.u32 $0x1FFFFFF0, s25  }
0x11b: {  	s29 =	sld [smem:$0x7FC];
	s28 =	spop (v2sf);
	s15 =	sadd.s32 s1, s15  }
0x11c: {  	[tilespmem:s26], [sflag:$0x2] =	stream.linear.gather [hbm4b:s15+s2], $0x80, $0x38;
	[tilespmem:$0x2280] =	vst v63  }
0x11d: {  	s15 =	sand.u32 $0x1FFFFFF0, s28  }
0x11e: {  	s31 =	sld [smem:$0x7FD];
	s30 =	spop (v2sf);
	s15 =	sadd.s32 s1, s15  }
0x11f: {  	[tilespmem:s29], [sflag:$0x3] =	stream.linear.gather [hbm4b:s15+s2], $0x80, $0x38;
	[tilespmem:$0x2280] =	vst v63  }
0x120: {  	s15 =	sand.u32 $0x1FFFFFF0, s30  }
0x121: {  	s15 =	sadd.s32 s1, s15  }
0x122: {  	[tilespmem:s31], [sflag:$0x4] =	stream.linear.gather [hbm4b:s15+s2], $0x80, $0x38;
	[tilespmem:$0x2280] =	vst v63  }
0x123: {  	_ =	swait.ge [sflag:s8], $0x800  }
0x124: {  	[sflag:s8] =	ssyncset.done $0x0  }
0x125: {  	[sflag:s8] =	ssyncadd.s32 $0xFFFFF800  }
0x126: {  	_ =	swait.ge [sflag:s9], $0x800  }
0x127: {  	[sflag:s9] =	ssyncset.done $0x0  }
0x128: {  	[sflag:s9] =	ssyncadd.s32 $0xFFFFF800  }
0x129: {  	_ =	swait.ge [sflag:s10], $0x800  }
0x12a: {  	[sflag:s10] =	ssyncset.done $0x0  }
0x12b: {  	[sflag:s10] =	ssyncadd.s32 $0xFFFFF800  }
0x12c: {  	_ =	swait.ge [sflag:s11], $0x800  }
0x12d: {  	[sflag:s11] =	ssyncset.done $0x0  }
0x12e: {  	[sflag:s11] =	ssyncadd.s32 $0xFFFFF800  }
0x12f: {  	v62 =	vld [tilespmem:$0x620];
	_ =	sdelay $0x4  }
0x130: {  	[tilespmem:$0x1F090] =	vst v62;
	v62 =	vld [tilespmem:$0x640];
	_ =	sdelay $0x4  }
0x131: {  	[tilespmem:$0x1F0A0] =	vst v62;
	v62 =	vld [tilespmem:$0x650];
	_ =	sdelay $0x4  }
0x132: {  	[tilespmem:$0x1F0B0] =	vst v62;
	v62 =	vld [tilespmem:$0x654];
	_ =	sdelay $0x4  }
0x133: {  	[tilespmem:$0x1F0C0] =	vst v62;
	v62 =	vld [tilespmem:$0x680];
	_ =	sdelay $0x4  }
0x134: {  	[tilespmem:$0x1F0D0] =	vst v62;
	v62 =	vld [tilespmem:$0x690];
	_ =	sdelay $0x4  }
0x135: {  	[tilespmem:$0x1F0E0] =	vst v62;
	v62 =	vld [tilespmem:$0x6A0];
	_ =	sdelay $0x4  }
0x136: {  	[tilespmem:$0x1F0F0] =	vst v62;
	v62 =	vld [tilespmem:$0x6B0];
	_ =	sdelay $0x4  }
0x137: {  	[tilespmem:$0x1F100] =	vst v62;
	v62 =	vld [tilespmem:$0x6C0];
	_ =	sdelay $0x4  }
0x138: {  	[tilespmem:$0x1F110] =	vst v62;
	v62 =	vld [tilespmem:$0x6D0];
	_ =	sdelay $0x4  }
0x139: {  	[tilespmem:$0x1F120] =	vst v62;
	v62 =	vld [tilespmem:$0x6D4];
	_ =	sdelay $0x4  }
0x13a: {  	[tilespmem:$0x1F130] =	vst v62;
	v62 =	vld [tilespmem:$0x700];
	_ =	sdelay $0x4  }
0x13b: {  	[tilespmem:$0x1F140] =	vst v62;
	v62 =	vld [tilespmem:$0x710];
	_ =	sdelay $0x4  }
0x13c: {  	[tilespmem:$0x1F150] =	vst v62;
	v62 =	vld [tilespmem:$0x720];
	_ =	sdelay $0x4  }
0x13d: {  	[tilespmem:$0x1F160] =	vst v62;
	v62 =	vld [tilespmem:$0x730];
	_ =	sdelay $0x4  }
0x13e: {  	[tilespmem:$0x1F170] =	vst v62;
	v62 =	vld [tilespmem:$0x740];
	_ =	sdelay $0x4  }
0x13f: {  	[tilespmem:$0x1F180] =	vst v62;
	v62 =	vld [tilespmem:$0x750];
	_ =	sdelay $0x4  }
0x140: {  	[tilespmem:$0x1F190] =	vst v62;
	v62 =	vld [tilespmem:$0x754];
	_ =	sdelay $0x4  }
0x141: {  	[tilespmem:$0x1F1A0] =	vst v62;
	v62 =	vld [tilespmem:$0x780];
	_ =	sdelay $0x4  }
0x142: {  	[tilespmem:$0x1F1B0] =	vst v62;
	v62 =	vld [tilespmem:$0x790];
	_ =	sdelay $0x4  }
0x143: {  	[tilespmem:$0x1F1C0] =	vst v62;
	v62 =	vld [tilespmem:$0x7A0];
	_ =	sdelay $0x4  }
0x144: {  	[tilespmem:$0x1F1D0] =	vst v62;
	v62 =	vld [tilespmem:$0x7B0];
	_ =	sdelay $0x4  }
0x145: {  	[tilespmem:$0x1F1E0] =	vst v62;
	v62 =	vld [tilespmem:$0x7C0];
	_ =	sdelay $0x4  }
0x146: {  	[tilespmem:$0x1F1F0] =	vst v62;
	v62 =	vld [tilespmem:$0x7D0];
	_ =	sdelay $0x4  }
0x147: {  	[tilespmem:$0x1F200] =	vst v62;
	v62 =	vld [tilespmem:$0x7D4];
	_ =	sdelay $0x4  }
0x148: {  	[tilespmem:$0x1F210] =	vst v62;
	v62 =	vld [tilespmem:$0x800];
	_ =	sdelay $0x4  }
0x149: {  	[tilespmem:$0x1F220] =	vst v62;
	v62 =	vld [tilespmem:$0x810];
	_ =	sdelay $0x4  }
0x14a: {  	[tilespmem:$0x1F230] =	vst v62;
	v62 =	vld [tilespmem:$0x820];
	_ =	sdelay $0x4  }
0x14b: {  	[tilespmem:$0x1F240] =	vst v62;
	v62 =	vld [tilespmem:$0x830];
	_ =	sdelay $0x4  }
0x14c: {  	[tilespmem:$0x1F250] =	vst v62;
	v62 =	vld [tilespmem:$0x840];
	_ =	sdelay $0x4  }
0x14d: {  	[tilespmem:$0x1F260] =	vst v62;
	v62 =	vld [tilespmem:$0x850];
	_ =	sdelay $0x4  }
0x14e: {  	[tilespmem:$0x1F270] =	vst v62;
	v62 =	vld [tilespmem:$0x854];
	_ =	sdelay $0x4  }
0x14f: {  	[tilespmem:$0x1F280] =	vst v62;
	v62 =	vld [tilespmem:$0x880];
	_ =	sdelay $0x4  }
0x150: {  	[tilespmem:$0x1F290] =	vst v62;
	v62 =	vld [tilespmem:$0x890];
	_ =	sdelay $0x4  }
0x151: {  	[tilespmem:$0x1F2A0] =	vst v62;
	v62 =	vld [tilespmem:$0x8A0];
	_ =	sdelay $0x4  }
0x152: {  	[tilespmem:$0x1F2B0] =	vst v62;
	v62 =	vld [tilespmem:$0x8B0];
	_ =	sdelay $0x4  }
0x153: {  	[tilespmem:$0x1F2C0] =	vst v62;
	v62 =	vld [tilespmem:$0x8C0];
	_ =	sdelay $0x4  }
0x154: {  	[tilespmem:$0x1F2D0] =	vst v62;
	v62 =	vld [tilespmem:$0x8D0];
	_ =	sdelay $0x4  }
0x155: {  	[tilespmem:$0x1F2E0] =	vst v62;
	v62 =	vld [tilespmem:$0x8D4];
	_ =	sdelay $0x4  }
0x156: {  	[tilespmem:$0x1F2F0] =	vst v62;
	v62 =	vld [tilespmem:$0x900];
	_ =	sdelay $0x4  }
0x157: {  	[tilespmem:$0x1F300] =	vst v62;
	v62 =	vld [tilespmem:$0x910];
	_ =	sdelay $0x4  }
0x158: {  	[tilespmem:$0x1F310] =	vst v62;
	v62 =	vld [tilespmem:$0x920];
	_ =	sdelay $0x4  }
0x159: {  	[tilespmem:$0x1F320] =	vst v62;
	v62 =	vld [tilespmem:$0x930];
	_ =	sdelay $0x4  }
0x15a: {  	[tilespmem:$0x1F330] =	vst v62;
	v62 =	vld [tilespmem:$0x940];
	_ =	sdelay $0x4  }
0x15b: {  	[tilespmem:$0x1F340] =	vst v62;
	v62 =	vld [tilespmem:$0x950];
	_ =	sdelay $0x4  }
0x15c: {  	[tilespmem:$0x1F350] =	vst v62;
	v62 =	vld [tilespmem:$0x954];
	_ =	sdelay $0x4  }
0x15d: {  	[tilespmem:$0x1F360] =	vst v62;
	v62 =	vld [tilespmem:$0x980];
	_ =	sdelay $0x4  }
0x15e: {  	[tilespmem:$0x1F370] =	vst v62;
	v62 =	vld [tilespmem:$0x990];
	_ =	sdelay $0x4  }
0x15f: {  	[tilespmem:$0x1F380] =	vst v62;
	v62 =	vld [tilespmem:$0x9A0];
	_ =	sdelay $0x4  }
0x160: {  	[tilespmem:$0x1F390] =	vst v62;
	v62 =	vld [tilespmem:$0x9B0];
	_ =	sdelay $0x4  }
0x161: {  	[tilespmem:$0x1F3A0] =	vst v62;
	v62 =	vld [tilespmem:$0x9C0];
	_ =	sdelay $0x4  }
0x162: {  	[tilespmem:$0x1F3B0] =	vst v62;
	v62 =	vld [tilespmem:$0x9D0];
	_ =	sdelay $0x4  }
0x163: {  	[tilespmem:$0x1F3C0] =	vst v62;
	v62 =	vld [tilespmem:$0x9D4];
	_ =	sdelay $0x4  }
0x164: {  	[tilespmem:$0x1F3D0] =	vst v62;
	v62 =	vld [tilespmem:$0xA00];
	_ =	sdelay $0x4  }
0x165: {  	[tilespmem:$0x1F3E0] =	vst v62;
	v62 =	vld [tilespmem:$0xA10];
	_ =	sdelay $0x4  }
0x166: {  	[tilespmem:$0x1F3F0] =	vst v62;
	v62 =	vld [tilespmem:$0xA20];
	_ =	sdelay $0x4  }
0x167: {  	[tilespmem:$0x1F400] =	vst v62;
	v62 =	vld [tilespmem:$0xA30];
	_ =	sdelay $0x4  }
0x168: {  	[tilespmem:$0x1F410] =	vst v62;
	v62 =	vld [tilespmem:$0xA40];
	_ =	sdelay $0x4  }
0x169: {  	[tilespmem:$0x1F420] =	vst v62;
	v62 =	vld [tilespmem:$0xA50];
	_ =	sdelay $0x4  }
0x16a: {  	[tilespmem:$0x1F430] =	vst v62;
	v62 =	vld [tilespmem:$0xA54];
	_ =	sdelay $0x4  }
0x16b: {  	[tilespmem:$0x1F440] =	vst v62;
	v62 =	vld [tilespmem:$0xA80];
	_ =	sdelay $0x4  }
0x16c: {  	[tilespmem:$0x1F450] =	vst v62;
	v62 =	vld [tilespmem:$0xA90];
	_ =	sdelay $0x4  }
0x16d: {  	[tilespmem:$0x1F460] =	vst v62;
	v62 =	vld [tilespmem:$0xAA0];
	_ =	sdelay $0x4  }
0x16e: {  	[tilespmem:$0x1F470] =	vst v62;
	v62 =	vld [tilespmem:$0xAB0];
	_ =	sdelay $0x4  }
0x16f: {  	[tilespmem:$0x1F480] =	vst v62;
	v62 =	vld [tilespmem:$0xAC0];
	_ =	sdelay $0x4  }
0x170: {  	[tilespmem:$0x1F490] =	vst v62;
	v62 =	vld [tilespmem:$0xAD0];
	_ =	sdelay $0x4  }
0x171: {  	[tilespmem:$0x1F4A0] =	vst v62;
	v62 =	vld [tilespmem:$0xAD4];
	_ =	sdelay $0x4  }
0x172: {  	[tilespmem:$0x1F4B0] =	vst v62;
	v62 =	vld [tilespmem:$0xB00];
	_ =	sdelay $0x4  }
0x173: {  	[tilespmem:$0x1F4C0] =	vst v62;
	v62 =	vld [tilespmem:$0xB10];
	_ =	sdelay $0x4  }
0x174: {  	[tilespmem:$0x1F4D0] =	vst v62;
	v62 =	vld [tilespmem:$0xB20];
	_ =	sdelay $0x4  }
0x175: {  	[tilespmem:$0x1F4E0] =	vst v62;
	v62 =	vld [tilespmem:$0xB30];
	_ =	sdelay $0x4  }
0x176: {  	[tilespmem:$0x1F4F0] =	vst v62;
	v62 =	vld [tilespmem:$0xB40];
	_ =	sdelay $0x4  }
0x177: {  	[tilespmem:$0x1F500] =	vst v62;
	v62 =	vld [tilespmem:$0xB50];
	_ =	sdelay $0x4  }
0x178: {  	[tilespmem:$0x1F510] =	vst v62;
	v62 =	vld [tilespmem:$0xB54];
	_ =	sdelay $0x4  }
0x179: {  	[tilespmem:$0x1F520] =	vst v62;
	v62 =	vld [tilespmem:$0xB80];
	_ =	sdelay $0x4  }
0x17a: {  	[tilespmem:$0x1F530] =	vst v62;
	v62 =	vld [tilespmem:$0xB90];
	_ =	sdelay $0x4  }
0x17b: {  	[tilespmem:$0x1F540] =	vst v62;
	v62 =	vld [tilespmem:$0xBA0];
	_ =	sdelay $0x4  }
0x17c: {  	[tilespmem:$0x1F550] =	vst v62;
	v62 =	vld [tilespmem:$0xBB0];
	_ =	sdelay $0x4  }
0x17d: {  	[tilespmem:$0x1F560] =	vst v62;
	v62 =	vld [tilespmem:$0xBC0];
	_ =	sdelay $0x4  }
0x17e: {  	[tilespmem:$0x1F570] =	vst v62;
	v62 =	vld [tilespmem:$0xBD0];
	_ =	sdelay $0x4  }
0x17f: {  	[tilespmem:$0x1F580] =	vst v62;
	v62 =	vld [tilespmem:$0xBD4];
	_ =	sdelay $0x4  }
0x180: {  	[tilespmem:$0x1F590] =	vst v62;
	v62 =	vld [tilespmem:$0xC00];
	_ =	sdelay $0x4  }
0x181: {  	[tilespmem:$0x1F5A0] =	vst v62;
	v62 =	vld [tilespmem:$0xC10];
	_ =	sdelay $0x4  }
0x182: {  	[tilespmem:$0x1F5B0] =	vst v62;
	v62 =	vld [tilespmem:$0xC20];
	_ =	sdelay $0x4  }
0x183: {  	[tilespmem:$0x1F5C0] =	vst v62;
	v62 =	vld [tilespmem:$0xC30];
	_ =	sdelay $0x4  }
0x184: {  	[tilespmem:$0x1F5D0] =	vst v62;
	v62 =	vld [tilespmem:$0xC40];
	_ =	sdelay $0x4  }
0x185: {  	[tilespmem:$0x1F5E0] =	vst v62;
	v62 =	vld [tilespmem:$0xC50];
	_ =	sdelay $0x4  }
0x186: {  	[tilespmem:$0x1F5F0] =	vst v62;
	v62 =	vld [tilespmem:$0xC54];
	_ =	sdelay $0x4  }
0x187: {  	[tilespmem:$0x1F600] =	vst v62;
	v62 =	vld [tilespmem:$0xC80];
	_ =	sdelay $0x4  }
0x188: {  	[tilespmem:$0x1F610] =	vst v62;
	v62 =	vld [tilespmem:$0xC90];
	_ =	sdelay $0x4  }
0x189: {  	[tilespmem:$0x1F620] =	vst v62;
	v62 =	vld [tilespmem:$0xCA0];
	_ =	sdelay $0x4  }
0x18a: {  	[tilespmem:$0x1F630] =	vst v62;
	v62 =	vld [tilespmem:$0xCB0];
	_ =	sdelay $0x4  }
0x18b: {  	[tilespmem:$0x1F640] =	vst v62;
	v62 =	vld [tilespmem:$0xCC0];
	_ =	sdelay $0x4  }
0x18c: {  	[tilespmem:$0x1F650] =	vst v62;
	v62 =	vld [tilespmem:$0xCD0];
	_ =	sdelay $0x4  }
0x18d: {  	[tilespmem:$0x1F660] =	vst v62;
	v62 =	vld [tilespmem:$0xCD4];
	_ =	sdelay $0x4  }
0x18e: {  	[tilespmem:$0x1F670] =	vst v62;
	v62 =	vld [tilespmem:$0xD00];
	_ =	sdelay $0x4  }
0x18f: {  	[tilespmem:$0x1F680] =	vst v62;
	v62 =	vld [tilespmem:$0xD10];
	_ =	sdelay $0x4  }
0x190: {  	[tilespmem:$0x1F690] =	vst v62;
	v62 =	vld [tilespmem:$0xD20];
	_ =	sdelay $0x4  }
0x191: {  	[tilespmem:$0x1F6A0] =	vst v62;
	v62 =	vld [tilespmem:$0xD30];
	_ =	sdelay $0x4  }
0x192: {  	[tilespmem:$0x1F6B0] =	vst v62;
	v62 =	vld [tilespmem:$0xD40];
	_ =	sdelay $0x4  }
0x193: {  	[tilespmem:$0x1F6C0] =	vst v62;
	v62 =	vld [tilespmem:$0xD50];
	_ =	sdelay $0x4  }
0x194: {  	[tilespmem:$0x1F6D0] =	vst v62;
	v62 =	vld [tilespmem:$0xD54];
	_ =	sdelay $0x4  }
0x195: {  	[tilespmem:$0x1F6E0] =	vst v62;
	v62 =	vld [tilespmem:$0xD80];
	_ =	sdelay $0x4  }
0x196: {  	[tilespmem:$0x1F6F0] =	vst v62;
	v62 =	vld [tilespmem:$0xD90];
	_ =	sdelay $0x4  }
0x197: {  	[tilespmem:$0x1F700] =	vst v62;
	v62 =	vld [tilespmem:$0xDA0];
	_ =	sdelay $0x4  }
0x198: {  	[tilespmem:$0x1F710] =	vst v62;
	v62 =	vld [tilespmem:$0xDB0];
	_ =	sdelay $0x4  }
0x199: {  	[tilespmem:$0x1F720] =	vst v62;
	v62 =	vld [tilespmem:$0xDC0];
	_ =	sdelay $0x4  }
0x19a: {  	[tilespmem:$0x1F730] =	vst v62;
	v62 =	vld [tilespmem:$0xDD0];
	_ =	sdelay $0x4  }
0x19b: {  	[tilespmem:$0x1F740] =	vst v62;
	v62 =	vld [tilespmem:$0xDD4];
	_ =	sdelay $0x4  }
0x19c: {  	[tilespmem:$0x1F750] =	vst v62;
	v62 =	vld [tilespmem:$0xE00];
	_ =	sdelay $0x4  }
0x19d: {  	[tilespmem:$0x1F760] =	vst v62;
	v62 =	vld [tilespmem:$0xE10];
	_ =	sdelay $0x4  }
0x19e: {  	[tilespmem:$0x1F770] =	vst v62;
	v62 =	vld [tilespmem:$0xE20];
	_ =	sdelay $0x4  }
0x19f: {  	[tilespmem:$0x1F780] =	vst v62;
	v62 =	vld [tilespmem:$0xE30];
	_ =	sdelay $0x4  }
0x1a0: {  	[tilespmem:$0x1F790] =	vst v62;
	v62 =	vld [tilespmem:$0xE40];
	_ =	sdelay $0x4  }
0x1a1: {  	[tilespmem:$0x1F7A0] =	vst v62;
	v62 =	vld [tilespmem:$0xE50];
	_ =	sdelay $0x4  }
0x1a2: {  	[tilespmem:$0x1F7B0] =	vst v62;
	v62 =	vld [tilespmem:$0xE54];
	_ =	sdelay $0x4  }
0x1a3: {  	[tilespmem:$0x1F7C0] =	vst v62;
	v62 =	vld [tilespmem:$0xE80];
	_ =	sdelay $0x4  }
0x1a4: {  	[tilespmem:$0x1F7D0] =	vst v62;
	v62 =	vld [tilespmem:$0xE90];
	_ =	sdelay $0x4  }
0x1a5: {  	[tilespmem:$0x1F7E0] =	vst v62;
	v62 =	vld [tilespmem:$0xEA0];
	_ =	sdelay $0x4  }
0x1a6: {  	[tilespmem:$0x1F7F0] =	vst v62;
	v62 =	vld [tilespmem:$0xEB0];
	_ =	sdelay $0x4  }
0x1a7: {  	[tilespmem:$0x1F800] =	vst v62;
	v62 =	vld [tilespmem:$0xEC0];
	_ =	sdelay $0x4  }
0x1a8: {  	[tilespmem:$0x1F810] =	vst v62;
	v62 =	vld [tilespmem:$0xED0];
	_ =	sdelay $0x4  }
0x1a9: {  	[tilespmem:$0x1F820] =	vst v62;
	v62 =	vld [tilespmem:$0xED4];
	_ =	sdelay $0x4  }
0x1aa: {  	[tilespmem:$0x1F830] =	vst v62;
	v62 =	vld [tilespmem:$0xF00];
	_ =	sdelay $0x4  }
0x1ab: {  	[tilespmem:$0x1F840] =	vst v62;
	v62 =	vld [tilespmem:$0xF10];
	_ =	sdelay $0x4  }
0x1ac: {  	[tilespmem:$0x1F850] =	vst v62;
	v62 =	vld [tilespmem:$0xF20];
	_ =	sdelay $0x4  }
0x1ad: {  	[tilespmem:$0x1F860] =	vst v62;
	v62 =	vld [tilespmem:$0xF30];
	_ =	sdelay $0x4  }
0x1ae: {  	[tilespmem:$0x1F870] =	vst v62;
	v62 =	vld [tilespmem:$0xF40];
	_ =	sdelay $0x4  }
0x1af: {  	[tilespmem:$0x1F880] =	vst v62;
	v62 =	vld [tilespmem:$0xF50];
	_ =	sdelay $0x4  }
0x1b0: {  	[tilespmem:$0x1F890] =	vst v62;
	v62 =	vld [tilespmem:$0xF54];
	_ =	sdelay $0x4  }
0x1b1: {  	[tilespmem:$0x1F8A0] =	vst v62;
	v62 =	vld [tilespmem:$0xF80];
	_ =	sdelay $0x4  }
0x1b2: {  	[tilespmem:$0x1F8B0] =	vst v62;
	v62 =	vld [tilespmem:$0xF90];
	_ =	sdelay $0x4  }
0x1b3: {  	[tilespmem:$0x1F8C0] =	vst v62;
	v62 =	vld [tilespmem:$0xFA0];
	_ =	sdelay $0x4  }
0x1b4: {  	[tilespmem:$0x1F8D0] =	vst v62;
	v62 =	vld [tilespmem:$0xFB0];
	_ =	sdelay $0x4  }
0x1b5: {  	[tilespmem:$0x1F8E0] =	vst v62;
	v62 =	vld [tilespmem:$0xFC0];
	_ =	sdelay $0x4  }
0x1b6: {  	[tilespmem:$0x1F8F0] =	vst v62;
	v62 =	vld [tilespmem:$0xFD0];
	_ =	sdelay $0x4  }
0x1b7: {  	[tilespmem:$0x1F900] =	vst v62;
	v62 =	vld [tilespmem:$0xFD4];
	_ =	sdelay $0x4  }
0x1b8: {  	[tilespmem:$0x1F910] =	vst v62;
	v62 =	vld [tilespmem:$0x1000];
	_ =	sdelay $0x4  }
0x1b9: {  	[tilespmem:$0x1F920] =	vst v62;
	v62 =	vld [tilespmem:$0x1010];
	_ =	sdelay $0x4  }
0x1ba: {  	[tilespmem:$0x1F930] =	vst v62;
	v62 =	vld [tilespmem:$0x1020];
	_ =	sdelay $0x4  }
0x1bb: {  	[tilespmem:$0x1F940] =	vst v62;
	v62 =	vld [tilespmem:$0x1030];
	_ =	sdelay $0x4  }
0x1bc: {  	[tilespmem:$0x1F950] =	vst v62;
	v62 =	vld [tilespmem:$0x1040];
	_ =	sdelay $0x4  }
0x1bd: {  	[tilespmem:$0x1F960] =	vst v62;
	v62 =	vld [tilespmem:$0x1050];
	_ =	sdelay $0x4  }
0x1be: {  	[tilespmem:$0x1F970] =	vst v62;
	v62 =	vld [tilespmem:$0x1054];
	_ =	sdelay $0x4  }
0x1bf: {  	[tilespmem:$0x1F980] =	vst v62;
	v62 =	vld [tilespmem:$0x1080]  }
0x1c0: {  	v0 =	vld [tilespmem:$0x200]  }
0x1c1: {  	v1 =	vld [tilespmem:$0x210]  }
0x1c2: {  	v2 =	vld [tilespmem:$0x220]  }
0x1c3: {  	v3 =	vld [tilespmem:$0x230]  }
0x1c4: {  	[tilespmem:$0x1F990] =	vst v62;
	v62 =	vld [tilespmem:$0x1090]  }
0x1c5: {  	v7 =	vld [tilespmem:$0x240]  }
0x1c6: {  	v5 =	vld [tilespmem:$0x250]  }
0x1c7: {  	v8 =	vld [tilespmem:$0x254]  }
0x1c8: {  	v10 =	vld [tilespmem:$0x280]  }
0x1c9: {  	[tilespmem:$0x1F9A0] =	vst v62;
	v62 =	vld [tilespmem:$0x10A0]  }
0x1ca: {  	v12 =	vld [tilespmem:$0x290]  }
0x1cb: {  	v11 =	vld [tilespmem:$0x2A0]  }
0x1cc: {  	v14 =	vld [tilespmem:$0x2B0]  }
0x1cd: {  	v15 =	vld [tilespmem:$0x2C0]  }
0x1ce: {  	[tilespmem:$0x1F9B0] =	vst v62;
	v62 =	vld [tilespmem:$0x10B0]  }
0x1cf: {  	v16 =	vld [tilespmem:$0x2D0]  }
0x1d0: {  	v17 =	vld [tilespmem:$0x2D4]  }
0x1d1: {  	v18 =	vld [tilespmem:$0x300]  }
0x1d2: {  	v19 =	vld [tilespmem:$0x310]  }
0x1d3: {  	[tilespmem:$0x1F9C0] =	vst v62;
	v62 =	vld [tilespmem:$0x10C0]  }
0x1d4: {  	v20 =	vld [tilespmem:$0x320]  }
0x1d5: {  	v21 =	vld [tilespmem:$0x330]  }
0x1d6: {  	v22 =	vld [tilespmem:$0x340]  }
0x1d7: {  	v23 =	vld [tilespmem:$0x350]  }
0x1d8: {  	[tilespmem:$0x1F9D0] =	vst v62;
	v62 =	vld [tilespmem:$0x10D0]  }
0x1d9: {  	v24 =	vld [tilespmem:$0x354]  }
0x1da: {  	v25 =	vld [tilespmem:$0x380]  }
0x1db: {  	v26 =	vld [tilespmem:$0x390]  }
0x1dc: {  	v27 =	vld [tilespmem:$0x3A0]  }
0x1dd: {  	[tilespmem:$0x1F9E0] =	vst v62;
	v62 =	vld [tilespmem:$0x10D4]  }
0x1de: {  	v28 =	vld [tilespmem:$0x3B0]  }
0x1df: {  	v29 =	vld [tilespmem:$0x3C0]  }
0x1e0: {  	v30 =	vld [tilespmem:$0x3D0]  }
0x1e1: {  	v31 =	vld [tilespmem:$0x3D4]  }
0x1e2: {  	[tilespmem:$0x1F9F0] =	vst v62;
	v62 =	vld [tilespmem:$0x1100]  }
0x1e3: {  	v32 =	vld [tilespmem:$0x400]  }
0x1e4: {  	v33 =	vld [tilespmem:$0x410]  }
0x1e5: {  	v34 =	vld [tilespmem:$0x420]  }
0x1e6: {  	v35 =	vld [tilespmem:$0x430]  }
0x1e7: {  	[tilespmem:$0x1FA00] =	vst v62;
	v62 =	vld [tilespmem:$0x1110]  }
0x1e8: {  	v36 =	vld [tilespmem:$0x440]  }
0x1e9: {  	v37 =	vld [tilespmem:$0x450]  }
0x1ea: {  	v38 =	vld [tilespmem:$0x454]  }
0x1eb: {  	v39 =	vld [tilespmem:$0x480]  }
0x1ec: {  	[tilespmem:$0x1FA10] =	vst v62;
	v62 =	vld [tilespmem:$0x1120]  }
0x1ed: {  	v40 =	vld [tilespmem:$0x490]  }
0x1ee: {  	v41 =	vld [tilespmem:$0x4A0]  }
0x1ef: {  	v42 =	vld [tilespmem:$0x4B0]  }
0x1f0: {  	v43 =	vld [tilespmem:$0x4C0]  }
0x1f1: {  	[tilespmem:$0x1FA20] =	vst v62;
	v62 =	vld [tilespmem:$0x1130]  }
0x1f2: {  	v44 =	vld [tilespmem:$0x4D0]  }
0x1f3: {  	v45 =	vld [tilespmem:$0x4D4]  }
0x1f4: {  	v46 =	vld [tilespmem:$0x500]  }
0x1f5: {  	v47 =	vld [tilespmem:$0x510]  }
0x1f6: {  	[tilespmem:$0x1FA30] =	vst v62;
	v62 =	vld [tilespmem:$0x1140]  }
0x1f7: {  	v48 =	vld [tilespmem:$0x520]  }
0x1f8: {  	v49 =	vld [tilespmem:$0x530]  }
0x1f9: {  	v50 =	vld [tilespmem:$0x540]  }
0x1fa: {  	v51 =	vld [tilespmem:$0x550]  }
0x1fb: {  	[tilespmem:$0x1FA40] =	vst v62;
	v62 =	vld [tilespmem:$0x1150]  }
0x1fc: {  	v52 =	vld [tilespmem:$0x554]  }
0x1fd: {  	v53 =	vld [tilespmem:$0x580]  }
0x1fe: {  	v54 =	vld [tilespmem:$0x590]  }
0x1ff: {  	v55 =	vld [tilespmem:$0x5A0]  }
0x200: {  	[tilespmem:$0x1FA50] =	vst v62;
	v62 =	vld [tilespmem:$0x1154]  }
0x201: {  	v56 =	vld [tilespmem:$0x5B0]  }
0x202: {  	v57 =	vld [tilespmem:$0x5C0]  }
0x203: {  	v58 =	vld [tilespmem:$0x5D0]  }
0x204: {  	v59 =	vld [tilespmem:$0x5D4]  }
0x205: {  	[tilespmem:$0x1FA60] =	vst v62;
	v62 =	vld [tilespmem:$0x1180]  }
0x206: {  	v60 =	vld [tilespmem:$0x600]  }
0x207: {  	v61 =	vld [tilespmem:$0x610]  }
0x208: {  	v63 =	vld [tilespmem:$0x630]  }
0x209: {  	v3 =	vadd.f32 v3, v4;
	v4 =	vld [tilespmem:$0x1F060]  }
0x20a: {  	v2 =	vadd.f32 v2, v6;
	[tilespmem:$0x1FA70] =	vst v62;
	v62 =	vld [tilespmem:$0x1190]  }
0x20b: {  	v1 =	vadd.f32 v1, v9;
	v9 =	vld [tilespmem:$0x1250]  }
0x20c: {  	v0 =	vadd.f32 v0, v13;
	v13 =	vld [tilespmem:$0x1254];
	v2 =	vadd.f32 v11, v2  }
0x20d: {  	v6 =	vld [tilespmem:$0x1F070]  }
0x20e: {  	v0 =	vadd.f32 v10, v0;
	v10 =	vld [tilespmem:$0x12A0];
	v2 =	vadd.f32 v20, v2  }
0x20f: {  	v4 =	vadd.f32 v7, v4;
	[tilespmem:$0x1FA80] =	vst v62;
	v62 =	vld [tilespmem:$0x11A0]  }
0x210: {  	v1 =	vadd.f32 v12, v1;
	v11 =	vld [tilespmem:$0x12B0];
	v2 =	vadd.f32 v27, v2  }
0x211: {  	v3 =	vadd.f32 v14, v3;
	v12 =	vld [tilespmem:$0x12C0];
	v4 =	vadd.f32 v15, v4  }
0x212: {  	v14 =	vld [tilespmem:$0x12D0];
	v0 =	vadd.f32 v18, v0;
	v2 =	vadd.f32 v34, v2  }
0x213: {  	v5 =	vadd.f32 v5, v6;
	v6 =	vld [tilespmem:$0x1F080];
	v4 =	vadd.f32 v22, v4  }
0x214: {  	v1 =	vadd.f32 v19, v1;
	v2 =	vadd.f32 v41, v2;
	[tilespmem:$0x1FA90] =	vst v62;
	v62 =	vld [tilespmem:$0x11B0]  }
0x215: {  	v3 =	vadd.f32 v21, v3;
	v7 =	vld [tilespmem:$0x1F090];
	v4 =	vadd.f32 v29, v4  }
0x216: {  	v18 =	vld [tilespmem:$0x1320];
	v5 =	vadd.f32 v16, v5;
	v2 =	vadd.f32 v48, v2  }
0x217: {  	v19 =	vld [tilespmem:$0x1330];
	v0 =	vadd.f32 v25, v0;
	v4 =	vadd.f32 v36, v4  }
0x218: {  	v20 =	vld [tilespmem:$0x1340];
	v5 =	vadd.f32 v23, v5;
	v2 =	vadd.f32 v55, v2  }
0x219: {  	v6 =	vadd.f32 v8, v6;
	v4 =	vadd.f32 v43, v4;
	[tilespmem:$0x1FAA0] =	vst v62;
	v62 =	vld [tilespmem:$0x11C0]  }
0x21a: {  	v5 =	vadd.f32 v30, v5;
	v2 =	vadd.f32 v7, v2;
	v7 =	vld [tilespmem:$0x1F0A0]  }
0x21b: {  	v21 =	vld [tilespmem:$0x1350];
	v6 =	vadd.f32 v17, v6;
	v4 =	vadd.f32 v50, v4  }
0x21c: {  	v1 =	vadd.f32 v26, v1;
	v25 =	vld [tilespmem:$0x13A0];
	v5 =	vadd.f32 v37, v5  }
0x21d: {  	v26 =	vld [tilespmem:$0x13B0];
	v6 =	vadd.f32 v24, v6;
	v4 =	vadd.f32 v57, v4  }
0x21e: {  	v5 =	vadd.f32 v44, v5;
	[tilespmem:$0x1FAB0] =	vst v62;
	v62 =	vld [tilespmem:$0x11D0]  }
0x21f: {  	v6 =	vadd.f32 v31, v6;
	v4 =	vadd.f32 v7, v4;
	v7 =	vld [tilespmem:$0x1F0B0]  }
0x220: {  	v27 =	vld [tilespmem:$0x13C0];
	v5 =	vadd.f32 v51, v5  }
0x221: {  	v3 =	vadd.f32 v28, v3;
	v28 =	vld [tilespmem:$0x13D0];
	v6 =	vadd.f32 v38, v6  }
0x222: {  	v15 =	vld [tilespmem:$0x12D4];
	v5 =	vadd.f32 v58, v5  }
0x223: {  	v6 =	vadd.f32 v45, v6;
	[tilespmem:$0x1FAC0] =	vst v62;
	v62 =	vld [tilespmem:$0x11D4]  }
0x224: {  	v0 =	vadd.f32 v32, v0;
	v5 =	vadd.f32 v7, v5;
	v7 =	vld [tilespmem:$0x1F0C0]  }
0x225: {  	v16 =	vld [tilespmem:$0x1300];
	v6 =	vadd.f32 v52, v6  }
0x226: {  	v32 =	vld [tilespmem:$0x1420];
	v0 =	vadd.f32 v39, v0  }
0x227: {  	v1 =	vadd.f32 v33, v1;
	v33 =	vld [tilespmem:$0x1430];
	v6 =	vadd.f32 v59, v6  }
0x228: {  	v0 =	vadd.f32 v46, v0;
	[tilespmem:$0x1FAD0] =	vst v62;
	v62 =	vld [tilespmem:$0x1200]  }
0x229: {  	v6 =	vadd.f32 v7, v6;
	v7 =	vld [tilespmem:$0x1F0D0]  }
0x22a: {  	v34 =	vld [tilespmem:$0x1440];
	v0 =	vadd.f32 v53, v0  }
0x22b: {  	v3 =	vadd.f32 v35, v3;
	v35 =	vld [tilespmem:$0x1450];
	v1 =	vadd.f32 v40, v1  }
0x22c: {  	v22 =	vld [tilespmem:$0x1354];
	v0 =	vadd.f32 v60, v0  }
0x22d: {  	v1 =	vadd.f32 v47, v1;
	[tilespmem:$0x1FAE0] =	vst v62;
	v62 =	vld [tilespmem:$0x1210]  }
0x22e: {  	v0 =	vadd.f32 v7, v0;
	v7 =	vld [tilespmem:$0x1F0E0]  }
0x22f: {  	v23 =	vld [tilespmem:$0x1380];
	v1 =	vadd.f32 v54, v1  }
0x230: {  	v8 =	vld [tilespmem:$0x1290]  }
0x231: {  	v39 =	vld [tilespmem:$0x14A0];
	v1 =	vadd.f32 v61, v1  }
0x232: {  	[tilespmem:$0x1FAF0] =	vst v62;
	v62 =	vld [tilespmem:$0x1220]  }
0x233: {  	v1 =	vadd.f32 v7, v1;
	v7 =	vld [tilespmem:$0x1F0F0]  }
0x234: {  	v40 =	vld [tilespmem:$0x14B0]  }
0x235: {  	v3 =	vadd.f32 v42, v3;
	v17 =	vld [tilespmem:$0x1310]  }
0x236: {  	v48 =	vld [tilespmem:$0x13D4]  }
0x237: {  	v3 =	vadd.f32 v49, v3;
	[tilespmem:$0x1FB00] =	vst v62;
	v62 =	vld [tilespmem:$0x1230]  }
0x238: {  	v2 =	vadd.f32 v7, v2;
	v7 =	vld [tilespmem:$0x1F100]  }
0x239: {  	v49 =	vld [tilespmem:$0x1400];
	v3 =	vadd.f32 v56, v3  }
0x23a: {  	v36 =	vld [tilespmem:$0x1454]  }
0x23b: {  	v37 =	vld [tilespmem:$0x1480];
	v3 =	vadd.f32 v63, v3  }
0x23c: {  	[tilespmem:$0x1FB10] =	vst v62;
	v62 =	vld [tilespmem:$0x1240]  }
0x23d: {  	v3 =	vadd.f32 v7, v3;
	v7 =	vld [tilespmem:$0x1F110]  }
0x23e: {  	v24 =	vld [tilespmem:$0x1390]  }
0x23f: {  	v50 =	vld [tilespmem:$0x1410]  }
0x240: {  	v38 =	vld [tilespmem:$0x1490]  }
0x241: {  	[tilespmem:$0x1FB20] =	vst v62;
	v62 =	vld [tilespmem:$0x1280]  }
0x242: {  	v4 =	vadd.f32 v7, v4;
	v7 =	vld [tilespmem:$0x1F120];
	_ =	sdelay $0x4  }
0x243: {  	v5 =	vadd.f32 v7, v5;
	v7 =	vld [tilespmem:$0x1F130];
	_ =	sdelay $0x4  }
0x244: {  	v6 =	vadd.f32 v7, v6;
	v7 =	vld [tilespmem:$0x1F140];
	_ =	sdelay $0x4  }
0x245: {  	v0 =	vadd.f32 v7, v0;
	v7 =	vld [tilespmem:$0x1F150];
	_ =	sdelay $0x4  }
0x246: {  	v1 =	vadd.f32 v7, v1;
	v7 =	vld [tilespmem:$0x1F160];
	_ =	sdelay $0x4  }
0x247: {  	v2 =	vadd.f32 v7, v2;
	v7 =	vld [tilespmem:$0x1F170];
	_ =	sdelay $0x4  }
0x248: {  	v3 =	vadd.f32 v7, v3;
	v7 =	vld [tilespmem:$0x1F180];
	_ =	sdelay $0x4  }
0x249: {  	v4 =	vadd.f32 v7, v4;
	v7 =	vld [tilespmem:$0x1F190];
	_ =	sdelay $0x4  }
0x24a: {  	v5 =	vadd.f32 v7, v5;
	v7 =	vld [tilespmem:$0x1F1A0];
	_ =	sdelay $0x4  }
0x24b: {  	v6 =	vadd.f32 v7, v6;
	v7 =	vld [tilespmem:$0x1F1B0];
	_ =	sdelay $0x4  }
0x24c: {  	v0 =	vadd.f32 v7, v0;
	v7 =	vld [tilespmem:$0x1510];
	_ =	sdelay $0x4  }
0x24d: {  	[tilespmem:$0x1FB30] =	vst v7;
	v7 =	vld [tilespmem:$0x1F1C0];
	_ =	sdelay $0x4  }
0x24e: {  	v1 =	vadd.f32 v7, v1;
	v7 =	vld [tilespmem:$0x1F1D0];
	_ =	sdelay $0x4  }
0x24f: {  	v2 =	vadd.f32 v7, v2;
	v7 =	vld [tilespmem:$0x1520];
	_ =	sdelay $0x4  }
0x250: {  	[tilespmem:$0x1FB40] =	vst v7;
	v7 =	vld [tilespmem:$0x1F1E0];
	_ =	sdelay $0x4  }
0x251: {  	v3 =	vadd.f32 v7, v3;
	v7 =	vld [tilespmem:$0x1F1F0];
	_ =	sdelay $0x4  }
0x252: {  	v4 =	vadd.f32 v7, v4;
	v7 =	vld [tilespmem:$0x1530];
	_ =	sdelay $0x4  }
0x253: {  	[tilespmem:$0x1FB50] =	vst v7;
	v7 =	vld [tilespmem:$0x1F200];
	_ =	sdelay $0x4  }
0x254: {  	v5 =	vadd.f32 v7, v5;
	v7 =	vld [tilespmem:$0x1F210];
	_ =	sdelay $0x4  }
0x255: {  	v6 =	vadd.f32 v7, v6;
	v7 =	vld [tilespmem:$0x1540];
	_ =	sdelay $0x4  }
0x256: {  	[tilespmem:$0x1FB60] =	vst v7;
	v7 =	vld [tilespmem:$0x1F220];
	_ =	sdelay $0x4  }
0x257: {  	v0 =	vadd.f32 v7, v0;
	v7 =	vld [tilespmem:$0x1F230];
	_ =	sdelay $0x4  }
0x258: {  	v1 =	vadd.f32 v7, v1;
	v7 =	vld [tilespmem:$0x1550];
	_ =	sdelay $0x4  }
0x259: {  	[tilespmem:$0x1FB70] =	vst v7;
	v7 =	vld [tilespmem:$0x1F240];
	_ =	sdelay $0x4  }
0x25a: {  	v2 =	vadd.f32 v7, v2;
	v7 =	vld [tilespmem:$0x1F250];
	_ =	sdelay $0x4  }
0x25b: {  	v3 =	vadd.f32 v7, v3;
	v7 =	vld [tilespmem:$0x1554];
	_ =	sdelay $0x4  }
0x25c: {  	[tilespmem:$0x1FB80] =	vst v7;
	v7 =	vld [tilespmem:$0x1F260];
	_ =	sdelay $0x4  }
0x25d: {  	v4 =	vadd.f32 v7, v4;
	v7 =	vld [tilespmem:$0x1F270];
	_ =	sdelay $0x4  }
0x25e: {  	v5 =	vadd.f32 v7, v5;
	v7 =	vld [tilespmem:$0x1580];
	_ =	sdelay $0x4  }
0x25f: {  	[tilespmem:$0x1FB90] =	vst v7;
	v7 =	vld [tilespmem:$0x1F280];
	_ =	sdelay $0x4  }
0x260: {  	v6 =	vadd.f32 v7, v6;
	v7 =	vld [tilespmem:$0x1F290];
	_ =	sdelay $0x4  }
0x261: {  	v0 =	vadd.f32 v7, v0;
	v7 =	vld [tilespmem:$0x1590];
	_ =	sdelay $0x4  }
0x262: {  	[tilespmem:$0x1FBA0] =	vst v7;
	v7 =	vld [tilespmem:$0x1F2A0];
	_ =	sdelay $0x4  }
0x263: {  	v1 =	vadd.f32 v7, v1;
	v7 =	vld [tilespmem:$0x1F2B0];
	_ =	sdelay $0x4  }
0x264: {  	v2 =	vadd.f32 v7, v2;
	v7 =	vld [tilespmem:$0x15A0];
	_ =	sdelay $0x4  }
0x265: {  	[tilespmem:$0x1FBB0] =	vst v7;
	v7 =	vld [tilespmem:$0x1F2C0];
	_ =	sdelay $0x4  }
0x266: {  	v3 =	vadd.f32 v7, v3;
	v7 =	vld [tilespmem:$0x1F2D0];
	_ =	sdelay $0x4  }
0x267: {  	v4 =	vadd.f32 v7, v4;
	v7 =	vld [tilespmem:$0x15B0];
	_ =	sdelay $0x4  }
0x268: {  	[tilespmem:$0x1FBC0] =	vst v7;
	v7 =	vld [tilespmem:$0x1F2E0];
	_ =	sdelay $0x4  }
0x269: {  	v5 =	vadd.f32 v7, v5;
	v7 =	vld [tilespmem:$0x1F2F0];
	_ =	sdelay $0x4  }
0x26a: {  	v6 =	vadd.f32 v7, v6;
	v7 =	vld [tilespmem:$0x15C0];
	_ =	sdelay $0x4  }
0x26b: {  	[tilespmem:$0x1FBD0] =	vst v7;
	v7 =	vld [tilespmem:$0x1F300];
	_ =	sdelay $0x4  }
0x26c: {  	v0 =	vadd.f32 v7, v0;
	v7 =	vld [tilespmem:$0x1F310];
	_ =	sdelay $0x4  }
0x26d: {  	v1 =	vadd.f32 v7, v1;
	v7 =	vld [tilespmem:$0x15D0];
	_ =	sdelay $0x4  }
0x26e: {  	[tilespmem:$0x1FBE0] =	vst v7;
	v7 =	vld [tilespmem:$0x1F320];
	_ =	sdelay $0x4  }
0x26f: {  	v2 =	vadd.f32 v7, v2;
	v7 =	vld [tilespmem:$0x1F330];
	_ =	sdelay $0x4  }
0x270: {  	v3 =	vadd.f32 v7, v3;
	v7 =	vld [tilespmem:$0x15D4];
	_ =	sdelay $0x4  }
0x271: {  	[tilespmem:$0x1FBF0] =	vst v7;
	v7 =	vld [tilespmem:$0x1F340];
	_ =	sdelay $0x4  }
0x272: {  	v4 =	vadd.f32 v7, v4;
	v7 =	vld [tilespmem:$0x1F350];
	_ =	sdelay $0x4  }
0x273: {  	v5 =	vadd.f32 v7, v5;
	v7 =	vld [tilespmem:$0x1600];
	_ =	sdelay $0x4  }
0x274: {  	[tilespmem:$0x1FC00] =	vst v7;
	v7 =	vld [tilespmem:$0x1F360];
	_ =	sdelay $0x4  }
0x275: {  	v6 =	vadd.f32 v7, v6;
	v7 =	vld [tilespmem:$0x1F370];
	_ =	sdelay $0x4  }
0x276: {  	v0 =	vadd.f32 v7, v0;
	v7 =	vld [tilespmem:$0x1610];
	_ =	sdelay $0x4  }
0x277: {  	[tilespmem:$0x1FC10] =	vst v7;
	v7 =	vld [tilespmem:$0x1F380];
	_ =	sdelay $0x4  }
0x278: {  	v1 =	vadd.f32 v7, v1;
	v7 =	vld [tilespmem:$0x1F390];
	_ =	sdelay $0x4  }
0x279: {  	v2 =	vadd.f32 v7, v2;
	v7 =	vld [tilespmem:$0x1620];
	_ =	sdelay $0x4  }
0x27a: {  	[tilespmem:$0x1FC20] =	vst v7;
	v7 =	vld [tilespmem:$0x1F3A0];
	_ =	sdelay $0x4  }
0x27b: {  	v3 =	vadd.f32 v7, v3;
	v7 =	vld [tilespmem:$0x1F3B0];
	_ =	sdelay $0x4  }
0x27c: {  	v4 =	vadd.f32 v7, v4;
	v7 =	vld [tilespmem:$0x1630];
	_ =	sdelay $0x4  }
0x27d: {  	[tilespmem:$0x1FC30] =	vst v7;
	v7 =	vld [tilespmem:$0x1F3C0];
	_ =	sdelay $0x4  }
0x27e: {  	v5 =	vadd.f32 v7, v5;
	v7 =	vld [tilespmem:$0x1F3D0];
	_ =	sdelay $0x4  }
0x27f: {  	v6 =	vadd.f32 v7, v6;
	v7 =	vld [tilespmem:$0x1640];
	_ =	sdelay $0x4  }
0x280: {  	[tilespmem:$0x1FC40] =	vst v7;
	v7 =	vld [tilespmem:$0x1F3E0];
	_ =	sdelay $0x4  }
0x281: {  	v0 =	vadd.f32 v7, v0;
	v7 =	vld [tilespmem:$0x1F3F0];
	_ =	sdelay $0x4  }
0x282: {  	v1 =	vadd.f32 v7, v1;
	v7 =	vld [tilespmem:$0x1650];
	_ =	sdelay $0x4  }
0x283: {  	[tilespmem:$0x1FC50] =	vst v7;
	v7 =	vld [tilespmem:$0x1F400];
	_ =	sdelay $0x4  }
0x284: {  	v2 =	vadd.f32 v7, v2;
	v7 =	vld [tilespmem:$0x1F410];
	_ =	sdelay $0x4  }
0x285: {  	v3 =	vadd.f32 v7, v3;
	v7 =	vld [tilespmem:$0x1654];
	_ =	sdelay $0x4  }
0x286: {  	[tilespmem:$0x1FC60] =	vst v7;
	v7 =	vld [tilespmem:$0x1F420];
	_ =	sdelay $0x4  }
0x287: {  	v4 =	vadd.f32 v7, v4;
	v7 =	vld [tilespmem:$0x1F430];
	_ =	sdelay $0x4  }
0x288: {  	v5 =	vadd.f32 v7, v5;
	v7 =	vld [tilespmem:$0x1680];
	_ =	sdelay $0x4  }
0x289: {  	[tilespmem:$0x1FC70] =	vst v7;
	v7 =	vld [tilespmem:$0x1F440];
	_ =	sdelay $0x4  }
0x28a: {  	v6 =	vadd.f32 v7, v6;
	v7 =	vld [tilespmem:$0x1F450];
	_ =	sdelay $0x4  }
0x28b: {  	v0 =	vadd.f32 v7, v0;
	v7 =	vld [tilespmem:$0x1690];
	_ =	sdelay $0x4  }
0x28c: {  	[tilespmem:$0x1FC80] =	vst v7;
	v7 =	vld [tilespmem:$0x1F460];
	_ =	sdelay $0x4  }
0x28d: {  	v1 =	vadd.f32 v7, v1;
	v7 =	vld [tilespmem:$0x1F470];
	_ =	sdelay $0x4  }
0x28e: {  	v2 =	vadd.f32 v7, v2;
	v7 =	vld [tilespmem:$0x16A0];
	_ =	sdelay $0x4  }
0x28f: {  	[tilespmem:$0x1FC90] =	vst v7;
	v7 =	vld [tilespmem:$0x1F480];
	_ =	sdelay $0x4  }
0x290: {  	v3 =	vadd.f32 v7, v3;
	v7 =	vld [tilespmem:$0x1F490];
	_ =	sdelay $0x4  }
0x291: {  	v4 =	vadd.f32 v7, v4;
	v7 =	vld [tilespmem:$0x16B0];
	_ =	sdelay $0x4  }
0x292: {  	[tilespmem:$0x1FCA0] =	vst v7;
	v7 =	vld [tilespmem:$0x1F4A0];
	_ =	sdelay $0x4  }
0x293: {  	v5 =	vadd.f32 v7, v5;
	v7 =	vld [tilespmem:$0x1F4B0];
	_ =	sdelay $0x4  }
0x294: {  	v6 =	vadd.f32 v7, v6;
	v7 =	vld [tilespmem:$0x16C0];
	_ =	sdelay $0x4  }
0x295: {  	[tilespmem:$0x1FCB0] =	vst v7;
	v7 =	vld [tilespmem:$0x1F4C0];
	_ =	sdelay $0x4  }
0x296: {  	v0 =	vadd.f32 v7, v0;
	v7 =	vld [tilespmem:$0x1F4D0];
	_ =	sdelay $0x4  }
0x297: {  	v1 =	vadd.f32 v7, v1;
	v7 =	vld [tilespmem:$0x16D0];
	_ =	sdelay $0x4  }
0x298: {  	[tilespmem:$0x1FCC0] =	vst v7;
	v7 =	vld [tilespmem:$0x1F4E0];
	_ =	sdelay $0x4  }
0x299: {  	v2 =	vadd.f32 v7, v2;
	v7 =	vld [tilespmem:$0x1F4F0];
	_ =	sdelay $0x4  }
0x29a: {  	v3 =	vadd.f32 v7, v3;
	v7 =	vld [tilespmem:$0x16D4];
	_ =	sdelay $0x4  }
0x29b: {  	[tilespmem:$0x1FCD0] =	vst v7;
	v7 =	vld [tilespmem:$0x1F500];
	_ =	sdelay $0x4  }
0x29c: {  	v4 =	vadd.f32 v7, v4;
	v7 =	vld [tilespmem:$0x1F510];
	_ =	sdelay $0x4  }
0x29d: {  	v5 =	vadd.f32 v7, v5;
	v7 =	vld [tilespmem:$0x1700];
	_ =	sdelay $0x4  }
0x29e: {  	[tilespmem:$0x1FCE0] =	vst v7;
	v7 =	vld [tilespmem:$0x1F520];
	_ =	sdelay $0x4  }
0x29f: {  	v6 =	vadd.f32 v7, v6;
	v7 =	vld [tilespmem:$0x1F530];
	_ =	sdelay $0x4  }
0x2a0: {  	v0 =	vadd.f32 v7, v0;
	v7 =	vld [tilespmem:$0x1710];
	_ =	sdelay $0x4  }
0x2a1: {  	[tilespmem:$0x1FCF0] =	vst v7;
	v7 =	vld [tilespmem:$0x1F540];
	_ =	sdelay $0x4  }
0x2a2: {  	v1 =	vadd.f32 v7, v1;
	v7 =	vld [tilespmem:$0x1F550];
	_ =	sdelay $0x4  }
0x2a3: {  	v2 =	vadd.f32 v7, v2;
	v7 =	vld [tilespmem:$0x1720];
	_ =	sdelay $0x4  }
0x2a4: {  	[tilespmem:$0x1FD00] =	vst v7;
	v7 =	vld [tilespmem:$0x1F560];
	_ =	sdelay $0x4  }
0x2a5: {  	v3 =	vadd.f32 v7, v3;
	v7 =	vld [tilespmem:$0x1F570];
	_ =	sdelay $0x4  }
0x2a6: {  	v4 =	vadd.f32 v7, v4;
	v7 =	vld [tilespmem:$0x1730];
	_ =	sdelay $0x4  }
0x2a7: {  	[tilespmem:$0x1FD10] =	vst v7;
	v7 =	vld [tilespmem:$0x1F580];
	_ =	sdelay $0x4  }
0x2a8: {  	v5 =	vadd.f32 v7, v5;
	v7 =	vld [tilespmem:$0x1F590];
	_ =	sdelay $0x4  }
0x2a9: {  	v6 =	vadd.f32 v7, v6;
	v7 =	vld [tilespmem:$0x1740];
	_ =	sdelay $0x4  }
0x2aa: {  	[tilespmem:$0x1FD20] =	vst v7;
	v7 =	vld [tilespmem:$0x1F5A0];
	_ =	sdelay $0x4  }
0x2ab: {  	v0 =	vadd.f32 v7, v0;
	v7 =	vld [tilespmem:$0x1F5B0];
	_ =	sdelay $0x4  }
0x2ac: {  	v1 =	vadd.f32 v7, v1;
	v7 =	vld [tilespmem:$0x1750];
	_ =	sdelay $0x4  }
0x2ad: {  	[tilespmem:$0x1FD30] =	vst v7;
	v7 =	vld [tilespmem:$0x1F5C0];
	_ =	sdelay $0x4  }
0x2ae: {  	v2 =	vadd.f32 v7, v2;
	v7 =	vld [tilespmem:$0x1F5D0];
	_ =	sdelay $0x4  }
0x2af: {  	v3 =	vadd.f32 v7, v3;
	v7 =	vld [tilespmem:$0x1754];
	_ =	sdelay $0x4  }
0x2b0: {  	[tilespmem:$0x1FD40] =	vst v7;
	v7 =	vld [tilespmem:$0x1F5E0];
	_ =	sdelay $0x4  }
0x2b1: {  	v4 =	vadd.f32 v7, v4;
	v7 =	vld [tilespmem:$0x1F5F0];
	_ =	sdelay $0x4  }
0x2b2: {  	v5 =	vadd.f32 v7, v5;
	v7 =	vld [tilespmem:$0x1780];
	_ =	sdelay $0x4  }
0x2b3: {  	[tilespmem:$0x1FD50] =	vst v7;
	v7 =	vld [tilespmem:$0x1F600];
	_ =	sdelay $0x4  }
0x2b4: {  	v6 =	vadd.f32 v7, v6;
	v7 =	vld [tilespmem:$0x1F610];
	_ =	sdelay $0x4  }
0x2b5: {  	v0 =	vadd.f32 v7, v0;
	v7 =	vld [tilespmem:$0x1790];
	_ =	sdelay $0x4  }
0x2b6: {  	[tilespmem:$0x1FD60] =	vst v7;
	v7 =	vld [tilespmem:$0x1F620];
	_ =	sdelay $0x4  }
0x2b7: {  	v1 =	vadd.f32 v7, v1;
	v7 =	vld [tilespmem:$0x1F630];
	_ =	sdelay $0x4  }
0x2b8: {  	v2 =	vadd.f32 v7, v2;
	v7 =	vld [tilespmem:$0x17A0];
	_ =	sdelay $0x4  }
0x2b9: {  	[tilespmem:$0x1FD70] =	vst v7;
	v7 =	vld [tilespmem:$0x1F640];
	_ =	sdelay $0x4  }
0x2ba: {  	v3 =	vadd.f32 v7, v3;
	v7 =	vld [tilespmem:$0x1F650];
	_ =	sdelay $0x4  }
0x2bb: {  	v4 =	vadd.f32 v7, v4;
	v7 =	vld [tilespmem:$0x17B0];
	_ =	sdelay $0x4  }
0x2bc: {  	[tilespmem:$0x1FD80] =	vst v7;
	v7 =	vld [tilespmem:$0x1F660];
	_ =	sdelay $0x4  }
0x2bd: {  	v5 =	vadd.f32 v7, v5;
	v7 =	vld [tilespmem:$0x1F670];
	_ =	sdelay $0x4  }
0x2be: {  	v6 =	vadd.f32 v7, v6;
	v7 =	vld [tilespmem:$0x17C0];
	_ =	sdelay $0x4  }
0x2bf: {  	[tilespmem:$0x1FD90] =	vst v7;
	v7 =	vld [tilespmem:$0x1F680];
	_ =	sdelay $0x4  }
0x2c0: {  	v0 =	vadd.f32 v7, v0;
	v7 =	vld [tilespmem:$0x1F690];
	_ =	sdelay $0x4  }
0x2c1: {  	v1 =	vadd.f32 v7, v1;
	v7 =	vld [tilespmem:$0x17D0];
	_ =	sdelay $0x4  }
0x2c2: {  	[tilespmem:$0x1FDA0] =	vst v7;
	v7 =	vld [tilespmem:$0x1F6A0];
	_ =	sdelay $0x4  }
0x2c3: {  	v2 =	vadd.f32 v7, v2;
	v7 =	vld [tilespmem:$0x1F6B0];
	_ =	sdelay $0x4  }
0x2c4: {  	v3 =	vadd.f32 v7, v3;
	v7 =	vld [tilespmem:$0x17D4];
	_ =	sdelay $0x4  }
0x2c5: {  	[tilespmem:$0x1FDB0] =	vst v7;
	v7 =	vld [tilespmem:$0x1F6C0];
	_ =	sdelay $0x4  }
0x2c6: {  	v4 =	vadd.f32 v7, v4;
	v7 =	vld [tilespmem:$0x1F6D0];
	_ =	sdelay $0x4  }
0x2c7: {  	v5 =	vadd.f32 v7, v5;
	v7 =	vld [tilespmem:$0x1800];
	_ =	sdelay $0x4  }
0x2c8: {  	[tilespmem:$0x1FDC0] =	vst v7;
	v7 =	vld [tilespmem:$0x1F6E0];
	_ =	sdelay $0x4  }
0x2c9: {  	v6 =	vadd.f32 v7, v6;
	v7 =	vld [tilespmem:$0x1F6F0];
	_ =	sdelay $0x4  }
0x2ca: {  	v0 =	vadd.f32 v7, v0;
	v7 =	vld [tilespmem:$0x1810];
	_ =	sdelay $0x4  }
0x2cb: {  	[tilespmem:$0x1FDD0] =	vst v7;
	v7 =	vld [tilespmem:$0x1F700];
	_ =	sdelay $0x4  }
0x2cc: {  	v1 =	vadd.f32 v7, v1;
	v7 =	vld [tilespmem:$0x1F710];
	_ =	sdelay $0x4  }
0x2cd: {  	v2 =	vadd.f32 v7, v2;
	v7 =	vld [tilespmem:$0x1820];
	_ =	sdelay $0x4  }
0x2ce: {  	[tilespmem:$0x1FDE0] =	vst v7;
	v7 =	vld [tilespmem:$0x1F720];
	_ =	sdelay $0x4  }
0x2cf: {  	v3 =	vadd.f32 v7, v3;
	v7 =	vld [tilespmem:$0x1F730];
	_ =	sdelay $0x4  }
0x2d0: {  	v4 =	vadd.f32 v7, v4;
	v7 =	vld [tilespmem:$0x1830];
	_ =	sdelay $0x4  }
0x2d1: {  	[tilespmem:$0x1FDF0] =	vst v7;
	v7 =	vld [tilespmem:$0x1F740];
	_ =	sdelay $0x4  }
0x2d2: {  	v5 =	vadd.f32 v7, v5;
	v7 =	vld [tilespmem:$0x1F750];
	_ =	sdelay $0x4  }
0x2d3: {  	v6 =	vadd.f32 v7, v6;
	v7 =	vld [tilespmem:$0x1840];
	_ =	sdelay $0x4  }
0x2d4: {  	[tilespmem:$0x1FE00] =	vst v7;
	v7 =	vld [tilespmem:$0x1F760];
	_ =	sdelay $0x4  }
0x2d5: {  	v0 =	vadd.f32 v7, v0;
	v7 =	vld [tilespmem:$0x1F770];
	_ =	sdelay $0x4  }
0x2d6: {  	v1 =	vadd.f32 v7, v1;
	v7 =	vld [tilespmem:$0x1850];
	_ =	sdelay $0x4  }
0x2d7: {  	[tilespmem:$0x1FE10] =	vst v7;
	v7 =	vld [tilespmem:$0x1F780];
	_ =	sdelay $0x4  }
0x2d8: {  	v2 =	vadd.f32 v7, v2;
	v7 =	vld [tilespmem:$0x1F790];
	_ =	sdelay $0x4  }
0x2d9: {  	v3 =	vadd.f32 v7, v3;
	v7 =	vld [tilespmem:$0x1854];
	_ =	sdelay $0x4  }
0x2da: {  	[tilespmem:$0x1FE20] =	vst v7;
	v7 =	vld [tilespmem:$0x1F7A0];
	_ =	sdelay $0x4  }
0x2db: {  	v4 =	vadd.f32 v7, v4;
	v7 =	vld [tilespmem:$0x1F7B0];
	_ =	sdelay $0x4  }
0x2dc: {  	v5 =	vadd.f32 v7, v5;
	v7 =	vld [tilespmem:$0x1880];
	_ =	sdelay $0x4  }
0x2dd: {  	[tilespmem:$0x1FE30] =	vst v7;
	v7 =	vld [tilespmem:$0x1F7C0];
	_ =	sdelay $0x4  }
0x2de: {  	v6 =	vadd.f32 v7, v6;
	v7 =	vld [tilespmem:$0x1F7D0];
	_ =	sdelay $0x4  }
0x2df: {  	v0 =	vadd.f32 v7, v0;
	v7 =	vld [tilespmem:$0x1890];
	_ =	sdelay $0x4  }
0x2e0: {  	[tilespmem:$0x1FE40] =	vst v7;
	v7 =	vld [tilespmem:$0x1F7E0];
	_ =	sdelay $0x4  }
0x2e1: {  	v1 =	vadd.f32 v7, v1;
	v7 =	vld [tilespmem:$0x1F7F0];
	_ =	sdelay $0x4  }
0x2e2: {  	v2 =	vadd.f32 v7, v2;
	v7 =	vld [tilespmem:$0x18A0];
	_ =	sdelay $0x4  }
0x2e3: {  	[tilespmem:$0x1FE50] =	vst v7;
	v7 =	vld [tilespmem:$0x1F800];
	_ =	sdelay $0x4  }
0x2e4: {  	v3 =	vadd.f32 v7, v3;
	v7 =	vld [tilespmem:$0x1F810];
	_ =	sdelay $0x4  }
0x2e5: {  	v4 =	vadd.f32 v7, v4;
	v7 =	vld [tilespmem:$0x18B0];
	_ =	sdelay $0x4  }
0x2e6: {  	[tilespmem:$0x1FE60] =	vst v7;
	v7 =	vld [tilespmem:$0x1F820];
	_ =	sdelay $0x4  }
0x2e7: {  	v5 =	vadd.f32 v7, v5;
	v7 =	vld [tilespmem:$0x1F830];
	_ =	sdelay $0x4  }
0x2e8: {  	v6 =	vadd.f32 v7, v6;
	v7 =	vld [tilespmem:$0x18C0];
	_ =	sdelay $0x4  }
0x2e9: {  	[tilespmem:$0x1FE70] =	vst v7;
	v7 =	vld [tilespmem:$0x1F840];
	_ =	sdelay $0x4  }
0x2ea: {  	v0 =	vadd.f32 v7, v0;
	v7 =	vld [tilespmem:$0x1F850];
	_ =	sdelay $0x4  }
0x2eb: {  	v1 =	vadd.f32 v7, v1;
	v7 =	vld [tilespmem:$0x18D0];
	_ =	sdelay $0x4  }
0x2ec: {  	[tilespmem:$0x1FE80] =	vst v7;
	v7 =	vld [tilespmem:$0x1F860];
	_ =	sdelay $0x4  }
0x2ed: {  	v2 =	vadd.f32 v7, v2;
	v7 =	vld [tilespmem:$0x1F870];
	_ =	sdelay $0x4  }
0x2ee: {  	v3 =	vadd.f32 v7, v3;
	v7 =	vld [tilespmem:$0x18D4];
	_ =	sdelay $0x4  }
0x2ef: {  	[tilespmem:$0x1FE90] =	vst v7;
	v7 =	vld [tilespmem:$0x1F880];
	_ =	sdelay $0x4  }
0x2f0: {  	v4 =	vadd.f32 v7, v4;
	v7 =	vld [tilespmem:$0x1F890];
	_ =	sdelay $0x4  }
0x2f1: {  	v5 =	vadd.f32 v7, v5;
	v7 =	vld [tilespmem:$0x1900];
	_ =	sdelay $0x4  }
0x2f2: {  	[tilespmem:$0x1FEA0] =	vst v7;
	v7 =	vld [tilespmem:$0x1F8A0];
	_ =	sdelay $0x4  }
0x2f3: {  	v6 =	vadd.f32 v7, v6;
	v7 =	vld [tilespmem:$0x1F8B0];
	_ =	sdelay $0x4  }
0x2f4: {  	v0 =	vadd.f32 v7, v0;
	v7 =	vld [tilespmem:$0x1910];
	_ =	sdelay $0x4  }
0x2f5: {  	[tilespmem:$0x1FEB0] =	vst v7;
	v7 =	vld [tilespmem:$0x1F8C0];
	_ =	sdelay $0x4  }
0x2f6: {  	v1 =	vadd.f32 v7, v1;
	v7 =	vld [tilespmem:$0x1F8D0];
	_ =	sdelay $0x4  }
0x2f7: {  	v2 =	vadd.f32 v7, v2;
	v7 =	vld [tilespmem:$0x1920];
	_ =	sdelay $0x4  }
0x2f8: {  	[tilespmem:$0x1FEC0] =	vst v7;
	v7 =	vld [tilespmem:$0x1F8E0];
	_ =	sdelay $0x4  }
0x2f9: {  	v3 =	vadd.f32 v7, v3;
	v7 =	vld [tilespmem:$0x1F8F0];
	_ =	sdelay $0x4  }
0x2fa: {  	v4 =	vadd.f32 v7, v4;
	v7 =	vld [tilespmem:$0x1930];
	_ =	sdelay $0x4  }
0x2fb: {  	[tilespmem:$0x1FED0] =	vst v7;
	v7 =	vld [tilespmem:$0x1F900];
	_ =	sdelay $0x4  }
0x2fc: {  	v5 =	vadd.f32 v7, v5;
	v7 =	vld [tilespmem:$0x1F910];
	_ =	sdelay $0x4  }
0x2fd: {  	v6 =	vadd.f32 v7, v6;
	v7 =	vld [tilespmem:$0x1940];
	_ =	sdelay $0x4  }
0x2fe: {  	[tilespmem:$0x1FEE0] =	vst v7;
	v7 =	vld [tilespmem:$0x1F920];
	_ =	sdelay $0x4  }
0x2ff: {  	v0 =	vadd.f32 v7, v0;
	v7 =	vld [tilespmem:$0x1F930];
	_ =	sdelay $0x4  }
0x300: {  	v1 =	vadd.f32 v7, v1;
	v7 =	vld [tilespmem:$0x1950];
	_ =	sdelay $0x4  }
0x301: {  	[tilespmem:$0x1FEF0] =	vst v7;
	v7 =	vld [tilespmem:$0x1F940];
	_ =	sdelay $0x4  }
0x302: {  	v2 =	vadd.f32 v7, v2;
	v7 =	vld [tilespmem:$0x1F950];
	_ =	sdelay $0x4  }
0x303: {  	v3 =	vadd.f32 v7, v3;
	v7 =	vld [tilespmem:$0x1954];
	_ =	sdelay $0x4  }
0x304: {  	[tilespmem:$0x1FF00] =	vst v7;
	v7 =	vld [tilespmem:$0x1F960];
	_ =	sdelay $0x4  }
0x305: {  	v4 =	vadd.f32 v7, v4;
	v7 =	vld [tilespmem:$0x1F970];
	_ =	sdelay $0x4  }
0x306: {  	v5 =	vadd.f32 v7, v5;
	v7 =	vld [tilespmem:$0x1980];
	_ =	sdelay $0x4  }
0x307: {  	[tilespmem:$0x1FF10] =	vst v7;
	v7 =	vld [tilespmem:$0x1F980];
	_ =	sdelay $0x4  }
0x308: {  	v6 =	vadd.f32 v7, v6;
	v7 =	vld [tilespmem:$0x1F990];
	_ =	sdelay $0x4  }
0x309: {  	v0 =	vadd.f32 v7, v0;
	v7 =	vld [tilespmem:$0x1990];
	_ =	sdelay $0x4  }
0x30a: {  	[tilespmem:$0x1FF20] =	vst v7;
	v7 =	vld [tilespmem:$0x1F9A0];
	_ =	sdelay $0x4  }
0x30b: {  	v1 =	vadd.f32 v7, v1;
	v7 =	vld [tilespmem:$0x1F9B0];
	_ =	sdelay $0x4  }
0x30c: {  	v2 =	vadd.f32 v7, v2;
	v7 =	vld [tilespmem:$0x19A0];
	_ =	sdelay $0x4  }
0x30d: {  	[tilespmem:$0x1FF30] =	vst v7;
	v7 =	vld [tilespmem:$0x1F9C0];
	_ =	sdelay $0x4  }
0x30e: {  	v3 =	vadd.f32 v7, v3;
	v7 =	vld [tilespmem:$0x1F9D0];
	_ =	sdelay $0x4  }
0x30f: {  	v4 =	vadd.f32 v7, v4;
	v7 =	vld [tilespmem:$0x19B0];
	_ =	sdelay $0x4  }
0x310: {  	[tilespmem:$0x1FF40] =	vst v7;
	v7 =	vld [tilespmem:$0x1F9E0];
	_ =	sdelay $0x4  }
0x311: {  	v5 =	vadd.f32 v7, v5;
	v7 =	vld [tilespmem:$0x1F9F0];
	_ =	sdelay $0x4  }
0x312: {  	v6 =	vadd.f32 v7, v6;
	v7 =	vld [tilespmem:$0x19C0];
	_ =	sdelay $0x4  }
0x313: {  	[tilespmem:$0x1FF50] =	vst v7;
	v7 =	vld [tilespmem:$0x1FA00];
	_ =	sdelay $0x4  }
0x314: {  	v0 =	vadd.f32 v7, v0;
	v7 =	vld [tilespmem:$0x1FA10];
	_ =	sdelay $0x4  }
0x315: {  	v1 =	vadd.f32 v7, v1;
	v7 =	vld [tilespmem:$0x19D0];
	_ =	sdelay $0x4  }
0x316: {  	[tilespmem:$0x1FF60] =	vst v7;
	v7 =	vld [tilespmem:$0x1FA20];
	_ =	sdelay $0x4  }
0x317: {  	v2 =	vadd.f32 v7, v2;
	v7 =	vld [tilespmem:$0x1FA30];
	_ =	sdelay $0x4  }
0x318: {  	v3 =	vadd.f32 v7, v3;
	v7 =	vld [tilespmem:$0x19D4];
	_ =	sdelay $0x4  }
0x319: {  	[tilespmem:$0x1FF70] =	vst v7;
	v7 =	vld [tilespmem:$0x1FA40];
	_ =	sdelay $0x4  }
0x31a: {  	v4 =	vadd.f32 v7, v4;
	v7 =	vld [tilespmem:$0x1FA50];
	_ =	sdelay $0x4  }
0x31b: {  	v5 =	vadd.f32 v7, v5;
	v7 =	vld [tilespmem:$0x1A00];
	_ =	sdelay $0x4  }
0x31c: {  	[tilespmem:$0x1FF80] =	vst v7;
	v7 =	vld [tilespmem:$0x1FA60];
	_ =	sdelay $0x4  }
0x31d: {  	v6 =	vadd.f32 v7, v6;
	v7 =	vld [tilespmem:$0x1FA70];
	_ =	sdelay $0x4  }
0x31e: {  	v0 =	vadd.f32 v7, v0;
	v7 =	vld [tilespmem:$0x1A10];
	_ =	sdelay $0x4  }
0x31f: {  	[tilespmem:$0x1FF90] =	vst v7;
	v7 =	vld [tilespmem:$0x1FA80];
	_ =	sdelay $0x4  }
0x320: {  	v1 =	vadd.f32 v7, v1;
	v7 =	vld [tilespmem:$0x1FA90];
	_ =	sdelay $0x4  }
0x321: {  	v2 =	vadd.f32 v7, v2;
	v7 =	vld [tilespmem:$0x1A20];
	_ =	sdelay $0x4  }
0x322: {  	[tilespmem:$0x1FFA0] =	vst v7;
	v7 =	vld [tilespmem:$0x1FAA0];
	_ =	sdelay $0x4  }
0x323: {  	v3 =	vadd.f32 v7, v3;
	v7 =	vld [tilespmem:$0x1FAB0];
	_ =	sdelay $0x4  }
0x324: {  	v4 =	vadd.f32 v7, v4;
	v7 =	vld [tilespmem:$0x1A30];
	_ =	sdelay $0x4  }
0x325: {  	[tilespmem:$0x1FFB0] =	vst v7;
	v7 =	vld [tilespmem:$0x1FAC0];
	_ =	sdelay $0x4  }
0x326: {  	v5 =	vadd.f32 v7, v5;
	v7 =	vld [tilespmem:$0x1FAD0];
	_ =	sdelay $0x4  }
0x327: {  	v6 =	vadd.f32 v7, v6;
	v7 =	vld [tilespmem:$0x1A40];
	_ =	sdelay $0x4  }
0x328: {  	[tilespmem:$0x1FFC0] =	vst v7;
	v7 =	vld [tilespmem:$0x1FAE0];
	_ =	sdelay $0x4  }
0x329: {  	v0 =	vadd.f32 v7, v0;
	v7 =	vld [tilespmem:$0x1FAF0];
	_ =	sdelay $0x4  }
0x32a: {  	v1 =	vadd.f32 v7, v1;
	v7 =	vld [tilespmem:$0x1A50];
	_ =	sdelay $0x4  }
0x32b: {  	[tilespmem:$0x1FFD0] =	vst v7;
	v7 =	vld [tilespmem:$0x1FB00];
	_ =	sdelay $0x4  }
0x32c: {  	v2 =	vadd.f32 v7, v2;
	v7 =	vld [tilespmem:$0x1FB10];
	_ =	sdelay $0x4  }
0x32d: {  	v3 =	vadd.f32 v7, v3;
	v7 =	vld [tilespmem:$0x1A54];
	_ =	sdelay $0x4  }
0x32e: {  	[tilespmem:$0x1FFE0] =	vst v7;
	v7 =	vld [tilespmem:$0x1FB20];
	_ =	sdelay $0x4  }
0x32f: {  	v1 =	vadd.f32 v8, v1;
	v4 =	vadd.f32 v7, v4;
	v7 =	vld [tilespmem:$0x1A80];
	_ =	sdelay $0x1  }
0x330: {  	v1 =	vadd.f32 v17, v1;
	_ =	sdelay $0x1  }
0x331: {  	v1 =	vadd.f32 v24, v1  }
0x332: {  	v2 =	vadd.f32 v10, v2;
	[tilespmem:$0x1FFF0] =	vst v7;
	v7 =	vld [tilespmem:$0x1FB30]  }
0x333: {  	v1 =	vadd.f32 v50, v1  }
0x334: {  	v2 =	vadd.f32 v18, v2  }
0x335: {  	v1 =	vadd.f32 v38, v1  }
0x336: {  	v2 =	vadd.f32 v25, v2  }
0x337: {  	v3 =	vadd.f32 v11, v3;
	v7 =	vadd.f32 v7, v1;
	v1 =	vld [tilespmem:$0x1FB40]  }
0x338: {  	v2 =	vadd.f32 v32, v2  }
0x339: {  	v3 =	vadd.f32 v19, v3  }
0x33a: {  	v2 =	vadd.f32 v39, v2  }
0x33b: {  	v3 =	vadd.f32 v26, v3  }
0x33c: {  	v4 =	vadd.f32 v12, v4;
	v2 =	vadd.f32 v1, v2;
	v1 =	vld [tilespmem:$0x1FB50]  }
0x33d: {  	v3 =	vadd.f32 v33, v3  }
0x33e: {  	v4 =	vadd.f32 v20, v4  }
0x33f: {  	v41 =	vld [tilespmem:$0x14C0];
	v5 =	vadd.f32 v9, v5;
	v3 =	vadd.f32 v40, v3  }
0x340: {  	v4 =	vadd.f32 v27, v4  }
0x341: {  	v5 =	vadd.f32 v14, v5;
	v3 =	vadd.f32 v1, v3;
	v1 =	vld [tilespmem:$0x1FB60]  }
0x342: {  	v4 =	vadd.f32 v34, v4  }
0x343: {  	v5 =	vadd.f32 v21, v5  }
0x344: {  	v42 =	vld [tilespmem:$0x14D0];
	v6 =	vadd.f32 v13, v6;
	v4 =	vadd.f32 v41, v4  }
0x345: {  	v5 =	vadd.f32 v28, v5  }
0x346: {  	v6 =	vadd.f32 v15, v6;
	v4 =	vadd.f32 v1, v4;
	v1 =	vld [tilespmem:$0x1FB70]  }
0x347: {  	v5 =	vadd.f32 v35, v5  }
0x348: {  	v6 =	vadd.f32 v22, v6  }
0x349: {  	v43 =	vld [tilespmem:$0x14D4];
	v5 =	vadd.f32 v42, v5;
	v0 =	vadd.f32 v62, v0  }
0x34a: {  	v6 =	vadd.f32 v48, v6  }
0x34b: {  	v0 =	vadd.f32 v16, v0;
	v5 =	vadd.f32 v1, v5;
	v1 =	vld [tilespmem:$0x1FB80]  }
0x34c: {  	v6 =	vadd.f32 v36, v6  }
0x34d: {  	v0 =	vadd.f32 v23, v0  }
0x34e: {  	v44 =	vld [tilespmem:$0x1500];
	v6 =	vadd.f32 v43, v6  }
0x34f: {  	v0 =	vadd.f32 v49, v0  }
0x350: {  	v1 =	vadd.f32 v1, v6;
	v6 =	vld [tilespmem:$0x1FB90]  }
0x351: {  	v0 =	vadd.f32 v37, v0;
	_ =	sdelay $0x1  }
0x352: {  	v0 =	vadd.f32 v44, v0;
	_ =	sdelay $0x1  }
0x353: {  	v6 =	vadd.f32 v6, v0;
	v0 =	vld [tilespmem:$0x1FBA0];
	_ =	sdelay $0x4  }
0x354: {  	v7 =	vadd.f32 v0, v7;
	v0 =	vld [tilespmem:$0x1FBB0];
	_ =	sdelay $0x4  }
0x355: {  	v2 =	vadd.f32 v0, v2;
	v0 =	vld [tilespmem:$0x1FBC0];
	_ =	sdelay $0x4  }
0x356: {  	v0 =	vadd.f32 v0, v3;
	v3 =	vld [tilespmem:$0x1FBD0];
	_ =	sdelay $0x4  }
0x357: {  	v3 =	vadd.f32 v3, v4;
	v4 =	vld [tilespmem:$0x1FBE0];
	_ =	sdelay $0x4  }
0x358: {  	v5 =	vadd.f32 v4, v5;
	v4 =	vld [tilespmem:$0x1FBF0];
	_ =	sdelay $0x4  }
0x359: {  	v1 =	vadd.f32 v4, v1;
	v4 =	vld [tilespmem:$0x1FC00];
	_ =	sdelay $0x4  }
0x35a: {  	v6 =	vadd.f32 v4, v6;
	v4 =	vld [tilespmem:$0x1FC10];
	_ =	sdelay $0x4  }
0x35b: {  	v4 =	vadd.f32 v4, v7;
	v7 =	vld [tilespmem:$0x1FC20];
	_ =	sdelay $0x4  }
0x35c: {  	v2 =	vadd.f32 v7, v2;
	v7 =	vld [tilespmem:$0x1FC30];
	_ =	sdelay $0x4  }
0x35d: {  	v0 =	vadd.f32 v7, v0;
	v7 =	vld [tilespmem:$0x1FC40];
	_ =	sdelay $0x4  }
0x35e: {  	v3 =	vadd.f32 v7, v3;
	v7 =	vld [tilespmem:$0x1FC50];
	_ =	sdelay $0x4  }
0x35f: {  	v5 =	vadd.f32 v7, v5;
	v7 =	vld [tilespmem:$0x1FC60];
	_ =	sdelay $0x4  }
0x360: {  	v1 =	vadd.f32 v7, v1;
	v7 =	vld [tilespmem:$0x1FC70];
	_ =	sdelay $0x4  }
0x361: {  	v6 =	vadd.f32 v7, v6;
	v7 =	vld [tilespmem:$0x1FC80];
	_ =	sdelay $0x4  }
0x362: {  	v4 =	vadd.f32 v7, v4;
	v7 =	vld [tilespmem:$0x1FC90];
	_ =	sdelay $0x4  }
0x363: {  	v2 =	vadd.f32 v7, v2;
	v7 =	vld [tilespmem:$0x1FCA0];
	_ =	sdelay $0x4  }
0x364: {  	v0 =	vadd.f32 v7, v0;
	v7 =	vld [tilespmem:$0x1FCB0];
	_ =	sdelay $0x4  }
0x365: {  	v3 =	vadd.f32 v7, v3;
	v7 =	vld [tilespmem:$0x1FCC0];
	_ =	sdelay $0x4  }
0x366: {  	v5 =	vadd.f32 v7, v5;
	v7 =	vld [tilespmem:$0x1FCD0];
	_ =	sdelay $0x4  }
0x367: {  	v1 =	vadd.f32 v7, v1;
	v7 =	vld [tilespmem:$0x1FCE0];
	_ =	sdelay $0x4  }
0x368: {  	v6 =	vadd.f32 v7, v6;
	v7 =	vld [tilespmem:$0x1FCF0];
	_ =	sdelay $0x4  }
0x369: {  	v4 =	vadd.f32 v7, v4;
	v7 =	vld [tilespmem:$0x1FD00];
	_ =	sdelay $0x4  }
0x36a: {  	v2 =	vadd.f32 v7, v2;
	v7 =	vld [tilespmem:$0x1FD10];
	_ =	sdelay $0x4  }
0x36b: {  	v0 =	vadd.f32 v7, v0;
	v7 =	vld [tilespmem:$0x1FD20];
	_ =	sdelay $0x4  }
0x36c: {  	v3 =	vadd.f32 v7, v3;
	v7 =	vld [tilespmem:$0x1FD30];
	_ =	sdelay $0x4  }
0x36d: {  	v5 =	vadd.f32 v7, v5;
	v7 =	vld [tilespmem:$0x1FD40];
	_ =	sdelay $0x4  }
0x36e: {  	v1 =	vadd.f32 v7, v1;
	v7 =	vld [tilespmem:$0x1FD50];
	_ =	sdelay $0x4  }
0x36f: {  	v6 =	vadd.f32 v7, v6;
	v7 =	vld [tilespmem:$0x1FD60];
	_ =	sdelay $0x4  }
0x370: {  	v4 =	vadd.f32 v7, v4;
	v7 =	vld [tilespmem:$0x1FD70];
	_ =	sdelay $0x4  }
0x371: {  	v2 =	vadd.f32 v7, v2;
	v7 =	vld [tilespmem:$0x1FD80];
	_ =	sdelay $0x4  }
0x372: {  	v0 =	vadd.f32 v7, v0;
	v7 =	vld [tilespmem:$0x1FD90];
	_ =	sdelay $0x4  }
0x373: {  	v3 =	vadd.f32 v7, v3;
	v7 =	vld [tilespmem:$0x1FDA0];
	_ =	sdelay $0x4  }
0x374: {  	v5 =	vadd.f32 v7, v5;
	v7 =	vld [tilespmem:$0x1FDB0];
	_ =	sdelay $0x4  }
0x375: {  	v1 =	vadd.f32 v7, v1;
	v7 =	vld [tilespmem:$0x1FDC0];
	_ =	sdelay $0x4  }
0x376: {  	v6 =	vadd.f32 v7, v6;
	v7 =	vld [tilespmem:$0x1FDD0];
	_ =	sdelay $0x4  }
0x377: {  	v4 =	vadd.f32 v7, v4;
	v7 =	vld [tilespmem:$0x1FDE0];
	_ =	sdelay $0x4  }
0x378: {  	v2 =	vadd.f32 v7, v2;
	v7 =	vld [tilespmem:$0x1FDF0];
	_ =	sdelay $0x4  }
0x379: {  	v0 =	vadd.f32 v7, v0;
	v7 =	vld [tilespmem:$0x1FE00];
	_ =	sdelay $0x4  }
0x37a: {  	v3 =	vadd.f32 v7, v3;
	v7 =	vld [tilespmem:$0x1FE10];
	_ =	sdelay $0x4  }
0x37b: {  	v5 =	vadd.f32 v7, v5;
	v7 =	vld [tilespmem:$0x1FE20];
	_ =	sdelay $0x4  }
0x37c: {  	v1 =	vadd.f32 v7, v1;
	v7 =	vld [tilespmem:$0x1FE30];
	_ =	sdelay $0x4  }
0x37d: {  	v6 =	vadd.f32 v7, v6;
	v7 =	vld [tilespmem:$0x1FE40];
	_ =	sdelay $0x4  }
0x37e: {  	v4 =	vadd.f32 v7, v4;
	v7 =	vld [tilespmem:$0x1FE50];
	_ =	sdelay $0x4  }
0x37f: {  	v2 =	vadd.f32 v7, v2;
	v7 =	vld [tilespmem:$0x1FE60];
	_ =	sdelay $0x4  }
0x380: {  	v0 =	vadd.f32 v7, v0;
	v7 =	vld [tilespmem:$0x1FE70];
	_ =	sdelay $0x4  }
0x381: {  	v3 =	vadd.f32 v7, v3;
	v7 =	vld [tilespmem:$0x1FE80];
	_ =	sdelay $0x4  }
0x382: {  	v5 =	vadd.f32 v7, v5;
	v7 =	vld [tilespmem:$0x1FE90];
	_ =	sdelay $0x4  }
0x383: {  	v1 =	vadd.f32 v7, v1;
	v7 =	vld [tilespmem:$0x1FEA0];
	_ =	sdelay $0x3  }
0x384: {  	v61 =	vld [tilespmem:$0x1AA0]  }
0x385: {  	v6 =	vadd.f32 v7, v6;
	v7 =	vld [tilespmem:$0x1FEB0]  }
0x386: {  	v60 =	vld [tilespmem:$0x1AB0]  }
0x387: {  	v59 =	vld [tilespmem:$0x1AC0]  }
0x388: {  	v58 =	vld [tilespmem:$0x1AD0]  }
0x389: {  	v57 =	vld [tilespmem:$0x1AD4]  }
0x38a: {  	v4 =	vadd.f32 v7, v4;
	v7 =	vld [tilespmem:$0x1FEC0]  }
0x38b: {  	v56 =	vld [tilespmem:$0x1B00]  }
0x38c: {  	v55 =	vld [tilespmem:$0x1B10]  }
0x38d: {  	v54 =	vld [tilespmem:$0x1B20]  }
0x38e: {  	v53 =	vld [tilespmem:$0x1B30]  }
0x38f: {  	v2 =	vadd.f32 v7, v2;
	v7 =	vld [tilespmem:$0x1FED0]  }
0x390: {  	v52 =	vld [tilespmem:$0x1B40]  }
0x391: {  	v51 =	vld [tilespmem:$0x1B50]  }
0x392: {  	v47 =	vld [tilespmem:$0x1BA0]  }
0x393: {  	v46 =	vld [tilespmem:$0x1BB0]  }
0x394: {  	v0 =	vadd.f32 v7, v0;
	v7 =	vld [tilespmem:$0x1FEE0]  }
0x395: {  	v45 =	vld [tilespmem:$0x1BC0]  }
0x396: {  	v31 =	vld [tilespmem:$0x1CC0]  }
0x397: {  	v30 =	vld [tilespmem:$0x1CD0]  }
0x398: {  	v29 =	vld [tilespmem:$0x1CD4]  }
0x399: {  	v3 =	vadd.f32 v7, v3;
	v7 =	vld [tilespmem:$0x1FEF0]  }
0x39a: {  	v9 =	vld [tilespmem:$0x1E50]  }
0x39b: {  	v14 =	vld [tilespmem:$0x1E00]  }
0x39c: {  	v21 =	vld [tilespmem:$0x1D80]  }
0x39d: {  	v13 =	vld [tilespmem:$0x1E10]  }
0x39e: {  	v5 =	vadd.f32 v7, v5;
	v7 =	vld [tilespmem:$0x1FF00]  }
0x39f: {  	v28 =	vld [tilespmem:$0x1D00]  }
0x3a0: {  	v15 =	vld [tilespmem:$0x1DD4]  }
0x3a1: {  	v35 =	vld [tilespmem:$0x1C80]  }
0x3a2: {  	v22 =	vld [tilespmem:$0x1D54]  }
0x3a3: {  	v1 =	vadd.f32 v7, v1;
	v7 =	vld [tilespmem:$0x1FF10]  }
0x3a4: {  	v42 =	vld [tilespmem:$0x1C00]  }
0x3a5: {  	v48 =	vld [tilespmem:$0x1B90]  }
0x3a6: {  	v36 =	vld [tilespmem:$0x1C54]  }
0x3a7: {  	v62 =	vld [tilespmem:$0x1A90]  }
0x3a8: {  	v6 =	vadd.f32 v7, v6;
	v7 =	vld [tilespmem:$0x1FF20]  }
0x3a9: {  	v43 =	vld [tilespmem:$0x1BD4]  }
0x3aa: {  	v16 =	vld [tilespmem:$0x1DD0]  }
0x3ab: {  	v23 =	vld [tilespmem:$0x1D50]  }
0x3ac: {  	v8 =	vld [tilespmem:$0x1E54]  }
0x3ad: {  	v4 =	vadd.f32 v7, v4;
	v7 =	vld [tilespmem:$0x1FF30]  }
0x3ae: {  	v49 =	vld [tilespmem:$0x1B80]  }
0x3af: {  	v17 =	vld [tilespmem:$0x1DC0]  }
0x3b0: {  	v37 =	vld [tilespmem:$0x1C50]  }
0x3b1: {  	v24 =	vld [tilespmem:$0x1D40]  }
0x3b2: {  	v2 =	vadd.f32 v7, v2;
	v7 =	vld [tilespmem:$0x1FF40]  }
0x3b3: {  	v44 =	vld [tilespmem:$0x1BD0]  }
0x3b4: {  	v50 =	vld [tilespmem:$0x1B54]  }
0x3b5: {  	v38 =	vld [tilespmem:$0x1C40]  }
0x3b6: {  	v10 =	vld [tilespmem:$0x1E40]  }
0x3b7: {  	v0 =	vadd.f32 v7, v0;
	v7 =	vld [tilespmem:$0x1FF50]  }
0x3b8: {  	v18 =	vld [tilespmem:$0x1DB0]  }
0x3b9: {  	v25 =	vld [tilespmem:$0x1D30]  }
0x3ba: {  	v11 =	vld [tilespmem:$0x1E30]  }
0x3bb: {  	v32 =	vld [tilespmem:$0x1CB0]  }
0x3bc: {  	v3 =	vadd.f32 v7, v3;
	v7 =	vld [tilespmem:$0x1FF60]  }
0x3bd: {  	v19 =	vld [tilespmem:$0x1DA0]  }
0x3be: {  	v39 =	vld [tilespmem:$0x1C30]  }
0x3bf: {  	v26 =	vld [tilespmem:$0x1D20]  }
0x3c0: {  	v63 =	vld [tilespmem:$0x1FFE0]  }
0x3c1: {  	v5 =	vadd.f32 v7, v5;
	v7 =	vld [tilespmem:$0x1FF70]  }
0x3c2: {  	v33 =	vld [tilespmem:$0x1CA0]  }
0x3c3: {  	v40 =	vld [tilespmem:$0x1C20]  }
0x3c4: {  	v12 =	vld [tilespmem:$0x1E20]  }
0x3c5: {  	v20 =	vld [tilespmem:$0x1D90]  }
0x3c6: {  	v1 =	vadd.f32 v7, v1;
	v7 =	vld [tilespmem:$0x1FF80]  }
0x3c7: {  	v27 =	vld [tilespmem:$0x1D10]  }
0x3c8: {  	v34 =	vld [tilespmem:$0x1C90]  }
0x3c9: {  	v1 =	vadd.f32 v63, v1;
	v63 =	vld [tilespmem:$0x1FFF0]  }
0x3ca: {  	v41 =	vld [tilespmem:$0x1C10]  }
0x3cb: {  	v1 =	vadd.f32 v57, v1;
	v6 =	vadd.f32 v7, v6;
	v7 =	vld [tilespmem:$0x1FF90]  }
0x3cc: {  	v57 =	vld [tilespmem:$0x1EC0]  }
0x3cd: {  	v1 =	vadd.f32 v50, v1;
	v50 =	vld [tilespmem:$0x2010]  }
0x3ce: {  	v6 =	vadd.f32 v63, v6;
	v63 =	vld [tilespmem:$0x1E90]  }
0x3cf: {  	v1 =	vadd.f32 v43, v1;
	v43 =	vld [tilespmem:$0x1F40]  }
0x3d0: {  	v6 =	vadd.f32 v56, v6;
	v4 =	vadd.f32 v7, v4;
	v7 =	vld [tilespmem:$0x1FFA0]  }
0x3d1: {  	v56 =	vld [tilespmem:$0x1F30];
	v1 =	vadd.f32 v36, v1  }
0x3d2: {  	v36 =	vld [tilespmem:$0x1F90];
	v6 =	vadd.f32 v49, v6;
	v4 =	vadd.f32 v62, v4  }
0x3d3: {  	v49 =	vld [tilespmem:$0x1F10];
	v1 =	vadd.f32 v29, v1  }
0x3d4: {  	v62 =	vld [tilespmem:$0x1F80];
	v6 =	vadd.f32 v42, v6;
	v4 =	vadd.f32 v55, v4  }
0x3d5: {  	v1 =	vadd.f32 v22, v1;
	v2 =	vadd.f32 v7, v2;
	v7 =	vld [tilespmem:$0x1FFB0]  }
0x3d6: {  	v42 =	vld [tilespmem:$0x1FC0];
	v6 =	vadd.f32 v35, v6;
	v4 =	vadd.f32 v48, v4  }
0x3d7: {  	v55 =	vld [tilespmem:$0x1ED0];
	v1 =	vadd.f32 v15, v1;
	v2 =	vadd.f32 v61, v2  }
0x3d8: {  	v48 =	vld [tilespmem:$0x2000];
	v6 =	vadd.f32 v28, v6;
	v4 =	vadd.f32 v41, v4  }
0x3d9: {  	v15 =	vld [tilespmem:$0x2040];
	v1 =	vadd.f32 v8, v1;
	v2 =	vadd.f32 v54, v2  }
0x3da: {  	v0 =	vadd.f32 v7, v0;
	v7 =	vld [tilespmem:$0x1FFC0];
	v4 =	vadd.f32 v34, v4  }
0x3db: {  	v61 =	vld [tilespmem:$0x1EA0];
	v6 =	vadd.f32 v21, v6;
	v2 =	vadd.f32 v47, v2  }
0x3dc: {  	v8 =	vld [tilespmem:$0x20A0];
	v0 =	vadd.f32 v60, v0;
	v4 =	vadd.f32 v27, v4  }
0x3dd: {  	v54 =	vld [tilespmem:$0x2030];
	v6 =	vadd.f32 v14, v6;
	v2 =	vadd.f32 v40, v2  }
0x3de: {  	v0 =	vadd.f32 v53, v0;
	v53 =	vld [tilespmem:$0x1ED4];
	v4 =	vadd.f32 v20, v4  }
0x3df: {  	v3 =	vadd.f32 v7, v3;
	v7 =	vld [tilespmem:$0x1FFD0];
	v2 =	vadd.f32 v33, v2  }
0x3e0: {  	v47 =	vld [tilespmem:$0x1F20];
	v0 =	vadd.f32 v46, v0;
	v4 =	vadd.f32 v13, v4  }
0x3e1: {  	v14 =	vld [tilespmem:$0x20D0];
	v3 =	vadd.f32 v59, v3;
	v2 =	vadd.f32 v26, v2  }
0x3e2: {  	v60 =	vld [tilespmem:$0x1F54];
	v0 =	vadd.f32 v39, v0;
	v4 =	vadd.f32 v63, v4  }
0x3e3: {  	v40 =	vld [tilespmem:$0x1FB0];
	v3 =	vadd.f32 v52, v3;
	v2 =	vadd.f32 v19, v2  }
0x3e4: {  	v46 =	vld [tilespmem:$0x1FD4];
	v1 =	vadd.f32 v53, v1;
	v5 =	vadd.f32 v7, v5  }
0x3e5: {  	v13 =	vld [tilespmem:$0x2050];
	v0 =	vadd.f32 v32, v0;
	v4 =	vadd.f32 v49, v4  }
0x3e6: {  	v59 =	vld [tilespmem:$0x1EB0];
	v3 =	vadd.f32 v45, v3;
	v2 =	vadd.f32 v12, v2  }
0x3e7: {  	v7 =	vld [tilespmem:$0x1E80];
	v1 =	vadd.f32 v60, v1;
	v5 =	vadd.f32 v58, v5  }
0x3e8: {  	v63 =	vld [tilespmem:$0x2154];
	v0 =	vadd.f32 v25, v0;
	v4 =	vadd.f32 v36, v4  }
0x3e9: {  	v52 =	vld [tilespmem:$0x2020];
	v3 =	vadd.f32 v38, v3;
	v2 =	vadd.f32 v61, v2  }
0x3ea: {  	v12 =	vld [tilespmem:$0x20C0];
	v1 =	vadd.f32 v46, v1;
	v5 =	vadd.f32 v51, v5  }
0x3eb: {  	v38 =	vld [tilespmem:$0x1FA0];
	v0 =	vadd.f32 v18, v0;
	v4 =	vadd.f32 v50, v4  }
0x3ec: {  	v51 =	vld [tilespmem:$0x1F00];
	v3 =	vadd.f32 v31, v3;
	v6 =	vadd.f32 v7, v6  }
0x3ed: {  	v60 =	vld [tilespmem:$0x2130];
	v5 =	vadd.f32 v44, v5;
	v0 =	vadd.f32 v11, v0  }
0x3ee: {  	v7 =	vld [tilespmem:$0x2090];
	v2 =	vadd.f32 v47, v2;
	v3 =	vadd.f32 v24, v3  }
0x3ef: {  	v58 =	vld [tilespmem:$0x1F50];
	v5 =	vadd.f32 v37, v5;
	v0 =	vadd.f32 v59, v0  }
0x3f0: {  	v11 =	vld [tilespmem:$0x2054];
	v2 =	vadd.f32 v38, v2;
	v3 =	vadd.f32 v17, v3  }
0x3f1: {  	v61 =	vld [tilespmem:$0x2140];
	v6 =	vadd.f32 v51, v6;
	v5 =	vadd.f32 v30, v5  }
0x3f2: {  	v44 =	vld [tilespmem:$0x1FD0];
	v0 =	vadd.f32 v56, v0;
	v2 =	vadd.f32 v52, v2  }
0x3f3: {  	v59 =	vld [tilespmem:$0x2120];
	v4 =	vadd.f32 v7, v4;
	v5 =	vadd.f32 v23, v5  }
0x3f4: {  	v56 =	vld [tilespmem:$0x20D4];
	v3 =	vadd.f32 v10, v3;
	v6 =	vadd.f32 v62, v6  }
0x3f5: {  	v7 =	vld [tilespmem:$0x21A0];
	v1 =	vadd.f32 v11, v1;
	v5 =	vadd.f32 v16, v5  }
0x3f6: {  	v10 =	vld [tilespmem:$0x20B0];
	v0 =	vadd.f32 v40, v0;
	v3 =	vadd.f32 v57, v3  }
0x3f7: {  	v62 =	vld [tilespmem:$0x2150];
	v2 =	vadd.f32 v8, v2;
	v5 =	vadd.f32 v9, v5  }
0x3f8: {  	v6 =	vadd.f32 v48, v6;
	v3 =	vadd.f32 v43, v3;
	v9 =	vld [tilespmem:$0x2080]  }
0x3f9: {  	v8 =	vld [tilespmem:$0x21B0];
	v0 =	vadd.f32 v54, v0;
	v5 =	vadd.f32 v55, v5  }
0x3fa: {  	v57 =	vld [tilespmem:$0x2100];
	v2 =	vadd.f32 v59, v2;
	v3 =	vadd.f32 v42, v3  }
0x3fb: {  	v1 =	vadd.f32 v56, v1;
	v5 =	vadd.f32 v58, v5;
	v58 =	vld [tilespmem:$0x2110]  }
0x3fc: {  	v0 =	vadd.f32 v10, v0;
	v10 =	vld [tilespmem:$0x21C0];
	v3 =	vadd.f32 v15, v3  }
0x3fd: {  	v6 =	vadd.f32 v9, v6;
	v9 =	vld [tilespmem:$0x2190];
	v5 =	vadd.f32 v44, v5  }
0x3fe: {  	v1 =	vadd.f32 v63, v1;
	v3 =	vadd.f32 v12, v3;
	v12 =	vld [tilespmem:$0x21D4]  }
0x3ff: {  	v0 =	vadd.f32 v60, v0;
	v5 =	vadd.f32 v13, v5;
	v13 =	vld [tilespmem:$0x2180]  }
0x400: {  	p0 =	sne.s32 s14, $0x700;
	v11 =	vld [tilespmem:$0x21D0];
	v3 =	vadd.f32 v61, v3;
	v4 =	vadd.f32 v58, v4  }
.Ltmp0:
0x401: {  	v6 =	vadd.f32 v57, v6;
	v5 =	vadd.f32 v14, v5;
	(pc) =	sbr.rel @p0 .LBB2_2-.Ltmp0, $4  }
0x402: {  	v3 =	vadd.f32 v10, v3;
	v9 =	vadd.f32 v9, v4  }
0x403: {  	v4 =	vadd.f32 v8, v0;
	v5 =	vadd.f32 v62, v5  }
0x404: {  	v0 =	vadd.f32 v12, v1;
	v13 =	vadd.f32 v13, v6  }
0x405: {  	s14 =	sadd.s32 $0x100, s14;
	v6 =	vadd.f32 v7, v2;
	v2 =	vadd.f32 v11, v5  }
0x406: {  	[tilespmem:$0x2200] =	vst v13  }
0x407: {  	[tilespmem:$0x2210] =	vst v9  }
0x408: {  	[tilespmem:$0x2230] =	vst v4  }
0x409: {  	[tilespmem:$0x2240] =	vst v3  }
0x40a: {  	[tilespmem:$0x2260] =	vst v0;
	s13 =	sadd.s32 $0x1, s13  }
0x40b: {  	[tilespmem:$0x2220] =	vst v6;
	p0 =	sne.s32 s13, s6  }
.Ltmp1:
0x40c: {  	[tilespmem:$0x2250] =	vst v2;
	(pc) =	sbr.rel @p0 .LBB2_1-.Ltmp1, $4  }
0x40d: {  	[hbm4b:s5+s2] =	stream.linear.scatter [tilespmem:s12], [sflag:$0x5], $0x80, $0x38;
	[tilespmem:$0x2280] =	vst v63  }
0x40e: {  	_ =	swait.ge [sflag:s7], $0x80  }
0x40f: {  	[sflag:s7] =	ssyncset.done $0x0  }
0x410: {  	[sflag:s7] =	ssyncadd.s32 $0xFFFFFF80  }
0x411: {  	_ =	sfence.sel $0x180000  }
0x412: {  	[bflag:$0x0] =	sbarrier.arrive $0xFFFF  }
0x413: {  	p0 =	sne.s32 s3, $0x0;
	_ =	strace $0x90000047  }
0x414: {  	s0 =	sadd.s32 @!p0 $0x100000, s0;
	[bflag:$0x2] =	sbarrier.arrive $0xFFFF  }
0x415: {  	[sflag:s0] =	ssyncadd.tile.s32 @!p0 $0x1;
	_ =	shalt  }
.Lfunc_end2:
_tile_overlayer_lowered:
.L_overlay_start_2:
0x416: {  	(tag) =	ssettag $0x2  }
0x417: {  	s0 =	rddreg [dreg:$0x0];
	s2 =	stileid.u32  }
0x418: {  	s1 =	rddreg [dreg:$0x1];
	p0 =	sne.s32 s2, $0x0  }
0x419: {  	s3 =	rddreg [dreg:$0x2];
	[bflag:$0x3] =	sbarrier.arrive $0xFFFF;
	s2 =	simm.s32 @!p0 $0x1C05  }
0x41a: {  	[timem:s3], [sflag:s2] =	dma.local @!p0 [hbm:s0], s1  }
0x41b: {  	s0 =	simm.s32 @!p0 $0x5  }
0x41c: {  	_ =	swait.ge @!p0 [sflag:s0], s1  }
0x41d: {  	s1 =	ssub.s32 @!p0 $0x0, s1;
	[sflag:s0] =	ssyncset.done @!p0 $0x0  }
0x41e: {  	[sflag:s0] =	ssyncadd.s32 @!p0 s1  }
0x41f: {  	[bflag:$0x3] =	sbarrier.arrive $0xFFFF  }
0x420: {  	_ =	shalt  }

</sc_bundles>
